<compile_context>
chip_gen: v7x
topology: tpu7x:2x2x1
jax: 0.10.2.dev20260603
libtpu: 0.0.44.dev20260713+nightly
codegen_flags: <defaults>
</compile_context>

<pallas_src>
import functools

import jax
import jax.numpy as jnp
from jax import lax
from jax.experimental import pallas as pl
from jax.experimental.pallas import tpu as pltpu
from jax.experimental.pallas import tpu_sc as plsc

B = 4
S = 2048
D = 1024
N = B * S
NC = 2
NS = 16
NW = NC * NS
S_PER_W = S // NW
CS = 8
NCH = S_PER_W // CS
NBUF = 3
PREF = 2
LANES = 16
COLS = D // LANES
SCALE = 32.0

_mesh = plsc.VectorSubcoreMesh(
    core_axis_name="c", subcore_axis_name="s", num_cores=NC, num_subcores=NS
)


@functools.partial(
    pl.kernel,
    out_type=jax.ShapeDtypeStruct((B, S, D), jnp.float32),
    mesh=_mesh,
    scratch_types=[
        pltpu.VMEM((B, S_PER_W), jnp.int32),
        pltpu.VMEM((NBUF, B, CS, D), jnp.float32),
        pltpu.VMEM((NBUF, CS, D), jnp.float32),
        pltpu.SemaphoreType.DMA,
        pltpu.SemaphoreType.DMA,
        pltpu.SemaphoreType.DMA,
        pltpu.SemaphoreType.DMA,
        pltpu.SemaphoreType.DMA,
        pltpu.SemaphoreType.DMA,
    ],
)
def _emb_kernel(x_hbm, table_hbm, pos_hbm, out_hbm,
                idx_v, rows_v, pos_v, g0, g1, g2, o0, o1, o2):
    gsem = (g0, g1, g2)
    osem = (o0, o1, o2)
    wid = lax.axis_index("s") * NC + lax.axis_index("c")
    s0 = wid * S_PER_W

    def issue_pos(c, t):
        return pltpu.async_copy(pos_hbm.at[pl.ds(s0 + c * CS, CS)],
                                pos_v.at[t], gsem[t])

    def issue_rows(c, t):
        return [
            pltpu.async_copy(
                table_hbm.at[idx_v.at[b, pl.ds(c * CS, CS)]],
                rows_v.at[t, b], gsem[t])
            for b in range(B)
        ]

    def issue_gather(c, t):
        descs = issue_rows(c, t)
        descs.append(issue_pos(c, t))
        return descs

    idescs = [
        pltpu.async_copy(x_hbm.at[b, pl.ds(s0, S_PER_W)], idx_v.at[b], o0)
        for b in range(B)
    ]
    pos_primed = [issue_pos(k, k % NBUF) for k in range(min(PREF, NCH))]
    for dsc in idescs:
        dsc.wait()

    def compute_out(c, t):
        @plsc.parallel_loop(0, CS * COLS, unroll=2)
        def _(j):
            r = j >> 6
            col = (j & (COLS - 1)) * LANES
            p = pos_v[t, r, pl.ds(col, LANES)]
            for b in range(B):
                v = rows_v[t, b, r, pl.ds(col, LANES)]
                rows_v[t, b, r, pl.ds(col, LANES)] = v * SCALE + p
        return [
            pltpu.async_copy(
                rows_v.at[t, b],
                out_hbm.at[b, pl.ds(s0 + c * CS, CS)], osem[t])
            for b in range(B)
        ]

    pend_g = [None] * NBUF
    pend_o = [None] * NBUF
    for k in range(min(PREF, NCH)):
        pend_g[k % NBUF] = issue_rows(k, k % NBUF) + [pos_primed[k]]
    for c in range(NCH):
        t = c % NBUF
        if c + PREF < NCH:
            tn = (c + PREF) % NBUF
            if pend_o[tn] is not None:
                for dsc in pend_o[tn]:
                    dsc.wait()
                pend_o[tn] = None
            pend_g[tn] = issue_gather(c + PREF, tn)
        for dsc in pend_g[t]:
            dsc.wait()
        if pend_o[t] is not None:
            for dsc in pend_o[t]:
                dsc.wait()
            pend_o[t] = None
        pend_o[t] = compute_out(c, t)
    for t in range(NBUF):
        if pend_o[t] is not None:
            for dsc in pend_o[t]:
                dsc.wait()


def kernel(x, table, pos_encoding):
    return _emb_kernel(x.astype(jnp.int32), table, pos_encoding)

# --- scband reference (transcript-rebuilt; emitter-appended) ---
"""Pipeline reference for scband-positional-embedding-21071109554324 (READ-ONLY COPY).

The authoritative reference and input builder live on the scoring server;
editing this copy changes nothing except your own understanding.
"""

import jax, jax.numpy as jnp
import numpy as np

MAX_LEN = 2048
VOCAB = 100000
D_MODEL = 1024
BATCH = 4
SEQ = 2048

def _positional_encoding(length, depth):
    depth = depth // 2
    positions = np.arange(length)[:, np.newaxis]
    depths = np.arange(depth)[np.newaxis, :] / depth
    angle_rates = 1 / 10000 ** depths
    angle_rads = positions * angle_rates
    pos_encoding = np.concatenate([np.sin(angle_rads), np.cos(angle_rads)], axis=-1)
    return jnp.asarray(pos_encoding, dtype=jnp.float32)

def setup_inputs(seed: int = 0) -> dict:
    key = jax.random.key(seed)
    k1, k2 = jax.random.split(key)
    x = jax.random.randint(k1, (BATCH, SEQ), 0, VOCAB, dtype=jnp.int64 if jax.config.jax_enable_x64 else jnp.int32)
    table = jax.random.normal(k2, (VOCAB, D_MODEL), dtype=jnp.float32) * 0.02
    pos_encoding = _positional_encoding(MAX_LEN, D_MODEL)
    return {"x": x, "table": table, "pos_encoding": pos_encoding}

def reference(x, table, pos_encoding):
    # embedding lookup
    emb = jnp.take(table, x, axis=0)  # [B, S, d_model]
    length = emb.shape[1]
    emb = emb * jnp.sqrt(jnp.asarray(D_MODEL, dtype=jnp.float32))
    out = emb + pos_encoding[jnp.newaxis, :length, :]
    return out

if __name__ == "__main__":
    import jax
    _d = setup_inputs()
    print(jax.jit(kernel)(*tuple(_d.values())))

</pallas_src>

<mosaic_0001>
#map = affine_map<(d0, d1) -> (0, 0)>
#map1 = affine_map<(d0, d1) -> (0, 0, 0)>
module attributes {stable_mosaic.version = 14 : i64} {
  func.func @_emb_kernel(%arg0: i32, %arg1: i32, %arg2: memref<4x2048xi32, #tpu.memory_space<hbm>>, %arg3: memref<100000x1024xf32, #tpu.memory_space<hbm>>, %arg4: memref<2048x1024xf32, #tpu.memory_space<hbm>>, %arg5: memref<4x2048x1024xf32, #tpu.memory_space<hbm>>, %arg6: memref<4x64xi32, #tpu.memory_space<vmem>>, %arg7: memref<3x4x8x1024xf32, #tpu.memory_space<vmem>>, %arg8: memref<3x8x1024xf32, #tpu.memory_space<vmem>>, %arg9: memref<!tpu.dma_semaphore, #tpu.memory_space<semaphore_mem>>, %arg10: memref<!tpu.dma_semaphore, #tpu.memory_space<semaphore_mem>>, %arg11: memref<!tpu.dma_semaphore, #tpu.memory_space<semaphore_mem>>, %arg12: memref<!tpu.dma_semaphore, #tpu.memory_space<semaphore_mem>>, %arg13: memref<!tpu.dma_semaphore, #tpu.memory_space<semaphore_mem>>, %arg14: memref<!tpu.dma_semaphore, #tpu.memory_space<semaphore_mem>>) attributes {dimension_semantics = [#tpu.dimension_semantics<core_parallel>, #tpu.dimension_semantics<subcore_parallel>], iteration_bounds = array<i64: 2, 16>, scalar_prefetch = 0 : i64, scratch_operands = 9 : i64, tpu.core_type = #tpu.core_type<sc_vector_subcore>, window_params = [{transform_indices = #map}, {transform_indices = #map}, {transform_indices = #map}, {transform_indices = #map1}]} {
    %mul3A = arith.constant 2 : i32
    %mul3A_0 = arith.muli %arg1, %mul3A : i32
    %add3A = arith.addi %mul3A_0, %arg0 : i32
    %mul3A_1 = arith.constant 64 : i32
    %mul3A_2 = arith.muli %add3A, %mul3A_1 : i32
    %dma_start3A = arith.constant 0 : i32
    %dma_start3A_3 = arith.constant 0 : i32
    %dma_start3A_4 = arith.constant 0 : i32
    %dma_start3A_5 = tpu.memref_slice %arg6[%dma_start3A_3, %dma_start3A_4] : memref<4x64xi32, #tpu.memory_space<vmem>> -> memref<1x64xi32, #tpu.memory_space<vmem>>
    %dma_start3A_6 = tpu.memref_squeeze %dma_start3A_5 : memref<1x64xi32, #tpu.memory_space<vmem>> -> memref<64xi32, #tpu.memory_space<vmem>>
    %dma_start3A_7 = tpu.memref_slice %arg2[%dma_start3A, %mul3A_2] : memref<4x2048xi32, #tpu.memory_space<hbm>> -> memref<1x64xi32, #tpu.memory_space<hbm>>
    %dma_start3A_8 = tpu.memref_squeeze %dma_start3A_7 : memref<1x64xi32, #tpu.memory_space<hbm>> -> memref<64xi32, #tpu.memory_space<hbm>>
    %dma_start3A_9 = arith.constant 0 : i32
    %dma_start3A_10 = tpu.memref_slice %arg6[%dma_start3A_3, %dma_start3A_9] : memref<4x64xi32, #tpu.memory_space<vmem>> -> memref<1x64xi32, #tpu.memory_space<vmem>>
    %dma_start3A_11 = tpu.memref_squeeze %dma_start3A_10 : memref<1x64xi32, #tpu.memory_space<vmem>> -> memref<64xi32, #tpu.memory_space<vmem>>
    %dma_start3A_12 = tpu.memref_slice %arg2[%dma_start3A, %mul3A_2] : memref<4x2048xi32, #tpu.memory_space<hbm>> -> memref<1x64xi32, #tpu.memory_space<hbm>>
    %dma_start3A_13 = tpu.memref_squeeze %dma_start3A_12 : memref<1x64xi32, #tpu.memory_space<hbm>> -> memref<64xi32, #tpu.memory_space<hbm>>
    tpu.enqueue_dma source(%dma_start3A_13 : memref<64xi32, #tpu.memory_space<hbm>>) target(%dma_start3A_11 : memref<64xi32, #tpu.memory_space<vmem>>) target_semaphore(%arg12 : memref<!tpu.dma_semaphore, #tpu.memory_space<semaphore_mem>>)
    %dma_start3A_14 = arith.constant 1 : i32
    %dma_start3A_15 = arith.constant 1 : i32
    %dma_start3A_16 = arith.constant 0 : i32
    %dma_start3A_17 = tpu.memref_slice %arg6[%dma_start3A_15, %dma_start3A_16] : memref<4x64xi32, #tpu.memory_space<vmem>> -> memref<1x64xi32, #tpu.memory_space<vmem>>
    %dma_start3A_18 = tpu.memref_squeeze %dma_start3A_17 : memref<1x64xi32, #tpu.memory_space<vmem>> -> memref<64xi32, #tpu.memory_space<vmem>>
    %dma_start3A_19 = tpu.memref_slice %arg2[%dma_start3A_14, %mul3A_2] : memref<4x2048xi32, #tpu.memory_space<hbm>> -> memref<1x64xi32, #tpu.memory_space<hbm>>
    %dma_start3A_20 = tpu.memref_squeeze %dma_start3A_19 : memref<1x64xi32, #tpu.memory_space<hbm>> -> memref<64xi32, #tpu.memory_space<hbm>>
    %dma_start3A_21 = arith.constant 0 : i32
    %dma_start3A_22 = tpu.memref_slice %arg6[%dma_start3A_15, %dma_start3A_21] : memref<4x64xi32, #tpu.memory_space<vmem>> -> memref<1x64xi32, #tpu.memory_space<vmem>>
    %dma_start3A_23 = tpu.memref_squeeze %dma_start3A_22 : memref<1x64xi32, #tpu.memory_space<vmem>> -> memref<64xi32, #tpu.memory_space<vmem>>
    %dma_start3A_24 = tpu.memref_slice %arg2[%dma_start3A_14, %mul3A_2] : memref<4x2048xi32, #tpu.memory_space<hbm>> -> memref<1x64xi32, #tpu.memory_space<hbm>>
    %dma_start3A_25 = tpu.memref_squeeze %dma_start3A_24 : memref<1x64xi32, #tpu.memory_space<hbm>> -> memref<64xi32, #tpu.memory_space<hbm>>
    tpu.enqueue_dma source(%dma_start3A_25 : memref<64xi32, #tpu.memory_space<hbm>>) target(%dma_start3A_23 : memref<64xi32, #tpu.memory_space<vmem>>) target_semaphore(%arg12 : memref<!tpu.dma_semaphore, #tpu.memory_space<semaphore_mem>>)
    %dma_start3A_26 = arith.constant 2 : i32
    %dma_start3A_27 = arith.constant 2 : i32
    %dma_start3A_28 = arith.constant 0 : i32
    %dma_start3A_29 = tpu.memref_slice %arg6[%dma_start3A_27, %dma_start3A_28] : memref<4x64xi32, #tpu.memory_space<vmem>> -> memref<1x64xi32, #tpu.memory_space<vmem>>
    %dma_start3A_30 = tpu.memref_squeeze %dma_start3A_29 : memref<1x64xi32, #tpu.memory_space<vmem>> -> memref<64xi32, #tpu.memory_space<vmem>>
    %dma_start3A_31 = tpu.memref_slice %arg2[%dma_start3A_26, %mul3A_2] : memref<4x2048xi32, #tpu.memory_space<hbm>> -> memref<1x64xi32, #tpu.memory_space<hbm>>
    %dma_start3A_32 = tpu.memref_squeeze %dma_start3A_31 : memref<1x64xi32, #tpu.memory_space<hbm>> -> memref<64xi32, #tpu.memory_space<hbm>>
    %dma_start3A_33 = arith.constant 0 : i32
    %dma_start3A_34 = tpu.memref_slice %arg6[%dma_start3A_27, %dma_start3A_33] : memref<4x64xi32, #tpu.memory_space<vmem>> -> memref<1x64xi32, #tpu.memory_space<vmem>>
    %dma_start3A_35 = tpu.memref_squeeze %dma_start3A_34 : memref<1x64xi32, #tpu.memory_space<vmem>> -> memref<64xi32, #tpu.memory_space<vmem>>
    %dma_start3A_36 = tpu.memref_slice %arg2[%dma_start3A_26, %mul3A_2] : memref<4x2048xi32, #tpu.memory_space<hbm>> -> memref<1x64xi32, #tpu.memory_space<hbm>>
    %dma_start3A_37 = tpu.memref_squeeze %dma_start3A_36 : memref<1x64xi32, #tpu.memory_space<hbm>> -> memref<64xi32, #tpu.memory_space<hbm>>
    tpu.enqueue_dma source(%dma_start3A_37 : memref<64xi32, #tpu.memory_space<hbm>>) target(%dma_start3A_35 : memref<64xi32, #tpu.memory_space<vmem>>) target_semaphore(%arg12 : memref<!tpu.dma_semaphore, #tpu.memory_space<semaphore_mem>>)
    %dma_start3A_38 = arith.constant 3 : i32
    %dma_start3A_39 = arith.constant 3 : i32
    %dma_start3A_40 = arith.constant 0 : i32
    %dma_start3A_41 = tpu.memref_slice %arg6[%dma_start3A_39, %dma_start3A_40] : memref<4x64xi32, #tpu.memory_space<vmem>> -> memref<1x64xi32, #tpu.memory_space<vmem>>
    %dma_start3A_42 = tpu.memref_squeeze %dma_start3A_41 : memref<1x64xi32, #tpu.memory_space<vmem>> -> memref<64xi32, #tpu.memory_space<vmem>>
    %dma_start3A_43 = tpu.memref_slice %arg2[%dma_start3A_38, %mul3A_2] : memref<4x2048xi32, #tpu.memory_space<hbm>> -> memref<1x64xi32, #tpu.memory_space<hbm>>
    %dma_start3A_44 = tpu.memref_squeeze %dma_start3A_43 : memref<1x64xi32, #tpu.memory_space<hbm>> -> memref<64xi32, #tpu.memory_space<hbm>>
    %dma_start3A_45 = arith.constant 0 : i32
    %dma_start3A_46 = tpu.memref_slice %arg6[%dma_start3A_39, %dma_start3A_45] : memref<4x64xi32, #tpu.memory_space<vmem>> -> memref<1x64xi32, #tpu.memory_space<vmem>>
    %dma_start3A_47 = tpu.memref_squeeze %dma_start3A_46 : memref<1x64xi32, #tpu.memory_space<vmem>> -> memref<64xi32, #tpu.memory_space<vmem>>
    %dma_start3A_48 = tpu.memref_slice %arg2[%dma_start3A_38, %mul3A_2] : memref<4x2048xi32, #tpu.memory_space<hbm>> -> memref<1x64xi32, #tpu.memory_space<hbm>>
    %dma_start3A_49 = tpu.memref_squeeze %dma_start3A_48 : memref<1x64xi32, #tpu.memory_space<hbm>> -> memref<64xi32, #tpu.memory_space<hbm>>
    tpu.enqueue_dma source(%dma_start3A_49 : memref<64xi32, #tpu.memory_space<hbm>>) target(%dma_start3A_47 : memref<64xi32, #tpu.memory_space<vmem>>) target_semaphore(%arg12 : memref<!tpu.dma_semaphore, #tpu.memory_space<semaphore_mem>>)
    %add3A_50 = arith.constant 0 : i32
    %add3A_51 = arith.addi %mul3A_2, %add3A_50 : i32
    %dma_start3A_52 = arith.constant 0 : i32
    %dma_start3A_53 = arith.constant 0 : i32
    %dma_start3A_54 = arith.constant 0 : i32
    %dma_start3A_55 = tpu.memref_slice %arg8[%dma_start3A_52, %dma_start3A_53, %dma_start3A_54] : memref<3x8x1024xf32, #tpu.memory_space<vmem>> -> memref<1x8x1024xf32, #tpu.memory_space<vmem>>
    %dma_start3A_56 = tpu.memref_squeeze %dma_start3A_55 : memref<1x8x1024xf32, #tpu.memory_space<vmem>> -> memref<8x1024xf32, #tpu.memory_space<vmem>>
    %dma_start3A_57 = arith.constant 0 : i32
    %dma_start3A_58 = tpu.memref_slice %arg4[%add3A_51, %dma_start3A_57] : memref<2048x1024xf32, #tpu.memory_space<hbm>> -> memref<8x1024xf32, #tpu.memory_space<hbm>>
    %dma_start3A_59 = arith.constant 0 : i32
    %dma_start3A_60 = arith.constant 0 : i32
    %dma_start3A_61 = tpu.memref_slice %arg8[%dma_start3A_52, %dma_start3A_59, %dma_start3A_60] : memref<3x8x1024xf32, #tpu.memory_space<vmem>> -> memref<1x8x1024xf32, #tpu.memory_space<vmem>>
    %dma_start3A_62 = tpu.memref_squeeze %dma_start3A_61 : memref<1x8x1024xf32, #tpu.memory_space<vmem>> -> memref<8x1024xf32, #tpu.memory_space<vmem>>
    %dma_start3A_63 = arith.constant 0 : i32
    %dma_start3A_64 = tpu.memref_slice %arg4[%add3A_51, %dma_start3A_63] : memref<2048x1024xf32, #tpu.memory_space<hbm>> -> memref<8x1024xf32, #tpu.memory_space<hbm>>
    tpu.enqueue_dma source(%dma_start3A_64 : memref<8x1024xf32, #tpu.memory_space<hbm>>) target(%dma_start3A_62 : memref<8x1024xf32, #tpu.memory_space<vmem>>) target_semaphore(%arg9 : memref<!tpu.dma_semaphore, #tpu.memory_space<semaphore_mem>>)
    %add3A_65 = arith.constant 8 : i32
    %add3A_66 = arith.addi %mul3A_2, %add3A_65 : i32
    %dma_start3A_67 = arith.constant 1 : i32
    %dma_start3A_68 = arith.constant 0 : i32
    %dma_start3A_69 = arith.constant 0 : i32
    %dma_start3A_70 = tpu.memref_slice %arg8[%dma_start3A_67, %dma_start3A_68, %dma_start3A_69] : memref<3x8x1024xf32, #tpu.memory_space<vmem>> -> memref<1x8x1024xf32, #tpu.memory_space<vmem>>
    %dma_start3A_71 = tpu.memref_squeeze %dma_start3A_70 : memref<1x8x1024xf32, #tpu.memory_space<vmem>> -> memref<8x1024xf32, #tpu.memory_space<vmem>>
    %dma_start3A_72 = arith.constant 0 : i32
    %dma_start3A_73 = tpu.memref_slice %arg4[%add3A_66, %dma_start3A_72] : memref<2048x1024xf32, #tpu.memory_space<hbm>> -> memref<8x1024xf32, #tpu.memory_space<hbm>>
    %dma_start3A_74 = arith.constant 0 : i32
    %dma_start3A_75 = arith.constant 0 : i32
    %dma_start3A_76 = tpu.memref_slice %arg8[%dma_start3A_67, %dma_start3A_74, %dma_start3A_75] : memref<3x8x1024xf32, #tpu.memory_space<vmem>> -> memref<1x8x1024xf32, #tpu.memory_space<vmem>>
    %dma_start3A_77 = tpu.memref_squeeze %dma_start3A_76 : memref<1x8x1024xf32, #tpu.memory_space<vmem>> -> memref<8x1024xf32, #tpu.memory_space<vmem>>
    %dma_start3A_78 = arith.constant 0 : i32
    %dma_start3A_79 = tpu.memref_slice %arg4[%add3A_66, %dma_start3A_78] : memref<2048x1024xf32, #tpu.memory_space<hbm>> -> memref<8x1024xf32, #tpu.memory_space<hbm>>
    tpu.enqueue_dma source(%dma_start3A_79 : memref<8x1024xf32, #tpu.memory_space<hbm>>) target(%dma_start3A_77 : memref<8x1024xf32, #tpu.memory_space<vmem>>) target_semaphore(%arg10 : memref<!tpu.dma_semaphore, #tpu.memory_space<semaphore_mem>>)
    %dma_wait3A = arith.constant 0 : i32
    %dma_wait3A_80 = arith.constant 0 : i32
    %dma_wait3A_81 = arith.constant 0 : i32
    %dma_wait3A_82 = tpu.memref_slice %arg6[%dma_wait3A_80, %dma_wait3A_81] : memref<4x64xi32, #tpu.memory_space<vmem>> -> memref<1x64xi32, #tpu.memory_space<vmem>>
    %dma_wait3A_83 = tpu.memref_squeeze %dma_wait3A_82 : memref<1x64xi32, #tpu.memory_space<vmem>> -> memref<64xi32, #tpu.memory_space<vmem>>
    %dma_wait3A_84 = tpu.memref_slice %arg2[%dma_wait3A, %mul3A_2] : memref<4x2048xi32, #tpu.memory_space<hbm>> -> memref<1x64xi32, #tpu.memory_space<hbm>>
    %dma_wait3A_85 = tpu.memref_squeeze %dma_wait3A_84 : memref<1x64xi32, #tpu.memory_space<hbm>> -> memref<64xi32, #tpu.memory_space<hbm>>
    %dma_wait3A_86 = arith.constant 0 : i32
    %dma_wait3A_87 = tpu.memref_slice %arg6[%dma_wait3A_80, %dma_wait3A_86] : memref<4x64xi32, #tpu.memory_space<vmem>> -> memref<1x64xi32, #tpu.memory_space<vmem>>
    %dma_wait3A_88 = tpu.memref_squeeze %dma_wait3A_87 : memref<1x64xi32, #tpu.memory_space<vmem>> -> memref<64xi32, #tpu.memory_space<vmem>>
    %dma_wait3A_89 = tpu.memref_slice %arg2[%dma_wait3A, %mul3A_2] : memref<4x2048xi32, #tpu.memory_space<hbm>> -> memref<1x64xi32, #tpu.memory_space<hbm>>
    %dma_wait3A_90 = tpu.memref_squeeze %dma_wait3A_89 : memref<1x64xi32, #tpu.memory_space<hbm>> -> memref<64xi32, #tpu.memory_space<hbm>>
    tpu.wait_dma2 semaphore(%arg12 : memref<!tpu.dma_semaphore, #tpu.memory_space<semaphore_mem>>) src(%dma_wait3A_90 : memref<64xi32, #tpu.memory_space<hbm>>) dst(%dma_wait3A_88 : memref<64xi32, #tpu.memory_space<vmem>>)
    %dma_wait3A_91 = arith.constant 1 : i32
    %dma_wait3A_92 = arith.constant 1 : i32
    %dma_wait3A_93 = arith.constant 0 : i32
    %dma_wait3A_94 = tpu.memref_slice %arg6[%dma_wait3A_92, %dma_wait3A_93] : memref<4x64xi32, #tpu.memory_space<vmem>> -> memref<1x64xi32, #tpu.memory_space<vmem>>
    %dma_wait3A_95 = tpu.memref_squeeze %dma_wait3A_94 : memref<1x64xi32, #tpu.memory_space<vmem>> -> memref<64xi32, #tpu.memory_space<vmem>>
    %dma_wait3A_96 = tpu.memref_slice %arg2[%dma_wait3A_91, %mul3A_2] : memref<4x2048xi32, #tpu.memory_space<hbm>> -> memref<1x64xi32, #tpu.memory_space<hbm>>
    %dma_wait3A_97 = tpu.memref_squeeze %dma_wait3A_96 : memref<1x64xi32, #tpu.memory_space<hbm>> -> memref<64xi32, #tpu.memory_space<hbm>>
    %dma_wait3A_98 = arith.constant 0 : i32
    %dma_wait3A_99 = tpu.memref_slice %arg6[%dma_wait3A_92, %dma_wait3A_98] : memref<4x64xi32, #tpu.memory_space<vmem>> -> memref<1x64xi32, #tpu.memory_space<vmem>>
    %dma_wait3A_100 = tpu.memref_squeeze %dma_wait3A_99 : memref<1x64xi32, #tpu.memory_space<vmem>> -> memref<64xi32, #tpu.memory_space<vmem>>
    %dma_wait3A_101 = tpu.memref_slice %arg2[%dma_wait3A_91, %mul3A_2] : memref<4x2048xi32, #tpu.memory_space<hbm>> -> memref<1x64xi32, #tpu.memory_space<hbm>>
    %dma_wait3A_102 = tpu.memref_squeeze %dma_wait3A_101 : memref<1x64xi32, #tpu.memory_space<hbm>> -> memref<64xi32, #tpu.memory_space<hbm>>
    tpu.wait_dma2 semaphore(%arg12 : memref<!tpu.dma_semaphore, #tpu.memory_space<semaphore_mem>>) src(%dma_wait3A_102 : memref<64xi32, #tpu.memory_space<hbm>>) dst(%dma_wait3A_100 : memref<64xi32, #tpu.memory_space<vmem>>)
    %dma_wait3A_103 = arith.constant 2 : i32
    %dma_wait3A_104 = arith.constant 2 : i32
    %dma_wait3A_105 = arith.constant 0 : i32
    %dma_wait3A_106 = tpu.memref_slice %arg6[%dma_wait3A_104, %dma_wait3A_105] : memref<4x64xi32, #tpu.memory_space<vmem>> -> memref<1x64xi32, #tpu.memory_space<vmem>>
    %dma_wait3A_107 = tpu.memref_squeeze %dma_wait3A_106 : memref<1x64xi32, #tpu.memory_space<vmem>> -> memref<64xi32, #tpu.memory_space<vmem>>
    %dma_wait3A_108 = tpu.memref_slice %arg2[%dma_wait3A_103, %mul3A_2] : memref<4x2048xi32, #tpu.memory_space<hbm>> -> memref<1x64xi32, #tpu.memory_space<hbm>>
    %dma_wait3A_109 = tpu.memref_squeeze %dma_wait3A_108 : memref<1x64xi32, #tpu.memory_space<hbm>> -> memref<64xi32, #tpu.memory_space<hbm>>
    %dma_wait3A_110 = arith.constant 0 : i32
    %dma_wait3A_111 = tpu.memref_slice %arg6[%dma_wait3A_104, %dma_wait3A_110] : memref<4x64xi32, #tpu.memory_space<vmem>> -> memref<1x64xi32, #tpu.memory_space<vmem>>
    %dma_wait3A_112 = tpu.memref_squeeze %dma_wait3A_111 : memref<1x64xi32, #tpu.memory_space<vmem>> -> memref<64xi32, #tpu.memory_space<vmem>>
    %dma_wait3A_113 = tpu.memref_slice %arg2[%dma_wait3A_103, %mul3A_2] : memref<4x2048xi32, #tpu.memory_space<hbm>> -> memref<1x64xi32, #tpu.memory_space<hbm>>
    %dma_wait3A_114 = tpu.memref_squeeze %dma_wait3A_113 : memref<1x64xi32, #tpu.memory_space<hbm>> -> memref<64xi32, #tpu.memory_space<hbm>>
    tpu.wait_dma2 semaphore(%arg12 : memref<!tpu.dma_semaphore, #tpu.memory_space<semaphore_mem>>) src(%dma_wait3A_114 : memref<64xi32, #tpu.memory_space<hbm>>) dst(%dma_wait3A_112 : memref<64xi32, #tpu.memory_space<vmem>>)
    %dma_wait3A_115 = arith.constant 3 : i32
    %dma_wait3A_116 = arith.constant 3 : i32
    %dma_wait3A_117 = arith.constant 0 : i32
    %dma_wait3A_118 = tpu.memref_slice %arg6[%dma_wait3A_116, %dma_wait3A_117] : memref<4x64xi32, #tpu.memory_space<vmem>> -> memref<1x64xi32, #tpu.memory_space<vmem>>
    %dma_wait3A_119 = tpu.memref_squeeze %dma_wait3A_118 : memref<1x64xi32, #tpu.memory_space<vmem>> -> memref<64xi32, #tpu.memory_space<vmem>>
    %dma_wait3A_120 = tpu.memref_slice %arg2[%dma_wait3A_115, %mul3A_2] : memref<4x2048xi32, #tpu.memory_space<hbm>> -> memref<1x64xi32, #tpu.memory_space<hbm>>
    %dma_wait3A_121 = tpu.memref_squeeze %dma_wait3A_120 : memref<1x64xi32, #tpu.memory_space<hbm>> -> memref<64xi32, #tpu.memory_space<hbm>>
    %dma_wait3A_122 = arith.constant 0 : i32
    %dma_wait3A_123 = tpu.memref_slice %arg6[%dma_wait3A_116, %dma_wait3A_122] : memref<4x64xi32, #tpu.memory_space<vmem>> -> memref<1x64xi32, #tpu.memory_space<vmem>>
    %dma_wait3A_124 = tpu.memref_squeeze %dma_wait3A_123 : memref<1x64xi32, #tpu.memory_space<vmem>> -> memref<64xi32, #tpu.memory_space<vmem>>
    %dma_wait3A_125 = tpu.memref_slice %arg2[%dma_wait3A_115, %mul3A_2] : memref<4x2048xi32, #tpu.memory_space<hbm>> -> memref<1x64xi32, #tpu.memory_space<hbm>>
    %dma_wait3A_126 = tpu.memref_squeeze %dma_wait3A_125 : memref<1x64xi32, #tpu.memory_space<hbm>> -> memref<64xi32, #tpu.memory_space<hbm>>
    tpu.wait_dma2 semaphore(%arg12 : memref<!tpu.dma_semaphore, #tpu.memory_space<semaphore_mem>>) src(%dma_wait3A_126 : memref<64xi32, #tpu.memory_space<hbm>>) dst(%dma_wait3A_124 : memref<64xi32, #tpu.memory_space<vmem>>)
    %dma_start3A_127 = arith.constant 0 : i32
    %dma_start3A_128 = arith.constant 0 : i32
    %dma_start3A_129 = arith.constant 0 : i32
    %dma_start3A_130 = arith.constant 0 : i32
    %dma_start3A_131 = arith.constant 0 : i32
    %dma_start3A_132 = tpu.memref_slice %arg7[%dma_start3A_128, %dma_start3A_129, %dma_start3A_130, %dma_start3A_131] : memref<3x4x8x1024xf32, #tpu.memory_space<vmem>> -> memref<1x1x8x1024xf32, #tpu.memory_space<vmem>>
    %dma_start3A_133 = tpu.memref_squeeze %dma_start3A_132 : memref<1x1x8x1024xf32, #tpu.memory_space<vmem>> -> memref<8x1024xf32, #tpu.memory_space<vmem>>
    %dma_start3A_134 = arith.constant 0 : i32
    %dma_start3A_135 = tpu.memref_slice %arg6[%dma_start3A_127, %dma_start3A_134] : memref<4x64xi32, #tpu.memory_space<vmem>> -> memref<1x8xi32, #tpu.memory_space<vmem>>
    %dma_start3A_136 = tpu.memref_squeeze %dma_start3A_135 : memref<1x8xi32, #tpu.memory_space<vmem>> -> memref<8xi32, #tpu.memory_space<vmem>>
    %dma_start3A_137 = arith.constant 0 : i32
    %dma_start3A_138 = arith.constant 0 : i32
    %dma_start3A_139 = tpu.memref_slice %arg3[%dma_start3A_137, %dma_start3A_138] : memref<100000x1024xf32, #tpu.memory_space<hbm>> -> memref<100000x1024xf32, #tpu.memory_space<hbm>>
    tpu.enqueue_indirect_dma source(%dma_start3A_139 : memref<100000x1024xf32, #tpu.memory_space<hbm>>) target(%dma_start3A_133 : memref<8x1024xf32, #tpu.memory_space<vmem>>) offsets(%dma_start3A_136 : memref<8xi32, #tpu.memory_space<vmem>>) semaphore(%arg9 : memref<!tpu.dma_semaphore, #tpu.memory_space<semaphore_mem>>)
    %dma_start3A_140 = arith.constant 1 : i32
    %dma_start3A_141 = arith.constant 0 : i32
    %dma_start3A_142 = arith.constant 1 : i32
    %dma_start3A_143 = arith.constant 0 : i32
    %dma_start3A_144 = arith.constant 0 : i32
    %dma_start3A_145 = tpu.memref_slice %arg7[%dma_start3A_141, %dma_start3A_142, %dma_start3A_143, %dma_start3A_144] : memref<3x4x8x1024xf32, #tpu.memory_space<vmem>> -> memref<1x1x8x1024xf32, #tpu.memory_space<vmem>>
    %dma_start3A_146 = tpu.memref_squeeze %dma_start3A_145 : memref<1x1x8x1024xf32, #tpu.memory_space<vmem>> -> memref<8x1024xf32, #tpu.memory_space<vmem>>
    %dma_start3A_147 = arith.constant 0 : i32
    %dma_start3A_148 = tpu.memref_slice %arg6[%dma_start3A_140, %dma_start3A_147] : memref<4x64xi32, #tpu.memory_space<vmem>> -> memref<1x8xi32, #tpu.memory_space<vmem>>
    %dma_start3A_149 = tpu.memref_squeeze %dma_start3A_148 : memref<1x8xi32, #tpu.memory_space<vmem>> -> memref<8xi32, #tpu.memory_space<vmem>>
    %dma_start3A_150 = arith.constant 0 : i32
    %dma_start3A_151 = arith.constant 0 : i32
    %dma_start3A_152 = tpu.memref_slice %arg3[%dma_start3A_150, %dma_start3A_151] : memref<100000x1024xf32, #tpu.memory_space<hbm>> -> memref<100000x1024xf32, #tpu.memory_space<hbm>>
    tpu.enqueue_indirect_dma source(%dma_start3A_152 : memref<100000x1024xf32, #tpu.memory_space<hbm>>) target(%dma_start3A_146 : memref<8x1024xf32, #tpu.memory_space<vmem>>) offsets(%dma_start3A_149 : memref<8xi32, #tpu.memory_space<vmem>>) semaphore(%arg9 : memref<!tpu.dma_semaphore, #tpu.memory_space<semaphore_mem>>)
    %dma_start3A_153 = arith.constant 2 : i32
    %dma_start3A_154 = arith.constant 0 : i32
    %dma_start3A_155 = arith.constant 2 : i32
    %dma_start3A_156 = arith.constant 0 : i32
    %dma_start3A_157 = arith.constant 0 : i32
    %dma_start3A_158 = tpu.memref_slice %arg7[%dma_start3A_154, %dma_start3A_155, %dma_start3A_156, %dma_start3A_157] : memref<3x4x8x1024xf32, #tpu.memory_space<vmem>> -> memref<1x1x8x1024xf32, #tpu.memory_space<vmem>>
    %dma_start3A_159 = tpu.memref_squeeze %dma_start3A_158 : memref<1x1x8x1024xf32, #tpu.memory_space<vmem>> -> memref<8x1024xf32, #tpu.memory_space<vmem>>
    %dma_start3A_160 = arith.constant 0 : i32
    %dma_start3A_161 = tpu.memref_slice %arg6[%dma_start3A_153, %dma_start3A_160] : memref<4x64xi32, #tpu.memory_space<vmem>> -> memref<1x8xi32, #tpu.memory_space<vmem>>
    %dma_start3A_162 = tpu.memref_squeeze %dma_start3A_161 : memref<1x8xi32, #tpu.memory_space<vmem>> -> memref<8xi32, #tpu.memory_space<vmem>>
    %dma_start3A_163 = arith.constant 0 : i32
    %dma_start3A_164 = arith.constant 0 : i32
    %dma_start3A_165 = tpu.memref_slice %arg3[%dma_start3A_163, %dma_start3A_164] : memref<100000x1024xf32, #tpu.memory_space<hbm>> -> memref<100000x1024xf32, #tpu.memory_space<hbm>>
    tpu.enqueue_indirect_dma source(%dma_start3A_165 : memref<100000x1024xf32, #tpu.memory_space<hbm>>) target(%dma_start3A_159 : memref<8x1024xf32, #tpu.memory_space<vmem>>) offsets(%dma_start3A_162 : memref<8xi32, #tpu.memory_space<vmem>>) semaphore(%arg9 : memref<!tpu.dma_semaphore, #tpu.memory_space<semaphore_mem>>)
    %dma_start3A_166 = arith.constant 3 : i32
    %dma_start3A_167 = arith.constant 0 : i32
    %dma_start3A_168 = arith.constant 3 : i32
    %dma_start3A_169 = arith.constant 0 : i32
    %dma_start3A_170 = arith.constant 0 : i32
    %dma_start3A_171 = tpu.memref_slice %arg7[%dma_start3A_167, %dma_start3A_168, %dma_start3A_169, %dma_start3A_170] : memref<3x4x8x1024xf32, #tpu.memory_space<vmem>> -> memref<1x1x8x1024xf32, #tpu.memory_space<vmem>>
    %dma_start3A_172 = tpu.memref_squeeze %dma_start3A_171 : memref<1x1x8x1024xf32, #tpu.memory_space<vmem>> -> memref<8x1024xf32, #tpu.memory_space<vmem>>
    %dma_start3A_173 = arith.constant 0 : i32
    %dma_start3A_174 = tpu.memref_slice %arg6[%dma_start3A_166, %dma_start3A_173] : memref<4x64xi32, #tpu.memory_space<vmem>> -> memref<1x8xi32, #tpu.memory_space<vmem>>
    %dma_start3A_175 = tpu.memref_squeeze %dma_start3A_174 : memref<1x8xi32, #tpu.memory_space<vmem>> -> memref<8xi32, #tpu.memory_space<vmem>>
    %dma_start3A_176 = arith.constant 0 : i32
    %dma_start3A_177 = arith.constant 0 : i32
    %dma_start3A_178 = tpu.memref_slice %arg3[%dma_start3A_176, %dma_start3A_177] : memref<100000x1024xf32, #tpu.memory_space<hbm>> -> memref<100000x1024xf32, #tpu.memory_space<hbm>>
    tpu.enqueue_indirect_dma source(%dma_start3A_178 : memref<100000x1024xf32, #tpu.memory_space<hbm>>) target(%dma_start3A_172 : memref<8x1024xf32, #tpu.memory_space<vmem>>) offsets(%dma_start3A_175 : memref<8xi32, #tpu.memory_space<vmem>>) semaphore(%arg9 : memref<!tpu.dma_semaphore, #tpu.memory_space<semaphore_mem>>)
    %dma_start3A_179 = arith.constant 0 : i32
    %dma_start3A_180 = arith.constant 1 : i32
    %dma_start3A_181 = arith.constant 0 : i32
    %dma_start3A_182 = arith.constant 0 : i32
    %dma_start3A_183 = arith.constant 0 : i32
    %dma_start3A_184 = tpu.memref_slice %arg7[%dma_start3A_180, %dma_start3A_181, %dma_start3A_182, %dma_start3A_183] : memref<3x4x8x1024xf32, #tpu.memory_space<vmem>> -> memref<1x1x8x1024xf32, #tpu.memory_space<vmem>>
    %dma_start3A_185 = tpu.memref_squeeze %dma_start3A_184 : memref<1x1x8x1024xf32, #tpu.memory_space<vmem>> -> memref<8x1024xf32, #tpu.memory_space<vmem>>
    %dma_start3A_186 = arith.constant 8 : i32
    %dma_start3A_187 = tpu.memref_slice %arg6[%dma_start3A_179, %dma_start3A_186] : memref<4x64xi32, #tpu.memory_space<vmem>> -> memref<1x8xi32, #tpu.memory_space<vmem>>
    %dma_start3A_188 = tpu.memref_squeeze %dma_start3A_187 : memref<1x8xi32, #tpu.memory_space<vmem>> -> memref<8xi32, #tpu.memory_space<vmem>>
    %dma_start3A_189 = arith.constant 0 : i32
    %dma_start3A_190 = arith.constant 0 : i32
    %dma_start3A_191 = tpu.memref_slice %arg3[%dma_start3A_189, %dma_start3A_190] : memref<100000x1024xf32, #tpu.memory_space<hbm>> -> memref<100000x1024xf32, #tpu.memory_space<hbm>>
    tpu.enqueue_indirect_dma source(%dma_start3A_191 : memref<100000x1024xf32, #tpu.memory_space<hbm>>) target(%dma_start3A_185 : memref<8x1024xf32, #tpu.memory_space<vmem>>) offsets(%dma_start3A_188 : memref<8xi32, #tpu.memory_space<vmem>>) semaphore(%arg10 : memref<!tpu.dma_semaphore, #tpu.memory_space<semaphore_mem>>)
    %dma_start3A_192 = arith.constant 1 : i32
    %dma_start3A_193 = arith.constant 1 : i32
    %dma_start3A_194 = arith.constant 1 : i32
    %dma_start3A_195 = arith.constant 0 : i32
    %dma_start3A_196 = arith.constant 0 : i32
    %dma_start3A_197 = tpu.memref_slice %arg7[%dma_start3A_193, %dma_start3A_194, %dma_start3A_195, %dma_start3A_196] : memref<3x4x8x1024xf32, #tpu.memory_space<vmem>> -> memref<1x1x8x1024xf32, #tpu.memory_space<vmem>>
    %dma_start3A_198 = tpu.memref_squeeze %dma_start3A_197 : memref<1x1x8x1024xf32, #tpu.memory_space<vmem>> -> memref<8x1024xf32, #tpu.memory_space<vmem>>
    %dma_start3A_199 = arith.constant 8 : i32
    %dma_start3A_200 = tpu.memref_slice %arg6[%dma_start3A_192, %dma_start3A_199] : memref<4x64xi32, #tpu.memory_space<vmem>> -> memref<1x8xi32, #tpu.memory_space<vmem>>
    %dma_start3A_201 = tpu.memref_squeeze %dma_start3A_200 : memref<1x8xi32, #tpu.memory_space<vmem>> -> memref<8xi32, #tpu.memory_space<vmem>>
    %dma_start3A_202 = arith.constant 0 : i32
    %dma_start3A_203 = arith.constant 0 : i32
    %dma_start3A_204 = tpu.memref_slice %arg3[%dma_start3A_202, %dma_start3A_203] : memref<100000x1024xf32, #tpu.memory_space<hbm>> -> memref<100000x1024xf32, #tpu.memory_space<hbm>>
    tpu.enqueue_indirect_dma source(%dma_start3A_204 : memref<100000x1024xf32, #tpu.memory_space<hbm>>) target(%dma_start3A_198 : memref<8x1024xf32, #tpu.memory_space<vmem>>) offsets(%dma_start3A_201 : memref<8xi32, #tpu.memory_space<vmem>>) semaphore(%arg10 : memref<!tpu.dma_semaphore, #tpu.memory_space<semaphore_mem>>)
    %dma_start3A_205 = arith.constant 2 : i32
    %dma_start3A_206 = arith.constant 1 : i32
    %dma_start3A_207 = arith.constant 2 : i32
    %dma_start3A_208 = arith.constant 0 : i32
    %dma_start3A_209 = arith.constant 0 : i32
    %dma_start3A_210 = tpu.memref_slice %arg7[%dma_start3A_206, %dma_start3A_207, %dma_start3A_208, %dma_start3A_209] : memref<3x4x8x1024xf32, #tpu.memory_space<vmem>> -> memref<1x1x8x1024xf32, #tpu.memory_space<vmem>>
    %dma_start3A_211 = tpu.memref_squeeze %dma_start3A_210 : memref<1x1x8x1024xf32, #tpu.memory_space<vmem>> -> memref<8x1024xf32, #tpu.memory_space<vmem>>
    %dma_start3A_212 = arith.constant 8 : i32
    %dma_start3A_213 = tpu.memref_slice %arg6[%dma_start3A_205, %dma_start3A_212] : memref<4x64xi32, #tpu.memory_space<vmem>> -> memref<1x8xi32, #tpu.memory_space<vmem>>
    %dma_start3A_214 = tpu.memref_squeeze %dma_start3A_213 : memref<1x8xi32, #tpu.memory_space<vmem>> -> memref<8xi32, #tpu.memory_space<vmem>>
    %dma_start3A_215 = arith.constant 0 : i32
    %dma_start3A_216 = arith.constant 0 : i32
    %dma_start3A_217 = tpu.memref_slice %arg3[%dma_start3A_215, %dma_start3A_216] : memref<100000x1024xf32, #tpu.memory_space<hbm>> -> memref<100000x1024xf32, #tpu.memory_space<hbm>>
    tpu.enqueue_indirect_dma source(%dma_start3A_217 : memref<100000x1024xf32, #tpu.memory_space<hbm>>) target(%dma_start3A_211 : memref<8x1024xf32, #tpu.memory_space<vmem>>) offsets(%dma_start3A_214 : memref<8xi32, #tpu.memory_space<vmem>>) semaphore(%arg10 : memref<!tpu.dma_semaphore, #tpu.memory_space<semaphore_mem>>)
    %dma_start3A_218 = arith.constant 3 : i32
    %dma_start3A_219 = arith.constant 1 : i32
    %dma_start3A_220 = arith.constant 3 : i32
    %dma_start3A_221 = arith.constant 0 : i32
    %dma_start3A_222 = arith.constant 0 : i32
    %dma_start3A_223 = tpu.memref_slice %arg7[%dma_start3A_219, %dma_start3A_220, %dma_start3A_221, %dma_start3A_222] : memref<3x4x8x1024xf32, #tpu.memory_space<vmem>> -> memref<1x1x8x1024xf32, #tpu.memory_space<vmem>>
    %dma_start3A_224 = tpu.memref_squeeze %dma_start3A_223 : memref<1x1x8x1024xf32, #tpu.memory_space<vmem>> -> memref<8x1024xf32, #tpu.memory_space<vmem>>
    %dma_start3A_225 = arith.constant 8 : i32
    %dma_start3A_226 = tpu.memref_slice %arg6[%dma_start3A_218, %dma_start3A_225] : memref<4x64xi32, #tpu.memory_space<vmem>> -> memref<1x8xi32, #tpu.memory_space<vmem>>
    %dma_start3A_227 = tpu.memref_squeeze %dma_start3A_226 : memref<1x8xi32, #tpu.memory_space<vmem>> -> memref<8xi32, #tpu.memory_space<vmem>>
    %dma_start3A_228 = arith.constant 0 : i32
    %dma_start3A_229 = arith.constant 0 : i32
    %dma_start3A_230 = tpu.memref_slice %arg3[%dma_start3A_228, %dma_start3A_229] : memref<100000x1024xf32, #tpu.memory_space<hbm>> -> memref<100000x1024xf32, #tpu.memory_space<hbm>>
    tpu.enqueue_indirect_dma source(%dma_start3A_230 : memref<100000x1024xf32, #tpu.memory_space<hbm>>) target(%dma_start3A_224 : memref<8x1024xf32, #tpu.memory_space<vmem>>) offsets(%dma_start3A_227 : memref<8xi32, #tpu.memory_space<vmem>>) semaphore(%arg10 : memref<!tpu.dma_semaphore, #tpu.memory_space<semaphore_mem>>)
    %dma_start3A_231 = arith.constant 0 : i32
    %dma_start3A_232 = arith.constant 2 : i32
    %dma_start3A_233 = arith.constant 0 : i32
    %dma_start3A_234 = arith.constant 0 : i32
    %dma_start3A_235 = arith.constant 0 : i32
    %dma_start3A_236 = tpu.memref_slice %arg7[%dma_start3A_232, %dma_start3A_233, %dma_start3A_234, %dma_start3A_235] : memref<3x4x8x1024xf32, #tpu.memory_space<vmem>> -> memref<1x1x8x1024xf32, #tpu.memory_space<vmem>>
    %dma_start3A_237 = tpu.memref_squeeze %dma_start3A_236 : memref<1x1x8x1024xf32, #tpu.memory_space<vmem>> -> memref<8x1024xf32, #tpu.memory_space<vmem>>
    %dma_start3A_238 = arith.constant 16 : i32
    %dma_start3A_239 = tpu.memref_slice %arg6[%dma_start3A_231, %dma_start3A_238] : memref<4x64xi32, #tpu.memory_space<vmem>> -> memref<1x8xi32, #tpu.memory_space<vmem>>
    %dma_start3A_240 = tpu.memref_squeeze %dma_start3A_239 : memref<1x8xi32, #tpu.memory_space<vmem>> -> memref<8xi32, #tpu.memory_space<vmem>>
    %dma_start3A_241 = arith.constant 0 : i32
    %dma_start3A_242 = arith.constant 0 : i32
    %dma_start3A_243 = tpu.memref_slice %arg3[%dma_start3A_241, %dma_start3A_242] : memref<100000x1024xf32, #tpu.memory_space<hbm>> -> memref<100000x1024xf32, #tpu.memory_space<hbm>>
    tpu.enqueue_indirect_dma source(%dma_start3A_243 : memref<100000x1024xf32, #tpu.memory_space<hbm>>) target(%dma_start3A_237 : memref<8x1024xf32, #tpu.memory_space<vmem>>) offsets(%dma_start3A_240 : memref<8xi32, #tpu.memory_space<vmem>>) semaphore(%arg11 : memref<!tpu.dma_semaphore, #tpu.memory_space<semaphore_mem>>)
    %dma_start3A_244 = arith.constant 1 : i32
    %dma_start3A_245 = arith.constant 2 : i32
    %dma_start3A_246 = arith.constant 1 : i32
    %dma_start3A_247 = arith.constant 0 : i32
    %dma_start3A_248 = arith.constant 0 : i32
    %dma_start3A_249 = tpu.memref_slice %arg7[%dma_start3A_245, %dma_start3A_246, %dma_start3A_247, %dma_start3A_248] : memref<3x4x8x1024xf32, #tpu.memory_space<vmem>> -> memref<1x1x8x1024xf32, #tpu.memory_space<vmem>>
    %dma_start3A_250 = tpu.memref_squeeze %dma_start3A_249 : memref<1x1x8x1024xf32, #tpu.memory_space<vmem>> -> memref<8x1024xf32, #tpu.memory_space<vmem>>
    %dma_start3A_251 = arith.constant 16 : i32
    %dma_start3A_252 = tpu.memref_slice %arg6[%dma_start3A_244, %dma_start3A_251] : memref<4x64xi32, #tpu.memory_space<vmem>> -> memref<1x8xi32, #tpu.memory_space<vmem>>
    %dma_start3A_253 = tpu.memref_squeeze %dma_start3A_252 : memref<1x8xi32, #tpu.memory_space<vmem>> -> memref<8xi32, #tpu.memory_space<vmem>>
    %dma_start3A_254 = arith.constant 0 : i32
    %dma_start3A_255 = arith.constant 0 : i32
    %dma_start3A_256 = tpu.memref_slice %arg3[%dma_start3A_254, %dma_start3A_255] : memref<100000x1024xf32, #tpu.memory_space<hbm>> -> memref<100000x1024xf32, #tpu.memory_space<hbm>>
    tpu.enqueue_indirect_dma source(%dma_start3A_256 : memref<100000x1024xf32, #tpu.memory_space<hbm>>) target(%dma_start3A_250 : memref<8x1024xf32, #tpu.memory_space<vmem>>) offsets(%dma_start3A_253 : memref<8xi32, #tpu.memory_space<vmem>>) semaphore(%arg11 : memref<!tpu.dma_semaphore, #tpu.memory_space<semaphore_mem>>)
    %dma_start3A_257 = arith.constant 2 : i32
    %dma_start3A_258 = arith.constant 2 : i32
    %dma_start3A_259 = arith.constant 2 : i32
    %dma_start3A_260 = arith.constant 0 : i32
    %dma_start3A_261 = arith.constant 0 : i32
    %dma_start3A_262 = tpu.memref_slice %arg7[%dma_start3A_258, %dma_start3A_259, %dma_start3A_260, %dma_start3A_261] : memref<3x4x8x1024xf32, #tpu.memory_space<vmem>> -> memref<1x1x8x1024xf32, #tpu.memory_space<vmem>>
    %dma_start3A_263 = tpu.memref_squeeze %dma_start3A_262 : memref<1x1x8x1024xf32, #tpu.memory_space<vmem>> -> memref<8x1024xf32, #tpu.memory_space<vmem>>
    %dma_start3A_264 = arith.constant 16 : i32
    %dma_start3A_265 = tpu.memref_slice %arg6[%dma_start3A_257, %dma_start3A_264] : memref<4x64xi32, #tpu.memory_space<vmem>> -> memref<1x8xi32, #tpu.memory_space<vmem>>
    %dma_start3A_266 = tpu.memref_squeeze %dma_start3A_265 : memref<1x8xi32, #tpu.memory_space<vmem>> -> memref<8xi32, #tpu.memory_space<vmem>>
    %dma_start3A_267 = arith.constant 0 : i32
    %dma_start3A_268 = arith.constant 0 : i32
    %dma_start3A_269 = tpu.memref_slice %arg3[%dma_start3A_267, %dma_start3A_268] : memref<100000x1024xf32, #tpu.memory_space<hbm>> -> memref<100000x1024xf32, #tpu.memory_space<hbm>>
    tpu.enqueue_indirect_dma source(%dma_start3A_269 : memref<100000x1024xf32, #tpu.memory_space<hbm>>) target(%dma_start3A_263 : memref<8x1024xf32, #tpu.memory_space<vmem>>) offsets(%dma_start3A_266 : memref<8xi32, #tpu.memory_space<vmem>>) semaphore(%arg11 : memref<!tpu.dma_semaphore, #tpu.memory_space<semaphore_mem>>)
    %dma_start3A_270 = arith.constant 3 : i32
    %dma_start3A_271 = arith.constant 2 : i32
    %dma_start3A_272 = arith.constant 3 : i32
    %dma_start3A_273 = arith.constant 0 : i32
    %dma_start3A_274 = arith.constant 0 : i32
    %dma_start3A_275 = tpu.memref_slice %arg7[%dma_start3A_271, %dma_start3A_272, %dma_start3A_273, %dma_start3A_274] : memref<3x4x8x1024xf32, #tpu.memory_space<vmem>> -> memref<1x1x8x1024xf32, #tpu.memory_space<vmem>>
    %dma_start3A_276 = tpu.memref_squeeze %dma_start3A_275 : memref<1x1x8x1024xf32, #tpu.memory_space<vmem>> -> memref<8x1024xf32, #tpu.memory_space<vmem>>
    %dma_start3A_277 = arith.constant 16 : i32
    %dma_start3A_278 = tpu.memref_slice %arg6[%dma_start3A_270, %dma_start3A_277] : memref<4x64xi32, #tpu.memory_space<vmem>> -> memref<1x8xi32, #tpu.memory_space<vmem>>
    %dma_start3A_279 = tpu.memref_squeeze %dma_start3A_278 : memref<1x8xi32, #tpu.memory_space<vmem>> -> memref<8xi32, #tpu.memory_space<vmem>>
    %dma_start3A_280 = arith.constant 0 : i32
    %dma_start3A_281 = arith.constant 0 : i32
    %dma_start3A_282 = tpu.memref_slice %arg3[%dma_start3A_280, %dma_start3A_281] : memref<100000x1024xf32, #tpu.memory_space<hbm>> -> memref<100000x1024xf32, #tpu.memory_space<hbm>>
    tpu.enqueue_indirect_dma source(%dma_start3A_282 : memref<100000x1024xf32, #tpu.memory_space<hbm>>) target(%dma_start3A_276 : memref<8x1024xf32, #tpu.memory_space<vmem>>) offsets(%dma_start3A_279 : memref<8xi32, #tpu.memory_space<vmem>>) semaphore(%arg11 : memref<!tpu.dma_semaphore, #tpu.memory_space<semaphore_mem>>)
    %add3A_283 = arith.constant 16 : i32
    %add3A_284 = arith.addi %mul3A_2, %add3A_283 : i32
    %dma_start3A_285 = arith.constant 2 : i32
    %dma_start3A_286 = arith.constant 0 : i32
    %dma_start3A_287 = arith.constant 0 : i32
    %dma_start3A_288 = tpu.memref_slice %arg8[%dma_start3A_285, %dma_start3A_286, %dma_start3A_287] : memref<3x8x1024xf32, #tpu.memory_space<vmem>> -> memref<1x8x1024xf32, #tpu.memory_space<vmem>>
    %dma_start3A_289 = tpu.memref_squeeze %dma_start3A_288 : memref<1x8x1024xf32, #tpu.memory_space<vmem>> -> memref<8x1024xf32, #tpu.memory_space<vmem>>
    %dma_start3A_290 = arith.constant 0 : i32
    %dma_start3A_291 = tpu.memref_slice %arg4[%add3A_284, %dma_start3A_290] : memref<2048x1024xf32, #tpu.memory_space<hbm>> -> memref<8x1024xf32, #tpu.memory_space<hbm>>
    %dma_start3A_292 = arith.constant 0 : i32
    %dma_start3A_293 = arith.constant 0 : i32
    %dma_start3A_294 = tpu.memref_slice %arg8[%dma_start3A_285, %dma_start3A_292, %dma_start3A_293] : memref<3x8x1024xf32, #tpu.memory_space<vmem>> -> memref<1x8x1024xf32, #tpu.memory_space<vmem>>
    %dma_start3A_295 = tpu.memref_squeeze %dma_start3A_294 : memref<1x8x1024xf32, #tpu.memory_space<vmem>> -> memref<8x1024xf32, #tpu.memory_space<vmem>>
    %dma_start3A_296 = arith.constant 0 : i32
    %dma_start3A_297 = tpu.memref_slice %arg4[%add3A_284, %dma_start3A_296] : memref<2048x1024xf32, #tpu.memory_space<hbm>> -> memref<8x1024xf32, #tpu.memory_space<hbm>>
    tpu.enqueue_dma source(%dma_start3A_297 : memref<8x1024xf32, #tpu.memory_space<hbm>>) target(%dma_start3A_295 : memref<8x1024xf32, #tpu.memory_space<vmem>>) target_semaphore(%arg11 : memref<!tpu.dma_semaphore, #tpu.memory_space<semaphore_mem>>)
    %dma_wait3A_298 = arith.constant 0 : i32
    %dma_wait3A_299 = arith.constant 0 : i32
    %dma_wait3A_300 = arith.constant 0 : i32
    %dma_wait3A_301 = arith.constant 0 : i32
    %dma_wait3A_302 = arith.constant 0 : i32
    %dma_wait3A_303 = tpu.memref_slice %arg7[%dma_wait3A_299, %dma_wait3A_300, %dma_wait3A_301, %dma_wait3A_302] : memref<3x4x8x1024xf32, #tpu.memory_space<vmem>> -> memref<1x1x8x1024xf32, #tpu.memory_space<vmem>>
    %dma_wait3A_304 = tpu.memref_squeeze %dma_wait3A_303 : memref<1x1x8x1024xf32, #tpu.memory_space<vmem>> -> memref<8x1024xf32, #tpu.memory_space<vmem>>
    %dma_wait3A_305 = arith.constant 0 : i32
    %dma_wait3A_306 = tpu.memref_slice %arg6[%dma_wait3A_298, %dma_wait3A_305] : memref<4x64xi32, #tpu.memory_space<vmem>> -> memref<1x8xi32, #tpu.memory_space<vmem>>
    %dma_wait3A_307 = tpu.memref_squeeze %dma_wait3A_306 : memref<1x8xi32, #tpu.memory_space<vmem>> -> memref<8xi32, #tpu.memory_space<vmem>>
    %dma_wait3A_308 = arith.constant 0 : i32
    %dma_wait3A_309 = arith.constant 0 : i32
    %dma_wait3A_310 = tpu.memref_slice %arg3[%dma_wait3A_308, %dma_wait3A_309] : memref<100000x1024xf32, #tpu.memory_space<hbm>> -> memref<100000x1024xf32, #tpu.memory_space<hbm>>
    tpu.wait_indirect_dma semaphore(%arg9 : memref<!tpu.dma_semaphore, #tpu.memory_space<semaphore_mem>>) src(%dma_wait3A_310 : memref<100000x1024xf32, #tpu.memory_space<hbm>>) dst(%dma_wait3A_304 : memref<8x1024xf32, #tpu.memory_space<vmem>>)
    %dma_wait3A_311 = arith.constant 1 : i32
    %dma_wait3A_312 = arith.constant 0 : i32
    %dma_wait3A_313 = arith.constant 1 : i32
    %dma_wait3A_314 = arith.constant 0 : i32
    %dma_wait3A_315 = arith.constant 0 : i32
    %dma_wait3A_316 = tpu.memref_slice %arg7[%dma_wait3A_312, %dma_wait3A_313, %dma_wait3A_314, %dma_wait3A_315] : memref<3x4x8x1024xf32, #tpu.memory_space<vmem>> -> memref<1x1x8x1024xf32, #tpu.memory_space<vmem>>
    %dma_wait3A_317 = tpu.memref_squeeze %dma_wait3A_316 : memref<1x1x8x1024xf32, #tpu.memory_space<vmem>> -> memref<8x1024xf32, #tpu.memory_space<vmem>>
    %dma_wait3A_318 = arith.constant 0 : i32
    %dma_wait3A_319 = tpu.memref_slice %arg6[%dma_wait3A_311, %dma_wait3A_318] : memref<4x64xi32, #tpu.memory_space<vmem>> -> memref<1x8xi32, #tpu.memory_space<vmem>>
    %dma_wait3A_320 = tpu.memref_squeeze %dma_wait3A_319 : memref<1x8xi32, #tpu.memory_space<vmem>> -> memref<8xi32, #tpu.memory_space<vmem>>
    %dma_wait3A_321 = arith.constant 0 : i32
    %dma_wait3A_322 = arith.constant 0 : i32
    %dma_wait3A_323 = tpu.memref_slice %arg3[%dma_wait3A_321, %dma_wait3A_322] : memref<100000x1024xf32, #tpu.memory_space<hbm>> -> memref<100000x1024xf32, #tpu.memory_space<hbm>>
    tpu.wait_indirect_dma semaphore(%arg9 : memref<!tpu.dma_semaphore, #tpu.memory_space<semaphore_mem>>) src(%dma_wait3A_323 : memref<100000x1024xf32, #tpu.memory_space<hbm>>) dst(%dma_wait3A_317 : memref<8x1024xf32, #tpu.memory_space<vmem>>)
    %dma_wait3A_324 = arith.constant 2 : i32
    %dma_wait3A_325 = arith.constant 0 : i32
    %dma_wait3A_326 = arith.constant 2 : i32
    %dma_wait3A_327 = arith.constant 0 : i32
    %dma_wait3A_328 = arith.constant 0 : i32
    %dma_wait3A_329 = tpu.memref_slice %arg7[%dma_wait3A_325, %dma_wait3A_326, %dma_wait3A_327, %dma_wait3A_328] : memref<3x4x8x1024xf32, #tpu.memory_space<vmem>> -> memref<1x1x8x1024xf32, #tpu.memory_space<vmem>>
    %dma_wait3A_330 = tpu.memref_squeeze %dma_wait3A_329 : memref<1x1x8x1024xf32, #tpu.memory_space<vmem>> -> memref<8x1024xf32, #tpu.memory_space<vmem>>
    %dma_wait3A_331 = arith.constant 0 : i32
    %dma_wait3A_332 = tpu.memref_slice %arg6[%dma_wait3A_324, %dma_wait3A_331] : memref<4x64xi32, #tpu.memory_space<vmem>> -> memref<1x8xi32, #tpu.memory_space<vmem>>
    %dma_wait3A_333 = tpu.memref_squeeze %dma_wait3A_332 : memref<1x8xi32, #tpu.memory_space<vmem>> -> memref<8xi32, #tpu.memory_space<vmem>>
    %dma_wait3A_334 = arith.constant 0 : i32
    %dma_wait3A_335 = arith.constant 0 : i32
    %dma_wait3A_336 = tpu.memref_slice %arg3[%dma_wait3A_334, %dma_wait3A_335] : memref<100000x1024xf32, #tpu.memory_space<hbm>> -> memref<100000x1024xf32, #tpu.memory_space<hbm>>
    tpu.wait_indirect_dma semaphore(%arg9 : memref<!tpu.dma_semaphore, #tpu.memory_space<semaphore_mem>>) src(%dma_wait3A_336 : memref<100000x1024xf32, #tpu.memory_space<hbm>>) dst(%dma_wait3A_330 : memref<8x1024xf32, #tpu.memory_space<vmem>>)
    %dma_wait3A_337 = arith.constant 3 : i32
    %dma_wait3A_338 = arith.constant 0 : i32
    %dma_wait3A_339 = arith.constant 3 : i32
    %dma_wait3A_340 = arith.constant 0 : i32
    %dma_wait3A_341 = arith.constant 0 : i32
    %dma_wait3A_342 = tpu.memref_slice %arg7[%dma_wait3A_338, %dma_wait3A_339, %dma_wait3A_340, %dma_wait3A_341] : memref<3x4x8x1024xf32, #tpu.memory_space<vmem>> -> memref<1x1x8x1024xf32, #tpu.memory_space<vmem>>
    %dma_wait3A_343 = tpu.memref_squeeze %dma_wait3A_342 : memref<1x1x8x1024xf32, #tpu.memory_space<vmem>> -> memref<8x1024xf32, #tpu.memory_space<vmem>>
    %dma_wait3A_344 = arith.constant 0 : i32
    %dma_wait3A_345 = tpu.memref_slice %arg6[%dma_wait3A_337, %dma_wait3A_344] : memref<4x64xi32, #tpu.memory_space<vmem>> -> memref<1x8xi32, #tpu.memory_space<vmem>>
    %dma_wait3A_346 = tpu.memref_squeeze %dma_wait3A_345 : memref<1x8xi32, #tpu.memory_space<vmem>> -> memref<8xi32, #tpu.memory_space<vmem>>
    %dma_wait3A_347 = arith.constant 0 : i32
    %dma_wait3A_348 = arith.constant 0 : i32
    %dma_wait3A_349 = tpu.memref_slice %arg3[%dma_wait3A_347, %dma_wait3A_348] : memref<100000x1024xf32, #tpu.memory_space<hbm>> -> memref<100000x1024xf32, #tpu.memory_space<hbm>>
    tpu.wait_indirect_dma semaphore(%arg9 : memref<!tpu.dma_semaphore, #tpu.memory_space<semaphore_mem>>) src(%dma_wait3A_349 : memref<100000x1024xf32, #tpu.memory_space<hbm>>) dst(%dma_wait3A_343 : memref<8x1024xf32, #tpu.memory_space<vmem>>)
    %dma_wait3A_350 = arith.constant 0 : i32
    %dma_wait3A_351 = arith.constant 0 : i32
    %dma_wait3A_352 = arith.constant 0 : i32
    %dma_wait3A_353 = tpu.memref_slice %arg8[%dma_wait3A_350, %dma_wait3A_351, %dma_wait3A_352] : memref<3x8x1024xf32, #tpu.memory_space<vmem>> -> memref<1x8x1024xf32, #tpu.memory_space<vmem>>
    %dma_wait3A_354 = tpu.memref_squeeze %dma_wait3A_353 : memref<1x8x1024xf32, #tpu.memory_space<vmem>> -> memref<8x1024xf32, #tpu.memory_space<vmem>>
    %dma_wait3A_355 = arith.constant 0 : i32
    %dma_wait3A_356 = tpu.memref_slice %arg4[%add3A_51, %dma_wait3A_355] : memref<2048x1024xf32, #tpu.memory_space<hbm>> -> memref<8x1024xf32, #tpu.memory_space<hbm>>
    %dma_wait3A_357 = arith.constant 0 : i32
    %dma_wait3A_358 = arith.constant 0 : i32
    %dma_wait3A_359 = tpu.memref_slice %arg8[%dma_wait3A_350, %dma_wait3A_357, %dma_wait3A_358] : memref<3x8x1024xf32, #tpu.memory_space<vmem>> -> memref<1x8x1024xf32, #tpu.memory_space<vmem>>
    %dma_wait3A_360 = tpu.memref_squeeze %dma_wait3A_359 : memref<1x8x1024xf32, #tpu.memory_space<vmem>> -> memref<8x1024xf32, #tpu.memory_space<vmem>>
    %dma_wait3A_361 = arith.constant 0 : i32
    %dma_wait3A_362 = tpu.memref_slice %arg4[%add3A_51, %dma_wait3A_361] : memref<2048x1024xf32, #tpu.memory_space<hbm>> -> memref<8x1024xf32, #tpu.memory_space<hbm>>
    tpu.wait_dma2 semaphore(%arg9 : memref<!tpu.dma_semaphore, #tpu.memory_space<semaphore_mem>>) src(%dma_wait3A_362 : memref<8x1024xf32, #tpu.memory_space<hbm>>) dst(%dma_wait3A_360 : memref<8x1024xf32, #tpu.memory_space<vmem>>)
    %parallel_loop3A = arith.constant 0 : i32
    %parallel_loop3A_363 = arith.constant 512 : i32
    %parallel_loop3A_364 = arith.constant 1 : i32
    scf.for %parallel_loop3A_2328 = %parallel_loop3A to %parallel_loop3A_363 step %parallel_loop3A_364  : i32 {
      %parallel_loop3A_2329 = arith.constant 6 : i32
      %parallel_loop3A_2330 = arith.shrsi %parallel_loop3A_2328, %parallel_loop3A_2329 : i32
      %parallel_loop3A_2331 = arith.constant 63 : i32
      %parallel_loop3A_2332 = arith.andi %parallel_loop3A_2328, %parallel_loop3A_2331 : i32
      %parallel_loop3A_2333 = arith.constant 16 : i32
      %parallel_loop3A_2334 = arith.muli %parallel_loop3A_2332, %parallel_loop3A_2333 : i32
      %parallel_loop3A_2335 = arith.constant 0 : i32
      %parallel_loop3A_2336 = arith.index_cast %parallel_loop3A_2335 : i32 to index
      %parallel_loop3A_2337 = arith.index_cast %parallel_loop3A_2330 : i32 to index
      %parallel_loop3A_2338 = arith.index_cast %parallel_loop3A_2334 : i32 to index
      %parallel_loop3A_2339 = tpu.vector_load %arg8[%parallel_loop3A_2336, %parallel_loop3A_2337, %parallel_loop3A_2338] {strides = array<i32>} : memref<3x8x1024xf32, #tpu.memory_space<vmem>>, vector<1x1x16xf32>,
      %parallel_loop3A_2340 = vector.shape_cast %parallel_loop3A_2339 : vector<1x1x16xf32> to vector<16xf32>
      %parallel_loop3A_2341 = arith.constant 0 : i32
      %parallel_loop3A_2342 = arith.constant 0 : i32
      %parallel_loop3A_2343 = arith.index_cast %parallel_loop3A_2341 : i32 to index
      %parallel_loop3A_2344 = arith.index_cast %parallel_loop3A_2342 : i32 to index
      %parallel_loop3A_2345 = arith.index_cast %parallel_loop3A_2330 : i32 to index
      %parallel_loop3A_2346 = arith.index_cast %parallel_loop3A_2334 : i32 to index
      %parallel_loop3A_2347 = tpu.vector_load %arg7[%parallel_loop3A_2343, %parallel_loop3A_2344, %parallel_loop3A_2345, %parallel_loop3A_2346] {strides = array<i32>} : memref<3x4x8x1024xf32, #tpu.memory_space<vmem>>, vector<1x1x1x16xf32>,
      %parallel_loop3A_2348 = vector.shape_cast %parallel_loop3A_2347 : vector<1x1x1x16xf32> to vector<16xf32>
      %parallel_loop3A_2349 = arith.constant 3.200000e+01 : f32
      %parallel_loop3A_2350 = vector.broadcast %parallel_loop3A_2349 : f32 to vector<16xf32>
      %parallel_loop3A_2351 = arith.mulf %parallel_loop3A_2348, %parallel_loop3A_2350 : vector<16xf32>
      %parallel_loop3A_2352 = arith.addf %parallel_loop3A_2351, %parallel_loop3A_2340 : vector<16xf32>
      %parallel_loop3A_2353 = arith.constant 0 : i32
      %parallel_loop3A_2354 = arith.constant 0 : i32
      %parallel_loop3A_2355 = arith.index_cast %parallel_loop3A_2353 : i32 to index
      %parallel_loop3A_2356 = arith.index_cast %parallel_loop3A_2354 : i32 to index
      %parallel_loop3A_2357 = arith.index_cast %parallel_loop3A_2330 : i32 to index
      %parallel_loop3A_2358 = arith.index_cast %parallel_loop3A_2334 : i32 to index
      %parallel_loop3A_2359 = tpu.vector_load %arg7[%parallel_loop3A_2355, %parallel_loop3A_2356, %parallel_loop3A_2357, %parallel_loop3A_2358] {strides = array<i32>} : memref<3x4x8x1024xf32, #tpu.memory_space<vmem>>, vector<1x1x1x16xf32>,
      %parallel_loop3A_2360 = vector.shape_cast %parallel_loop3A_2359 : vector<1x1x1x16xf32> to vector<16xf32>
      %parallel_loop3A_2361 = vector.shape_cast %parallel_loop3A_2352 : vector<16xf32> to vector<1x1x1x16xf32>
      tpu.vector_store %arg7[%parallel_loop3A_2355, %parallel_loop3A_2356, %parallel_loop3A_2357, %parallel_loop3A_2358], %parallel_loop3A_2361 {strides = array<i32>} : memref<3x4x8x1024xf32, #tpu.memory_space<vmem>>, vector<1x1x1x16xf32>,
      %parallel_loop3A_2362 = arith.constant 0 : i32
      %parallel_loop3A_2363 = arith.constant 1 : i32
      %parallel_loop3A_2364 = arith.index_cast %parallel_loop3A_2362 : i32 to index
      %parallel_loop3A_2365 = arith.index_cast %parallel_loop3A_2363 : i32 to index
      %parallel_loop3A_2366 = arith.index_cast %parallel_loop3A_2330 : i32 to index
      %parallel_loop3A_2367 = arith.index_cast %parallel_loop3A_2334 : i32 to index
      %parallel_loop3A_2368 = tpu.vector_load %arg7[%parallel_loop3A_2364, %parallel_loop3A_2365, %parallel_loop3A_2366, %parallel_loop3A_2367] {strides = array<i32>} : memref<3x4x8x1024xf32, #tpu.memory_space<vmem>>, vector<1x1x1x16xf32>,
      %parallel_loop3A_2369 = vector.shape_cast %parallel_loop3A_2368 : vector<1x1x1x16xf32> to vector<16xf32>
      %parallel_loop3A_2370 = arith.constant 3.200000e+01 : f32
      %parallel_loop3A_2371 = vector.broadcast %parallel_loop3A_2370 : f32 to vector<16xf32>
      %parallel_loop3A_2372 = arith.mulf %parallel_loop3A_2369, %parallel_loop3A_2371 : vector<16xf32>
      %parallel_loop3A_2373 = arith.addf %parallel_loop3A_2372, %parallel_loop3A_2340 : vector<16xf32>
      %parallel_loop3A_2374 = arith.constant 0 : i32
      %parallel_loop3A_2375 = arith.constant 1 : i32
      %parallel_loop3A_2376 = arith.index_cast %parallel_loop3A_2374 : i32 to index
      %parallel_loop3A_2377 = arith.index_cast %parallel_loop3A_2375 : i32 to index
      %parallel_loop3A_2378 = arith.index_cast %parallel_loop3A_2330 : i32 to index
      %parallel_loop3A_2379 = arith.index_cast %parallel_loop3A_2334 : i32 to index
      %parallel_loop3A_2380 = tpu.vector_load %arg7[%parallel_loop3A_2376, %parallel_loop3A_2377, %parallel_loop3A_2378, %parallel_loop3A_2379] {strides = array<i32>} : memref<3x4x8x1024xf32, #tpu.memory_space<vmem>>, vector<1x1x1x16xf32>,
      %parallel_loop3A_2381 = vector.shape_cast %parallel_loop3A_2380 : vector<1x1x1x16xf32> to vector<16xf32>
      %parallel_loop3A_2382 = vector.shape_cast %parallel_loop3A_2373 : vector<16xf32> to vector<1x1x1x16xf32>
      tpu.vector_store %arg7[%parallel_loop3A_2376, %parallel_loop3A_2377, %parallel_loop3A_2378, %parallel_loop3A_2379], %parallel_loop3A_2382 {strides = array<i32>} : memref<3x4x8x1024xf32, #tpu.memory_space<vmem>>, vector<1x1x1x16xf32>,
      %parallel_loop3A_2383 = arith.constant 0 : i32
      %parallel_loop3A_2384 = arith.constant 2 : i32
      %parallel_loop3A_2385 = arith.index_cast %parallel_loop3A_2383 : i32 to index
      %parallel_loop3A_2386 = arith.index_cast %parallel_loop3A_2384 : i32 to index
      %parallel_loop3A_2387 = arith.index_cast %parallel_loop3A_2330 : i32 to index
      %parallel_loop3A_2388 = arith.index_cast %parallel_loop3A_2334 : i32 to index
      %parallel_loop3A_2389 = tpu.vector_load %arg7[%parallel_loop3A_2385, %parallel_loop3A_2386, %parallel_loop3A_2387, %parallel_loop3A_2388] {strides = array<i32>} : memref<3x4x8x1024xf32, #tpu.memory_space<vmem>>, vector<1x1x1x16xf32>,
      %parallel_loop3A_2390 = vector.shape_cast %parallel_loop3A_2389 : vector<1x1x1x16xf32> to vector<16xf32>
      %parallel_loop3A_2391 = arith.constant 3.200000e+01 : f32
      %parallel_loop3A_2392 = vector.broadcast %parallel_loop3A_2391 : f32 to vector<16xf32>
      %parallel_loop3A_2393 = arith.mulf %parallel_loop3A_2390, %parallel_loop3A_2392 : vector<16xf32>
      %parallel_loop3A_2394 = arith.addf %parallel_loop3A_2393, %parallel_loop3A_2340 : vector<16xf32>
      %parallel_loop3A_2395 = arith.constant 0 : i32
      %parallel_loop3A_2396 = arith.constant 2 : i32
      %parallel_loop3A_2397 = arith.index_cast %parallel_loop3A_2395 : i32 to index
      %parallel_loop3A_2398 = arith.index_cast %parallel_loop3A_2396 : i32 to index
      %parallel_loop3A_2399 = arith.index_cast %parallel_loop3A_2330 : i32 to index
      %parallel_loop3A_2400 = arith.index_cast %parallel_loop3A_2334 : i32 to index
      %parallel_loop3A_2401 = tpu.vector_load %arg7[%parallel_loop3A_2397, %parallel_loop3A_2398, %parallel_loop3A_2399, %parallel_loop3A_2400] {strides = array<i32>} : memref<3x4x8x1024xf32, #tpu.memory_space<vmem>>, vector<1x1x1x16xf32>,
      %parallel_loop3A_2402 = vector.shape_cast %parallel_loop3A_2401 : vector<1x1x1x16xf32> to vector<16xf32>
      %parallel_loop3A_2403 = vector.shape_cast %parallel_loop3A_2394 : vector<16xf32> to vector<1x1x1x16xf32>
      tpu.vector_store %arg7[%parallel_loop3A_2397, %parallel_loop3A_2398, %parallel_loop3A_2399, %parallel_loop3A_2400], %parallel_loop3A_2403 {strides = array<i32>} : memref<3x4x8x1024xf32, #tpu.memory_space<vmem>>, vector<1x1x1x16xf32>,
      %parallel_loop3A_2404 = arith.constant 0 : i32
      %parallel_loop3A_2405 = arith.constant 3 : i32
      %parallel_loop3A_2406 = arith.index_cast %parallel_loop3A_2404 : i32 to index
      %parallel_loop3A_2407 = arith.index_cast %parallel_loop3A_2405 : i32 to index
      %parallel_loop3A_2408 = arith.index_cast %parallel_loop3A_2330 : i32 to index
      %parallel_loop3A_2409 = arith.index_cast %parallel_loop3A_2334 : i32 to index
      %parallel_loop3A_2410 = tpu.vector_load %arg7[%parallel_loop3A_2406, %parallel_loop3A_2407, %parallel_loop3A_2408, %parallel_loop3A_2409] {strides = array<i32>} : memref<3x4x8x1024xf32, #tpu.memory_space<vmem>>, vector<1x1x1x16xf32>,
      %parallel_loop3A_2411 = vector.shape_cast %parallel_loop3A_2410 : vector<1x1x1x16xf32> to vector<16xf32>
      %parallel_loop3A_2412 = arith.constant 3.200000e+01 : f32
      %parallel_loop3A_2413 = vector.broadcast %parallel_loop3A_2412 : f32 to vector<16xf32>
      %parallel_loop3A_2414 = arith.mulf %parallel_loop3A_2411, %parallel_loop3A_2413 : vector<16xf32>
      %parallel_loop3A_2415 = arith.addf %parallel_loop3A_2414, %parallel_loop3A_2340 : vector<16xf32>
      %parallel_loop3A_2416 = arith.constant 0 : i32
      %parallel_loop3A_2417 = arith.constant 3 : i32
      %parallel_loop3A_2418 = arith.index_cast %parallel_loop3A_2416 : i32 to index
      %parallel_loop3A_2419 = arith.index_cast %parallel_loop3A_2417 : i32 to index
      %parallel_loop3A_2420 = arith.index_cast %parallel_loop3A_2330 : i32 to index
      %parallel_loop3A_2421 = arith.index_cast %parallel_loop3A_2334 : i32 to index
      %parallel_loop3A_2422 = tpu.vector_load %arg7[%parallel_loop3A_2418, %parallel_loop3A_2419, %parallel_loop3A_2420, %parallel_loop3A_2421] {strides = array<i32>} : memref<3x4x8x1024xf32, #tpu.memory_space<vmem>>, vector<1x1x1x16xf32>,
      %parallel_loop3A_2423 = vector.shape_cast %parallel_loop3A_2422 : vector<1x1x1x16xf32> to vector<16xf32>
      %parallel_loop3A_2424 = vector.shape_cast %parallel_loop3A_2415 : vector<16xf32> to vector<1x1x1x16xf32>
      tpu.vector_store %arg7[%parallel_loop3A_2418, %parallel_loop3A_2419, %parallel_loop3A_2420, %parallel_loop3A_2421], %parallel_loop3A_2424 {strides = array<i32>} : memref<3x4x8x1024xf32, #tpu.memory_space<vmem>>, vector<1x1x1x16xf32>,
    } {sc.loop_unroll_factor = 2 : i64, sc.parallel_access}
    %add3A_365 = arith.constant 0 : i32
    %add3A_366 = arith.addi %mul3A_2, %add3A_365 : i32
    %dma_start3A_367 = arith.constant 0 : i32
    %dma_start3A_368 = arith.constant 0 : i32
    %dma_start3A_369 = arith.constant 0 : i32
    %dma_start3A_370 = arith.constant 0 : i32
    %dma_start3A_371 = arith.constant 0 : i32
    %dma_start3A_372 = tpu.memref_slice %arg7[%dma_start3A_367, %dma_start3A_368, %dma_start3A_370, %dma_start3A_371] : memref<3x4x8x1024xf32, #tpu.memory_space<vmem>> -> memref<1x1x8x1024xf32, #tpu.memory_space<vmem>>
    %dma_start3A_373 = tpu.memref_squeeze %dma_start3A_372 : memref<1x1x8x1024xf32, #tpu.memory_space<vmem>> -> memref<8x1024xf32, #tpu.memory_space<vmem>>
    %dma_start3A_374 = arith.constant 0 : i32
    %dma_start3A_375 = tpu.memref_slice %arg5[%dma_start3A_369, %add3A_366, %dma_start3A_374] : memref<4x2048x1024xf32, #tpu.memory_space<hbm>> -> memref<1x8x1024xf32, #tpu.memory_space<hbm>>
    %dma_start3A_376 = tpu.memref_squeeze %dma_start3A_375 : memref<1x8x1024xf32, #tpu.memory_space<hbm>> -> memref<8x1024xf32, #tpu.memory_space<hbm>>
    %dma_start3A_377 = arith.constant 0 : i32
    %dma_start3A_378 = tpu.memref_slice %arg5[%dma_start3A_369, %add3A_366, %dma_start3A_377] : memref<4x2048x1024xf32, #tpu.memory_space<hbm>> -> memref<1x8x1024xf32, #tpu.memory_space<hbm>>
    %dma_start3A_379 = tpu.memref_squeeze %dma_start3A_378 : memref<1x8x1024xf32, #tpu.memory_space<hbm>> -> memref<8x1024xf32, #tpu.memory_space<hbm>>
    %dma_start3A_380 = arith.constant 0 : i32
    %dma_start3A_381 = arith.constant 0 : i32
    %dma_start3A_382 = tpu.memref_slice %arg7[%dma_start3A_367, %dma_start3A_368, %dma_start3A_380, %dma_start3A_381] : memref<3x4x8x1024xf32, #tpu.memory_space<vmem>> -> memref<1x1x8x1024xf32, #tpu.memory_space<vmem>>
    %dma_start3A_383 = tpu.memref_squeeze %dma_start3A_382 : memref<1x1x8x1024xf32, #tpu.memory_space<vmem>> -> memref<8x1024xf32, #tpu.memory_space<vmem>>
    tpu.enqueue_dma source(%dma_start3A_383 : memref<8x1024xf32, #tpu.memory_space<vmem>>) target(%dma_start3A_379 : memref<8x1024xf32, #tpu.memory_space<hbm>>) target_semaphore(%arg12 : memref<!tpu.dma_semaphore, #tpu.memory_space<semaphore_mem>>)
    %add3A_384 = arith.constant 0 : i32
    %add3A_385 = arith.addi %mul3A_2, %add3A_384 : i32
    %dma_start3A_386 = arith.constant 0 : i32
    %dma_start3A_387 = arith.constant 1 : i32
    %dma_start3A_388 = arith.constant 1 : i32
    %dma_start3A_389 = arith.constant 0 : i32
    %dma_start3A_390 = arith.constant 0 : i32
    %dma_start3A_391 = tpu.memref_slice %arg7[%dma_start3A_386, %dma_start3A_387, %dma_start3A_389, %dma_start3A_390] : memref<3x4x8x1024xf32, #tpu.memory_space<vmem>> -> memref<1x1x8x1024xf32, #tpu.memory_space<vmem>>
    %dma_start3A_392 = tpu.memref_squeeze %dma_start3A_391 : memref<1x1x8x1024xf32, #tpu.memory_space<vmem>> -> memref<8x1024xf32, #tpu.memory_space<vmem>>
    %dma_start3A_393 = arith.constant 0 : i32
    %dma_start3A_394 = tpu.memref_slice %arg5[%dma_start3A_388, %add3A_385, %dma_start3A_393] : memref<4x2048x1024xf32, #tpu.memory_space<hbm>> -> memref<1x8x1024xf32, #tpu.memory_space<hbm>>
    %dma_start3A_395 = tpu.memref_squeeze %dma_start3A_394 : memref<1x8x1024xf32, #tpu.memory_space<hbm>> -> memref<8x1024xf32, #tpu.memory_space<hbm>>
    %dma_start3A_396 = arith.constant 0 : i32
    %dma_start3A_397 = tpu.memref_slice %arg5[%dma_start3A_388, %add3A_385, %dma_start3A_396] : memref<4x2048x1024xf32, #tpu.memory_space<hbm>> -> memref<1x8x1024xf32, #tpu.memory_space<hbm>>
    %dma_start3A_398 = tpu.memref_squeeze %dma_start3A_397 : memref<1x8x1024xf32, #tpu.memory_space<hbm>> -> memref<8x1024xf32, #tpu.memory_space<hbm>>
    %dma_start3A_399 = arith.constant 0 : i32
    %dma_start3A_400 = arith.constant 0 : i32
    %dma_start3A_401 = tpu.memref_slice %arg7[%dma_start3A_386, %dma_start3A_387, %dma_start3A_399, %dma_start3A_400] : memref<3x4x8x1024xf32, #tpu.memory_space<vmem>> -> memref<1x1x8x1024xf32, #tpu.memory_space<vmem>>
    %dma_start3A_402 = tpu.memref_squeeze %dma_start3A_401 : memref<1x1x8x1024xf32, #tpu.memory_space<vmem>> -> memref<8x1024xf32, #tpu.memory_space<vmem>>
    tpu.enqueue_dma source(%dma_start3A_402 : memref<8x1024xf32, #tpu.memory_space<vmem>>) target(%dma_start3A_398 : memref<8x1024xf32, #tpu.memory_space<hbm>>) target_semaphore(%arg12 : memref<!tpu.dma_semaphore, #tpu.memory_space<semaphore_mem>>)
    %add3A_403 = arith.constant 0 : i32
    %add3A_404 = arith.addi %mul3A_2, %add3A_403 : i32
    %dma_start3A_405 = arith.constant 0 : i32
    %dma_start3A_406 = arith.constant 2 : i32
    %dma_start3A_407 = arith.constant 2 : i32
    %dma_start3A_408 = arith.constant 0 : i32
    %dma_start3A_409 = arith.constant 0 : i32
    %dma_start3A_410 = tpu.memref_slice %arg7[%dma_start3A_405, %dma_start3A_406, %dma_start3A_408, %dma_start3A_409] : memref<3x4x8x1024xf32, #tpu.memory_space<vmem>> -> memref<1x1x8x1024xf32, #tpu.memory_space<vmem>>
    %dma_start3A_411 = tpu.memref_squeeze %dma_start3A_410 : memref<1x1x8x1024xf32, #tpu.memory_space<vmem>> -> memref<8x1024xf32, #tpu.memory_space<vmem>>
    %dma_start3A_412 = arith.constant 0 : i32
    %dma_start3A_413 = tpu.memref_slice %arg5[%dma_start3A_407, %add3A_404, %dma_start3A_412] : memref<4x2048x1024xf32, #tpu.memory_space<hbm>> -> memref<1x8x1024xf32, #tpu.memory_space<hbm>>
    %dma_start3A_414 = tpu.memref_squeeze %dma_start3A_413 : memref<1x8x1024xf32, #tpu.memory_space<hbm>> -> memref<8x1024xf32, #tpu.memory_space<hbm>>
    %dma_start3A_415 = arith.constant 0 : i32
    %dma_start3A_416 = tpu.memref_slice %arg5[%dma_start3A_407, %add3A_404, %dma_start3A_415] : memref<4x2048x1024xf32, #tpu.memory_space<hbm>> -> memref<1x8x1024xf32, #tpu.memory_space<hbm>>
    %dma_start3A_417 = tpu.memref_squeeze %dma_start3A_416 : memref<1x8x1024xf32, #tpu.memory_space<hbm>> -> memref<8x1024xf32, #tpu.memory_space<hbm>>
    %dma_start3A_418 = arith.constant 0 : i32
    %dma_start3A_419 = arith.constant 0 : i32
    %dma_start3A_420 = tpu.memref_slice %arg7[%dma_start3A_405, %dma_start3A_406, %dma_start3A_418, %dma_start3A_419] : memref<3x4x8x1024xf32, #tpu.memory_space<vmem>> -> memref<1x1x8x1024xf32, #tpu.memory_space<vmem>>
    %dma_start3A_421 = tpu.memref_squeeze %dma_start3A_420 : memref<1x1x8x1024xf32, #tpu.memory_space<vmem>> -> memref<8x1024xf32, #tpu.memory_space<vmem>>
    tpu.enqueue_dma source(%dma_start3A_421 : memref<8x1024xf32, #tpu.memory_space<vmem>>) target(%dma_start3A_417 : memref<8x1024xf32, #tpu.memory_space<hbm>>) target_semaphore(%arg12 : memref<!tpu.dma_semaphore, #tpu.memory_space<semaphore_mem>>)
    %add3A_422 = arith.constant 0 : i32
    %add3A_423 = arith.addi %mul3A_2, %add3A_422 : i32
    %dma_start3A_424 = arith.constant 0 : i32
    %dma_start3A_425 = arith.constant 3 : i32
    %dma_start3A_426 = arith.constant 3 : i32
    %dma_start3A_427 = arith.constant 0 : i32
    %dma_start3A_428 = arith.constant 0 : i32
    %dma_start3A_429 = tpu.memref_slice %arg7[%dma_start3A_424, %dma_start3A_425, %dma_start3A_427, %dma_start3A_428] : memref<3x4x8x1024xf32, #tpu.memory_space<vmem>> -> memref<1x1x8x1024xf32, #tpu.memory_space<vmem>>
    %dma_start3A_430 = tpu.memref_squeeze %dma_start3A_429 : memref<1x1x8x1024xf32, #tpu.memory_space<vmem>> -> memref<8x1024xf32, #tpu.memory_space<vmem>>
    %dma_start3A_431 = arith.constant 0 : i32
    %dma_start3A_432 = tpu.memref_slice %arg5[%dma_start3A_426, %add3A_423, %dma_start3A_431] : memref<4x2048x1024xf32, #tpu.memory_space<hbm>> -> memref<1x8x1024xf32, #tpu.memory_space<hbm>>
    %dma_start3A_433 = tpu.memref_squeeze %dma_start3A_432 : memref<1x8x1024xf32, #tpu.memory_space<hbm>> -> memref<8x1024xf32, #tpu.memory_space<hbm>>
    %dma_start3A_434 = arith.constant 0 : i32
    %dma_start3A_435 = tpu.memref_slice %arg5[%dma_start3A_426, %add3A_423, %dma_start3A_434] : memref<4x2048x1024xf32, #tpu.memory_space<hbm>> -> memref<1x8x1024xf32, #tpu.memory_space<hbm>>
    %dma_start3A_436 = tpu.memref_squeeze %dma_start3A_435 : memref<1x8x1024xf32, #tpu.memory_space<hbm>> -> memref<8x1024xf32, #tpu.memory_space<hbm>>
    %dma_start3A_437 = arith.constant 0 : i32
    %dma_start3A_438 = arith.constant 0 : i32
    %dma_start3A_439 = tpu.memref_slice %arg7[%dma_start3A_424, %dma_start3A_425, %dma_start3A_437, %dma_start3A_438] : memref<3x4x8x1024xf32, #tpu.memory_space<vmem>> -> memref<1x1x8x1024xf32, #tpu.memory_space<vmem>>
    %dma_start3A_440 = tpu.memref_squeeze %dma_start3A_439 : memref<1x1x8x1024xf32, #tpu.memory_space<vmem>> -> memref<8x1024xf32, #tpu.memory_space<vmem>>
    tpu.enqueue_dma source(%dma_start3A_440 : memref<8x1024xf32, #tpu.memory_space<vmem>>) target(%dma_start3A_436 : memref<8x1024xf32, #tpu.memory_space<hbm>>) target_semaphore(%arg12 : memref<!tpu.dma_semaphore, #tpu.memory_space<semaphore_mem>>)
    %dma_wait3A_441 = arith.constant 0 : i32
    %dma_wait3A_442 = arith.constant 0 : i32
    %dma_wait3A_443 = arith.constant 0 : i32
    %dma_wait3A_444 = arith.constant 0 : i32
    %dma_wait3A_445 = arith.constant 0 : i32
    %dma_wait3A_446 = tpu.memref_slice %arg7[%dma_wait3A_441, %dma_wait3A_442, %dma_wait3A_444, %dma_wait3A_445] : memref<3x4x8x1024xf32, #tpu.memory_space<vmem>> -> memref<1x1x8x1024xf32, #tpu.memory_space<vmem>>
    %dma_wait3A_447 = tpu.memref_squeeze %dma_wait3A_446 : memref<1x1x8x1024xf32, #tpu.memory_space<vmem>> -> memref<8x1024xf32, #tpu.memory_space<vmem>>
    %dma_wait3A_448 = arith.constant 0 : i32
    %dma_wait3A_449 = tpu.memref_slice %arg5[%dma_wait3A_443, %add3A_366, %dma_wait3A_448] : memref<4x2048x1024xf32, #tpu.memory_space<hbm>> -> memref<1x8x1024xf32, #tpu.memory_space<hbm>>
    %dma_wait3A_450 = tpu.memref_squeeze %dma_wait3A_449 : memref<1x8x1024xf32, #tpu.memory_space<hbm>> -> memref<8x1024xf32, #tpu.memory_space<hbm>>
    %dma_wait3A_451 = arith.constant 0 : i32
    %dma_wait3A_452 = tpu.memref_slice %arg5[%dma_wait3A_443, %add3A_366, %dma_wait3A_451] : memref<4x2048x1024xf32, #tpu.memory_space<hbm>> -> memref<1x8x1024xf32, #tpu.memory_space<hbm>>
    %dma_wait3A_453 = tpu.memref_squeeze %dma_wait3A_452 : memref<1x8x1024xf32, #tpu.memory_space<hbm>> -> memref<8x1024xf32, #tpu.memory_space<hbm>>
    %dma_wait3A_454 = arith.constant 0 : i32
    %dma_wait3A_455 = arith.constant 0 : i32
    %dma_wait3A_456 = tpu.memref_slice %arg7[%dma_wait3A_441, %dma_wait3A_442, %dma_wait3A_454, %dma_wait3A_455] : memref<3x4x8x1024xf32, #tpu.memory_space<vmem>> -> memref<1x1x8x1024xf32, #tpu.memory_space<vmem>>
    %dma_wait3A_457 = tpu.memref_squeeze %dma_wait3A_456 : memref<1x1x8x1024xf32, #tpu.memory_space<vmem>> -> memref<8x1024xf32, #tpu.memory_space<vmem>>
    tpu.wait_dma2 semaphore(%arg12 : memref<!tpu.dma_semaphore, #tpu.memory_space<semaphore_mem>>) src(%dma_wait3A_457 : memref<8x1024xf32, #tpu.memory_space<vmem>>) dst(%dma_wait3A_453 : memref<8x1024xf32, #tpu.memory_space<hbm>>)
    %dma_wait3A_458 = arith.constant 0 : i32
    %dma_wait3A_459 = arith.constant 1 : i32
    %dma_wait3A_460 = arith.constant 1 : i32
    %dma_wait3A_461 = arith.constant 0 : i32
    %dma_wait3A_462 = arith.constant 0 : i32
    %dma_wait3A_463 = tpu.memref_slice %arg7[%dma_wait3A_458, %dma_wait3A_459, %dma_wait3A_461, %dma_wait3A_462] : memref<3x4x8x1024xf32, #tpu.memory_space<vmem>> -> memref<1x1x8x1024xf32, #tpu.memory_space<vmem>>
    %dma_wait3A_464 = tpu.memref_squeeze %dma_wait3A_463 : memref<1x1x8x1024xf32, #tpu.memory_space<vmem>> -> memref<8x1024xf32, #tpu.memory_space<vmem>>
    %dma_wait3A_465 = arith.constant 0 : i32
    %dma_wait3A_466 = tpu.memref_slice %arg5[%dma_wait3A_460, %add3A_385, %dma_wait3A_465] : memref<4x2048x1024xf32, #tpu.memory_space<hbm>> -> memref<1x8x1024xf32, #tpu.memory_space<hbm>>
    %dma_wait3A_467 = tpu.memref_squeeze %dma_wait3A_466 : memref<1x8x1024xf32, #tpu.memory_space<hbm>> -> memref<8x1024xf32, #tpu.memory_space<hbm>>
    %dma_wait3A_468 = arith.constant 0 : i32
    %dma_wait3A_469 = tpu.memref_slice %arg5[%dma_wait3A_460, %add3A_385, %dma_wait3A_468] : memref<4x2048x1024xf32, #tpu.memory_space<hbm>> -> memref<1x8x1024xf32, #tpu.memory_space<hbm>>
    %dma_wait3A_470 = tpu.memref_squeeze %dma_wait3A_469 : memref<1x8x1024xf32, #tpu.memory_space<hbm>> -> memref<8x1024xf32, #tpu.memory_space<hbm>>
    %dma_wait3A_471 = arith.constant 0 : i32
    %dma_wait3A_472 = arith.constant 0 : i32
    %dma_wait3A_473 = tpu.memref_slice %arg7[%dma_wait3A_458, %dma_wait3A_459, %dma_wait3A_471, %dma_wait3A_472] : memref<3x4x8x1024xf32, #tpu.memory_space<vmem>> -> memref<1x1x8x1024xf32, #tpu.memory_space<vmem>>
    %dma_wait3A_474 = tpu.memref_squeeze %dma_wait3A_473 : memref<1x1x8x1024xf32, #tpu.memory_space<vmem>> -> memref<8x1024xf32, #tpu.memory_space<vmem>>
    tpu.wait_dma2 semaphore(%arg12 : memref<!tpu.dma_semaphore, #tpu.memory_space<semaphore_mem>>) src(%dma_wait3A_474 : memref<8x1024xf32, #tpu.memory_space<vmem>>) dst(%dma_wait3A_470 : memref<8x1024xf32, #tpu.memory_space<hbm>>)
    %dma_wait3A_475 = arith.constant 0 : i32
    %dma_wait3A_476 = arith.constant 2 : i32
    %dma_wait3A_477 = arith.constant 2 : i32
    %dma_wait3A_478 = arith.constant 0 : i32
    %dma_wait3A_479 = arith.constant 0 : i32
    %dma_wait3A_480 = tpu.memref_slice %arg7[%dma_wait3A_475, %dma_wait3A_476, %dma_wait3A_478, %dma_wait3A_479] : memref<3x4x8x1024xf32, #tpu.memory_space<vmem>> -> memref<1x1x8x1024xf32, #tpu.memory_space<vmem>>
    %dma_wait3A_481 = tpu.memref_squeeze %dma_wait3A_480 : memref<1x1x8x1024xf32, #tpu.memory_space<vmem>> -> memref<8x1024xf32, #tpu.memory_space<vmem>>
    %dma_wait3A_482 = arith.constant 0 : i32
    %dma_wait3A_483 = tpu.memref_slice %arg5[%dma_wait3A_477, %add3A_404, %dma_wait3A_482] : memref<4x2048x1024xf32, #tpu.memory_space<hbm>> -> memref<1x8x1024xf32, #tpu.memory_space<hbm>>
    %dma_wait3A_484 = tpu.memref_squeeze %dma_wait3A_483 : memref<1x8x1024xf32, #tpu.memory_space<hbm>> -> memref<8x1024xf32, #tpu.memory_space<hbm>>
    %dma_wait3A_485 = arith.constant 0 : i32
    %dma_wait3A_486 = tpu.memref_slice %arg5[%dma_wait3A_477, %add3A_404, %dma_wait3A_485] : memref<4x2048x1024xf32, #tpu.memory_space<hbm>> -> memref<1x8x1024xf32, #tpu.memory_space<hbm>>
    %dma_wait3A_487 = tpu.memref_squeeze %dma_wait3A_486 : memref<1x8x1024xf32, #tpu.memory_space<hbm>> -> memref<8x1024xf32, #tpu.memory_space<hbm>>
    %dma_wait3A_488 = arith.constant 0 : i32
    %dma_wait3A_489 = arith.constant 0 : i32
    %dma_wait3A_490 = tpu.memref_slice %arg7[%dma_wait3A_475, %dma_wait3A_476, %dma_wait3A_488, %dma_wait3A_489] : memref<3x4x8x1024xf32, #tpu.memory_space<vmem>> -> memref<1x1x8x1024xf32, #tpu.memory_space<vmem>>
    %dma_wait3A_491 = tpu.memref_squeeze %dma_wait3A_490 : memref<1x1x8x1024xf32, #tpu.memory_space<vmem>> -> memref<8x1024xf32, #tpu.memory_space<vmem>>
    tpu.wait_dma2 semaphore(%arg12 : memref<!tpu.dma_semaphore, #tpu.memory_space<semaphore_mem>>) src(%dma_wait3A_491 : memref<8x1024xf32, #tpu.memory_space<vmem>>) dst(%dma_wait3A_487 : memref<8x1024xf32, #tpu.memory_space<hbm>>)
    %dma_wait3A_492 = arith.constant 0 : i32
    %dma_wait3A_493 = arith.constant 3 : i32
    %dma_wait3A_494 = arith.constant 3 : i32
    %dma_wait3A_495 = arith.constant 0 : i32
    %dma_wait3A_496 = arith.constant 0 : i32
    %dma_wait3A_497 = tpu.memref_slice %arg7[%dma_wait3A_492, %dma_wait3A_493, %dma_wait3A_495, %dma_wait3A_496] : memref<3x4x8x1024xf32, #tpu.memory_space<vmem>> -> memref<1x1x8x1024xf32, #tpu.memory_space<vmem>>
    %dma_wait3A_498 = tpu.memref_squeeze %dma_wait3A_497 : memref<1x1x8x1024xf32, #tpu.memory_space<vmem>> -> memref<8x1024xf32, #tpu.memory_space<vmem>>
    %dma_wait3A_499 = arith.constant 0 : i32
    %dma_wait3A_500 = tpu.memref_slice %arg5[%dma_wait3A_494, %add3A_423, %dma_wait3A_499] : memref<4x2048x1024xf32, #tpu.memory_space<hbm>> -> memref<1x8x1024xf32, #tpu.memory_space<hbm>>
    %dma_wait3A_501 = tpu.memref_squeeze %dma_wait3A_500 : memref<1x8x1024xf32, #tpu.memory_space<hbm>> -> memref<8x1024xf32, #tpu.memory_space<hbm>>
    %dma_wait3A_502 = arith.constant 0 : i32
    %dma_wait3A_503 = tpu.memref_slice %arg5[%dma_wait3A_494, %add3A_423, %dma_wait3A_502] : memref<4x2048x1024xf32, #tpu.memory_space<hbm>> -> memref<1x8x1024xf32, #tpu.memory_space<hbm>>
    %dma_wait3A_504 = tpu.memref_squeeze %dma_wait3A_503 : memref<1x8x1024xf32, #tpu.memory_space<hbm>> -> memref<8x1024xf32, #tpu.memory_space<hbm>>
    %dma_wait3A_505 = arith.constant 0 : i32
    %dma_wait3A_506 = arith.constant 0 : i32
    %dma_wait3A_507 = tpu.memref_slice %arg7[%dma_wait3A_492, %dma_wait3A_493, %dma_wait3A_505, %dma_wait3A_506] : memref<3x4x8x1024xf32, #tpu.memory_space<vmem>> -> memref<1x1x8x1024xf32, #tpu.memory_space<vmem>>
    %dma_wait3A_508 = tpu.memref_squeeze %dma_wait3A_507 : memref<1x1x8x1024xf32, #tpu.memory_space<vmem>> -> memref<8x1024xf32, #tpu.memory_space<vmem>>
    tpu.wait_dma2 semaphore(%arg12 : memref<!tpu.dma_semaphore, #tpu.memory_space<semaphore_mem>>) src(%dma_wait3A_508 : memref<8x1024xf32, #tpu.memory_space<vmem>>) dst(%dma_wait3A_504 : memref<8x1024xf32, #tpu.memory_space<hbm>>)
    %dma_start3A_509 = arith.constant 0 : i32
    %dma_start3A_510 = arith.constant 0 : i32
    %dma_start3A_511 = arith.constant 0 : i32
    %dma_start3A_512 = arith.constant 0 : i32
    %dma_start3A_513 = arith.constant 0 : i32
    %dma_start3A_514 = tpu.memref_slice %arg7[%dma_start3A_510, %dma_start3A_511, %dma_start3A_512, %dma_start3A_513] : memref<3x4x8x1024xf32, #tpu.memory_space<vmem>> -> memref<1x1x8x1024xf32, #tpu.memory_space<vmem>>
    %dma_start3A_515 = tpu.memref_squeeze %dma_start3A_514 : memref<1x1x8x1024xf32, #tpu.memory_space<vmem>> -> memref<8x1024xf32, #tpu.memory_space<vmem>>
    %dma_start3A_516 = arith.constant 24 : i32
    %dma_start3A_517 = tpu.memref_slice %arg6[%dma_start3A_509, %dma_start3A_516] : memref<4x64xi32, #tpu.memory_space<vmem>> -> memref<1x8xi32, #tpu.memory_space<vmem>>
    %dma_start3A_518 = tpu.memref_squeeze %dma_start3A_517 : memref<1x8xi32, #tpu.memory_space<vmem>> -> memref<8xi32, #tpu.memory_space<vmem>>
    %dma_start3A_519 = arith.constant 0 : i32
    %dma_start3A_520 = arith.constant 0 : i32
    %dma_start3A_521 = tpu.memref_slice %arg3[%dma_start3A_519, %dma_start3A_520] : memref<100000x1024xf32, #tpu.memory_space<hbm>> -> memref<100000x1024xf32, #tpu.memory_space<hbm>>
    tpu.enqueue_indirect_dma source(%dma_start3A_521 : memref<100000x1024xf32, #tpu.memory_space<hbm>>) target(%dma_start3A_515 : memref<8x1024xf32, #tpu.memory_space<vmem>>) offsets(%dma_start3A_518 : memref<8xi32, #tpu.memory_space<vmem>>) semaphore(%arg9 : memref<!tpu.dma_semaphore, #tpu.memory_space<semaphore_mem>>)
    %dma_start3A_522 = arith.constant 1 : i32
    %dma_start3A_523 = arith.constant 0 : i32
    %dma_start3A_524 = arith.constant 1 : i32
    %dma_start3A_525 = arith.constant 0 : i32
    %dma_start3A_526 = arith.constant 0 : i32
    %dma_start3A_527 = tpu.memref_slice %arg7[%dma_start3A_523, %dma_start3A_524, %dma_start3A_525, %dma_start3A_526] : memref<3x4x8x1024xf32, #tpu.memory_space<vmem>> -> memref<1x1x8x1024xf32, #tpu.memory_space<vmem>>
    %dma_start3A_528 = tpu.memref_squeeze %dma_start3A_527 : memref<1x1x8x1024xf32, #tpu.memory_space<vmem>> -> memref<8x1024xf32, #tpu.memory_space<vmem>>
    %dma_start3A_529 = arith.constant 24 : i32
    %dma_start3A_530 = tpu.memref_slice %arg6[%dma_start3A_522, %dma_start3A_529] : memref<4x64xi32, #tpu.memory_space<vmem>> -> memref<1x8xi32, #tpu.memory_space<vmem>>
    %dma_start3A_531 = tpu.memref_squeeze %dma_start3A_530 : memref<1x8xi32, #tpu.memory_space<vmem>> -> memref<8xi32, #tpu.memory_space<vmem>>
    %dma_start3A_532 = arith.constant 0 : i32
    %dma_start3A_533 = arith.constant 0 : i32
    %dma_start3A_534 = tpu.memref_slice %arg3[%dma_start3A_532, %dma_start3A_533] : memref<100000x1024xf32, #tpu.memory_space<hbm>> -> memref<100000x1024xf32, #tpu.memory_space<hbm>>
    tpu.enqueue_indirect_dma source(%dma_start3A_534 : memref<100000x1024xf32, #tpu.memory_space<hbm>>) target(%dma_start3A_528 : memref<8x1024xf32, #tpu.memory_space<vmem>>) offsets(%dma_start3A_531 : memref<8xi32, #tpu.memory_space<vmem>>) semaphore(%arg9 : memref<!tpu.dma_semaphore, #tpu.memory_space<semaphore_mem>>)
    %dma_start3A_535 = arith.constant 2 : i32
    %dma_start3A_536 = arith.constant 0 : i32
    %dma_start3A_537 = arith.constant 2 : i32
    %dma_start3A_538 = arith.constant 0 : i32
    %dma_start3A_539 = arith.constant 0 : i32
    %dma_start3A_540 = tpu.memref_slice %arg7[%dma_start3A_536, %dma_start3A_537, %dma_start3A_538, %dma_start3A_539] : memref<3x4x8x1024xf32, #tpu.memory_space<vmem>> -> memref<1x1x8x1024xf32, #tpu.memory_space<vmem>>
    %dma_start3A_541 = tpu.memref_squeeze %dma_start3A_540 : memref<1x1x8x1024xf32, #tpu.memory_space<vmem>> -> memref<8x1024xf32, #tpu.memory_space<vmem>>
    %dma_start3A_542 = arith.constant 24 : i32
    %dma_start3A_543 = tpu.memref_slice %arg6[%dma_start3A_535, %dma_start3A_542] : memref<4x64xi32, #tpu.memory_space<vmem>> -> memref<1x8xi32, #tpu.memory_space<vmem>>
    %dma_start3A_544 = tpu.memref_squeeze %dma_start3A_543 : memref<1x8xi32, #tpu.memory_space<vmem>> -> memref<8xi32, #tpu.memory_space<vmem>>
    %dma_start3A_545 = arith.constant 0 : i32
    %dma_start3A_546 = arith.constant 0 : i32
    %dma_start3A_547 = tpu.memref_slice %arg3[%dma_start3A_545, %dma_start3A_546] : memref<100000x1024xf32, #tpu.memory_space<hbm>> -> memref<100000x1024xf32, #tpu.memory_space<hbm>>
    tpu.enqueue_indirect_dma source(%dma_start3A_547 : memref<100000x1024xf32, #tpu.memory_space<hbm>>) target(%dma_start3A_541 : memref<8x1024xf32, #tpu.memory_space<vmem>>) offsets(%dma_start3A_544 : memref<8xi32, #tpu.memory_space<vmem>>) semaphore(%arg9 : memref<!tpu.dma_semaphore, #tpu.memory_space<semaphore_mem>>)
    %dma_start3A_548 = arith.constant 3 : i32
    %dma_start3A_549 = arith.constant 0 : i32
    %dma_start3A_550 = arith.constant 3 : i32
    %dma_start3A_551 = arith.constant 0 : i32
    %dma_start3A_552 = arith.constant 0 : i32
    %dma_start3A_553 = tpu.memref_slice %arg7[%dma_start3A_549, %dma_start3A_550, %dma_start3A_551, %dma_start3A_552] : memref<3x4x8x1024xf32, #tpu.memory_space<vmem>> -> memref<1x1x8x1024xf32, #tpu.memory_space<vmem>>
    %dma_start3A_554 = tpu.memref_squeeze %dma_start3A_553 : memref<1x1x8x1024xf32, #tpu.memory_space<vmem>> -> memref<8x1024xf32, #tpu.memory_space<vmem>>
    %dma_start3A_555 = arith.constant 24 : i32
    %dma_start3A_556 = tpu.memref_slice %arg6[%dma_start3A_548, %dma_start3A_555] : memref<4x64xi32, #tpu.memory_space<vmem>> -> memref<1x8xi32, #tpu.memory_space<vmem>>
    %dma_start3A_557 = tpu.memref_squeeze %dma_start3A_556 : memref<1x8xi32, #tpu.memory_space<vmem>> -> memref<8xi32, #tpu.memory_space<vmem>>
    %dma_start3A_558 = arith.constant 0 : i32
    %dma_start3A_559 = arith.constant 0 : i32
    %dma_start3A_560 = tpu.memref_slice %arg3[%dma_start3A_558, %dma_start3A_559] : memref<100000x1024xf32, #tpu.memory_space<hbm>> -> memref<100000x1024xf32, #tpu.memory_space<hbm>>
    tpu.enqueue_indirect_dma source(%dma_start3A_560 : memref<100000x1024xf32, #tpu.memory_space<hbm>>) target(%dma_start3A_554 : memref<8x1024xf32, #tpu.memory_space<vmem>>) offsets(%dma_start3A_557 : memref<8xi32, #tpu.memory_space<vmem>>) semaphore(%arg9 : memref<!tpu.dma_semaphore, #tpu.memory_space<semaphore_mem>>)
    %add3A_561 = arith.constant 24 : i32
    %add3A_562 = arith.addi %mul3A_2, %add3A_561 : i32
    %dma_start3A_563 = arith.constant 0 : i32
    %dma_start3A_564 = arith.constant 0 : i32
    %dma_start3A_565 = arith.constant 0 : i32
    %dma_start3A_566 = tpu.memref_slice %arg8[%dma_start3A_563, %dma_start3A_564, %dma_start3A_565] : memref<3x8x1024xf32, #tpu.memory_space<vmem>> -> memref<1x8x1024xf32, #tpu.memory_space<vmem>>
    %dma_start3A_567 = tpu.memref_squeeze %dma_start3A_566 : memref<1x8x1024xf32, #tpu.memory_space<vmem>> -> memref<8x1024xf32, #tpu.memory_space<vmem>>
    %dma_start3A_568 = arith.constant 0 : i32
    %dma_start3A_569 = tpu.memref_slice %arg4[%add3A_562, %dma_start3A_568] : memref<2048x1024xf32, #tpu.memory_space<hbm>> -> memref<8x1024xf32, #tpu.memory_space<hbm>>
    %dma_start3A_570 = arith.constant 0 : i32
    %dma_start3A_571 = arith.constant 0 : i32
    %dma_start3A_572 = tpu.memref_slice %arg8[%dma_start3A_563, %dma_start3A_570, %dma_start3A_571] : memref<3x8x1024xf32, #tpu.memory_space<vmem>> -> memref<1x8x1024xf32, #tpu.memory_space<vmem>>
    %dma_start3A_573 = tpu.memref_squeeze %dma_start3A_572 : memref<1x8x1024xf32, #tpu.memory_space<vmem>> -> memref<8x1024xf32, #tpu.memory_space<vmem>>
    %dma_start3A_574 = arith.constant 0 : i32
    %dma_start3A_575 = tpu.memref_slice %arg4[%add3A_562, %dma_start3A_574] : memref<2048x1024xf32, #tpu.memory_space<hbm>> -> memref<8x1024xf32, #tpu.memory_space<hbm>>
    tpu.enqueue_dma source(%dma_start3A_575 : memref<8x1024xf32, #tpu.memory_space<hbm>>) target(%dma_start3A_573 : memref<8x1024xf32, #tpu.memory_space<vmem>>) target_semaphore(%arg9 : memref<!tpu.dma_semaphore, #tpu.memory_space<semaphore_mem>>)
    %dma_wait3A_576 = arith.constant 0 : i32
    %dma_wait3A_577 = arith.constant 1 : i32
    %dma_wait3A_578 = arith.constant 0 : i32
    %dma_wait3A_579 = arith.constant 0 : i32
    %dma_wait3A_580 = arith.constant 0 : i32
    %dma_wait3A_581 = tpu.memref_slice %arg7[%dma_wait3A_577, %dma_wait3A_578, %dma_wait3A_579, %dma_wait3A_580] : memref<3x4x8x1024xf32, #tpu.memory_space<vmem>> -> memref<1x1x8x1024xf32, #tpu.memory_space<vmem>>
    %dma_wait3A_582 = tpu.memref_squeeze %dma_wait3A_581 : memref<1x1x8x1024xf32, #tpu.memory_space<vmem>> -> memref<8x1024xf32, #tpu.memory_space<vmem>>
    %dma_wait3A_583 = arith.constant 8 : i32
    %dma_wait3A_584 = tpu.memref_slice %arg6[%dma_wait3A_576, %dma_wait3A_583] : memref<4x64xi32, #tpu.memory_space<vmem>> -> memref<1x8xi32, #tpu.memory_space<vmem>>
    %dma_wait3A_585 = tpu.memref_squeeze %dma_wait3A_584 : memref<1x8xi32, #tpu.memory_space<vmem>> -> memref<8xi32, #tpu.memory_space<vmem>>
    %dma_wait3A_586 = arith.constant 0 : i32
    %dma_wait3A_587 = arith.constant 0 : i32
    %dma_wait3A_588 = tpu.memref_slice %arg3[%dma_wait3A_586, %dma_wait3A_587] : memref<100000x1024xf32, #tpu.memory_space<hbm>> -> memref<100000x1024xf32, #tpu.memory_space<hbm>>
    tpu.wait_indirect_dma semaphore(%arg10 : memref<!tpu.dma_semaphore, #tpu.memory_space<semaphore_mem>>) src(%dma_wait3A_588 : memref<100000x1024xf32, #tpu.memory_space<hbm>>) dst(%dma_wait3A_582 : memref<8x1024xf32, #tpu.memory_space<vmem>>)
    %dma_wait3A_589 = arith.constant 1 : i32
    %dma_wait3A_590 = arith.constant 1 : i32
    %dma_wait3A_591 = arith.constant 1 : i32
    %dma_wait3A_592 = arith.constant 0 : i32
    %dma_wait3A_593 = arith.constant 0 : i32
    %dma_wait3A_594 = tpu.memref_slice %arg7[%dma_wait3A_590, %dma_wait3A_591, %dma_wait3A_592, %dma_wait3A_593] : memref<3x4x8x1024xf32, #tpu.memory_space<vmem>> -> memref<1x1x8x1024xf32, #tpu.memory_space<vmem>>
    %dma_wait3A_595 = tpu.memref_squeeze %dma_wait3A_594 : memref<1x1x8x1024xf32, #tpu.memory_space<vmem>> -> memref<8x1024xf32, #tpu.memory_space<vmem>>
    %dma_wait3A_596 = arith.constant 8 : i32
    %dma_wait3A_597 = tpu.memref_slice %arg6[%dma_wait3A_589, %dma_wait3A_596] : memref<4x64xi32, #tpu.memory_space<vmem>> -> memref<1x8xi32, #tpu.memory_space<vmem>>
    %dma_wait3A_598 = tpu.memref_squeeze %dma_wait3A_597 : memref<1x8xi32, #tpu.memory_space<vmem>> -> memref<8xi32, #tpu.memory_space<vmem>>
    %dma_wait3A_599 = arith.constant 0 : i32
    %dma_wait3A_600 = arith.constant 0 : i32
    %dma_wait3A_601 = tpu.memref_slice %arg3[%dma_wait3A_599, %dma_wait3A_600] : memref<100000x1024xf32, #tpu.memory_space<hbm>> -> memref<100000x1024xf32, #tpu.memory_space<hbm>>
    tpu.wait_indirect_dma semaphore(%arg10 : memref<!tpu.dma_semaphore, #tpu.memory_space<semaphore_mem>>) src(%dma_wait3A_601 : memref<100000x1024xf32, #tpu.memory_space<hbm>>) dst(%dma_wait3A_595 : memref<8x1024xf32, #tpu.memory_space<vmem>>)
    %dma_wait3A_602 = arith.constant 2 : i32
    %dma_wait3A_603 = arith.constant 1 : i32
    %dma_wait3A_604 = arith.constant 2 : i32
    %dma_wait3A_605 = arith.constant 0 : i32
    %dma_wait3A_606 = arith.constant 0 : i32
    %dma_wait3A_607 = tpu.memref_slice %arg7[%dma_wait3A_603, %dma_wait3A_604, %dma_wait3A_605, %dma_wait3A_606] : memref<3x4x8x1024xf32, #tpu.memory_space<vmem>> -> memref<1x1x8x1024xf32, #tpu.memory_space<vmem>>
    %dma_wait3A_608 = tpu.memref_squeeze %dma_wait3A_607 : memref<1x1x8x1024xf32, #tpu.memory_space<vmem>> -> memref<8x1024xf32, #tpu.memory_space<vmem>>
    %dma_wait3A_609 = arith.constant 8 : i32
    %dma_wait3A_610 = tpu.memref_slice %arg6[%dma_wait3A_602, %dma_wait3A_609] : memref<4x64xi32, #tpu.memory_space<vmem>> -> memref<1x8xi32, #tpu.memory_space<vmem>>
    %dma_wait3A_611 = tpu.memref_squeeze %dma_wait3A_610 : memref<1x8xi32, #tpu.memory_space<vmem>> -> memref<8xi32, #tpu.memory_space<vmem>>
    %dma_wait3A_612 = arith.constant 0 : i32
    %dma_wait3A_613 = arith.constant 0 : i32
    %dma_wait3A_614 = tpu.memref_slice %arg3[%dma_wait3A_612, %dma_wait3A_613] : memref<100000x1024xf32, #tpu.memory_space<hbm>> -> memref<100000x1024xf32, #tpu.memory_space<hbm>>
    tpu.wait_indirect_dma semaphore(%arg10 : memref<!tpu.dma_semaphore, #tpu.memory_space<semaphore_mem>>) src(%dma_wait3A_614 : memref<100000x1024xf32, #tpu.memory_space<hbm>>) dst(%dma_wait3A_608 : memref<8x1024xf32, #tpu.memory_space<vmem>>)
    %dma_wait3A_615 = arith.constant 3 : i32
    %dma_wait3A_616 = arith.constant 1 : i32
    %dma_wait3A_617 = arith.constant 3 : i32
    %dma_wait3A_618 = arith.constant 0 : i32
    %dma_wait3A_619 = arith.constant 0 : i32
    %dma_wait3A_620 = tpu.memref_slice %arg7[%dma_wait3A_616, %dma_wait3A_617, %dma_wait3A_618, %dma_wait3A_619] : memref<3x4x8x1024xf32, #tpu.memory_space<vmem>> -> memref<1x1x8x1024xf32, #tpu.memory_space<vmem>>
    %dma_wait3A_621 = tpu.memref_squeeze %dma_wait3A_620 : memref<1x1x8x1024xf32, #tpu.memory_space<vmem>> -> memref<8x1024xf32, #tpu.memory_space<vmem>>
    %dma_wait3A_622 = arith.constant 8 : i32
    %dma_wait3A_623 = tpu.memref_slice %arg6[%dma_wait3A_615, %dma_wait3A_622] : memref<4x64xi32, #tpu.memory_space<vmem>> -> memref<1x8xi32, #tpu.memory_space<vmem>>
    %dma_wait3A_624 = tpu.memref_squeeze %dma_wait3A_623 : memref<1x8xi32, #tpu.memory_space<vmem>> -> memref<8xi32, #tpu.memory_space<vmem>>
    %dma_wait3A_625 = arith.constant 0 : i32
    %dma_wait3A_626 = arith.constant 0 : i32
    %dma_wait3A_627 = tpu.memref_slice %arg3[%dma_wait3A_625, %dma_wait3A_626] : memref<100000x1024xf32, #tpu.memory_space<hbm>> -> memref<100000x1024xf32, #tpu.memory_space<hbm>>
    tpu.wait_indirect_dma semaphore(%arg10 : memref<!tpu.dma_semaphore, #tpu.memory_space<semaphore_mem>>) src(%dma_wait3A_627 : memref<100000x1024xf32, #tpu.memory_space<hbm>>) dst(%dma_wait3A_621 : memref<8x1024xf32, #tpu.memory_space<vmem>>)
    %dma_wait3A_628 = arith.constant 1 : i32
    %dma_wait3A_629 = arith.constant 0 : i32
    %dma_wait3A_630 = arith.constant 0 : i32
    %dma_wait3A_631 = tpu.memref_slice %arg8[%dma_wait3A_628, %dma_wait3A_629, %dma_wait3A_630] : memref<3x8x1024xf32, #tpu.memory_space<vmem>> -> memref<1x8x1024xf32, #tpu.memory_space<vmem>>
    %dma_wait3A_632 = tpu.memref_squeeze %dma_wait3A_631 : memref<1x8x1024xf32, #tpu.memory_space<vmem>> -> memref<8x1024xf32, #tpu.memory_space<vmem>>
    %dma_wait3A_633 = arith.constant 0 : i32
    %dma_wait3A_634 = tpu.memref_slice %arg4[%add3A_66, %dma_wait3A_633] : memref<2048x1024xf32, #tpu.memory_space<hbm>> -> memref<8x1024xf32, #tpu.memory_space<hbm>>
    %dma_wait3A_635 = arith.constant 0 : i32
    %dma_wait3A_636 = arith.constant 0 : i32
    %dma_wait3A_637 = tpu.memref_slice %arg8[%dma_wait3A_628, %dma_wait3A_635, %dma_wait3A_636] : memref<3x8x1024xf32, #tpu.memory_space<vmem>> -> memref<1x8x1024xf32, #tpu.memory_space<vmem>>
    %dma_wait3A_638 = tpu.memref_squeeze %dma_wait3A_637 : memref<1x8x1024xf32, #tpu.memory_space<vmem>> -> memref<8x1024xf32, #tpu.memory_space<vmem>>
    %dma_wait3A_639 = arith.constant 0 : i32
    %dma_wait3A_640 = tpu.memref_slice %arg4[%add3A_66, %dma_wait3A_639] : memref<2048x1024xf32, #tpu.memory_space<hbm>> -> memref<8x1024xf32, #tpu.memory_space<hbm>>
    tpu.wait_dma2 semaphore(%arg10 : memref<!tpu.dma_semaphore, #tpu.memory_space<semaphore_mem>>) src(%dma_wait3A_640 : memref<8x1024xf32, #tpu.memory_space<hbm>>) dst(%dma_wait3A_638 : memref<8x1024xf32, #tpu.memory_space<vmem>>)
    %parallel_loop3A_641 = arith.constant 0 : i32
    %parallel_loop3A_642 = arith.constant 512 : i32
    %parallel_loop3A_643 = arith.constant 1 : i32
    scf.for %parallel_loop3A_2328 = %parallel_loop3A_641 to %parallel_loop3A_642 step %parallel_loop3A_643  : i32 {
      %parallel_loop3A_2329 = arith.constant 6 : i32
      %parallel_loop3A_2330 = arith.shrsi %parallel_loop3A_2328, %parallel_loop3A_2329 : i32
      %parallel_loop3A_2331 = arith.constant 63 : i32
      %parallel_loop3A_2332 = arith.andi %parallel_loop3A_2328, %parallel_loop3A_2331 : i32
      %parallel_loop3A_2333 = arith.constant 16 : i32
      %parallel_loop3A_2334 = arith.muli %parallel_loop3A_2332, %parallel_loop3A_2333 : i32
      %parallel_loop3A_2335 = arith.constant 1 : i32
      %parallel_loop3A_2336 = arith.index_cast %parallel_loop3A_2335 : i32 to index
      %parallel_loop3A_2337 = arith.index_cast %parallel_loop3A_2330 : i32 to index
      %parallel_loop3A_2338 = arith.index_cast %parallel_loop3A_2334 : i32 to index
      %parallel_loop3A_2339 = tpu.vector_load %arg8[%parallel_loop3A_2336, %parallel_loop3A_2337, %parallel_loop3A_2338] {strides = array<i32>} : memref<3x8x1024xf32, #tpu.memory_space<vmem>>, vector<1x1x16xf32>,
      %parallel_loop3A_2340 = vector.shape_cast %parallel_loop3A_2339 : vector<1x1x16xf32> to vector<16xf32>
      %parallel_loop3A_2341 = arith.constant 1 : i32
      %parallel_loop3A_2342 = arith.constant 0 : i32
      %parallel_loop3A_2343 = arith.index_cast %parallel_loop3A_2341 : i32 to index
      %parallel_loop3A_2344 = arith.index_cast %parallel_loop3A_2342 : i32 to index
      %parallel_loop3A_2345 = arith.index_cast %parallel_loop3A_2330 : i32 to index
      %parallel_loop3A_2346 = arith.index_cast %parallel_loop3A_2334 : i32 to index
      %parallel_loop3A_2347 = tpu.vector_load %arg7[%parallel_loop3A_2343, %parallel_loop3A_2344, %parallel_loop3A_2345, %parallel_loop3A_2346] {strides = array<i32>} : memref<3x4x8x1024xf32, #tpu.memory_space<vmem>>, vector<1x1x1x16xf32>,
      %parallel_loop3A_2348 = vector.shape_cast %parallel_loop3A_2347 : vector<1x1x1x16xf32> to vector<16xf32>
      %parallel_loop3A_2349 = arith.constant 3.200000e+01 : f32
      %parallel_loop3A_2350 = vector.broadcast %parallel_loop3A_2349 : f32 to vector<16xf32>
      %parallel_loop3A_2351 = arith.mulf %parallel_loop3A_2348, %parallel_loop3A_2350 : vector<16xf32>
      %parallel_loop3A_2352 = arith.addf %parallel_loop3A_2351, %parallel_loop3A_2340 : vector<16xf32>
      %parallel_loop3A_2353 = arith.constant 1 : i32
      %parallel_loop3A_2354 = arith.constant 0 : i32
      %parallel_loop3A_2355 = arith.index_cast %parallel_loop3A_2353 : i32 to index
      %parallel_loop3A_2356 = arith.index_cast %parallel_loop3A_2354 : i32 to index
      %parallel_loop3A_2357 = arith.index_cast %parallel_loop3A_2330 : i32 to index
      %parallel_loop3A_2358 = arith.index_cast %parallel_loop3A_2334 : i32 to index
      %parallel_loop3A_2359 = tpu.vector_load %arg7[%parallel_loop3A_2355, %parallel_loop3A_2356, %parallel_loop3A_2357, %parallel_loop3A_2358] {strides = array<i32>} : memref<3x4x8x1024xf32, #tpu.memory_space<vmem>>, vector<1x1x1x16xf32>,
      %parallel_loop3A_2360 = vector.shape_cast %parallel_loop3A_2359 : vector<1x1x1x16xf32> to vector<16xf32>
      %parallel_loop3A_2361 = vector.shape_cast %parallel_loop3A_2352 : vector<16xf32> to vector<1x1x1x16xf32>
      tpu.vector_store %arg7[%parallel_loop3A_2355, %parallel_loop3A_2356, %parallel_loop3A_2357, %parallel_loop3A_2358], %parallel_loop3A_2361 {strides = array<i32>} : memref<3x4x8x1024xf32, #tpu.memory_space<vmem>>, vector<1x1x1x16xf32>,
      %parallel_loop3A_2362 = arith.constant 1 : i32
      %parallel_loop3A_2363 = arith.constant 1 : i32
      %parallel_loop3A_2364 = arith.index_cast %parallel_loop3A_2362 : i32 to index
      %parallel_loop3A_2365 = arith.index_cast %parallel_loop3A_2363 : i32 to index
      %parallel_loop3A_2366 = arith.index_cast %parallel_loop3A_2330 : i32 to index
      %parallel_loop3A_2367 = arith.index_cast %parallel_loop3A_2334 : i32 to index
      %parallel_loop3A_2368 = tpu.vector_load %arg7[%parallel_loop3A_2364, %parallel_loop3A_2365, %parallel_loop3A_2366, %parallel_loop3A_2367] {strides = array<i32>} : memref<3x4x8x1024xf32, #tpu.memory_space<vmem>>, vector<1x1x1x16xf32>,
      %parallel_loop3A_2369 = vector.shape_cast %parallel_loop3A_2368 : vector<1x1x1x16xf32> to vector<16xf32>
      %parallel_loop3A_2370 = arith.constant 3.200000e+01 : f32
      %parallel_loop3A_2371 = vector.broadcast %parallel_loop3A_2370 : f32 to vector<16xf32>
      %parallel_loop3A_2372 = arith.mulf %parallel_loop3A_2369, %parallel_loop3A_2371 : vector<16xf32>
      %parallel_loop3A_2373 = arith.addf %parallel_loop3A_2372, %parallel_loop3A_2340 : vector<16xf32>
      %parallel_loop3A_2374 = arith.constant 1 : i32
      %parallel_loop3A_2375 = arith.constant 1 : i32
      %parallel_loop3A_2376 = arith.index_cast %parallel_loop3A_2374 : i32 to index
      %parallel_loop3A_2377 = arith.index_cast %parallel_loop3A_2375 : i32 to index
      %parallel_loop3A_2378 = arith.index_cast %parallel_loop3A_2330 : i32 to index
      %parallel_loop3A_2379 = arith.index_cast %parallel_loop3A_2334 : i32 to index
      %parallel_loop3A_2380 = tpu.vector_load %arg7[%parallel_loop3A_2376, %parallel_loop3A_2377, %parallel_loop3A_2378, %parallel_loop3A_2379] {strides = array<i32>} : memref<3x4x8x1024xf32, #tpu.memory_space<vmem>>, vector<1x1x1x16xf32>,
      %parallel_loop3A_2381 = vector.shape_cast %parallel_loop3A_2380 : vector<1x1x1x16xf32> to vector<16xf32>
      %parallel_loop3A_2382 = vector.shape_cast %parallel_loop3A_2373 : vector<16xf32> to vector<1x1x1x16xf32>
      tpu.vector_store %arg7[%parallel_loop3A_2376, %parallel_loop3A_2377, %parallel_loop3A_2378, %parallel_loop3A_2379], %parallel_loop3A_2382 {strides = array<i32>} : memref<3x4x8x1024xf32, #tpu.memory_space<vmem>>, vector<1x1x1x16xf32>,
      %parallel_loop3A_2383 = arith.constant 1 : i32
      %parallel_loop3A_2384 = arith.constant 2 : i32
      %parallel_loop3A_2385 = arith.index_cast %parallel_loop3A_2383 : i32 to index
      %parallel_loop3A_2386 = arith.index_cast %parallel_loop3A_2384 : i32 to index
      %parallel_loop3A_2387 = arith.index_cast %parallel_loop3A_2330 : i32 to index
      %parallel_loop3A_2388 = arith.index_cast %parallel_loop3A_2334 : i32 to index
      %parallel_loop3A_2389 = tpu.vector_load %arg7[%parallel_loop3A_2385, %parallel_loop3A_2386, %parallel_loop3A_2387, %parallel_loop3A_2388] {strides = array<i32>} : memref<3x4x8x1024xf32, #tpu.memory_space<vmem>>, vector<1x1x1x16xf32>,
      %parallel_loop3A_2390 = vector.shape_cast %parallel_loop3A_2389 : vector<1x1x1x16xf32> to vector<16xf32>
      %parallel_loop3A_2391 = arith.constant 3.200000e+01 : f32
      %parallel_loop3A_2392 = vector.broadcast %parallel_loop3A_2391 : f32 to vector<16xf32>
      %parallel_loop3A_2393 = arith.mulf %parallel_loop3A_2390, %parallel_loop3A_2392 : vector<16xf32>
      %parallel_loop3A_2394 = arith.addf %parallel_loop3A_2393, %parallel_loop3A_2340 : vector<16xf32>
      %parallel_loop3A_2395 = arith.constant 1 : i32
      %parallel_loop3A_2396 = arith.constant 2 : i32
      %parallel_loop3A_2397 = arith.index_cast %parallel_loop3A_2395 : i32 to index
      %parallel_loop3A_2398 = arith.index_cast %parallel_loop3A_2396 : i32 to index
      %parallel_loop3A_2399 = arith.index_cast %parallel_loop3A_2330 : i32 to index
      %parallel_loop3A_2400 = arith.index_cast %parallel_loop3A_2334 : i32 to index
      %parallel_loop3A_2401 = tpu.vector_load %arg7[%parallel_loop3A_2397, %parallel_loop3A_2398, %parallel_loop3A_2399, %parallel_loop3A_2400] {strides = array<i32>} : memref<3x4x8x1024xf32, #tpu.memory_space<vmem>>, vector<1x1x1x16xf32>,
      %parallel_loop3A_2402 = vector.shape_cast %parallel_loop3A_2401 : vector<1x1x1x16xf32> to vector<16xf32>
      %parallel_loop3A_2403 = vector.shape_cast %parallel_loop3A_2394 : vector<16xf32> to vector<1x1x1x16xf32>
      tpu.vector_store %arg7[%parallel_loop3A_2397, %parallel_loop3A_2398, %parallel_loop3A_2399, %parallel_loop3A_2400], %parallel_loop3A_2403 {strides = array<i32>} : memref<3x4x8x1024xf32, #tpu.memory_space<vmem>>, vector<1x1x1x16xf32>,
      %parallel_loop3A_2404 = arith.constant 1 : i32
      %parallel_loop3A_2405 = arith.constant 3 : i32
      %parallel_loop3A_2406 = arith.index_cast %parallel_loop3A_2404 : i32 to index
      %parallel_loop3A_2407 = arith.index_cast %parallel_loop3A_2405 : i32 to index
      %parallel_loop3A_2408 = arith.index_cast %parallel_loop3A_2330 : i32 to index
      %parallel_loop3A_2409 = arith.index_cast %parallel_loop3A_2334 : i32 to index
      %parallel_loop3A_2410 = tpu.vector_load %arg7[%parallel_loop3A_2406, %parallel_loop3A_2407, %parallel_loop3A_2408, %parallel_loop3A_2409] {strides = array<i32>} : memref<3x4x8x1024xf32, #tpu.memory_space<vmem>>, vector<1x1x1x16xf32>,
      %parallel_loop3A_2411 = vector.shape_cast %parallel_loop3A_2410 : vector<1x1x1x16xf32> to vector<16xf32>
      %parallel_loop3A_2412 = arith.constant 3.200000e+01 : f32
      %parallel_loop3A_2413 = vector.broadcast %parallel_loop3A_2412 : f32 to vector<16xf32>
      %parallel_loop3A_2414 = arith.mulf %parallel_loop3A_2411, %parallel_loop3A_2413 : vector<16xf32>
      %parallel_loop3A_2415 = arith.addf %parallel_loop3A_2414, %parallel_loop3A_2340 : vector<16xf32>
      %parallel_loop3A_2416 = arith.constant 1 : i32
      %parallel_loop3A_2417 = arith.constant 3 : i32
      %parallel_loop3A_2418 = arith.index_cast %parallel_loop3A_2416 : i32 to index
      %parallel_loop3A_2419 = arith.index_cast %parallel_loop3A_2417 : i32 to index
      %parallel_loop3A_2420 = arith.index_cast %parallel_loop3A_2330 : i32 to index
      %parallel_loop3A_2421 = arith.index_cast %parallel_loop3A_2334 : i32 to index
      %parallel_loop3A_2422 = tpu.vector_load %arg7[%parallel_loop3A_2418, %parallel_loop3A_2419, %parallel_loop3A_2420, %parallel_loop3A_2421] {strides = array<i32>} : memref<3x4x8x1024xf32, #tpu.memory_space<vmem>>, vector<1x1x1x16xf32>,
      %parallel_loop3A_2423 = vector.shape_cast %parallel_loop3A_2422 : vector<1x1x1x16xf32> to vector<16xf32>
      %parallel_loop3A_2424 = vector.shape_cast %parallel_loop3A_2415 : vector<16xf32> to vector<1x1x1x16xf32>
      tpu.vector_store %arg7[%parallel_loop3A_2418, %parallel_loop3A_2419, %parallel_loop3A_2420, %parallel_loop3A_2421], %parallel_loop3A_2424 {strides = array<i32>} : memref<3x4x8x1024xf32, #tpu.memory_space<vmem>>, vector<1x1x1x16xf32>,
    } {sc.loop_unroll_factor = 2 : i64, sc.parallel_access}
    %add3A_644 = arith.constant 8 : i32
    %add3A_645 = arith.addi %mul3A_2, %add3A_644 : i32
    %dma_start3A_646 = arith.constant 1 : i32
    %dma_start3A_647 = arith.constant 0 : i32
    %dma_start3A_648 = arith.constant 0 : i32
    %dma_start3A_649 = arith.constant 0 : i32
    %dma_start3A_650 = arith.constant 0 : i32
    %dma_start3A_651 = tpu.memref_slice %arg7[%dma_start3A_646, %dma_start3A_647, %dma_start3A_649, %dma_start3A_650] : memref<3x4x8x1024xf32, #tpu.memory_space<vmem>> -> memref<1x1x8x1024xf32, #tpu.memory_space<vmem>>
    %dma_start3A_652 = tpu.memref_squeeze %dma_start3A_651 : memref<1x1x8x1024xf32, #tpu.memory_space<vmem>> -> memref<8x1024xf32, #tpu.memory_space<vmem>>
    %dma_start3A_653 = arith.constant 0 : i32
    %dma_start3A_654 = tpu.memref_slice %arg5[%dma_start3A_648, %add3A_645, %dma_start3A_653] : memref<4x2048x1024xf32, #tpu.memory_space<hbm>> -> memref<1x8x1024xf32, #tpu.memory_space<hbm>>
    %dma_start3A_655 = tpu.memref_squeeze %dma_start3A_654 : memref<1x8x1024xf32, #tpu.memory_space<hbm>> -> memref<8x1024xf32, #tpu.memory_space<hbm>>
    %dma_start3A_656 = arith.constant 0 : i32
    %dma_start3A_657 = tpu.memref_slice %arg5[%dma_start3A_648, %add3A_645, %dma_start3A_656] : memref<4x2048x1024xf32, #tpu.memory_space<hbm>> -> memref<1x8x1024xf32, #tpu.memory_space<hbm>>
    %dma_start3A_658 = tpu.memref_squeeze %dma_start3A_657 : memref<1x8x1024xf32, #tpu.memory_space<hbm>> -> memref<8x1024xf32, #tpu.memory_space<hbm>>
    %dma_start3A_659 = arith.constant 0 : i32
    %dma_start3A_660 = arith.constant 0 : i32
    %dma_start3A_661 = tpu.memref_slice %arg7[%dma_start3A_646, %dma_start3A_647, %dma_start3A_659, %dma_start3A_660] : memref<3x4x8x1024xf32, #tpu.memory_space<vmem>> -> memref<1x1x8x1024xf32, #tpu.memory_space<vmem>>
    %dma_start3A_662 = tpu.memref_squeeze %dma_start3A_661 : memref<1x1x8x1024xf32, #tpu.memory_space<vmem>> -> memref<8x1024xf32, #tpu.memory_space<vmem>>
    tpu.enqueue_dma source(%dma_start3A_662 : memref<8x1024xf32, #tpu.memory_space<vmem>>) target(%dma_start3A_658 : memref<8x1024xf32, #tpu.memory_space<hbm>>) target_semaphore(%arg13 : memref<!tpu.dma_semaphore, #tpu.memory_space<semaphore_mem>>)
    %add3A_663 = arith.constant 8 : i32
    %add3A_664 = arith.addi %mul3A_2, %add3A_663 : i32
    %dma_start3A_665 = arith.constant 1 : i32
    %dma_start3A_666 = arith.constant 1 : i32
    %dma_start3A_667 = arith.constant 1 : i32
    %dma_start3A_668 = arith.constant 0 : i32
    %dma_start3A_669 = arith.constant 0 : i32
    %dma_start3A_670 = tpu.memref_slice %arg7[%dma_start3A_665, %dma_start3A_666, %dma_start3A_668, %dma_start3A_669] : memref<3x4x8x1024xf32, #tpu.memory_space<vmem>> -> memref<1x1x8x1024xf32, #tpu.memory_space<vmem>>
    %dma_start3A_671 = tpu.memref_squeeze %dma_start3A_670 : memref<1x1x8x1024xf32, #tpu.memory_space<vmem>> -> memref<8x1024xf32, #tpu.memory_space<vmem>>
    %dma_start3A_672 = arith.constant 0 : i32
    %dma_start3A_673 = tpu.memref_slice %arg5[%dma_start3A_667, %add3A_664, %dma_start3A_672] : memref<4x2048x1024xf32, #tpu.memory_space<hbm>> -> memref<1x8x1024xf32, #tpu.memory_space<hbm>>
    %dma_start3A_674 = tpu.memref_squeeze %dma_start3A_673 : memref<1x8x1024xf32, #tpu.memory_space<hbm>> -> memref<8x1024xf32, #tpu.memory_space<hbm>>
    %dma_start3A_675 = arith.constant 0 : i32
    %dma_start3A_676 = tpu.memref_slice %arg5[%dma_start3A_667, %add3A_664, %dma_start3A_675] : memref<4x2048x1024xf32, #tpu.memory_space<hbm>> -> memref<1x8x1024xf32, #tpu.memory_space<hbm>>
    %dma_start3A_677 = tpu.memref_squeeze %dma_start3A_676 : memref<1x8x1024xf32, #tpu.memory_space<hbm>> -> memref<8x1024xf32, #tpu.memory_space<hbm>>
    %dma_start3A_678 = arith.constant 0 : i32
    %dma_start3A_679 = arith.constant 0 : i32
    %dma_start3A_680 = tpu.memref_slice %arg7[%dma_start3A_665, %dma_start3A_666, %dma_start3A_678, %dma_start3A_679] : memref<3x4x8x1024xf32, #tpu.memory_space<vmem>> -> memref<1x1x8x1024xf32, #tpu.memory_space<vmem>>
    %dma_start3A_681 = tpu.memref_squeeze %dma_start3A_680 : memref<1x1x8x1024xf32, #tpu.memory_space<vmem>> -> memref<8x1024xf32, #tpu.memory_space<vmem>>
    tpu.enqueue_dma source(%dma_start3A_681 : memref<8x1024xf32, #tpu.memory_space<vmem>>) target(%dma_start3A_677 : memref<8x1024xf32, #tpu.memory_space<hbm>>) target_semaphore(%arg13 : memref<!tpu.dma_semaphore, #tpu.memory_space<semaphore_mem>>)
    %add3A_682 = arith.constant 8 : i32
    %add3A_683 = arith.addi %mul3A_2, %add3A_682 : i32
    %dma_start3A_684 = arith.constant 1 : i32
    %dma_start3A_685 = arith.constant 2 : i32
    %dma_start3A_686 = arith.constant 2 : i32
    %dma_start3A_687 = arith.constant 0 : i32
    %dma_start3A_688 = arith.constant 0 : i32
    %dma_start3A_689 = tpu.memref_slice %arg7[%dma_start3A_684, %dma_start3A_685, %dma_start3A_687, %dma_start3A_688] : memref<3x4x8x1024xf32, #tpu.memory_space<vmem>> -> memref<1x1x8x1024xf32, #tpu.memory_space<vmem>>
    %dma_start3A_690 = tpu.memref_squeeze %dma_start3A_689 : memref<1x1x8x1024xf32, #tpu.memory_space<vmem>> -> memref<8x1024xf32, #tpu.memory_space<vmem>>
    %dma_start3A_691 = arith.constant 0 : i32
    %dma_start3A_692 = tpu.memref_slice %arg5[%dma_start3A_686, %add3A_683, %dma_start3A_691] : memref<4x2048x1024xf32, #tpu.memory_space<hbm>> -> memref<1x8x1024xf32, #tpu.memory_space<hbm>>
    %dma_start3A_693 = tpu.memref_squeeze %dma_start3A_692 : memref<1x8x1024xf32, #tpu.memory_space<hbm>> -> memref<8x1024xf32, #tpu.memory_space<hbm>>
    %dma_start3A_694 = arith.constant 0 : i32
    %dma_start3A_695 = tpu.memref_slice %arg5[%dma_start3A_686, %add3A_683, %dma_start3A_694] : memref<4x2048x1024xf32, #tpu.memory_space<hbm>> -> memref<1x8x1024xf32, #tpu.memory_space<hbm>>
    %dma_start3A_696 = tpu.memref_squeeze %dma_start3A_695 : memref<1x8x1024xf32, #tpu.memory_space<hbm>> -> memref<8x1024xf32, #tpu.memory_space<hbm>>
    %dma_start3A_697 = arith.constant 0 : i32
    %dma_start3A_698 = arith.constant 0 : i32
    %dma_start3A_699 = tpu.memref_slice %arg7[%dma_start3A_684, %dma_start3A_685, %dma_start3A_697, %dma_start3A_698] : memref<3x4x8x1024xf32, #tpu.memory_space<vmem>> -> memref<1x1x8x1024xf32, #tpu.memory_space<vmem>>
    %dma_start3A_700 = tpu.memref_squeeze %dma_start3A_699 : memref<1x1x8x1024xf32, #tpu.memory_space<vmem>> -> memref<8x1024xf32, #tpu.memory_space<vmem>>
    tpu.enqueue_dma source(%dma_start3A_700 : memref<8x1024xf32, #tpu.memory_space<vmem>>) target(%dma_start3A_696 : memref<8x1024xf32, #tpu.memory_space<hbm>>) target_semaphore(%arg13 : memref<!tpu.dma_semaphore, #tpu.memory_space<semaphore_mem>>)
    %add3A_701 = arith.constant 8 : i32
    %add3A_702 = arith.addi %mul3A_2, %add3A_701 : i32
    %dma_start3A_703 = arith.constant 1 : i32
    %dma_start3A_704 = arith.constant 3 : i32
    %dma_start3A_705 = arith.constant 3 : i32
    %dma_start3A_706 = arith.constant 0 : i32
    %dma_start3A_707 = arith.constant 0 : i32
    %dma_start3A_708 = tpu.memref_slice %arg7[%dma_start3A_703, %dma_start3A_704, %dma_start3A_706, %dma_start3A_707] : memref<3x4x8x1024xf32, #tpu.memory_space<vmem>> -> memref<1x1x8x1024xf32, #tpu.memory_space<vmem>>
    %dma_start3A_709 = tpu.memref_squeeze %dma_start3A_708 : memref<1x1x8x1024xf32, #tpu.memory_space<vmem>> -> memref<8x1024xf32, #tpu.memory_space<vmem>>
    %dma_start3A_710 = arith.constant 0 : i32
    %dma_start3A_711 = tpu.memref_slice %arg5[%dma_start3A_705, %add3A_702, %dma_start3A_710] : memref<4x2048x1024xf32, #tpu.memory_space<hbm>> -> memref<1x8x1024xf32, #tpu.memory_space<hbm>>
    %dma_start3A_712 = tpu.memref_squeeze %dma_start3A_711 : memref<1x8x1024xf32, #tpu.memory_space<hbm>> -> memref<8x1024xf32, #tpu.memory_space<hbm>>
    %dma_start3A_713 = arith.constant 0 : i32
    %dma_start3A_714 = tpu.memref_slice %arg5[%dma_start3A_705, %add3A_702, %dma_start3A_713] : memref<4x2048x1024xf32, #tpu.memory_space<hbm>> -> memref<1x8x1024xf32, #tpu.memory_space<hbm>>
    %dma_start3A_715 = tpu.memref_squeeze %dma_start3A_714 : memref<1x8x1024xf32, #tpu.memory_space<hbm>> -> memref<8x1024xf32, #tpu.memory_space<hbm>>
    %dma_start3A_716 = arith.constant 0 : i32
    %dma_start3A_717 = arith.constant 0 : i32
    %dma_start3A_718 = tpu.memref_slice %arg7[%dma_start3A_703, %dma_start3A_704, %dma_start3A_716, %dma_start3A_717] : memref<3x4x8x1024xf32, #tpu.memory_space<vmem>> -> memref<1x1x8x1024xf32, #tpu.memory_space<vmem>>
    %dma_start3A_719 = tpu.memref_squeeze %dma_start3A_718 : memref<1x1x8x1024xf32, #tpu.memory_space<vmem>> -> memref<8x1024xf32, #tpu.memory_space<vmem>>
    tpu.enqueue_dma source(%dma_start3A_719 : memref<8x1024xf32, #tpu.memory_space<vmem>>) target(%dma_start3A_715 : memref<8x1024xf32, #tpu.memory_space<hbm>>) target_semaphore(%arg13 : memref<!tpu.dma_semaphore, #tpu.memory_space<semaphore_mem>>)
    %dma_wait3A_720 = arith.constant 1 : i32
    %dma_wait3A_721 = arith.constant 0 : i32
    %dma_wait3A_722 = arith.constant 0 : i32
    %dma_wait3A_723 = arith.constant 0 : i32
    %dma_wait3A_724 = arith.constant 0 : i32
    %dma_wait3A_725 = tpu.memref_slice %arg7[%dma_wait3A_720, %dma_wait3A_721, %dma_wait3A_723, %dma_wait3A_724] : memref<3x4x8x1024xf32, #tpu.memory_space<vmem>> -> memref<1x1x8x1024xf32, #tpu.memory_space<vmem>>
    %dma_wait3A_726 = tpu.memref_squeeze %dma_wait3A_725 : memref<1x1x8x1024xf32, #tpu.memory_space<vmem>> -> memref<8x1024xf32, #tpu.memory_space<vmem>>
    %dma_wait3A_727 = arith.constant 0 : i32
    %dma_wait3A_728 = tpu.memref_slice %arg5[%dma_wait3A_722, %add3A_645, %dma_wait3A_727] : memref<4x2048x1024xf32, #tpu.memory_space<hbm>> -> memref<1x8x1024xf32, #tpu.memory_space<hbm>>
    %dma_wait3A_729 = tpu.memref_squeeze %dma_wait3A_728 : memref<1x8x1024xf32, #tpu.memory_space<hbm>> -> memref<8x1024xf32, #tpu.memory_space<hbm>>
    %dma_wait3A_730 = arith.constant 0 : i32
    %dma_wait3A_731 = tpu.memref_slice %arg5[%dma_wait3A_722, %add3A_645, %dma_wait3A_730] : memref<4x2048x1024xf32, #tpu.memory_space<hbm>> -> memref<1x8x1024xf32, #tpu.memory_space<hbm>>
    %dma_wait3A_732 = tpu.memref_squeeze %dma_wait3A_731 : memref<1x8x1024xf32, #tpu.memory_space<hbm>> -> memref<8x1024xf32, #tpu.memory_space<hbm>>
    %dma_wait3A_733 = arith.constant 0 : i32
    %dma_wait3A_734 = arith.constant 0 : i32
    %dma_wait3A_735 = tpu.memref_slice %arg7[%dma_wait3A_720, %dma_wait3A_721, %dma_wait3A_733, %dma_wait3A_734] : memref<3x4x8x1024xf32, #tpu.memory_space<vmem>> -> memref<1x1x8x1024xf32, #tpu.memory_space<vmem>>
    %dma_wait3A_736 = tpu.memref_squeeze %dma_wait3A_735 : memref<1x1x8x1024xf32, #tpu.memory_space<vmem>> -> memref<8x1024xf32, #tpu.memory_space<vmem>>
    tpu.wait_dma2 semaphore(%arg13 : memref<!tpu.dma_semaphore, #tpu.memory_space<semaphore_mem>>) src(%dma_wait3A_736 : memref<8x1024xf32, #tpu.memory_space<vmem>>) dst(%dma_wait3A_732 : memref<8x1024xf32, #tpu.memory_space<hbm>>)
    %dma_wait3A_737 = arith.constant 1 : i32
    %dma_wait3A_738 = arith.constant 1 : i32
    %dma_wait3A_739 = arith.constant 1 : i32
    %dma_wait3A_740 = arith.constant 0 : i32
    %dma_wait3A_741 = arith.constant 0 : i32
    %dma_wait3A_742 = tpu.memref_slice %arg7[%dma_wait3A_737, %dma_wait3A_738, %dma_wait3A_740, %dma_wait3A_741] : memref<3x4x8x1024xf32, #tpu.memory_space<vmem>> -> memref<1x1x8x1024xf32, #tpu.memory_space<vmem>>
    %dma_wait3A_743 = tpu.memref_squeeze %dma_wait3A_742 : memref<1x1x8x1024xf32, #tpu.memory_space<vmem>> -> memref<8x1024xf32, #tpu.memory_space<vmem>>
    %dma_wait3A_744 = arith.constant 0 : i32
    %dma_wait3A_745 = tpu.memref_slice %arg5[%dma_wait3A_739, %add3A_664, %dma_wait3A_744] : memref<4x2048x1024xf32, #tpu.memory_space<hbm>> -> memref<1x8x1024xf32, #tpu.memory_space<hbm>>
    %dma_wait3A_746 = tpu.memref_squeeze %dma_wait3A_745 : memref<1x8x1024xf32, #tpu.memory_space<hbm>> -> memref<8x1024xf32, #tpu.memory_space<hbm>>
    %dma_wait3A_747 = arith.constant 0 : i32
    %dma_wait3A_748 = tpu.memref_slice %arg5[%dma_wait3A_739, %add3A_664, %dma_wait3A_747] : memref<4x2048x1024xf32, #tpu.memory_space<hbm>> -> memref<1x8x1024xf32, #tpu.memory_space<hbm>>
    %dma_wait3A_749 = tpu.memref_squeeze %dma_wait3A_748 : memref<1x8x1024xf32, #tpu.memory_space<hbm>> -> memref<8x1024xf32, #tpu.memory_space<hbm>>
    %dma_wait3A_750 = arith.constant 0 : i32
    %dma_wait3A_751 = arith.constant 0 : i32
    %dma_wait3A_752 = tpu.memref_slice %arg7[%dma_wait3A_737, %dma_wait3A_738, %dma_wait3A_750, %dma_wait3A_751] : memref<3x4x8x1024xf32, #tpu.memory_space<vmem>> -> memref<1x1x8x1024xf32, #tpu.memory_space<vmem>>
    %dma_wait3A_753 = tpu.memref_squeeze %dma_wait3A_752 : memref<1x1x8x1024xf32, #tpu.memory_space<vmem>> -> memref<8x1024xf32, #tpu.memory_space<vmem>>
    tpu.wait_dma2 semaphore(%arg13 : memref<!tpu.dma_semaphore, #tpu.memory_space<semaphore_mem>>) src(%dma_wait3A_753 : memref<8x1024xf32, #tpu.memory_space<vmem>>) dst(%dma_wait3A_749 : memref<8x1024xf32, #tpu.memory_space<hbm>>)
    %dma_wait3A_754 = arith.constant 1 : i32
    %dma_wait3A_755 = arith.constant 2 : i32
    %dma_wait3A_756 = arith.constant 2 : i32
    %dma_wait3A_757 = arith.constant 0 : i32
    %dma_wait3A_758 = arith.constant 0 : i32
    %dma_wait3A_759 = tpu.memref_slice %arg7[%dma_wait3A_754, %dma_wait3A_755, %dma_wait3A_757, %dma_wait3A_758] : memref<3x4x8x1024xf32, #tpu.memory_space<vmem>> -> memref<1x1x8x1024xf32, #tpu.memory_space<vmem>>
    %dma_wait3A_760 = tpu.memref_squeeze %dma_wait3A_759 : memref<1x1x8x1024xf32, #tpu.memory_space<vmem>> -> memref<8x1024xf32, #tpu.memory_space<vmem>>
    %dma_wait3A_761 = arith.constant 0 : i32
    %dma_wait3A_762 = tpu.memref_slice %arg5[%dma_wait3A_756, %add3A_683, %dma_wait3A_761] : memref<4x2048x1024xf32, #tpu.memory_space<hbm>> -> memref<1x8x1024xf32, #tpu.memory_space<hbm>>
    %dma_wait3A_763 = tpu.memref_squeeze %dma_wait3A_762 : memref<1x8x1024xf32, #tpu.memory_space<hbm>> -> memref<8x1024xf32, #tpu.memory_space<hbm>>
    %dma_wait3A_764 = arith.constant 0 : i32
    %dma_wait3A_765 = tpu.memref_slice %arg5[%dma_wait3A_756, %add3A_683, %dma_wait3A_764] : memref<4x2048x1024xf32, #tpu.memory_space<hbm>> -> memref<1x8x1024xf32, #tpu.memory_space<hbm>>
    %dma_wait3A_766 = tpu.memref_squeeze %dma_wait3A_765 : memref<1x8x1024xf32, #tpu.memory_space<hbm>> -> memref<8x1024xf32, #tpu.memory_space<hbm>>
    %dma_wait3A_767 = arith.constant 0 : i32
    %dma_wait3A_768 = arith.constant 0 : i32
    %dma_wait3A_769 = tpu.memref_slice %arg7[%dma_wait3A_754, %dma_wait3A_755, %dma_wait3A_767, %dma_wait3A_768] : memref<3x4x8x1024xf32, #tpu.memory_space<vmem>> -> memref<1x1x8x1024xf32, #tpu.memory_space<vmem>>
    %dma_wait3A_770 = tpu.memref_squeeze %dma_wait3A_769 : memref<1x1x8x1024xf32, #tpu.memory_space<vmem>> -> memref<8x1024xf32, #tpu.memory_space<vmem>>
    tpu.wait_dma2 semaphore(%arg13 : memref<!tpu.dma_semaphore, #tpu.memory_space<semaphore_mem>>) src(%dma_wait3A_770 : memref<8x1024xf32, #tpu.memory_space<vmem>>) dst(%dma_wait3A_766 : memref<8x1024xf32, #tpu.memory_space<hbm>>)
    %dma_wait3A_771 = arith.constant 1 : i32
    %dma_wait3A_772 = arith.constant 3 : i32
    %dma_wait3A_773 = arith.constant 3 : i32
    %dma_wait3A_774 = arith.constant 0 : i32
    %dma_wait3A_775 = arith.constant 0 : i32
    %dma_wait3A_776 = tpu.memref_slice %arg7[%dma_wait3A_771, %dma_wait3A_772, %dma_wait3A_774, %dma_wait3A_775] : memref<3x4x8x1024xf32, #tpu.memory_space<vmem>> -> memref<1x1x8x1024xf32, #tpu.memory_space<vmem>>
    %dma_wait3A_777 = tpu.memref_squeeze %dma_wait3A_776 : memref<1x1x8x1024xf32, #tpu.memory_space<vmem>> -> memref<8x1024xf32, #tpu.memory_space<vmem>>
    %dma_wait3A_778 = arith.constant 0 : i32
    %dma_wait3A_779 = tpu.memref_slice %arg5[%dma_wait3A_773, %add3A_702, %dma_wait3A_778] : memref<4x2048x1024xf32, #tpu.memory_space<hbm>> -> memref<1x8x1024xf32, #tpu.memory_space<hbm>>
    %dma_wait3A_780 = tpu.memref_squeeze %dma_wait3A_779 : memref<1x8x1024xf32, #tpu.memory_space<hbm>> -> memref<8x1024xf32, #tpu.memory_space<hbm>>
    %dma_wait3A_781 = arith.constant 0 : i32
    %dma_wait3A_782 = tpu.memref_slice %arg5[%dma_wait3A_773, %add3A_702, %dma_wait3A_781] : memref<4x2048x1024xf32, #tpu.memory_space<hbm>> -> memref<1x8x1024xf32, #tpu.memory_space<hbm>>
    %dma_wait3A_783 = tpu.memref_squeeze %dma_wait3A_782 : memref<1x8x1024xf32, #tpu.memory_space<hbm>> -> memref<8x1024xf32, #tpu.memory_space<hbm>>
    %dma_wait3A_784 = arith.constant 0 : i32
    %dma_wait3A_785 = arith.constant 0 : i32
    %dma_wait3A_786 = tpu.memref_slice %arg7[%dma_wait3A_771, %dma_wait3A_772, %dma_wait3A_784, %dma_wait3A_785] : memref<3x4x8x1024xf32, #tpu.memory_space<vmem>> -> memref<1x1x8x1024xf32, #tpu.memory_space<vmem>>
    %dma_wait3A_787 = tpu.memref_squeeze %dma_wait3A_786 : memref<1x1x8x1024xf32, #tpu.memory_space<vmem>> -> memref<8x1024xf32, #tpu.memory_space<vmem>>
    tpu.wait_dma2 semaphore(%arg13 : memref<!tpu.dma_semaphore, #tpu.memory_space<semaphore_mem>>) src(%dma_wait3A_787 : memref<8x1024xf32, #tpu.memory_space<vmem>>) dst(%dma_wait3A_783 : memref<8x1024xf32, #tpu.memory_space<hbm>>)
    %dma_start3A_788 = arith.constant 0 : i32
    %dma_start3A_789 = arith.constant 1 : i32
    %dma_start3A_790 = arith.constant 0 : i32
    %dma_start3A_791 = arith.constant 0 : i32
    %dma_start3A_792 = arith.constant 0 : i32
    %dma_start3A_793 = tpu.memref_slice %arg7[%dma_start3A_789, %dma_start3A_790, %dma_start3A_791, %dma_start3A_792] : memref<3x4x8x1024xf32, #tpu.memory_space<vmem>> -> memref<1x1x8x1024xf32, #tpu.memory_space<vmem>>
    %dma_start3A_794 = tpu.memref_squeeze %dma_start3A_793 : memref<1x1x8x1024xf32, #tpu.memory_space<vmem>> -> memref<8x1024xf32, #tpu.memory_space<vmem>>
    %dma_start3A_795 = arith.constant 32 : i32
    %dma_start3A_796 = tpu.memref_slice %arg6[%dma_start3A_788, %dma_start3A_795] : memref<4x64xi32, #tpu.memory_space<vmem>> -> memref<1x8xi32, #tpu.memory_space<vmem>>
    %dma_start3A_797 = tpu.memref_squeeze %dma_start3A_796 : memref<1x8xi32, #tpu.memory_space<vmem>> -> memref<8xi32, #tpu.memory_space<vmem>>
    %dma_start3A_798 = arith.constant 0 : i32
    %dma_start3A_799 = arith.constant 0 : i32
    %dma_start3A_800 = tpu.memref_slice %arg3[%dma_start3A_798, %dma_start3A_799] : memref<100000x1024xf32, #tpu.memory_space<hbm>> -> memref<100000x1024xf32, #tpu.memory_space<hbm>>
    tpu.enqueue_indirect_dma source(%dma_start3A_800 : memref<100000x1024xf32, #tpu.memory_space<hbm>>) target(%dma_start3A_794 : memref<8x1024xf32, #tpu.memory_space<vmem>>) offsets(%dma_start3A_797 : memref<8xi32, #tpu.memory_space<vmem>>) semaphore(%arg10 : memref<!tpu.dma_semaphore, #tpu.memory_space<semaphore_mem>>)
    %dma_start3A_801 = arith.constant 1 : i32
    %dma_start3A_802 = arith.constant 1 : i32
    %dma_start3A_803 = arith.constant 1 : i32
    %dma_start3A_804 = arith.constant 0 : i32
    %dma_start3A_805 = arith.constant 0 : i32
    %dma_start3A_806 = tpu.memref_slice %arg7[%dma_start3A_802, %dma_start3A_803, %dma_start3A_804, %dma_start3A_805] : memref<3x4x8x1024xf32, #tpu.memory_space<vmem>> -> memref<1x1x8x1024xf32, #tpu.memory_space<vmem>>
    %dma_start3A_807 = tpu.memref_squeeze %dma_start3A_806 : memref<1x1x8x1024xf32, #tpu.memory_space<vmem>> -> memref<8x1024xf32, #tpu.memory_space<vmem>>
    %dma_start3A_808 = arith.constant 32 : i32
    %dma_start3A_809 = tpu.memref_slice %arg6[%dma_start3A_801, %dma_start3A_808] : memref<4x64xi32, #tpu.memory_space<vmem>> -> memref<1x8xi32, #tpu.memory_space<vmem>>
    %dma_start3A_810 = tpu.memref_squeeze %dma_start3A_809 : memref<1x8xi32, #tpu.memory_space<vmem>> -> memref<8xi32, #tpu.memory_space<vmem>>
    %dma_start3A_811 = arith.constant 0 : i32
    %dma_start3A_812 = arith.constant 0 : i32
    %dma_start3A_813 = tpu.memref_slice %arg3[%dma_start3A_811, %dma_start3A_812] : memref<100000x1024xf32, #tpu.memory_space<hbm>> -> memref<100000x1024xf32, #tpu.memory_space<hbm>>
    tpu.enqueue_indirect_dma source(%dma_start3A_813 : memref<100000x1024xf32, #tpu.memory_space<hbm>>) target(%dma_start3A_807 : memref<8x1024xf32, #tpu.memory_space<vmem>>) offsets(%dma_start3A_810 : memref<8xi32, #tpu.memory_space<vmem>>) semaphore(%arg10 : memref<!tpu.dma_semaphore, #tpu.memory_space<semaphore_mem>>)
    %dma_start3A_814 = arith.constant 2 : i32
    %dma_start3A_815 = arith.constant 1 : i32
    %dma_start3A_816 = arith.constant 2 : i32
    %dma_start3A_817 = arith.constant 0 : i32
    %dma_start3A_818 = arith.constant 0 : i32
    %dma_start3A_819 = tpu.memref_slice %arg7[%dma_start3A_815, %dma_start3A_816, %dma_start3A_817, %dma_start3A_818] : memref<3x4x8x1024xf32, #tpu.memory_space<vmem>> -> memref<1x1x8x1024xf32, #tpu.memory_space<vmem>>
    %dma_start3A_820 = tpu.memref_squeeze %dma_start3A_819 : memref<1x1x8x1024xf32, #tpu.memory_space<vmem>> -> memref<8x1024xf32, #tpu.memory_space<vmem>>
    %dma_start3A_821 = arith.constant 32 : i32
    %dma_start3A_822 = tpu.memref_slice %arg6[%dma_start3A_814, %dma_start3A_821] : memref<4x64xi32, #tpu.memory_space<vmem>> -> memref<1x8xi32, #tpu.memory_space<vmem>>
    %dma_start3A_823 = tpu.memref_squeeze %dma_start3A_822 : memref<1x8xi32, #tpu.memory_space<vmem>> -> memref<8xi32, #tpu.memory_space<vmem>>
    %dma_start3A_824 = arith.constant 0 : i32
    %dma_start3A_825 = arith.constant 0 : i32
    %dma_start3A_826 = tpu.memref_slice %arg3[%dma_start3A_824, %dma_start3A_825] : memref<100000x1024xf32, #tpu.memory_space<hbm>> -> memref<100000x1024xf32, #tpu.memory_space<hbm>>
    tpu.enqueue_indirect_dma source(%dma_start3A_826 : memref<100000x1024xf32, #tpu.memory_space<hbm>>) target(%dma_start3A_820 : memref<8x1024xf32, #tpu.memory_space<vmem>>) offsets(%dma_start3A_823 : memref<8xi32, #tpu.memory_space<vmem>>) semaphore(%arg10 : memref<!tpu.dma_semaphore, #tpu.memory_space<semaphore_mem>>)
    %dma_start3A_827 = arith.constant 3 : i32
    %dma_start3A_828 = arith.constant 1 : i32
    %dma_start3A_829 = arith.constant 3 : i32
    %dma_start3A_830 = arith.constant 0 : i32
    %dma_start3A_831 = arith.constant 0 : i32
    %dma_start3A_832 = tpu.memref_slice %arg7[%dma_start3A_828, %dma_start3A_829, %dma_start3A_830, %dma_start3A_831] : memref<3x4x8x1024xf32, #tpu.memory_space<vmem>> -> memref<1x1x8x1024xf32, #tpu.memory_space<vmem>>
    %dma_start3A_833 = tpu.memref_squeeze %dma_start3A_832 : memref<1x1x8x1024xf32, #tpu.memory_space<vmem>> -> memref<8x1024xf32, #tpu.memory_space<vmem>>
    %dma_start3A_834 = arith.constant 32 : i32
    %dma_start3A_835 = tpu.memref_slice %arg6[%dma_start3A_827, %dma_start3A_834] : memref<4x64xi32, #tpu.memory_space<vmem>> -> memref<1x8xi32, #tpu.memory_space<vmem>>
    %dma_start3A_836 = tpu.memref_squeeze %dma_start3A_835 : memref<1x8xi32, #tpu.memory_space<vmem>> -> memref<8xi32, #tpu.memory_space<vmem>>
    %dma_start3A_837 = arith.constant 0 : i32
    %dma_start3A_838 = arith.constant 0 : i32
    %dma_start3A_839 = tpu.memref_slice %arg3[%dma_start3A_837, %dma_start3A_838] : memref<100000x1024xf32, #tpu.memory_space<hbm>> -> memref<100000x1024xf32, #tpu.memory_space<hbm>>
    tpu.enqueue_indirect_dma source(%dma_start3A_839 : memref<100000x1024xf32, #tpu.memory_space<hbm>>) target(%dma_start3A_833 : memref<8x1024xf32, #tpu.memory_space<vmem>>) offsets(%dma_start3A_836 : memref<8xi32, #tpu.memory_space<vmem>>) semaphore(%arg10 : memref<!tpu.dma_semaphore, #tpu.memory_space<semaphore_mem>>)
    %add3A_840 = arith.constant 32 : i32
    %add3A_841 = arith.addi %mul3A_2, %add3A_840 : i32
    %dma_start3A_842 = arith.constant 1 : i32
    %dma_start3A_843 = arith.constant 0 : i32
    %dma_start3A_844 = arith.constant 0 : i32
    %dma_start3A_845 = tpu.memref_slice %arg8[%dma_start3A_842, %dma_start3A_843, %dma_start3A_844] : memref<3x8x1024xf32, #tpu.memory_space<vmem>> -> memref<1x8x1024xf32, #tpu.memory_space<vmem>>
    %dma_start3A_846 = tpu.memref_squeeze %dma_start3A_845 : memref<1x8x1024xf32, #tpu.memory_space<vmem>> -> memref<8x1024xf32, #tpu.memory_space<vmem>>
    %dma_start3A_847 = arith.constant 0 : i32
    %dma_start3A_848 = tpu.memref_slice %arg4[%add3A_841, %dma_start3A_847] : memref<2048x1024xf32, #tpu.memory_space<hbm>> -> memref<8x1024xf32, #tpu.memory_space<hbm>>
    %dma_start3A_849 = arith.constant 0 : i32
    %dma_start3A_850 = arith.constant 0 : i32
    %dma_start3A_851 = tpu.memref_slice %arg8[%dma_start3A_842, %dma_start3A_849, %dma_start3A_850] : memref<3x8x1024xf32, #tpu.memory_space<vmem>> -> memref<1x8x1024xf32, #tpu.memory_space<vmem>>
    %dma_start3A_852 = tpu.memref_squeeze %dma_start3A_851 : memref<1x8x1024xf32, #tpu.memory_space<vmem>> -> memref<8x1024xf32, #tpu.memory_space<vmem>>
    %dma_start3A_853 = arith.constant 0 : i32
    %dma_start3A_854 = tpu.memref_slice %arg4[%add3A_841, %dma_start3A_853] : memref<2048x1024xf32, #tpu.memory_space<hbm>> -> memref<8x1024xf32, #tpu.memory_space<hbm>>
    tpu.enqueue_dma source(%dma_start3A_854 : memref<8x1024xf32, #tpu.memory_space<hbm>>) target(%dma_start3A_852 : memref<8x1024xf32, #tpu.memory_space<vmem>>) target_semaphore(%arg10 : memref<!tpu.dma_semaphore, #tpu.memory_space<semaphore_mem>>)
    %dma_wait3A_855 = arith.constant 0 : i32
    %dma_wait3A_856 = arith.constant 2 : i32
    %dma_wait3A_857 = arith.constant 0 : i32
    %dma_wait3A_858 = arith.constant 0 : i32
    %dma_wait3A_859 = arith.constant 0 : i32
    %dma_wait3A_860 = tpu.memref_slice %arg7[%dma_wait3A_856, %dma_wait3A_857, %dma_wait3A_858, %dma_wait3A_859] : memref<3x4x8x1024xf32, #tpu.memory_space<vmem>> -> memref<1x1x8x1024xf32, #tpu.memory_space<vmem>>
    %dma_wait3A_861 = tpu.memref_squeeze %dma_wait3A_860 : memref<1x1x8x1024xf32, #tpu.memory_space<vmem>> -> memref<8x1024xf32, #tpu.memory_space<vmem>>
    %dma_wait3A_862 = arith.constant 16 : i32
    %dma_wait3A_863 = tpu.memref_slice %arg6[%dma_wait3A_855, %dma_wait3A_862] : memref<4x64xi32, #tpu.memory_space<vmem>> -> memref<1x8xi32, #tpu.memory_space<vmem>>
    %dma_wait3A_864 = tpu.memref_squeeze %dma_wait3A_863 : memref<1x8xi32, #tpu.memory_space<vmem>> -> memref<8xi32, #tpu.memory_space<vmem>>
    %dma_wait3A_865 = arith.constant 0 : i32
    %dma_wait3A_866 = arith.constant 0 : i32
    %dma_wait3A_867 = tpu.memref_slice %arg3[%dma_wait3A_865, %dma_wait3A_866] : memref<100000x1024xf32, #tpu.memory_space<hbm>> -> memref<100000x1024xf32, #tpu.memory_space<hbm>>
    tpu.wait_indirect_dma semaphore(%arg11 : memref<!tpu.dma_semaphore, #tpu.memory_space<semaphore_mem>>) src(%dma_wait3A_867 : memref<100000x1024xf32, #tpu.memory_space<hbm>>) dst(%dma_wait3A_861 : memref<8x1024xf32, #tpu.memory_space<vmem>>)
    %dma_wait3A_868 = arith.constant 1 : i32
    %dma_wait3A_869 = arith.constant 2 : i32
    %dma_wait3A_870 = arith.constant 1 : i32
    %dma_wait3A_871 = arith.constant 0 : i32
    %dma_wait3A_872 = arith.constant 0 : i32
    %dma_wait3A_873 = tpu.memref_slice %arg7[%dma_wait3A_869, %dma_wait3A_870, %dma_wait3A_871, %dma_wait3A_872] : memref<3x4x8x1024xf32, #tpu.memory_space<vmem>> -> memref<1x1x8x1024xf32, #tpu.memory_space<vmem>>
    %dma_wait3A_874 = tpu.memref_squeeze %dma_wait3A_873 : memref<1x1x8x1024xf32, #tpu.memory_space<vmem>> -> memref<8x1024xf32, #tpu.memory_space<vmem>>
    %dma_wait3A_875 = arith.constant 16 : i32
    %dma_wait3A_876 = tpu.memref_slice %arg6[%dma_wait3A_868, %dma_wait3A_875] : memref<4x64xi32, #tpu.memory_space<vmem>> -> memref<1x8xi32, #tpu.memory_space<vmem>>
    %dma_wait3A_877 = tpu.memref_squeeze %dma_wait3A_876 : memref<1x8xi32, #tpu.memory_space<vmem>> -> memref<8xi32, #tpu.memory_space<vmem>>
    %dma_wait3A_878 = arith.constant 0 : i32
    %dma_wait3A_879 = arith.constant 0 : i32
    %dma_wait3A_880 = tpu.memref_slice %arg3[%dma_wait3A_878, %dma_wait3A_879] : memref<100000x1024xf32, #tpu.memory_space<hbm>> -> memref<100000x1024xf32, #tpu.memory_space<hbm>>
    tpu.wait_indirect_dma semaphore(%arg11 : memref<!tpu.dma_semaphore, #tpu.memory_space<semaphore_mem>>) src(%dma_wait3A_880 : memref<100000x1024xf32, #tpu.memory_space<hbm>>) dst(%dma_wait3A_874 : memref<8x1024xf32, #tpu.memory_space<vmem>>)
    %dma_wait3A_881 = arith.constant 2 : i32
    %dma_wait3A_882 = arith.constant 2 : i32
    %dma_wait3A_883 = arith.constant 2 : i32
    %dma_wait3A_884 = arith.constant 0 : i32
    %dma_wait3A_885 = arith.constant 0 : i32
    %dma_wait3A_886 = tpu.memref_slice %arg7[%dma_wait3A_882, %dma_wait3A_883, %dma_wait3A_884, %dma_wait3A_885] : memref<3x4x8x1024xf32, #tpu.memory_space<vmem>> -> memref<1x1x8x1024xf32, #tpu.memory_space<vmem>>
    %dma_wait3A_887 = tpu.memref_squeeze %dma_wait3A_886 : memref<1x1x8x1024xf32, #tpu.memory_space<vmem>> -> memref<8x1024xf32, #tpu.memory_space<vmem>>
    %dma_wait3A_888 = arith.constant 16 : i32
    %dma_wait3A_889 = tpu.memref_slice %arg6[%dma_wait3A_881, %dma_wait3A_888] : memref<4x64xi32, #tpu.memory_space<vmem>> -> memref<1x8xi32, #tpu.memory_space<vmem>>
    %dma_wait3A_890 = tpu.memref_squeeze %dma_wait3A_889 : memref<1x8xi32, #tpu.memory_space<vmem>> -> memref<8xi32, #tpu.memory_space<vmem>>
    %dma_wait3A_891 = arith.constant 0 : i32
    %dma_wait3A_892 = arith.constant 0 : i32
    %dma_wait3A_893 = tpu.memref_slice %arg3[%dma_wait3A_891, %dma_wait3A_892] : memref<100000x1024xf32, #tpu.memory_space<hbm>> -> memref<100000x1024xf32, #tpu.memory_space<hbm>>
    tpu.wait_indirect_dma semaphore(%arg11 : memref<!tpu.dma_semaphore, #tpu.memory_space<semaphore_mem>>) src(%dma_wait3A_893 : memref<100000x1024xf32, #tpu.memory_space<hbm>>) dst(%dma_wait3A_887 : memref<8x1024xf32, #tpu.memory_space<vmem>>)
    %dma_wait3A_894 = arith.constant 3 : i32
    %dma_wait3A_895 = arith.constant 2 : i32
    %dma_wait3A_896 = arith.constant 3 : i32
    %dma_wait3A_897 = arith.constant 0 : i32
    %dma_wait3A_898 = arith.constant 0 : i32
    %dma_wait3A_899 = tpu.memref_slice %arg7[%dma_wait3A_895, %dma_wait3A_896, %dma_wait3A_897, %dma_wait3A_898] : memref<3x4x8x1024xf32, #tpu.memory_space<vmem>> -> memref<1x1x8x1024xf32, #tpu.memory_space<vmem>>
    %dma_wait3A_900 = tpu.memref_squeeze %dma_wait3A_899 : memref<1x1x8x1024xf32, #tpu.memory_space<vmem>> -> memref<8x1024xf32, #tpu.memory_space<vmem>>
    %dma_wait3A_901 = arith.constant 16 : i32
    %dma_wait3A_902 = tpu.memref_slice %arg6[%dma_wait3A_894, %dma_wait3A_901] : memref<4x64xi32, #tpu.memory_space<vmem>> -> memref<1x8xi32, #tpu.memory_space<vmem>>
    %dma_wait3A_903 = tpu.memref_squeeze %dma_wait3A_902 : memref<1x8xi32, #tpu.memory_space<vmem>> -> memref<8xi32, #tpu.memory_space<vmem>>
    %dma_wait3A_904 = arith.constant 0 : i32
    %dma_wait3A_905 = arith.constant 0 : i32
    %dma_wait3A_906 = tpu.memref_slice %arg3[%dma_wait3A_904, %dma_wait3A_905] : memref<100000x1024xf32, #tpu.memory_space<hbm>> -> memref<100000x1024xf32, #tpu.memory_space<hbm>>
    tpu.wait_indirect_dma semaphore(%arg11 : memref<!tpu.dma_semaphore, #tpu.memory_space<semaphore_mem>>) src(%dma_wait3A_906 : memref<100000x1024xf32, #tpu.memory_space<hbm>>) dst(%dma_wait3A_900 : memref<8x1024xf32, #tpu.memory_space<vmem>>)
    %dma_wait3A_907 = arith.constant 2 : i32
    %dma_wait3A_908 = arith.constant 0 : i32
    %dma_wait3A_909 = arith.constant 0 : i32
    %dma_wait3A_910 = tpu.memref_slice %arg8[%dma_wait3A_907, %dma_wait3A_908, %dma_wait3A_909] : memref<3x8x1024xf32, #tpu.memory_space<vmem>> -> memref<1x8x1024xf32, #tpu.memory_space<vmem>>
    %dma_wait3A_911 = tpu.memref_squeeze %dma_wait3A_910 : memref<1x8x1024xf32, #tpu.memory_space<vmem>> -> memref<8x1024xf32, #tpu.memory_space<vmem>>
    %dma_wait3A_912 = arith.constant 0 : i32
    %dma_wait3A_913 = tpu.memref_slice %arg4[%add3A_284, %dma_wait3A_912] : memref<2048x1024xf32, #tpu.memory_space<hbm>> -> memref<8x1024xf32, #tpu.memory_space<hbm>>
    %dma_wait3A_914 = arith.constant 0 : i32
    %dma_wait3A_915 = arith.constant 0 : i32
    %dma_wait3A_916 = tpu.memref_slice %arg8[%dma_wait3A_907, %dma_wait3A_914, %dma_wait3A_915] : memref<3x8x1024xf32, #tpu.memory_space<vmem>> -> memref<1x8x1024xf32, #tpu.memory_space<vmem>>
    %dma_wait3A_917 = tpu.memref_squeeze %dma_wait3A_916 : memref<1x8x1024xf32, #tpu.memory_space<vmem>> -> memref<8x1024xf32, #tpu.memory_space<vmem>>
    %dma_wait3A_918 = arith.constant 0 : i32
    %dma_wait3A_919 = tpu.memref_slice %arg4[%add3A_284, %dma_wait3A_918] : memref<2048x1024xf32, #tpu.memory_space<hbm>> -> memref<8x1024xf32, #tpu.memory_space<hbm>>
    tpu.wait_dma2 semaphore(%arg11 : memref<!tpu.dma_semaphore, #tpu.memory_space<semaphore_mem>>) src(%dma_wait3A_919 : memref<8x1024xf32, #tpu.memory_space<hbm>>) dst(%dma_wait3A_917 : memref<8x1024xf32, #tpu.memory_space<vmem>>)
    %parallel_loop3A_920 = arith.constant 0 : i32
    %parallel_loop3A_921 = arith.constant 512 : i32
    %parallel_loop3A_922 = arith.constant 1 : i32
    scf.for %parallel_loop3A_2328 = %parallel_loop3A_920 to %parallel_loop3A_921 step %parallel_loop3A_922  : i32 {
      %parallel_loop3A_2329 = arith.constant 6 : i32
      %parallel_loop3A_2330 = arith.shrsi %parallel_loop3A_2328, %parallel_loop3A_2329 : i32
      %parallel_loop3A_2331 = arith.constant 63 : i32
      %parallel_loop3A_2332 = arith.andi %parallel_loop3A_2328, %parallel_loop3A_2331 : i32
      %parallel_loop3A_2333 = arith.constant 16 : i32
      %parallel_loop3A_2334 = arith.muli %parallel_loop3A_2332, %parallel_loop3A_2333 : i32
      %parallel_loop3A_2335 = arith.constant 2 : i32
      %parallel_loop3A_2336 = arith.index_cast %parallel_loop3A_2335 : i32 to index
      %parallel_loop3A_2337 = arith.index_cast %parallel_loop3A_2330 : i32 to index
      %parallel_loop3A_2338 = arith.index_cast %parallel_loop3A_2334 : i32 to index
      %parallel_loop3A_2339 = tpu.vector_load %arg8[%parallel_loop3A_2336, %parallel_loop3A_2337, %parallel_loop3A_2338] {strides = array<i32>} : memref<3x8x1024xf32, #tpu.memory_space<vmem>>, vector<1x1x16xf32>,
      %parallel_loop3A_2340 = vector.shape_cast %parallel_loop3A_2339 : vector<1x1x16xf32> to vector<16xf32>
      %parallel_loop3A_2341 = arith.constant 2 : i32
      %parallel_loop3A_2342 = arith.constant 0 : i32
      %parallel_loop3A_2343 = arith.index_cast %parallel_loop3A_2341 : i32 to index
      %parallel_loop3A_2344 = arith.index_cast %parallel_loop3A_2342 : i32 to index
      %parallel_loop3A_2345 = arith.index_cast %parallel_loop3A_2330 : i32 to index
      %parallel_loop3A_2346 = arith.index_cast %parallel_loop3A_2334 : i32 to index
      %parallel_loop3A_2347 = tpu.vector_load %arg7[%parallel_loop3A_2343, %parallel_loop3A_2344, %parallel_loop3A_2345, %parallel_loop3A_2346] {strides = array<i32>} : memref<3x4x8x1024xf32, #tpu.memory_space<vmem>>, vector<1x1x1x16xf32>,
      %parallel_loop3A_2348 = vector.shape_cast %parallel_loop3A_2347 : vector<1x1x1x16xf32> to vector<16xf32>
      %parallel_loop3A_2349 = arith.constant 3.200000e+01 : f32
      %parallel_loop3A_2350 = vector.broadcast %parallel_loop3A_2349 : f32 to vector<16xf32>
      %parallel_loop3A_2351 = arith.mulf %parallel_loop3A_2348, %parallel_loop3A_2350 : vector<16xf32>
      %parallel_loop3A_2352 = arith.addf %parallel_loop3A_2351, %parallel_loop3A_2340 : vector<16xf32>
      %parallel_loop3A_2353 = arith.constant 2 : i32
      %parallel_loop3A_2354 = arith.constant 0 : i32
      %parallel_loop3A_2355 = arith.index_cast %parallel_loop3A_2353 : i32 to index
      %parallel_loop3A_2356 = arith.index_cast %parallel_loop3A_2354 : i32 to index
      %parallel_loop3A_2357 = arith.index_cast %parallel_loop3A_2330 : i32 to index
      %parallel_loop3A_2358 = arith.index_cast %parallel_loop3A_2334 : i32 to index
      %parallel_loop3A_2359 = tpu.vector_load %arg7[%parallel_loop3A_2355, %parallel_loop3A_2356, %parallel_loop3A_2357, %parallel_loop3A_2358] {strides = array<i32>} : memref<3x4x8x1024xf32, #tpu.memory_space<vmem>>, vector<1x1x1x16xf32>,
      %parallel_loop3A_2360 = vector.shape_cast %parallel_loop3A_2359 : vector<1x1x1x16xf32> to vector<16xf32>
      %parallel_loop3A_2361 = vector.shape_cast %parallel_loop3A_2352 : vector<16xf32> to vector<1x1x1x16xf32>
      tpu.vector_store %arg7[%parallel_loop3A_2355, %parallel_loop3A_2356, %parallel_loop3A_2357, %parallel_loop3A_2358], %parallel_loop3A_2361 {strides = array<i32>} : memref<3x4x8x1024xf32, #tpu.memory_space<vmem>>, vector<1x1x1x16xf32>,
      %parallel_loop3A_2362 = arith.constant 2 : i32
      %parallel_loop3A_2363 = arith.constant 1 : i32
      %parallel_loop3A_2364 = arith.index_cast %parallel_loop3A_2362 : i32 to index
      %parallel_loop3A_2365 = arith.index_cast %parallel_loop3A_2363 : i32 to index
      %parallel_loop3A_2366 = arith.index_cast %parallel_loop3A_2330 : i32 to index
      %parallel_loop3A_2367 = arith.index_cast %parallel_loop3A_2334 : i32 to index
      %parallel_loop3A_2368 = tpu.vector_load %arg7[%parallel_loop3A_2364, %parallel_loop3A_2365, %parallel_loop3A_2366, %parallel_loop3A_2367] {strides = array<i32>} : memref<3x4x8x1024xf32, #tpu.memory_space<vmem>>, vector<1x1x1x16xf32>,
      %parallel_loop3A_2369 = vector.shape_cast %parallel_loop3A_2368 : vector<1x1x1x16xf32> to vector<16xf32>
      %parallel_loop3A_2370 = arith.constant 3.200000e+01 : f32
      %parallel_loop3A_2371 = vector.broadcast %parallel_loop3A_2370 : f32 to vector<16xf32>
      %parallel_loop3A_2372 = arith.mulf %parallel_loop3A_2369, %parallel_loop3A_2371 : vector<16xf32>
      %parallel_loop3A_2373 = arith.addf %parallel_loop3A_2372, %parallel_loop3A_2340 : vector<16xf32>
      %parallel_loop3A_2374 = arith.constant 2 : i32
      %parallel_loop3A_2375 = arith.constant 1 : i32
      %parallel_loop3A_2376 = arith.index_cast %parallel_loop3A_2374 : i32 to index
      %parallel_loop3A_2377 = arith.index_cast %parallel_loop3A_2375 : i32 to index
      %parallel_loop3A_2378 = arith.index_cast %parallel_loop3A_2330 : i32 to index
      %parallel_loop3A_2379 = arith.index_cast %parallel_loop3A_2334 : i32 to index
      %parallel_loop3A_2380 = tpu.vector_load %arg7[%parallel_loop3A_2376, %parallel_loop3A_2377, %parallel_loop3A_2378, %parallel_loop3A_2379] {strides = array<i32>} : memref<3x4x8x1024xf32, #tpu.memory_space<vmem>>, vector<1x1x1x16xf32>,
      %parallel_loop3A_2381 = vector.shape_cast %parallel_loop3A_2380 : vector<1x1x1x16xf32> to vector<16xf32>
      %parallel_loop3A_2382 = vector.shape_cast %parallel_loop3A_2373 : vector<16xf32> to vector<1x1x1x16xf32>
      tpu.vector_store %arg7[%parallel_loop3A_2376, %parallel_loop3A_2377, %parallel_loop3A_2378, %parallel_loop3A_2379], %parallel_loop3A_2382 {strides = array<i32>} : memref<3x4x8x1024xf32, #tpu.memory_space<vmem>>, vector<1x1x1x16xf32>,
      %parallel_loop3A_2383 = arith.constant 2 : i32
      %parallel_loop3A_2384 = arith.constant 2 : i32
      %parallel_loop3A_2385 = arith.index_cast %parallel_loop3A_2383 : i32 to index
      %parallel_loop3A_2386 = arith.index_cast %parallel_loop3A_2384 : i32 to index
      %parallel_loop3A_2387 = arith.index_cast %parallel_loop3A_2330 : i32 to index
      %parallel_loop3A_2388 = arith.index_cast %parallel_loop3A_2334 : i32 to index
      %parallel_loop3A_2389 = tpu.vector_load %arg7[%parallel_loop3A_2385, %parallel_loop3A_2386, %parallel_loop3A_2387, %parallel_loop3A_2388] {strides = array<i32>} : memref<3x4x8x1024xf32, #tpu.memory_space<vmem>>, vector<1x1x1x16xf32>,
      %parallel_loop3A_2390 = vector.shape_cast %parallel_loop3A_2389 : vector<1x1x1x16xf32> to vector<16xf32>
      %parallel_loop3A_2391 = arith.constant 3.200000e+01 : f32
      %parallel_loop3A_2392 = vector.broadcast %parallel_loop3A_2391 : f32 to vector<16xf32>
      %parallel_loop3A_2393 = arith.mulf %parallel_loop3A_2390, %parallel_loop3A_2392 : vector<16xf32>
      %parallel_loop3A_2394 = arith.addf %parallel_loop3A_2393, %parallel_loop3A_2340 : vector<16xf32>
      %parallel_loop3A_2395 = arith.constant 2 : i32
      %parallel_loop3A_2396 = arith.constant 2 : i32
      %parallel_loop3A_2397 = arith.index_cast %parallel_loop3A_2395 : i32 to index
      %parallel_loop3A_2398 = arith.index_cast %parallel_loop3A_2396 : i32 to index
      %parallel_loop3A_2399 = arith.index_cast %parallel_loop3A_2330 : i32 to index
      %parallel_loop3A_2400 = arith.index_cast %parallel_loop3A_2334 : i32 to index
      %parallel_loop3A_2401 = tpu.vector_load %arg7[%parallel_loop3A_2397, %parallel_loop3A_2398, %parallel_loop3A_2399, %parallel_loop3A_2400] {strides = array<i32>} : memref<3x4x8x1024xf32, #tpu.memory_space<vmem>>, vector<1x1x1x16xf32>,
      %parallel_loop3A_2402 = vector.shape_cast %parallel_loop3A_2401 : vector<1x1x1x16xf32> to vector<16xf32>
      %parallel_loop3A_2403 = vector.shape_cast %parallel_loop3A_2394 : vector<16xf32> to vector<1x1x1x16xf32>
      tpu.vector_store %arg7[%parallel_loop3A_2397, %parallel_loop3A_2398, %parallel_loop3A_2399, %parallel_loop3A_2400], %parallel_loop3A_2403 {strides = array<i32>} : memref<3x4x8x1024xf32, #tpu.memory_space<vmem>>, vector<1x1x1x16xf32>,
      %parallel_loop3A_2404 = arith.constant 2 : i32
      %parallel_loop3A_2405 = arith.constant 3 : i32
      %parallel_loop3A_2406 = arith.index_cast %parallel_loop3A_2404 : i32 to index
      %parallel_loop3A_2407 = arith.index_cast %parallel_loop3A_2405 : i32 to index
      %parallel_loop3A_2408 = arith.index_cast %parallel_loop3A_2330 : i32 to index
      %parallel_loop3A_2409 = arith.index_cast %parallel_loop3A_2334 : i32 to index
      %parallel_loop3A_2410 = tpu.vector_load %arg7[%parallel_loop3A_2406, %parallel_loop3A_2407, %parallel_loop3A_2408, %parallel_loop3A_2409] {strides = array<i32>} : memref<3x4x8x1024xf32, #tpu.memory_space<vmem>>, vector<1x1x1x16xf32>,
      %parallel_loop3A_2411 = vector.shape_cast %parallel_loop3A_2410 : vector<1x1x1x16xf32> to vector<16xf32>
      %parallel_loop3A_2412 = arith.constant 3.200000e+01 : f32
      %parallel_loop3A_2413 = vector.broadcast %parallel_loop3A_2412 : f32 to vector<16xf32>
      %parallel_loop3A_2414 = arith.mulf %parallel_loop3A_2411, %parallel_loop3A_2413 : vector<16xf32>
      %parallel_loop3A_2415 = arith.addf %parallel_loop3A_2414, %parallel_loop3A_2340 : vector<16xf32>
      %parallel_loop3A_2416 = arith.constant 2 : i32
      %parallel_loop3A_2417 = arith.constant 3 : i32
      %parallel_loop3A_2418 = arith.index_cast %parallel_loop3A_2416 : i32 to index
      %parallel_loop3A_2419 = arith.index_cast %parallel_loop3A_2417 : i32 to index
      %parallel_loop3A_2420 = arith.index_cast %parallel_loop3A_2330 : i32 to index
      %parallel_loop3A_2421 = arith.index_cast %parallel_loop3A_2334 : i32 to index
      %parallel_loop3A_2422 = tpu.vector_load %arg7[%parallel_loop3A_2418, %parallel_loop3A_2419, %parallel_loop3A_2420, %parallel_loop3A_2421] {strides = array<i32>} : memref<3x4x8x1024xf32, #tpu.memory_space<vmem>>, vector<1x1x1x16xf32>,
      %parallel_loop3A_2423 = vector.shape_cast %parallel_loop3A_2422 : vector<1x1x1x16xf32> to vector<16xf32>
      %parallel_loop3A_2424 = vector.shape_cast %parallel_loop3A_2415 : vector<16xf32> to vector<1x1x1x16xf32>
      tpu.vector_store %arg7[%parallel_loop3A_2418, %parallel_loop3A_2419, %parallel_loop3A_2420, %parallel_loop3A_2421], %parallel_loop3A_2424 {strides = array<i32>} : memref<3x4x8x1024xf32, #tpu.memory_space<vmem>>, vector<1x1x1x16xf32>,
    } {sc.loop_unroll_factor = 2 : i64, sc.parallel_access}
    %add3A_923 = arith.constant 16 : i32
    %add3A_924 = arith.addi %mul3A_2, %add3A_923 : i32
    %dma_start3A_925 = arith.constant 2 : i32
    %dma_start3A_926 = arith.constant 0 : i32
    %dma_start3A_927 = arith.constant 0 : i32
    %dma_start3A_928 = arith.constant 0 : i32
    %dma_start3A_929 = arith.constant 0 : i32
    %dma_start3A_930 = tpu.memref_slice %arg7[%dma_start3A_925, %dma_start3A_926, %dma_start3A_928, %dma_start3A_929] : memref<3x4x8x1024xf32, #tpu.memory_space<vmem>> -> memref<1x1x8x1024xf32, #tpu.memory_space<vmem>>
    %dma_start3A_931 = tpu.memref_squeeze %dma_start3A_930 : memref<1x1x8x1024xf32, #tpu.memory_space<vmem>> -> memref<8x1024xf32, #tpu.memory_space<vmem>>
    %dma_start3A_932 = arith.constant 0 : i32
    %dma_start3A_933 = tpu.memref_slice %arg5[%dma_start3A_927, %add3A_924, %dma_start3A_932] : memref<4x2048x1024xf32, #tpu.memory_space<hbm>> -> memref<1x8x1024xf32, #tpu.memory_space<hbm>>
    %dma_start3A_934 = tpu.memref_squeeze %dma_start3A_933 : memref<1x8x1024xf32, #tpu.memory_space<hbm>> -> memref<8x1024xf32, #tpu.memory_space<hbm>>
    %dma_start3A_935 = arith.constant 0 : i32
    %dma_start3A_936 = tpu.memref_slice %arg5[%dma_start3A_927, %add3A_924, %dma_start3A_935] : memref<4x2048x1024xf32, #tpu.memory_space<hbm>> -> memref<1x8x1024xf32, #tpu.memory_space<hbm>>
    %dma_start3A_937 = tpu.memref_squeeze %dma_start3A_936 : memref<1x8x1024xf32, #tpu.memory_space<hbm>> -> memref<8x1024xf32, #tpu.memory_space<hbm>>
    %dma_start3A_938 = arith.constant 0 : i32
    %dma_start3A_939 = arith.constant 0 : i32
    %dma_start3A_940 = tpu.memref_slice %arg7[%dma_start3A_925, %dma_start3A_926, %dma_start3A_938, %dma_start3A_939] : memref<3x4x8x1024xf32, #tpu.memory_space<vmem>> -> memref<1x1x8x1024xf32, #tpu.memory_space<vmem>>
    %dma_start3A_941 = tpu.memref_squeeze %dma_start3A_940 : memref<1x1x8x1024xf32, #tpu.memory_space<vmem>> -> memref<8x1024xf32, #tpu.memory_space<vmem>>
    tpu.enqueue_dma source(%dma_start3A_941 : memref<8x1024xf32, #tpu.memory_space<vmem>>) target(%dma_start3A_937 : memref<8x1024xf32, #tpu.memory_space<hbm>>) target_semaphore(%arg14 : memref<!tpu.dma_semaphore, #tpu.memory_space<semaphore_mem>>)
    %add3A_942 = arith.constant 16 : i32
    %add3A_943 = arith.addi %mul3A_2, %add3A_942 : i32
    %dma_start3A_944 = arith.constant 2 : i32
    %dma_start3A_945 = arith.constant 1 : i32
    %dma_start3A_946 = arith.constant 1 : i32
    %dma_start3A_947 = arith.constant 0 : i32
    %dma_start3A_948 = arith.constant 0 : i32
    %dma_start3A_949 = tpu.memref_slice %arg7[%dma_start3A_944, %dma_start3A_945, %dma_start3A_947, %dma_start3A_948] : memref<3x4x8x1024xf32, #tpu.memory_space<vmem>> -> memref<1x1x8x1024xf32, #tpu.memory_space<vmem>>
    %dma_start3A_950 = tpu.memref_squeeze %dma_start3A_949 : memref<1x1x8x1024xf32, #tpu.memory_space<vmem>> -> memref<8x1024xf32, #tpu.memory_space<vmem>>
    %dma_start3A_951 = arith.constant 0 : i32
    %dma_start3A_952 = tpu.memref_slice %arg5[%dma_start3A_946, %add3A_943, %dma_start3A_951] : memref<4x2048x1024xf32, #tpu.memory_space<hbm>> -> memref<1x8x1024xf32, #tpu.memory_space<hbm>>
    %dma_start3A_953 = tpu.memref_squeeze %dma_start3A_952 : memref<1x8x1024xf32, #tpu.memory_space<hbm>> -> memref<8x1024xf32, #tpu.memory_space<hbm>>
    %dma_start3A_954 = arith.constant 0 : i32
    %dma_start3A_955 = tpu.memref_slice %arg5[%dma_start3A_946, %add3A_943, %dma_start3A_954] : memref<4x2048x1024xf32, #tpu.memory_space<hbm>> -> memref<1x8x1024xf32, #tpu.memory_space<hbm>>
    %dma_start3A_956 = tpu.memref_squeeze %dma_start3A_955 : memref<1x8x1024xf32, #tpu.memory_space<hbm>> -> memref<8x1024xf32, #tpu.memory_space<hbm>>
    %dma_start3A_957 = arith.constant 0 : i32
    %dma_start3A_958 = arith.constant 0 : i32
    %dma_start3A_959 = tpu.memref_slice %arg7[%dma_start3A_944, %dma_start3A_945, %dma_start3A_957, %dma_start3A_958] : memref<3x4x8x1024xf32, #tpu.memory_space<vmem>> -> memref<1x1x8x1024xf32, #tpu.memory_space<vmem>>
    %dma_start3A_960 = tpu.memref_squeeze %dma_start3A_959 : memref<1x1x8x1024xf32, #tpu.memory_space<vmem>> -> memref<8x1024xf32, #tpu.memory_space<vmem>>
    tpu.enqueue_dma source(%dma_start3A_960 : memref<8x1024xf32, #tpu.memory_space<vmem>>) target(%dma_start3A_956 : memref<8x1024xf32, #tpu.memory_space<hbm>>) target_semaphore(%arg14 : memref<!tpu.dma_semaphore, #tpu.memory_space<semaphore_mem>>)
    %add3A_961 = arith.constant 16 : i32
    %add3A_962 = arith.addi %mul3A_2, %add3A_961 : i32
    %dma_start3A_963 = arith.constant 2 : i32
    %dma_start3A_964 = arith.constant 2 : i32
    %dma_start3A_965 = arith.constant 2 : i32
    %dma_start3A_966 = arith.constant 0 : i32
    %dma_start3A_967 = arith.constant 0 : i32
    %dma_start3A_968 = tpu.memref_slice %arg7[%dma_start3A_963, %dma_start3A_964, %dma_start3A_966, %dma_start3A_967] : memref<3x4x8x1024xf32, #tpu.memory_space<vmem>> -> memref<1x1x8x1024xf32, #tpu.memory_space<vmem>>
    %dma_start3A_969 = tpu.memref_squeeze %dma_start3A_968 : memref<1x1x8x1024xf32, #tpu.memory_space<vmem>> -> memref<8x1024xf32, #tpu.memory_space<vmem>>
    %dma_start3A_970 = arith.constant 0 : i32
    %dma_start3A_971 = tpu.memref_slice %arg5[%dma_start3A_965, %add3A_962, %dma_start3A_970] : memref<4x2048x1024xf32, #tpu.memory_space<hbm>> -> memref<1x8x1024xf32, #tpu.memory_space<hbm>>
    %dma_start3A_972 = tpu.memref_squeeze %dma_start3A_971 : memref<1x8x1024xf32, #tpu.memory_space<hbm>> -> memref<8x1024xf32, #tpu.memory_space<hbm>>
    %dma_start3A_973 = arith.constant 0 : i32
    %dma_start3A_974 = tpu.memref_slice %arg5[%dma_start3A_965, %add3A_962, %dma_start3A_973] : memref<4x2048x1024xf32, #tpu.memory_space<hbm>> -> memref<1x8x1024xf32, #tpu.memory_space<hbm>>
    %dma_start3A_975 = tpu.memref_squeeze %dma_start3A_974 : memref<1x8x1024xf32, #tpu.memory_space<hbm>> -> memref<8x1024xf32, #tpu.memory_space<hbm>>
    %dma_start3A_976 = arith.constant 0 : i32
    %dma_start3A_977 = arith.constant 0 : i32
    %dma_start3A_978 = tpu.memref_slice %arg7[%dma_start3A_963, %dma_start3A_964, %dma_start3A_976, %dma_start3A_977] : memref<3x4x8x1024xf32, #tpu.memory_space<vmem>> -> memref<1x1x8x1024xf32, #tpu.memory_space<vmem>>
    %dma_start3A_979 = tpu.memref_squeeze %dma_start3A_978 : memref<1x1x8x1024xf32, #tpu.memory_space<vmem>> -> memref<8x1024xf32, #tpu.memory_space<vmem>>
    tpu.enqueue_dma source(%dma_start3A_979 : memref<8x1024xf32, #tpu.memory_space<vmem>>) target(%dma_start3A_975 : memref<8x1024xf32, #tpu.memory_space<hbm>>) target_semaphore(%arg14 : memref<!tpu.dma_semaphore, #tpu.memory_space<semaphore_mem>>)
    %add3A_980 = arith.constant 16 : i32
    %add3A_981 = arith.addi %mul3A_2, %add3A_980 : i32
    %dma_start3A_982 = arith.constant 2 : i32
    %dma_start3A_983 = arith.constant 3 : i32
    %dma_start3A_984 = arith.constant 3 : i32
    %dma_start3A_985 = arith.constant 0 : i32
    %dma_start3A_986 = arith.constant 0 : i32
    %dma_start3A_987 = tpu.memref_slice %arg7[%dma_start3A_982, %dma_start3A_983, %dma_start3A_985, %dma_start3A_986] : memref<3x4x8x1024xf32, #tpu.memory_space<vmem>> -> memref<1x1x8x1024xf32, #tpu.memory_space<vmem>>
    %dma_start3A_988 = tpu.memref_squeeze %dma_start3A_987 : memref<1x1x8x1024xf32, #tpu.memory_space<vmem>> -> memref<8x1024xf32, #tpu.memory_space<vmem>>
    %dma_start3A_989 = arith.constant 0 : i32
    %dma_start3A_990 = tpu.memref_slice %arg5[%dma_start3A_984, %add3A_981, %dma_start3A_989] : memref<4x2048x1024xf32, #tpu.memory_space<hbm>> -> memref<1x8x1024xf32, #tpu.memory_space<hbm>>
    %dma_start3A_991 = tpu.memref_squeeze %dma_start3A_990 : memref<1x8x1024xf32, #tpu.memory_space<hbm>> -> memref<8x1024xf32, #tpu.memory_space<hbm>>
    %dma_start3A_992 = arith.constant 0 : i32
    %dma_start3A_993 = tpu.memref_slice %arg5[%dma_start3A_984, %add3A_981, %dma_start3A_992] : memref<4x2048x1024xf32, #tpu.memory_space<hbm>> -> memref<1x8x1024xf32, #tpu.memory_space<hbm>>
    %dma_start3A_994 = tpu.memref_squeeze %dma_start3A_993 : memref<1x8x1024xf32, #tpu.memory_space<hbm>> -> memref<8x1024xf32, #tpu.memory_space<hbm>>
    %dma_start3A_995 = arith.constant 0 : i32
    %dma_start3A_996 = arith.constant 0 : i32
    %dma_start3A_997 = tpu.memref_slice %arg7[%dma_start3A_982, %dma_start3A_983, %dma_start3A_995, %dma_start3A_996] : memref<3x4x8x1024xf32, #tpu.memory_space<vmem>> -> memref<1x1x8x1024xf32, #tpu.memory_space<vmem>>
    %dma_start3A_998 = tpu.memref_squeeze %dma_start3A_997 : memref<1x1x8x1024xf32, #tpu.memory_space<vmem>> -> memref<8x1024xf32, #tpu.memory_space<vmem>>
    tpu.enqueue_dma source(%dma_start3A_998 : memref<8x1024xf32, #tpu.memory_space<vmem>>) target(%dma_start3A_994 : memref<8x1024xf32, #tpu.memory_space<hbm>>) target_semaphore(%arg14 : memref<!tpu.dma_semaphore, #tpu.memory_space<semaphore_mem>>)
    %dma_wait3A_999 = arith.constant 2 : i32
    %dma_wait3A_1000 = arith.constant 0 : i32
    %dma_wait3A_1001 = arith.constant 0 : i32
    %dma_wait3A_1002 = arith.constant 0 : i32
    %dma_wait3A_1003 = arith.constant 0 : i32
    %dma_wait3A_1004 = tpu.memref_slice %arg7[%dma_wait3A_999, %dma_wait3A_1000, %dma_wait3A_1002, %dma_wait3A_1003] : memref<3x4x8x1024xf32, #tpu.memory_space<vmem>> -> memref<1x1x8x1024xf32, #tpu.memory_space<vmem>>
    %dma_wait3A_1005 = tpu.memref_squeeze %dma_wait3A_1004 : memref<1x1x8x1024xf32, #tpu.memory_space<vmem>> -> memref<8x1024xf32, #tpu.memory_space<vmem>>
    %dma_wait3A_1006 = arith.constant 0 : i32
    %dma_wait3A_1007 = tpu.memref_slice %arg5[%dma_wait3A_1001, %add3A_924, %dma_wait3A_1006] : memref<4x2048x1024xf32, #tpu.memory_space<hbm>> -> memref<1x8x1024xf32, #tpu.memory_space<hbm>>
    %dma_wait3A_1008 = tpu.memref_squeeze %dma_wait3A_1007 : memref<1x8x1024xf32, #tpu.memory_space<hbm>> -> memref<8x1024xf32, #tpu.memory_space<hbm>>
    %dma_wait3A_1009 = arith.constant 0 : i32
    %dma_wait3A_1010 = tpu.memref_slice %arg5[%dma_wait3A_1001, %add3A_924, %dma_wait3A_1009] : memref<4x2048x1024xf32, #tpu.memory_space<hbm>> -> memref<1x8x1024xf32, #tpu.memory_space<hbm>>
    %dma_wait3A_1011 = tpu.memref_squeeze %dma_wait3A_1010 : memref<1x8x1024xf32, #tpu.memory_space<hbm>> -> memref<8x1024xf32, #tpu.memory_space<hbm>>
    %dma_wait3A_1012 = arith.constant 0 : i32
    %dma_wait3A_1013 = arith.constant 0 : i32
    %dma_wait3A_1014 = tpu.memref_slice %arg7[%dma_wait3A_999, %dma_wait3A_1000, %dma_wait3A_1012, %dma_wait3A_1013] : memref<3x4x8x1024xf32, #tpu.memory_space<vmem>> -> memref<1x1x8x1024xf32, #tpu.memory_space<vmem>>
    %dma_wait3A_1015 = tpu.memref_squeeze %dma_wait3A_1014 : memref<1x1x8x1024xf32, #tpu.memory_space<vmem>> -> memref<8x1024xf32, #tpu.memory_space<vmem>>
    tpu.wait_dma2 semaphore(%arg14 : memref<!tpu.dma_semaphore, #tpu.memory_space<semaphore_mem>>) src(%dma_wait3A_1015 : memref<8x1024xf32, #tpu.memory_space<vmem>>) dst(%dma_wait3A_1011 : memref<8x1024xf32, #tpu.memory_space<hbm>>)
    %dma_wait3A_1016 = arith.constant 2 : i32
    %dma_wait3A_1017 = arith.constant 1 : i32
    %dma_wait3A_1018 = arith.constant 1 : i32
    %dma_wait3A_1019 = arith.constant 0 : i32
    %dma_wait3A_1020 = arith.constant 0 : i32
    %dma_wait3A_1021 = tpu.memref_slice %arg7[%dma_wait3A_1016, %dma_wait3A_1017, %dma_wait3A_1019, %dma_wait3A_1020] : memref<3x4x8x1024xf32, #tpu.memory_space<vmem>> -> memref<1x1x8x1024xf32, #tpu.memory_space<vmem>>
    %dma_wait3A_1022 = tpu.memref_squeeze %dma_wait3A_1021 : memref<1x1x8x1024xf32, #tpu.memory_space<vmem>> -> memref<8x1024xf32, #tpu.memory_space<vmem>>
    %dma_wait3A_1023 = arith.constant 0 : i32
    %dma_wait3A_1024 = tpu.memref_slice %arg5[%dma_wait3A_1018, %add3A_943, %dma_wait3A_1023] : memref<4x2048x1024xf32, #tpu.memory_space<hbm>> -> memref<1x8x1024xf32, #tpu.memory_space<hbm>>
    %dma_wait3A_1025 = tpu.memref_squeeze %dma_wait3A_1024 : memref<1x8x1024xf32, #tpu.memory_space<hbm>> -> memref<8x1024xf32, #tpu.memory_space<hbm>>
    %dma_wait3A_1026 = arith.constant 0 : i32
    %dma_wait3A_1027 = tpu.memref_slice %arg5[%dma_wait3A_1018, %add3A_943, %dma_wait3A_1026] : memref<4x2048x1024xf32, #tpu.memory_space<hbm>> -> memref<1x8x1024xf32, #tpu.memory_space<hbm>>
    %dma_wait3A_1028 = tpu.memref_squeeze %dma_wait3A_1027 : memref<1x8x1024xf32, #tpu.memory_space<hbm>> -> memref<8x1024xf32, #tpu.memory_space<hbm>>
    %dma_wait3A_1029 = arith.constant 0 : i32
    %dma_wait3A_1030 = arith.constant 0 : i32
    %dma_wait3A_1031 = tpu.memref_slice %arg7[%dma_wait3A_1016, %dma_wait3A_1017, %dma_wait3A_1029, %dma_wait3A_1030] : memref<3x4x8x1024xf32, #tpu.memory_space<vmem>> -> memref<1x1x8x1024xf32, #tpu.memory_space<vmem>>
    %dma_wait3A_1032 = tpu.memref_squeeze %dma_wait3A_1031 : memref<1x1x8x1024xf32, #tpu.memory_space<vmem>> -> memref<8x1024xf32, #tpu.memory_space<vmem>>
    tpu.wait_dma2 semaphore(%arg14 : memref<!tpu.dma_semaphore, #tpu.memory_space<semaphore_mem>>) src(%dma_wait3A_1032 : memref<8x1024xf32, #tpu.memory_space<vmem>>) dst(%dma_wait3A_1028 : memref<8x1024xf32, #tpu.memory_space<hbm>>)
    %dma_wait3A_1033 = arith.constant 2 : i32
    %dma_wait3A_1034 = arith.constant 2 : i32
    %dma_wait3A_1035 = arith.constant 2 : i32
    %dma_wait3A_1036 = arith.constant 0 : i32
    %dma_wait3A_1037 = arith.constant 0 : i32
    %dma_wait3A_1038 = tpu.memref_slice %arg7[%dma_wait3A_1033, %dma_wait3A_1034, %dma_wait3A_1036, %dma_wait3A_1037] : memref<3x4x8x1024xf32, #tpu.memory_space<vmem>> -> memref<1x1x8x1024xf32, #tpu.memory_space<vmem>>
    %dma_wait3A_1039 = tpu.memref_squeeze %dma_wait3A_1038 : memref<1x1x8x1024xf32, #tpu.memory_space<vmem>> -> memref<8x1024xf32, #tpu.memory_space<vmem>>
    %dma_wait3A_1040 = arith.constant 0 : i32
    %dma_wait3A_1041 = tpu.memref_slice %arg5[%dma_wait3A_1035, %add3A_962, %dma_wait3A_1040] : memref<4x2048x1024xf32, #tpu.memory_space<hbm>> -> memref<1x8x1024xf32, #tpu.memory_space<hbm>>
    %dma_wait3A_1042 = tpu.memref_squeeze %dma_wait3A_1041 : memref<1x8x1024xf32, #tpu.memory_space<hbm>> -> memref<8x1024xf32, #tpu.memory_space<hbm>>
    %dma_wait3A_1043 = arith.constant 0 : i32
    %dma_wait3A_1044 = tpu.memref_slice %arg5[%dma_wait3A_1035, %add3A_962, %dma_wait3A_1043] : memref<4x2048x1024xf32, #tpu.memory_space<hbm>> -> memref<1x8x1024xf32, #tpu.memory_space<hbm>>
    %dma_wait3A_1045 = tpu.memref_squeeze %dma_wait3A_1044 : memref<1x8x1024xf32, #tpu.memory_space<hbm>> -> memref<8x1024xf32, #tpu.memory_space<hbm>>
    %dma_wait3A_1046 = arith.constant 0 : i32
    %dma_wait3A_1047 = arith.constant 0 : i32
    %dma_wait3A_1048 = tpu.memref_slice %arg7[%dma_wait3A_1033, %dma_wait3A_1034, %dma_wait3A_1046, %dma_wait3A_1047] : memref<3x4x8x1024xf32, #tpu.memory_space<vmem>> -> memref<1x1x8x1024xf32, #tpu.memory_space<vmem>>
    %dma_wait3A_1049 = tpu.memref_squeeze %dma_wait3A_1048 : memref<1x1x8x1024xf32, #tpu.memory_space<vmem>> -> memref<8x1024xf32, #tpu.memory_space<vmem>>
    tpu.wait_dma2 semaphore(%arg14 : memref<!tpu.dma_semaphore, #tpu.memory_space<semaphore_mem>>) src(%dma_wait3A_1049 : memref<8x1024xf32, #tpu.memory_space<vmem>>) dst(%dma_wait3A_1045 : memref<8x1024xf32, #tpu.memory_space<hbm>>)
    %dma_wait3A_1050 = arith.constant 2 : i32
    %dma_wait3A_1051 = arith.constant 3 : i32
    %dma_wait3A_1052 = arith.constant 3 : i32
    %dma_wait3A_1053 = arith.constant 0 : i32
    %dma_wait3A_1054 = arith.constant 0 : i32
    %dma_wait3A_1055 = tpu.memref_slice %arg7[%dma_wait3A_1050, %dma_wait3A_1051, %dma_wait3A_1053, %dma_wait3A_1054] : memref<3x4x8x1024xf32, #tpu.memory_space<vmem>> -> memref<1x1x8x1024xf32, #tpu.memory_space<vmem>>
    %dma_wait3A_1056 = tpu.memref_squeeze %dma_wait3A_1055 : memref<1x1x8x1024xf32, #tpu.memory_space<vmem>> -> memref<8x1024xf32, #tpu.memory_space<vmem>>
    %dma_wait3A_1057 = arith.constant 0 : i32
    %dma_wait3A_1058 = tpu.memref_slice %arg5[%dma_wait3A_1052, %add3A_981, %dma_wait3A_1057] : memref<4x2048x1024xf32, #tpu.memory_space<hbm>> -> memref<1x8x1024xf32, #tpu.memory_space<hbm>>
    %dma_wait3A_1059 = tpu.memref_squeeze %dma_wait3A_1058 : memref<1x8x1024xf32, #tpu.memory_space<hbm>> -> memref<8x1024xf32, #tpu.memory_space<hbm>>
    %dma_wait3A_1060 = arith.constant 0 : i32
    %dma_wait3A_1061 = tpu.memref_slice %arg5[%dma_wait3A_1052, %add3A_981, %dma_wait3A_1060] : memref<4x2048x1024xf32, #tpu.memory_space<hbm>> -> memref<1x8x1024xf32, #tpu.memory_space<hbm>>
    %dma_wait3A_1062 = tpu.memref_squeeze %dma_wait3A_1061 : memref<1x8x1024xf32, #tpu.memory_space<hbm>> -> memref<8x1024xf32, #tpu.memory_space<hbm>>
    %dma_wait3A_1063 = arith.constant 0 : i32
    %dma_wait3A_1064 = arith.constant 0 : i32
    %dma_wait3A_1065 = tpu.memref_slice %arg7[%dma_wait3A_1050, %dma_wait3A_1051, %dma_wait3A_1063, %dma_wait3A_1064] : memref<3x4x8x1024xf32, #tpu.memory_space<vmem>> -> memref<1x1x8x1024xf32, #tpu.memory_space<vmem>>
    %dma_wait3A_1066 = tpu.memref_squeeze %dma_wait3A_1065 : memref<1x1x8x1024xf32, #tpu.memory_space<vmem>> -> memref<8x1024xf32, #tpu.memory_space<vmem>>
    tpu.wait_dma2 semaphore(%arg14 : memref<!tpu.dma_semaphore, #tpu.memory_space<semaphore_mem>>) src(%dma_wait3A_1066 : memref<8x1024xf32, #tpu.memory_space<vmem>>) dst(%dma_wait3A_1062 : memref<8x1024xf32, #tpu.memory_space<hbm>>)
    %dma_start3A_1067 = arith.constant 0 : i32
    %dma_start3A_1068 = arith.constant 2 : i32
    %dma_start3A_1069 = arith.constant 0 : i32
    %dma_start3A_1070 = arith.constant 0 : i32
    %dma_start3A_1071 = arith.constant 0 : i32
    %dma_start3A_1072 = tpu.memref_slice %arg7[%dma_start3A_1068, %dma_start3A_1069, %dma_start3A_1070, %dma_start3A_1071] : memref<3x4x8x1024xf32, #tpu.memory_space<vmem>> -> memref<1x1x8x1024xf32, #tpu.memory_space<vmem>>
    %dma_start3A_1073 = tpu.memref_squeeze %dma_start3A_1072 : memref<1x1x8x1024xf32, #tpu.memory_space<vmem>> -> memref<8x1024xf32, #tpu.memory_space<vmem>>
    %dma_start3A_1074 = arith.constant 40 : i32
    %dma_start3A_1075 = tpu.memref_slice %arg6[%dma_start3A_1067, %dma_start3A_1074] : memref<4x64xi32, #tpu.memory_space<vmem>> -> memref<1x8xi32, #tpu.memory_space<vmem>>
    %dma_start3A_1076 = tpu.memref_squeeze %dma_start3A_1075 : memref<1x8xi32, #tpu.memory_space<vmem>> -> memref<8xi32, #tpu.memory_space<vmem>>
    %dma_start3A_1077 = arith.constant 0 : i32
    %dma_start3A_1078 = arith.constant 0 : i32
    %dma_start3A_1079 = tpu.memref_slice %arg3[%dma_start3A_1077, %dma_start3A_1078] : memref<100000x1024xf32, #tpu.memory_space<hbm>> -> memref<100000x1024xf32, #tpu.memory_space<hbm>>
    tpu.enqueue_indirect_dma source(%dma_start3A_1079 : memref<100000x1024xf32, #tpu.memory_space<hbm>>) target(%dma_start3A_1073 : memref<8x1024xf32, #tpu.memory_space<vmem>>) offsets(%dma_start3A_1076 : memref<8xi32, #tpu.memory_space<vmem>>) semaphore(%arg11 : memref<!tpu.dma_semaphore, #tpu.memory_space<semaphore_mem>>)
    %dma_start3A_1080 = arith.constant 1 : i32
    %dma_start3A_1081 = arith.constant 2 : i32
    %dma_start3A_1082 = arith.constant 1 : i32
    %dma_start3A_1083 = arith.constant 0 : i32
    %dma_start3A_1084 = arith.constant 0 : i32
    %dma_start3A_1085 = tpu.memref_slice %arg7[%dma_start3A_1081, %dma_start3A_1082, %dma_start3A_1083, %dma_start3A_1084] : memref<3x4x8x1024xf32, #tpu.memory_space<vmem>> -> memref<1x1x8x1024xf32, #tpu.memory_space<vmem>>
    %dma_start3A_1086 = tpu.memref_squeeze %dma_start3A_1085 : memref<1x1x8x1024xf32, #tpu.memory_space<vmem>> -> memref<8x1024xf32, #tpu.memory_space<vmem>>
    %dma_start3A_1087 = arith.constant 40 : i32
    %dma_start3A_1088 = tpu.memref_slice %arg6[%dma_start3A_1080, %dma_start3A_1087] : memref<4x64xi32, #tpu.memory_space<vmem>> -> memref<1x8xi32, #tpu.memory_space<vmem>>
    %dma_start3A_1089 = tpu.memref_squeeze %dma_start3A_1088 : memref<1x8xi32, #tpu.memory_space<vmem>> -> memref<8xi32, #tpu.memory_space<vmem>>
    %dma_start3A_1090 = arith.constant 0 : i32
    %dma_start3A_1091 = arith.constant 0 : i32
    %dma_start3A_1092 = tpu.memref_slice %arg3[%dma_start3A_1090, %dma_start3A_1091] : memref<100000x1024xf32, #tpu.memory_space<hbm>> -> memref<100000x1024xf32, #tpu.memory_space<hbm>>
    tpu.enqueue_indirect_dma source(%dma_start3A_1092 : memref<100000x1024xf32, #tpu.memory_space<hbm>>) target(%dma_start3A_1086 : memref<8x1024xf32, #tpu.memory_space<vmem>>) offsets(%dma_start3A_1089 : memref<8xi32, #tpu.memory_space<vmem>>) semaphore(%arg11 : memref<!tpu.dma_semaphore, #tpu.memory_space<semaphore_mem>>)
    %dma_start3A_1093 = arith.constant 2 : i32
    %dma_start3A_1094 = arith.constant 2 : i32
    %dma_start3A_1095 = arith.constant 2 : i32
    %dma_start3A_1096 = arith.constant 0 : i32
    %dma_start3A_1097 = arith.constant 0 : i32
    %dma_start3A_1098 = tpu.memref_slice %arg7[%dma_start3A_1094, %dma_start3A_1095, %dma_start3A_1096, %dma_start3A_1097] : memref<3x4x8x1024xf32, #tpu.memory_space<vmem>> -> memref<1x1x8x1024xf32, #tpu.memory_space<vmem>>
    %dma_start3A_1099 = tpu.memref_squeeze %dma_start3A_1098 : memref<1x1x8x1024xf32, #tpu.memory_space<vmem>> -> memref<8x1024xf32, #tpu.memory_space<vmem>>
    %dma_start3A_1100 = arith.constant 40 : i32
    %dma_start3A_1101 = tpu.memref_slice %arg6[%dma_start3A_1093, %dma_start3A_1100] : memref<4x64xi32, #tpu.memory_space<vmem>> -> memref<1x8xi32, #tpu.memory_space<vmem>>
    %dma_start3A_1102 = tpu.memref_squeeze %dma_start3A_1101 : memref<1x8xi32, #tpu.memory_space<vmem>> -> memref<8xi32, #tpu.memory_space<vmem>>
    %dma_start3A_1103 = arith.constant 0 : i32
    %dma_start3A_1104 = arith.constant 0 : i32
    %dma_start3A_1105 = tpu.memref_slice %arg3[%dma_start3A_1103, %dma_start3A_1104] : memref<100000x1024xf32, #tpu.memory_space<hbm>> -> memref<100000x1024xf32, #tpu.memory_space<hbm>>
    tpu.enqueue_indirect_dma source(%dma_start3A_1105 : memref<100000x1024xf32, #tpu.memory_space<hbm>>) target(%dma_start3A_1099 : memref<8x1024xf32, #tpu.memory_space<vmem>>) offsets(%dma_start3A_1102 : memref<8xi32, #tpu.memory_space<vmem>>) semaphore(%arg11 : memref<!tpu.dma_semaphore, #tpu.memory_space<semaphore_mem>>)
    %dma_start3A_1106 = arith.constant 3 : i32
    %dma_start3A_1107 = arith.constant 2 : i32
    %dma_start3A_1108 = arith.constant 3 : i32
    %dma_start3A_1109 = arith.constant 0 : i32
    %dma_start3A_1110 = arith.constant 0 : i32
    %dma_start3A_1111 = tpu.memref_slice %arg7[%dma_start3A_1107, %dma_start3A_1108, %dma_start3A_1109, %dma_start3A_1110] : memref<3x4x8x1024xf32, #tpu.memory_space<vmem>> -> memref<1x1x8x1024xf32, #tpu.memory_space<vmem>>
    %dma_start3A_1112 = tpu.memref_squeeze %dma_start3A_1111 : memref<1x1x8x1024xf32, #tpu.memory_space<vmem>> -> memref<8x1024xf32, #tpu.memory_space<vmem>>
    %dma_start3A_1113 = arith.constant 40 : i32
    %dma_start3A_1114 = tpu.memref_slice %arg6[%dma_start3A_1106, %dma_start3A_1113] : memref<4x64xi32, #tpu.memory_space<vmem>> -> memref<1x8xi32, #tpu.memory_space<vmem>>
    %dma_start3A_1115 = tpu.memref_squeeze %dma_start3A_1114 : memref<1x8xi32, #tpu.memory_space<vmem>> -> memref<8xi32, #tpu.memory_space<vmem>>
    %dma_start3A_1116 = arith.constant 0 : i32
    %dma_start3A_1117 = arith.constant 0 : i32
    %dma_start3A_1118 = tpu.memref_slice %arg3[%dma_start3A_1116, %dma_start3A_1117] : memref<100000x1024xf32, #tpu.memory_space<hbm>> -> memref<100000x1024xf32, #tpu.memory_space<hbm>>
    tpu.enqueue_indirect_dma source(%dma_start3A_1118 : memref<100000x1024xf32, #tpu.memory_space<hbm>>) target(%dma_start3A_1112 : memref<8x1024xf32, #tpu.memory_space<vmem>>) offsets(%dma_start3A_1115 : memref<8xi32, #tpu.memory_space<vmem>>) semaphore(%arg11 : memref<!tpu.dma_semaphore, #tpu.memory_space<semaphore_mem>>)
    %add3A_1119 = arith.constant 40 : i32
    %add3A_1120 = arith.addi %mul3A_2, %add3A_1119 : i32
    %dma_start3A_1121 = arith.constant 2 : i32
    %dma_start3A_1122 = arith.constant 0 : i32
    %dma_start3A_1123 = arith.constant 0 : i32
    %dma_start3A_1124 = tpu.memref_slice %arg8[%dma_start3A_1121, %dma_start3A_1122, %dma_start3A_1123] : memref<3x8x1024xf32, #tpu.memory_space<vmem>> -> memref<1x8x1024xf32, #tpu.memory_space<vmem>>
    %dma_start3A_1125 = tpu.memref_squeeze %dma_start3A_1124 : memref<1x8x1024xf32, #tpu.memory_space<vmem>> -> memref<8x1024xf32, #tpu.memory_space<vmem>>
    %dma_start3A_1126 = arith.constant 0 : i32
    %dma_start3A_1127 = tpu.memref_slice %arg4[%add3A_1120, %dma_start3A_1126] : memref<2048x1024xf32, #tpu.memory_space<hbm>> -> memref<8x1024xf32, #tpu.memory_space<hbm>>
    %dma_start3A_1128 = arith.constant 0 : i32
    %dma_start3A_1129 = arith.constant 0 : i32
    %dma_start3A_1130 = tpu.memref_slice %arg8[%dma_start3A_1121, %dma_start3A_1128, %dma_start3A_1129] : memref<3x8x1024xf32, #tpu.memory_space<vmem>> -> memref<1x8x1024xf32, #tpu.memory_space<vmem>>
    %dma_start3A_1131 = tpu.memref_squeeze %dma_start3A_1130 : memref<1x8x1024xf32, #tpu.memory_space<vmem>> -> memref<8x1024xf32, #tpu.memory_space<vmem>>
    %dma_start3A_1132 = arith.constant 0 : i32
    %dma_start3A_1133 = tpu.memref_slice %arg4[%add3A_1120, %dma_start3A_1132] : memref<2048x1024xf32, #tpu.memory_space<hbm>> -> memref<8x1024xf32, #tpu.memory_space<hbm>>
    tpu.enqueue_dma source(%dma_start3A_1133 : memref<8x1024xf32, #tpu.memory_space<hbm>>) target(%dma_start3A_1131 : memref<8x1024xf32, #tpu.memory_space<vmem>>) target_semaphore(%arg11 : memref<!tpu.dma_semaphore, #tpu.memory_space<semaphore_mem>>)
    %dma_wait3A_1134 = arith.constant 0 : i32
    %dma_wait3A_1135 = arith.constant 0 : i32
    %dma_wait3A_1136 = arith.constant 0 : i32
    %dma_wait3A_1137 = arith.constant 0 : i32
    %dma_wait3A_1138 = arith.constant 0 : i32
    %dma_wait3A_1139 = tpu.memref_slice %arg7[%dma_wait3A_1135, %dma_wait3A_1136, %dma_wait3A_1137, %dma_wait3A_1138] : memref<3x4x8x1024xf32, #tpu.memory_space<vmem>> -> memref<1x1x8x1024xf32, #tpu.memory_space<vmem>>
    %dma_wait3A_1140 = tpu.memref_squeeze %dma_wait3A_1139 : memref<1x1x8x1024xf32, #tpu.memory_space<vmem>> -> memref<8x1024xf32, #tpu.memory_space<vmem>>
    %dma_wait3A_1141 = arith.constant 24 : i32
    %dma_wait3A_1142 = tpu.memref_slice %arg6[%dma_wait3A_1134, %dma_wait3A_1141] : memref<4x64xi32, #tpu.memory_space<vmem>> -> memref<1x8xi32, #tpu.memory_space<vmem>>
    %dma_wait3A_1143 = tpu.memref_squeeze %dma_wait3A_1142 : memref<1x8xi32, #tpu.memory_space<vmem>> -> memref<8xi32, #tpu.memory_space<vmem>>
    %dma_wait3A_1144 = arith.constant 0 : i32
    %dma_wait3A_1145 = arith.constant 0 : i32
    %dma_wait3A_1146 = tpu.memref_slice %arg3[%dma_wait3A_1144, %dma_wait3A_1145] : memref<100000x1024xf32, #tpu.memory_space<hbm>> -> memref<100000x1024xf32, #tpu.memory_space<hbm>>
    tpu.wait_indirect_dma semaphore(%arg9 : memref<!tpu.dma_semaphore, #tpu.memory_space<semaphore_mem>>) src(%dma_wait3A_1146 : memref<100000x1024xf32, #tpu.memory_space<hbm>>) dst(%dma_wait3A_1140 : memref<8x1024xf32, #tpu.memory_space<vmem>>)
    %dma_wait3A_1147 = arith.constant 1 : i32
    %dma_wait3A_1148 = arith.constant 0 : i32
    %dma_wait3A_1149 = arith.constant 1 : i32
    %dma_wait3A_1150 = arith.constant 0 : i32
    %dma_wait3A_1151 = arith.constant 0 : i32
    %dma_wait3A_1152 = tpu.memref_slice %arg7[%dma_wait3A_1148, %dma_wait3A_1149, %dma_wait3A_1150, %dma_wait3A_1151] : memref<3x4x8x1024xf32, #tpu.memory_space<vmem>> -> memref<1x1x8x1024xf32, #tpu.memory_space<vmem>>
    %dma_wait3A_1153 = tpu.memref_squeeze %dma_wait3A_1152 : memref<1x1x8x1024xf32, #tpu.memory_space<vmem>> -> memref<8x1024xf32, #tpu.memory_space<vmem>>
    %dma_wait3A_1154 = arith.constant 24 : i32
    %dma_wait3A_1155 = tpu.memref_slice %arg6[%dma_wait3A_1147, %dma_wait3A_1154] : memref<4x64xi32, #tpu.memory_space<vmem>> -> memref<1x8xi32, #tpu.memory_space<vmem>>
    %dma_wait3A_1156 = tpu.memref_squeeze %dma_wait3A_1155 : memref<1x8xi32, #tpu.memory_space<vmem>> -> memref<8xi32, #tpu.memory_space<vmem>>
    %dma_wait3A_1157 = arith.constant 0 : i32
    %dma_wait3A_1158 = arith.constant 0 : i32
    %dma_wait3A_1159 = tpu.memref_slice %arg3[%dma_wait3A_1157, %dma_wait3A_1158] : memref<100000x1024xf32, #tpu.memory_space<hbm>> -> memref<100000x1024xf32, #tpu.memory_space<hbm>>
    tpu.wait_indirect_dma semaphore(%arg9 : memref<!tpu.dma_semaphore, #tpu.memory_space<semaphore_mem>>) src(%dma_wait3A_1159 : memref<100000x1024xf32, #tpu.memory_space<hbm>>) dst(%dma_wait3A_1153 : memref<8x1024xf32, #tpu.memory_space<vmem>>)
    %dma_wait3A_1160 = arith.constant 2 : i32
    %dma_wait3A_1161 = arith.constant 0 : i32
    %dma_wait3A_1162 = arith.constant 2 : i32
    %dma_wait3A_1163 = arith.constant 0 : i32
    %dma_wait3A_1164 = arith.constant 0 : i32
    %dma_wait3A_1165 = tpu.memref_slice %arg7[%dma_wait3A_1161, %dma_wait3A_1162, %dma_wait3A_1163, %dma_wait3A_1164] : memref<3x4x8x1024xf32, #tpu.memory_space<vmem>> -> memref<1x1x8x1024xf32, #tpu.memory_space<vmem>>
    %dma_wait3A_1166 = tpu.memref_squeeze %dma_wait3A_1165 : memref<1x1x8x1024xf32, #tpu.memory_space<vmem>> -> memref<8x1024xf32, #tpu.memory_space<vmem>>
    %dma_wait3A_1167 = arith.constant 24 : i32
    %dma_wait3A_1168 = tpu.memref_slice %arg6[%dma_wait3A_1160, %dma_wait3A_1167] : memref<4x64xi32, #tpu.memory_space<vmem>> -> memref<1x8xi32, #tpu.memory_space<vmem>>
    %dma_wait3A_1169 = tpu.memref_squeeze %dma_wait3A_1168 : memref<1x8xi32, #tpu.memory_space<vmem>> -> memref<8xi32, #tpu.memory_space<vmem>>
    %dma_wait3A_1170 = arith.constant 0 : i32
    %dma_wait3A_1171 = arith.constant 0 : i32
    %dma_wait3A_1172 = tpu.memref_slice %arg3[%dma_wait3A_1170, %dma_wait3A_1171] : memref<100000x1024xf32, #tpu.memory_space<hbm>> -> memref<100000x1024xf32, #tpu.memory_space<hbm>>
    tpu.wait_indirect_dma semaphore(%arg9 : memref<!tpu.dma_semaphore, #tpu.memory_space<semaphore_mem>>) src(%dma_wait3A_1172 : memref<100000x1024xf32, #tpu.memory_space<hbm>>) dst(%dma_wait3A_1166 : memref<8x1024xf32, #tpu.memory_space<vmem>>)
    %dma_wait3A_1173 = arith.constant 3 : i32
    %dma_wait3A_1174 = arith.constant 0 : i32
    %dma_wait3A_1175 = arith.constant 3 : i32
    %dma_wait3A_1176 = arith.constant 0 : i32
    %dma_wait3A_1177 = arith.constant 0 : i32
    %dma_wait3A_1178 = tpu.memref_slice %arg7[%dma_wait3A_1174, %dma_wait3A_1175, %dma_wait3A_1176, %dma_wait3A_1177] : memref<3x4x8x1024xf32, #tpu.memory_space<vmem>> -> memref<1x1x8x1024xf32, #tpu.memory_space<vmem>>
    %dma_wait3A_1179 = tpu.memref_squeeze %dma_wait3A_1178 : memref<1x1x8x1024xf32, #tpu.memory_space<vmem>> -> memref<8x1024xf32, #tpu.memory_space<vmem>>
    %dma_wait3A_1180 = arith.constant 24 : i32
    %dma_wait3A_1181 = tpu.memref_slice %arg6[%dma_wait3A_1173, %dma_wait3A_1180] : memref<4x64xi32, #tpu.memory_space<vmem>> -> memref<1x8xi32, #tpu.memory_space<vmem>>
    %dma_wait3A_1182 = tpu.memref_squeeze %dma_wait3A_1181 : memref<1x8xi32, #tpu.memory_space<vmem>> -> memref<8xi32, #tpu.memory_space<vmem>>
    %dma_wait3A_1183 = arith.constant 0 : i32
    %dma_wait3A_1184 = arith.constant 0 : i32
    %dma_wait3A_1185 = tpu.memref_slice %arg3[%dma_wait3A_1183, %dma_wait3A_1184] : memref<100000x1024xf32, #tpu.memory_space<hbm>> -> memref<100000x1024xf32, #tpu.memory_space<hbm>>
    tpu.wait_indirect_dma semaphore(%arg9 : memref<!tpu.dma_semaphore, #tpu.memory_space<semaphore_mem>>) src(%dma_wait3A_1185 : memref<100000x1024xf32, #tpu.memory_space<hbm>>) dst(%dma_wait3A_1179 : memref<8x1024xf32, #tpu.memory_space<vmem>>)
    %dma_wait3A_1186 = arith.constant 0 : i32
    %dma_wait3A_1187 = arith.constant 0 : i32
    %dma_wait3A_1188 = arith.constant 0 : i32
    %dma_wait3A_1189 = tpu.memref_slice %arg8[%dma_wait3A_1186, %dma_wait3A_1187, %dma_wait3A_1188] : memref<3x8x1024xf32, #tpu.memory_space<vmem>> -> memref<1x8x1024xf32, #tpu.memory_space<vmem>>
    %dma_wait3A_1190 = tpu.memref_squeeze %dma_wait3A_1189 : memref<1x8x1024xf32, #tpu.memory_space<vmem>> -> memref<8x1024xf32, #tpu.memory_space<vmem>>
    %dma_wait3A_1191 = arith.constant 0 : i32
    %dma_wait3A_1192 = tpu.memref_slice %arg4[%add3A_562, %dma_wait3A_1191] : memref<2048x1024xf32, #tpu.memory_space<hbm>> -> memref<8x1024xf32, #tpu.memory_space<hbm>>
    %dma_wait3A_1193 = arith.constant 0 : i32
    %dma_wait3A_1194 = arith.constant 0 : i32
    %dma_wait3A_1195 = tpu.memref_slice %arg8[%dma_wait3A_1186, %dma_wait3A_1193, %dma_wait3A_1194] : memref<3x8x1024xf32, #tpu.memory_space<vmem>> -> memref<1x8x1024xf32, #tpu.memory_space<vmem>>
    %dma_wait3A_1196 = tpu.memref_squeeze %dma_wait3A_1195 : memref<1x8x1024xf32, #tpu.memory_space<vmem>> -> memref<8x1024xf32, #tpu.memory_space<vmem>>
    %dma_wait3A_1197 = arith.constant 0 : i32
    %dma_wait3A_1198 = tpu.memref_slice %arg4[%add3A_562, %dma_wait3A_1197] : memref<2048x1024xf32, #tpu.memory_space<hbm>> -> memref<8x1024xf32, #tpu.memory_space<hbm>>
    tpu.wait_dma2 semaphore(%arg9 : memref<!tpu.dma_semaphore, #tpu.memory_space<semaphore_mem>>) src(%dma_wait3A_1198 : memref<8x1024xf32, #tpu.memory_space<hbm>>) dst(%dma_wait3A_1196 : memref<8x1024xf32, #tpu.memory_space<vmem>>)
    %parallel_loop3A_1199 = arith.constant 0 : i32
    %parallel_loop3A_1200 = arith.constant 512 : i32
    %parallel_loop3A_1201 = arith.constant 1 : i32
    scf.for %parallel_loop3A_2328 = %parallel_loop3A_1199 to %parallel_loop3A_1200 step %parallel_loop3A_1201  : i32 {
      %parallel_loop3A_2329 = arith.constant 6 : i32
      %parallel_loop3A_2330 = arith.shrsi %parallel_loop3A_2328, %parallel_loop3A_2329 : i32
      %parallel_loop3A_2331 = arith.constant 63 : i32
      %parallel_loop3A_2332 = arith.andi %parallel_loop3A_2328, %parallel_loop3A_2331 : i32
      %parallel_loop3A_2333 = arith.constant 16 : i32
      %parallel_loop3A_2334 = arith.muli %parallel_loop3A_2332, %parallel_loop3A_2333 : i32
      %parallel_loop3A_2335 = arith.constant 0 : i32
      %parallel_loop3A_2336 = arith.index_cast %parallel_loop3A_2335 : i32 to index
      %parallel_loop3A_2337 = arith.index_cast %parallel_loop3A_2330 : i32 to index
      %parallel_loop3A_2338 = arith.index_cast %parallel_loop3A_2334 : i32 to index
      %parallel_loop3A_2339 = tpu.vector_load %arg8[%parallel_loop3A_2336, %parallel_loop3A_2337, %parallel_loop3A_2338] {strides = array<i32>} : memref<3x8x1024xf32, #tpu.memory_space<vmem>>, vector<1x1x16xf32>,
      %parallel_loop3A_2340 = vector.shape_cast %parallel_loop3A_2339 : vector<1x1x16xf32> to vector<16xf32>
      %parallel_loop3A_2341 = arith.constant 0 : i32
      %parallel_loop3A_2342 = arith.constant 0 : i32
      %parallel_loop3A_2343 = arith.index_cast %parallel_loop3A_2341 : i32 to index
      %parallel_loop3A_2344 = arith.index_cast %parallel_loop3A_2342 : i32 to index
      %parallel_loop3A_2345 = arith.index_cast %parallel_loop3A_2330 : i32 to index
      %parallel_loop3A_2346 = arith.index_cast %parallel_loop3A_2334 : i32 to index
      %parallel_loop3A_2347 = tpu.vector_load %arg7[%parallel_loop3A_2343, %parallel_loop3A_2344, %parallel_loop3A_2345, %parallel_loop3A_2346] {strides = array<i32>} : memref<3x4x8x1024xf32, #tpu.memory_space<vmem>>, vector<1x1x1x16xf32>,
      %parallel_loop3A_2348 = vector.shape_cast %parallel_loop3A_2347 : vector<1x1x1x16xf32> to vector<16xf32>
      %parallel_loop3A_2349 = arith.constant 3.200000e+01 : f32
      %parallel_loop3A_2350 = vector.broadcast %parallel_loop3A_2349 : f32 to vector<16xf32>
      %parallel_loop3A_2351 = arith.mulf %parallel_loop3A_2348, %parallel_loop3A_2350 : vector<16xf32>
      %parallel_loop3A_2352 = arith.addf %parallel_loop3A_2351, %parallel_loop3A_2340 : vector<16xf32>
      %parallel_loop3A_2353 = arith.constant 0 : i32
      %parallel_loop3A_2354 = arith.constant 0 : i32
      %parallel_loop3A_2355 = arith.index_cast %parallel_loop3A_2353 : i32 to index
      %parallel_loop3A_2356 = arith.index_cast %parallel_loop3A_2354 : i32 to index
      %parallel_loop3A_2357 = arith.index_cast %parallel_loop3A_2330 : i32 to index
      %parallel_loop3A_2358 = arith.index_cast %parallel_loop3A_2334 : i32 to index
      %parallel_loop3A_2359 = tpu.vector_load %arg7[%parallel_loop3A_2355, %parallel_loop3A_2356, %parallel_loop3A_2357, %parallel_loop3A_2358] {strides = array<i32>} : memref<3x4x8x1024xf32, #tpu.memory_space<vmem>>, vector<1x1x1x16xf32>,
      %parallel_loop3A_2360 = vector.shape_cast %parallel_loop3A_2359 : vector<1x1x1x16xf32> to vector<16xf32>
      %parallel_loop3A_2361 = vector.shape_cast %parallel_loop3A_2352 : vector<16xf32> to vector<1x1x1x16xf32>
      tpu.vector_store %arg7[%parallel_loop3A_2355, %parallel_loop3A_2356, %parallel_loop3A_2357, %parallel_loop3A_2358], %parallel_loop3A_2361 {strides = array<i32>} : memref<3x4x8x1024xf32, #tpu.memory_space<vmem>>, vector<1x1x1x16xf32>,
      %parallel_loop3A_2362 = arith.constant 0 : i32
      %parallel_loop3A_2363 = arith.constant 1 : i32
      %parallel_loop3A_2364 = arith.index_cast %parallel_loop3A_2362 : i32 to index
      %parallel_loop3A_2365 = arith.index_cast %parallel_loop3A_2363 : i32 to index
      %parallel_loop3A_2366 = arith.index_cast %parallel_loop3A_2330 : i32 to index
      %parallel_loop3A_2367 = arith.index_cast %parallel_loop3A_2334 : i32 to index
      %parallel_loop3A_2368 = tpu.vector_load %arg7[%parallel_loop3A_2364, %parallel_loop3A_2365, %parallel_loop3A_2366, %parallel_loop3A_2367] {strides = array<i32>} : memref<3x4x8x1024xf32, #tpu.memory_space<vmem>>, vector<1x1x1x16xf32>,
      %parallel_loop3A_2369 = vector.shape_cast %parallel_loop3A_2368 : vector<1x1x1x16xf32> to vector<16xf32>
      %parallel_loop3A_2370 = arith.constant 3.200000e+01 : f32
      %parallel_loop3A_2371 = vector.broadcast %parallel_loop3A_2370 : f32 to vector<16xf32>
      %parallel_loop3A_2372 = arith.mulf %parallel_loop3A_2369, %parallel_loop3A_2371 : vector<16xf32>
      %parallel_loop3A_2373 = arith.addf %parallel_loop3A_2372, %parallel_loop3A_2340 : vector<16xf32>
      %parallel_loop3A_2374 = arith.constant 0 : i32
      %parallel_loop3A_2375 = arith.constant 1 : i32
      %parallel_loop3A_2376 = arith.index_cast %parallel_loop3A_2374 : i32 to index
      %parallel_loop3A_2377 = arith.index_cast %parallel_loop3A_2375 : i32 to index
      %parallel_loop3A_2378 = arith.index_cast %parallel_loop3A_2330 : i32 to index
      %parallel_loop3A_2379 = arith.index_cast %parallel_loop3A_2334 : i32 to index
      %parallel_loop3A_2380 = tpu.vector_load %arg7[%parallel_loop3A_2376, %parallel_loop3A_2377, %parallel_loop3A_2378, %parallel_loop3A_2379] {strides = array<i32>} : memref<3x4x8x1024xf32, #tpu.memory_space<vmem>>, vector<1x1x1x16xf32>,
      %parallel_loop3A_2381 = vector.shape_cast %parallel_loop3A_2380 : vector<1x1x1x16xf32> to vector<16xf32>
      %parallel_loop3A_2382 = vector.shape_cast %parallel_loop3A_2373 : vector<16xf32> to vector<1x1x1x16xf32>
      tpu.vector_store %arg7[%parallel_loop3A_2376, %parallel_loop3A_2377, %parallel_loop3A_2378, %parallel_loop3A_2379], %parallel_loop3A_2382 {strides = array<i32>} : memref<3x4x8x1024xf32, #tpu.memory_space<vmem>>, vector<1x1x1x16xf32>,
      %parallel_loop3A_2383 = arith.constant 0 : i32
      %parallel_loop3A_2384 = arith.constant 2 : i32
      %parallel_loop3A_2385 = arith.index_cast %parallel_loop3A_2383 : i32 to index
      %parallel_loop3A_2386 = arith.index_cast %parallel_loop3A_2384 : i32 to index
      %parallel_loop3A_2387 = arith.index_cast %parallel_loop3A_2330 : i32 to index
      %parallel_loop3A_2388 = arith.index_cast %parallel_loop3A_2334 : i32 to index
      %parallel_loop3A_2389 = tpu.vector_load %arg7[%parallel_loop3A_2385, %parallel_loop3A_2386, %parallel_loop3A_2387, %parallel_loop3A_2388] {strides = array<i32>} : memref<3x4x8x1024xf32, #tpu.memory_space<vmem>>, vector<1x1x1x16xf32>,
      %parallel_loop3A_2390 = vector.shape_cast %parallel_loop3A_2389 : vector<1x1x1x16xf32> to vector<16xf32>
      %parallel_loop3A_2391 = arith.constant 3.200000e+01 : f32
      %parallel_loop3A_2392 = vector.broadcast %parallel_loop3A_2391 : f32 to vector<16xf32>
      %parallel_loop3A_2393 = arith.mulf %parallel_loop3A_2390, %parallel_loop3A_2392 : vector<16xf32>
      %parallel_loop3A_2394 = arith.addf %parallel_loop3A_2393, %parallel_loop3A_2340 : vector<16xf32>
      %parallel_loop3A_2395 = arith.constant 0 : i32
      %parallel_loop3A_2396 = arith.constant 2 : i32
      %parallel_loop3A_2397 = arith.index_cast %parallel_loop3A_2395 : i32 to index
      %parallel_loop3A_2398 = arith.index_cast %parallel_loop3A_2396 : i32 to index
      %parallel_loop3A_2399 = arith.index_cast %parallel_loop3A_2330 : i32 to index
      %parallel_loop3A_2400 = arith.index_cast %parallel_loop3A_2334 : i32 to index
      %parallel_loop3A_2401 = tpu.vector_load %arg7[%parallel_loop3A_2397, %parallel_loop3A_2398, %parallel_loop3A_2399, %parallel_loop3A_2400] {strides = array<i32>} : memref<3x4x8x1024xf32, #tpu.memory_space<vmem>>, vector<1x1x1x16xf32>,
      %parallel_loop3A_2402 = vector.shape_cast %parallel_loop3A_2401 : vector<1x1x1x16xf32> to vector<16xf32>
      %parallel_loop3A_2403 = vector.shape_cast %parallel_loop3A_2394 : vector<16xf32> to vector<1x1x1x16xf32>
      tpu.vector_store %arg7[%parallel_loop3A_2397, %parallel_loop3A_2398, %parallel_loop3A_2399, %parallel_loop3A_2400], %parallel_loop3A_2403 {strides = array<i32>} : memref<3x4x8x1024xf32, #tpu.memory_space<vmem>>, vector<1x1x1x16xf32>,
      %parallel_loop3A_2404 = arith.constant 0 : i32
      %parallel_loop3A_2405 = arith.constant 3 : i32
      %parallel_loop3A_2406 = arith.index_cast %parallel_loop3A_2404 : i32 to index
      %parallel_loop3A_2407 = arith.index_cast %parallel_loop3A_2405 : i32 to index
      %parallel_loop3A_2408 = arith.index_cast %parallel_loop3A_2330 : i32 to index
      %parallel_loop3A_2409 = arith.index_cast %parallel_loop3A_2334 : i32 to index
      %parallel_loop3A_2410 = tpu.vector_load %arg7[%parallel_loop3A_2406, %parallel_loop3A_2407, %parallel_loop3A_2408, %parallel_loop3A_2409] {strides = array<i32>} : memref<3x4x8x1024xf32, #tpu.memory_space<vmem>>, vector<1x1x1x16xf32>,
      %parallel_loop3A_2411 = vector.shape_cast %parallel_loop3A_2410 : vector<1x1x1x16xf32> to vector<16xf32>
      %parallel_loop3A_2412 = arith.constant 3.200000e+01 : f32
      %parallel_loop3A_2413 = vector.broadcast %parallel_loop3A_2412 : f32 to vector<16xf32>
      %parallel_loop3A_2414 = arith.mulf %parallel_loop3A_2411, %parallel_loop3A_2413 : vector<16xf32>
      %parallel_loop3A_2415 = arith.addf %parallel_loop3A_2414, %parallel_loop3A_2340 : vector<16xf32>
      %parallel_loop3A_2416 = arith.constant 0 : i32
      %parallel_loop3A_2417 = arith.constant 3 : i32
      %parallel_loop3A_2418 = arith.index_cast %parallel_loop3A_2416 : i32 to index
      %parallel_loop3A_2419 = arith.index_cast %parallel_loop3A_2417 : i32 to index
      %parallel_loop3A_2420 = arith.index_cast %parallel_loop3A_2330 : i32 to index
      %parallel_loop3A_2421 = arith.index_cast %parallel_loop3A_2334 : i32 to index
      %parallel_loop3A_2422 = tpu.vector_load %arg7[%parallel_loop3A_2418, %parallel_loop3A_2419, %parallel_loop3A_2420, %parallel_loop3A_2421] {strides = array<i32>} : memref<3x4x8x1024xf32, #tpu.memory_space<vmem>>, vector<1x1x1x16xf32>,
      %parallel_loop3A_2423 = vector.shape_cast %parallel_loop3A_2422 : vector<1x1x1x16xf32> to vector<16xf32>
      %parallel_loop3A_2424 = vector.shape_cast %parallel_loop3A_2415 : vector<16xf32> to vector<1x1x1x16xf32>
      tpu.vector_store %arg7[%parallel_loop3A_2418, %parallel_loop3A_2419, %parallel_loop3A_2420, %parallel_loop3A_2421], %parallel_loop3A_2424 {strides = array<i32>} : memref<3x4x8x1024xf32, #tpu.memory_space<vmem>>, vector<1x1x1x16xf32>,
    } {sc.loop_unroll_factor = 2 : i64, sc.parallel_access}
    %add3A_1202 = arith.constant 24 : i32
    %add3A_1203 = arith.addi %mul3A_2, %add3A_1202 : i32
    %dma_start3A_1204 = arith.constant 0 : i32
    %dma_start3A_1205 = arith.constant 0 : i32
    %dma_start3A_1206 = arith.constant 0 : i32
    %dma_start3A_1207 = arith.constant 0 : i32
    %dma_start3A_1208 = arith.constant 0 : i32
    %dma_start3A_1209 = tpu.memref_slice %arg7[%dma_start3A_1204, %dma_start3A_1205, %dma_start3A_1207, %dma_start3A_1208] : memref<3x4x8x1024xf32, #tpu.memory_space<vmem>> -> memref<1x1x8x1024xf32, #tpu.memory_space<vmem>>
    %dma_start3A_1210 = tpu.memref_squeeze %dma_start3A_1209 : memref<1x1x8x1024xf32, #tpu.memory_space<vmem>> -> memref<8x1024xf32, #tpu.memory_space<vmem>>
    %dma_start3A_1211 = arith.constant 0 : i32
    %dma_start3A_1212 = tpu.memref_slice %arg5[%dma_start3A_1206, %add3A_1203, %dma_start3A_1211] : memref<4x2048x1024xf32, #tpu.memory_space<hbm>> -> memref<1x8x1024xf32, #tpu.memory_space<hbm>>
    %dma_start3A_1213 = tpu.memref_squeeze %dma_start3A_1212 : memref<1x8x1024xf32, #tpu.memory_space<hbm>> -> memref<8x1024xf32, #tpu.memory_space<hbm>>
    %dma_start3A_1214 = arith.constant 0 : i32
    %dma_start3A_1215 = tpu.memref_slice %arg5[%dma_start3A_1206, %add3A_1203, %dma_start3A_1214] : memref<4x2048x1024xf32, #tpu.memory_space<hbm>> -> memref<1x8x1024xf32, #tpu.memory_space<hbm>>
    %dma_start3A_1216 = tpu.memref_squeeze %dma_start3A_1215 : memref<1x8x1024xf32, #tpu.memory_space<hbm>> -> memref<8x1024xf32, #tpu.memory_space<hbm>>
    %dma_start3A_1217 = arith.constant 0 : i32
    %dma_start3A_1218 = arith.constant 0 : i32
    %dma_start3A_1219 = tpu.memref_slice %arg7[%dma_start3A_1204, %dma_start3A_1205, %dma_start3A_1217, %dma_start3A_1218] : memref<3x4x8x1024xf32, #tpu.memory_space<vmem>> -> memref<1x1x8x1024xf32, #tpu.memory_space<vmem>>
    %dma_start3A_1220 = tpu.memref_squeeze %dma_start3A_1219 : memref<1x1x8x1024xf32, #tpu.memory_space<vmem>> -> memref<8x1024xf32, #tpu.memory_space<vmem>>
    tpu.enqueue_dma source(%dma_start3A_1220 : memref<8x1024xf32, #tpu.memory_space<vmem>>) target(%dma_start3A_1216 : memref<8x1024xf32, #tpu.memory_space<hbm>>) target_semaphore(%arg12 : memref<!tpu.dma_semaphore, #tpu.memory_space<semaphore_mem>>)
    %add3A_1221 = arith.constant 24 : i32
    %add3A_1222 = arith.addi %mul3A_2, %add3A_1221 : i32
    %dma_start3A_1223 = arith.constant 0 : i32
    %dma_start3A_1224 = arith.constant 1 : i32
    %dma_start3A_1225 = arith.constant 1 : i32
    %dma_start3A_1226 = arith.constant 0 : i32
    %dma_start3A_1227 = arith.constant 0 : i32
    %dma_start3A_1228 = tpu.memref_slice %arg7[%dma_start3A_1223, %dma_start3A_1224, %dma_start3A_1226, %dma_start3A_1227] : memref<3x4x8x1024xf32, #tpu.memory_space<vmem>> -> memref<1x1x8x1024xf32, #tpu.memory_space<vmem>>
    %dma_start3A_1229 = tpu.memref_squeeze %dma_start3A_1228 : memref<1x1x8x1024xf32, #tpu.memory_space<vmem>> -> memref<8x1024xf32, #tpu.memory_space<vmem>>
    %dma_start3A_1230 = arith.constant 0 : i32
    %dma_start3A_1231 = tpu.memref_slice %arg5[%dma_start3A_1225, %add3A_1222, %dma_start3A_1230] : memref<4x2048x1024xf32, #tpu.memory_space<hbm>> -> memref<1x8x1024xf32, #tpu.memory_space<hbm>>
    %dma_start3A_1232 = tpu.memref_squeeze %dma_start3A_1231 : memref<1x8x1024xf32, #tpu.memory_space<hbm>> -> memref<8x1024xf32, #tpu.memory_space<hbm>>
    %dma_start3A_1233 = arith.constant 0 : i32
    %dma_start3A_1234 = tpu.memref_slice %arg5[%dma_start3A_1225, %add3A_1222, %dma_start3A_1233] : memref<4x2048x1024xf32, #tpu.memory_space<hbm>> -> memref<1x8x1024xf32, #tpu.memory_space<hbm>>
    %dma_start3A_1235 = tpu.memref_squeeze %dma_start3A_1234 : memref<1x8x1024xf32, #tpu.memory_space<hbm>> -> memref<8x1024xf32, #tpu.memory_space<hbm>>
    %dma_start3A_1236 = arith.constant 0 : i32
    %dma_start3A_1237 = arith.constant 0 : i32
    %dma_start3A_1238 = tpu.memref_slice %arg7[%dma_start3A_1223, %dma_start3A_1224, %dma_start3A_1236, %dma_start3A_1237] : memref<3x4x8x1024xf32, #tpu.memory_space<vmem>> -> memref<1x1x8x1024xf32, #tpu.memory_space<vmem>>
    %dma_start3A_1239 = tpu.memref_squeeze %dma_start3A_1238 : memref<1x1x8x1024xf32, #tpu.memory_space<vmem>> -> memref<8x1024xf32, #tpu.memory_space<vmem>>
    tpu.enqueue_dma source(%dma_start3A_1239 : memref<8x1024xf32, #tpu.memory_space<vmem>>) target(%dma_start3A_1235 : memref<8x1024xf32, #tpu.memory_space<hbm>>) target_semaphore(%arg12 : memref<!tpu.dma_semaphore, #tpu.memory_space<semaphore_mem>>)
    %add3A_1240 = arith.constant 24 : i32
    %add3A_1241 = arith.addi %mul3A_2, %add3A_1240 : i32
    %dma_start3A_1242 = arith.constant 0 : i32
    %dma_start3A_1243 = arith.constant 2 : i32
    %dma_start3A_1244 = arith.constant 2 : i32
    %dma_start3A_1245 = arith.constant 0 : i32
    %dma_start3A_1246 = arith.constant 0 : i32
    %dma_start3A_1247 = tpu.memref_slice %arg7[%dma_start3A_1242, %dma_start3A_1243, %dma_start3A_1245, %dma_start3A_1246] : memref<3x4x8x1024xf32, #tpu.memory_space<vmem>> -> memref<1x1x8x1024xf32, #tpu.memory_space<vmem>>
    %dma_start3A_1248 = tpu.memref_squeeze %dma_start3A_1247 : memref<1x1x8x1024xf32, #tpu.memory_space<vmem>> -> memref<8x1024xf32, #tpu.memory_space<vmem>>
    %dma_start3A_1249 = arith.constant 0 : i32
    %dma_start3A_1250 = tpu.memref_slice %arg5[%dma_start3A_1244, %add3A_1241, %dma_start3A_1249] : memref<4x2048x1024xf32, #tpu.memory_space<hbm>> -> memref<1x8x1024xf32, #tpu.memory_space<hbm>>
    %dma_start3A_1251 = tpu.memref_squeeze %dma_start3A_1250 : memref<1x8x1024xf32, #tpu.memory_space<hbm>> -> memref<8x1024xf32, #tpu.memory_space<hbm>>
    %dma_start3A_1252 = arith.constant 0 : i32
    %dma_start3A_1253 = tpu.memref_slice %arg5[%dma_start3A_1244, %add3A_1241, %dma_start3A_1252] : memref<4x2048x1024xf32, #tpu.memory_space<hbm>> -> memref<1x8x1024xf32, #tpu.memory_space<hbm>>
    %dma_start3A_1254 = tpu.memref_squeeze %dma_start3A_1253 : memref<1x8x1024xf32, #tpu.memory_space<hbm>> -> memref<8x1024xf32, #tpu.memory_space<hbm>>
    %dma_start3A_1255 = arith.constant 0 : i32
    %dma_start3A_1256 = arith.constant 0 : i32
    %dma_start3A_1257 = tpu.memref_slice %arg7[%dma_start3A_1242, %dma_start3A_1243, %dma_start3A_1255, %dma_start3A_1256] : memref<3x4x8x1024xf32, #tpu.memory_space<vmem>> -> memref<1x1x8x1024xf32, #tpu.memory_space<vmem>>
    %dma_start3A_1258 = tpu.memref_squeeze %dma_start3A_1257 : memref<1x1x8x1024xf32, #tpu.memory_space<vmem>> -> memref<8x1024xf32, #tpu.memory_space<vmem>>
    tpu.enqueue_dma source(%dma_start3A_1258 : memref<8x1024xf32, #tpu.memory_space<vmem>>) target(%dma_start3A_1254 : memref<8x1024xf32, #tpu.memory_space<hbm>>) target_semaphore(%arg12 : memref<!tpu.dma_semaphore, #tpu.memory_space<semaphore_mem>>)
    %add3A_1259 = arith.constant 24 : i32
    %add3A_1260 = arith.addi %mul3A_2, %add3A_1259 : i32
    %dma_start3A_1261 = arith.constant 0 : i32
    %dma_start3A_1262 = arith.constant 3 : i32
    %dma_start3A_1263 = arith.constant 3 : i32
    %dma_start3A_1264 = arith.constant 0 : i32
    %dma_start3A_1265 = arith.constant 0 : i32
    %dma_start3A_1266 = tpu.memref_slice %arg7[%dma_start3A_1261, %dma_start3A_1262, %dma_start3A_1264, %dma_start3A_1265] : memref<3x4x8x1024xf32, #tpu.memory_space<vmem>> -> memref<1x1x8x1024xf32, #tpu.memory_space<vmem>>
    %dma_start3A_1267 = tpu.memref_squeeze %dma_start3A_1266 : memref<1x1x8x1024xf32, #tpu.memory_space<vmem>> -> memref<8x1024xf32, #tpu.memory_space<vmem>>
    %dma_start3A_1268 = arith.constant 0 : i32
    %dma_start3A_1269 = tpu.memref_slice %arg5[%dma_start3A_1263, %add3A_1260, %dma_start3A_1268] : memref<4x2048x1024xf32, #tpu.memory_space<hbm>> -> memref<1x8x1024xf32, #tpu.memory_space<hbm>>
    %dma_start3A_1270 = tpu.memref_squeeze %dma_start3A_1269 : memref<1x8x1024xf32, #tpu.memory_space<hbm>> -> memref<8x1024xf32, #tpu.memory_space<hbm>>
    %dma_start3A_1271 = arith.constant 0 : i32
    %dma_start3A_1272 = tpu.memref_slice %arg5[%dma_start3A_1263, %add3A_1260, %dma_start3A_1271] : memref<4x2048x1024xf32, #tpu.memory_space<hbm>> -> memref<1x8x1024xf32, #tpu.memory_space<hbm>>
    %dma_start3A_1273 = tpu.memref_squeeze %dma_start3A_1272 : memref<1x8x1024xf32, #tpu.memory_space<hbm>> -> memref<8x1024xf32, #tpu.memory_space<hbm>>
    %dma_start3A_1274 = arith.constant 0 : i32
    %dma_start3A_1275 = arith.constant 0 : i32
    %dma_start3A_1276 = tpu.memref_slice %arg7[%dma_start3A_1261, %dma_start3A_1262, %dma_start3A_1274, %dma_start3A_1275] : memref<3x4x8x1024xf32, #tpu.memory_space<vmem>> -> memref<1x1x8x1024xf32, #tpu.memory_space<vmem>>
    %dma_start3A_1277 = tpu.memref_squeeze %dma_start3A_1276 : memref<1x1x8x1024xf32, #tpu.memory_space<vmem>> -> memref<8x1024xf32, #tpu.memory_space<vmem>>
    tpu.enqueue_dma source(%dma_start3A_1277 : memref<8x1024xf32, #tpu.memory_space<vmem>>) target(%dma_start3A_1273 : memref<8x1024xf32, #tpu.memory_space<hbm>>) target_semaphore(%arg12 : memref<!tpu.dma_semaphore, #tpu.memory_space<semaphore_mem>>)
    %dma_wait3A_1278 = arith.constant 0 : i32
    %dma_wait3A_1279 = arith.constant 0 : i32
    %dma_wait3A_1280 = arith.constant 0 : i32
    %dma_wait3A_1281 = arith.constant 0 : i32
    %dma_wait3A_1282 = arith.constant 0 : i32
    %dma_wait3A_1283 = tpu.memref_slice %arg7[%dma_wait3A_1278, %dma_wait3A_1279, %dma_wait3A_1281, %dma_wait3A_1282] : memref<3x4x8x1024xf32, #tpu.memory_space<vmem>> -> memref<1x1x8x1024xf32, #tpu.memory_space<vmem>>
    %dma_wait3A_1284 = tpu.memref_squeeze %dma_wait3A_1283 : memref<1x1x8x1024xf32, #tpu.memory_space<vmem>> -> memref<8x1024xf32, #tpu.memory_space<vmem>>
    %dma_wait3A_1285 = arith.constant 0 : i32
    %dma_wait3A_1286 = tpu.memref_slice %arg5[%dma_wait3A_1280, %add3A_1203, %dma_wait3A_1285] : memref<4x2048x1024xf32, #tpu.memory_space<hbm>> -> memref<1x8x1024xf32, #tpu.memory_space<hbm>>
    %dma_wait3A_1287 = tpu.memref_squeeze %dma_wait3A_1286 : memref<1x8x1024xf32, #tpu.memory_space<hbm>> -> memref<8x1024xf32, #tpu.memory_space<hbm>>
    %dma_wait3A_1288 = arith.constant 0 : i32
    %dma_wait3A_1289 = tpu.memref_slice %arg5[%dma_wait3A_1280, %add3A_1203, %dma_wait3A_1288] : memref<4x2048x1024xf32, #tpu.memory_space<hbm>> -> memref<1x8x1024xf32, #tpu.memory_space<hbm>>
    %dma_wait3A_1290 = tpu.memref_squeeze %dma_wait3A_1289 : memref<1x8x1024xf32, #tpu.memory_space<hbm>> -> memref<8x1024xf32, #tpu.memory_space<hbm>>
    %dma_wait3A_1291 = arith.constant 0 : i32
    %dma_wait3A_1292 = arith.constant 0 : i32
    %dma_wait3A_1293 = tpu.memref_slice %arg7[%dma_wait3A_1278, %dma_wait3A_1279, %dma_wait3A_1291, %dma_wait3A_1292] : memref<3x4x8x1024xf32, #tpu.memory_space<vmem>> -> memref<1x1x8x1024xf32, #tpu.memory_space<vmem>>
    %dma_wait3A_1294 = tpu.memref_squeeze %dma_wait3A_1293 : memref<1x1x8x1024xf32, #tpu.memory_space<vmem>> -> memref<8x1024xf32, #tpu.memory_space<vmem>>
    tpu.wait_dma2 semaphore(%arg12 : memref<!tpu.dma_semaphore, #tpu.memory_space<semaphore_mem>>) src(%dma_wait3A_1294 : memref<8x1024xf32, #tpu.memory_space<vmem>>) dst(%dma_wait3A_1290 : memref<8x1024xf32, #tpu.memory_space<hbm>>)
    %dma_wait3A_1295 = arith.constant 0 : i32
    %dma_wait3A_1296 = arith.constant 1 : i32
    %dma_wait3A_1297 = arith.constant 1 : i32
    %dma_wait3A_1298 = arith.constant 0 : i32
    %dma_wait3A_1299 = arith.constant 0 : i32
    %dma_wait3A_1300 = tpu.memref_slice %arg7[%dma_wait3A_1295, %dma_wait3A_1296, %dma_wait3A_1298, %dma_wait3A_1299] : memref<3x4x8x1024xf32, #tpu.memory_space<vmem>> -> memref<1x1x8x1024xf32, #tpu.memory_space<vmem>>
    %dma_wait3A_1301 = tpu.memref_squeeze %dma_wait3A_1300 : memref<1x1x8x1024xf32, #tpu.memory_space<vmem>> -> memref<8x1024xf32, #tpu.memory_space<vmem>>
    %dma_wait3A_1302 = arith.constant 0 : i32
    %dma_wait3A_1303 = tpu.memref_slice %arg5[%dma_wait3A_1297, %add3A_1222, %dma_wait3A_1302] : memref<4x2048x1024xf32, #tpu.memory_space<hbm>> -> memref<1x8x1024xf32, #tpu.memory_space<hbm>>
    %dma_wait3A_1304 = tpu.memref_squeeze %dma_wait3A_1303 : memref<1x8x1024xf32, #tpu.memory_space<hbm>> -> memref<8x1024xf32, #tpu.memory_space<hbm>>
    %dma_wait3A_1305 = arith.constant 0 : i32
    %dma_wait3A_1306 = tpu.memref_slice %arg5[%dma_wait3A_1297, %add3A_1222, %dma_wait3A_1305] : memref<4x2048x1024xf32, #tpu.memory_space<hbm>> -> memref<1x8x1024xf32, #tpu.memory_space<hbm>>
    %dma_wait3A_1307 = tpu.memref_squeeze %dma_wait3A_1306 : memref<1x8x1024xf32, #tpu.memory_space<hbm>> -> memref<8x1024xf32, #tpu.memory_space<hbm>>
    %dma_wait3A_1308 = arith.constant 0 : i32
    %dma_wait3A_1309 = arith.constant 0 : i32
    %dma_wait3A_1310 = tpu.memref_slice %arg7[%dma_wait3A_1295, %dma_wait3A_1296, %dma_wait3A_1308, %dma_wait3A_1309] : memref<3x4x8x1024xf32, #tpu.memory_space<vmem>> -> memref<1x1x8x1024xf32, #tpu.memory_space<vmem>>
    %dma_wait3A_1311 = tpu.memref_squeeze %dma_wait3A_1310 : memref<1x1x8x1024xf32, #tpu.memory_space<vmem>> -> memref<8x1024xf32, #tpu.memory_space<vmem>>
    tpu.wait_dma2 semaphore(%arg12 : memref<!tpu.dma_semaphore, #tpu.memory_space<semaphore_mem>>) src(%dma_wait3A_1311 : memref<8x1024xf32, #tpu.memory_space<vmem>>) dst(%dma_wait3A_1307 : memref<8x1024xf32, #tpu.memory_space<hbm>>)
    %dma_wait3A_1312 = arith.constant 0 : i32
    %dma_wait3A_1313 = arith.constant 2 : i32
    %dma_wait3A_1314 = arith.constant 2 : i32
    %dma_wait3A_1315 = arith.constant 0 : i32
    %dma_wait3A_1316 = arith.constant 0 : i32
    %dma_wait3A_1317 = tpu.memref_slice %arg7[%dma_wait3A_1312, %dma_wait3A_1313, %dma_wait3A_1315, %dma_wait3A_1316] : memref<3x4x8x1024xf32, #tpu.memory_space<vmem>> -> memref<1x1x8x1024xf32, #tpu.memory_space<vmem>>
    %dma_wait3A_1318 = tpu.memref_squeeze %dma_wait3A_1317 : memref<1x1x8x1024xf32, #tpu.memory_space<vmem>> -> memref<8x1024xf32, #tpu.memory_space<vmem>>
    %dma_wait3A_1319 = arith.constant 0 : i32
    %dma_wait3A_1320 = tpu.memref_slice %arg5[%dma_wait3A_1314, %add3A_1241, %dma_wait3A_1319] : memref<4x2048x1024xf32, #tpu.memory_space<hbm>> -> memref<1x8x1024xf32, #tpu.memory_space<hbm>>
    %dma_wait3A_1321 = tpu.memref_squeeze %dma_wait3A_1320 : memref<1x8x1024xf32, #tpu.memory_space<hbm>> -> memref<8x1024xf32, #tpu.memory_space<hbm>>
    %dma_wait3A_1322 = arith.constant 0 : i32
    %dma_wait3A_1323 = tpu.memref_slice %arg5[%dma_wait3A_1314, %add3A_1241, %dma_wait3A_1322] : memref<4x2048x1024xf32, #tpu.memory_space<hbm>> -> memref<1x8x1024xf32, #tpu.memory_space<hbm>>
    %dma_wait3A_1324 = tpu.memref_squeeze %dma_wait3A_1323 : memref<1x8x1024xf32, #tpu.memory_space<hbm>> -> memref<8x1024xf32, #tpu.memory_space<hbm>>
    %dma_wait3A_1325 = arith.constant 0 : i32
    %dma_wait3A_1326 = arith.constant 0 : i32
    %dma_wait3A_1327 = tpu.memref_slice %arg7[%dma_wait3A_1312, %dma_wait3A_1313, %dma_wait3A_1325, %dma_wait3A_1326] : memref<3x4x8x1024xf32, #tpu.memory_space<vmem>> -> memref<1x1x8x1024xf32, #tpu.memory_space<vmem>>
    %dma_wait3A_1328 = tpu.memref_squeeze %dma_wait3A_1327 : memref<1x1x8x1024xf32, #tpu.memory_space<vmem>> -> memref<8x1024xf32, #tpu.memory_space<vmem>>
    tpu.wait_dma2 semaphore(%arg12 : memref<!tpu.dma_semaphore, #tpu.memory_space<semaphore_mem>>) src(%dma_wait3A_1328 : memref<8x1024xf32, #tpu.memory_space<vmem>>) dst(%dma_wait3A_1324 : memref<8x1024xf32, #tpu.memory_space<hbm>>)
    %dma_wait3A_1329 = arith.constant 0 : i32
    %dma_wait3A_1330 = arith.constant 3 : i32
    %dma_wait3A_1331 = arith.constant 3 : i32
    %dma_wait3A_1332 = arith.constant 0 : i32
    %dma_wait3A_1333 = arith.constant 0 : i32
    %dma_wait3A_1334 = tpu.memref_slice %arg7[%dma_wait3A_1329, %dma_wait3A_1330, %dma_wait3A_1332, %dma_wait3A_1333] : memref<3x4x8x1024xf32, #tpu.memory_space<vmem>> -> memref<1x1x8x1024xf32, #tpu.memory_space<vmem>>
    %dma_wait3A_1335 = tpu.memref_squeeze %dma_wait3A_1334 : memref<1x1x8x1024xf32, #tpu.memory_space<vmem>> -> memref<8x1024xf32, #tpu.memory_space<vmem>>
    %dma_wait3A_1336 = arith.constant 0 : i32
    %dma_wait3A_1337 = tpu.memref_slice %arg5[%dma_wait3A_1331, %add3A_1260, %dma_wait3A_1336] : memref<4x2048x1024xf32, #tpu.memory_space<hbm>> -> memref<1x8x1024xf32, #tpu.memory_space<hbm>>
    %dma_wait3A_1338 = tpu.memref_squeeze %dma_wait3A_1337 : memref<1x8x1024xf32, #tpu.memory_space<hbm>> -> memref<8x1024xf32, #tpu.memory_space<hbm>>
    %dma_wait3A_1339 = arith.constant 0 : i32
    %dma_wait3A_1340 = tpu.memref_slice %arg5[%dma_wait3A_1331, %add3A_1260, %dma_wait3A_1339] : memref<4x2048x1024xf32, #tpu.memory_space<hbm>> -> memref<1x8x1024xf32, #tpu.memory_space<hbm>>
    %dma_wait3A_1341 = tpu.memref_squeeze %dma_wait3A_1340 : memref<1x8x1024xf32, #tpu.memory_space<hbm>> -> memref<8x1024xf32, #tpu.memory_space<hbm>>
    %dma_wait3A_1342 = arith.constant 0 : i32
    %dma_wait3A_1343 = arith.constant 0 : i32
    %dma_wait3A_1344 = tpu.memref_slice %arg7[%dma_wait3A_1329, %dma_wait3A_1330, %dma_wait3A_1342, %dma_wait3A_1343] : memref<3x4x8x1024xf32, #tpu.memory_space<vmem>> -> memref<1x1x8x1024xf32, #tpu.memory_space<vmem>>
    %dma_wait3A_1345 = tpu.memref_squeeze %dma_wait3A_1344 : memref<1x1x8x1024xf32, #tpu.memory_space<vmem>> -> memref<8x1024xf32, #tpu.memory_space<vmem>>
    tpu.wait_dma2 semaphore(%arg12 : memref<!tpu.dma_semaphore, #tpu.memory_space<semaphore_mem>>) src(%dma_wait3A_1345 : memref<8x1024xf32, #tpu.memory_space<vmem>>) dst(%dma_wait3A_1341 : memref<8x1024xf32, #tpu.memory_space<hbm>>)
    %dma_start3A_1346 = arith.constant 0 : i32
    %dma_start3A_1347 = arith.constant 0 : i32
    %dma_start3A_1348 = arith.constant 0 : i32
    %dma_start3A_1349 = arith.constant 0 : i32
    %dma_start3A_1350 = arith.constant 0 : i32
    %dma_start3A_1351 = tpu.memref_slice %arg7[%dma_start3A_1347, %dma_start3A_1348, %dma_start3A_1349, %dma_start3A_1350] : memref<3x4x8x1024xf32, #tpu.memory_space<vmem>> -> memref<1x1x8x1024xf32, #tpu.memory_space<vmem>>
    %dma_start3A_1352 = tpu.memref_squeeze %dma_start3A_1351 : memref<1x1x8x1024xf32, #tpu.memory_space<vmem>> -> memref<8x1024xf32, #tpu.memory_space<vmem>>
    %dma_start3A_1353 = arith.constant 48 : i32
    %dma_start3A_1354 = tpu.memref_slice %arg6[%dma_start3A_1346, %dma_start3A_1353] : memref<4x64xi32, #tpu.memory_space<vmem>> -> memref<1x8xi32, #tpu.memory_space<vmem>>
    %dma_start3A_1355 = tpu.memref_squeeze %dma_start3A_1354 : memref<1x8xi32, #tpu.memory_space<vmem>> -> memref<8xi32, #tpu.memory_space<vmem>>
    %dma_start3A_1356 = arith.constant 0 : i32
    %dma_start3A_1357 = arith.constant 0 : i32
    %dma_start3A_1358 = tpu.memref_slice %arg3[%dma_start3A_1356, %dma_start3A_1357] : memref<100000x1024xf32, #tpu.memory_space<hbm>> -> memref<100000x1024xf32, #tpu.memory_space<hbm>>
    tpu.enqueue_indirect_dma source(%dma_start3A_1358 : memref<100000x1024xf32, #tpu.memory_space<hbm>>) target(%dma_start3A_1352 : memref<8x1024xf32, #tpu.memory_space<vmem>>) offsets(%dma_start3A_1355 : memref<8xi32, #tpu.memory_space<vmem>>) semaphore(%arg9 : memref<!tpu.dma_semaphore, #tpu.memory_space<semaphore_mem>>)
    %dma_start3A_1359 = arith.constant 1 : i32
    %dma_start3A_1360 = arith.constant 0 : i32
    %dma_start3A_1361 = arith.constant 1 : i32
    %dma_start3A_1362 = arith.constant 0 : i32
    %dma_start3A_1363 = arith.constant 0 : i32
    %dma_start3A_1364 = tpu.memref_slice %arg7[%dma_start3A_1360, %dma_start3A_1361, %dma_start3A_1362, %dma_start3A_1363] : memref<3x4x8x1024xf32, #tpu.memory_space<vmem>> -> memref<1x1x8x1024xf32, #tpu.memory_space<vmem>>
    %dma_start3A_1365 = tpu.memref_squeeze %dma_start3A_1364 : memref<1x1x8x1024xf32, #tpu.memory_space<vmem>> -> memref<8x1024xf32, #tpu.memory_space<vmem>>
    %dma_start3A_1366 = arith.constant 48 : i32
    %dma_start3A_1367 = tpu.memref_slice %arg6[%dma_start3A_1359, %dma_start3A_1366] : memref<4x64xi32, #tpu.memory_space<vmem>> -> memref<1x8xi32, #tpu.memory_space<vmem>>
    %dma_start3A_1368 = tpu.memref_squeeze %dma_start3A_1367 : memref<1x8xi32, #tpu.memory_space<vmem>> -> memref<8xi32, #tpu.memory_space<vmem>>
    %dma_start3A_1369 = arith.constant 0 : i32
    %dma_start3A_1370 = arith.constant 0 : i32
    %dma_start3A_1371 = tpu.memref_slice %arg3[%dma_start3A_1369, %dma_start3A_1370] : memref<100000x1024xf32, #tpu.memory_space<hbm>> -> memref<100000x1024xf32, #tpu.memory_space<hbm>>
    tpu.enqueue_indirect_dma source(%dma_start3A_1371 : memref<100000x1024xf32, #tpu.memory_space<hbm>>) target(%dma_start3A_1365 : memref<8x1024xf32, #tpu.memory_space<vmem>>) offsets(%dma_start3A_1368 : memref<8xi32, #tpu.memory_space<vmem>>) semaphore(%arg9 : memref<!tpu.dma_semaphore, #tpu.memory_space<semaphore_mem>>)
    %dma_start3A_1372 = arith.constant 2 : i32
    %dma_start3A_1373 = arith.constant 0 : i32
    %dma_start3A_1374 = arith.constant 2 : i32
    %dma_start3A_1375 = arith.constant 0 : i32
    %dma_start3A_1376 = arith.constant 0 : i32
    %dma_start3A_1377 = tpu.memref_slice %arg7[%dma_start3A_1373, %dma_start3A_1374, %dma_start3A_1375, %dma_start3A_1376] : memref<3x4x8x1024xf32, #tpu.memory_space<vmem>> -> memref<1x1x8x1024xf32, #tpu.memory_space<vmem>>
    %dma_start3A_1378 = tpu.memref_squeeze %dma_start3A_1377 : memref<1x1x8x1024xf32, #tpu.memory_space<vmem>> -> memref<8x1024xf32, #tpu.memory_space<vmem>>
    %dma_start3A_1379 = arith.constant 48 : i32
    %dma_start3A_1380 = tpu.memref_slice %arg6[%dma_start3A_1372, %dma_start3A_1379] : memref<4x64xi32, #tpu.memory_space<vmem>> -> memref<1x8xi32, #tpu.memory_space<vmem>>
    %dma_start3A_1381 = tpu.memref_squeeze %dma_start3A_1380 : memref<1x8xi32, #tpu.memory_space<vmem>> -> memref<8xi32, #tpu.memory_space<vmem>>
    %dma_start3A_1382 = arith.constant 0 : i32
    %dma_start3A_1383 = arith.constant 0 : i32
    %dma_start3A_1384 = tpu.memref_slice %arg3[%dma_start3A_1382, %dma_start3A_1383] : memref<100000x1024xf32, #tpu.memory_space<hbm>> -> memref<100000x1024xf32, #tpu.memory_space<hbm>>
    tpu.enqueue_indirect_dma source(%dma_start3A_1384 : memref<100000x1024xf32, #tpu.memory_space<hbm>>) target(%dma_start3A_1378 : memref<8x1024xf32, #tpu.memory_space<vmem>>) offsets(%dma_start3A_1381 : memref<8xi32, #tpu.memory_space<vmem>>) semaphore(%arg9 : memref<!tpu.dma_semaphore, #tpu.memory_space<semaphore_mem>>)
    %dma_start3A_1385 = arith.constant 3 : i32
    %dma_start3A_1386 = arith.constant 0 : i32
    %dma_start3A_1387 = arith.constant 3 : i32
    %dma_start3A_1388 = arith.constant 0 : i32
    %dma_start3A_1389 = arith.constant 0 : i32
    %dma_start3A_1390 = tpu.memref_slice %arg7[%dma_start3A_1386, %dma_start3A_1387, %dma_start3A_1388, %dma_start3A_1389] : memref<3x4x8x1024xf32, #tpu.memory_space<vmem>> -> memref<1x1x8x1024xf32, #tpu.memory_space<vmem>>
    %dma_start3A_1391 = tpu.memref_squeeze %dma_start3A_1390 : memref<1x1x8x1024xf32, #tpu.memory_space<vmem>> -> memref<8x1024xf32, #tpu.memory_space<vmem>>
    %dma_start3A_1392 = arith.constant 48 : i32
    %dma_start3A_1393 = tpu.memref_slice %arg6[%dma_start3A_1385, %dma_start3A_1392] : memref<4x64xi32, #tpu.memory_space<vmem>> -> memref<1x8xi32, #tpu.memory_space<vmem>>
    %dma_start3A_1394 = tpu.memref_squeeze %dma_start3A_1393 : memref<1x8xi32, #tpu.memory_space<vmem>> -> memref<8xi32, #tpu.memory_space<vmem>>
    %dma_start3A_1395 = arith.constant 0 : i32
    %dma_start3A_1396 = arith.constant 0 : i32
    %dma_start3A_1397 = tpu.memref_slice %arg3[%dma_start3A_1395, %dma_start3A_1396] : memref<100000x1024xf32, #tpu.memory_space<hbm>> -> memref<100000x1024xf32, #tpu.memory_space<hbm>>
    tpu.enqueue_indirect_dma source(%dma_start3A_1397 : memref<100000x1024xf32, #tpu.memory_space<hbm>>) target(%dma_start3A_1391 : memref<8x1024xf32, #tpu.memory_space<vmem>>) offsets(%dma_start3A_1394 : memref<8xi32, #tpu.memory_space<vmem>>) semaphore(%arg9 : memref<!tpu.dma_semaphore, #tpu.memory_space<semaphore_mem>>)
    %add3A_1398 = arith.constant 48 : i32
    %add3A_1399 = arith.addi %mul3A_2, %add3A_1398 : i32
    %dma_start3A_1400 = arith.constant 0 : i32
    %dma_start3A_1401 = arith.constant 0 : i32
    %dma_start3A_1402 = arith.constant 0 : i32
    %dma_start3A_1403 = tpu.memref_slice %arg8[%dma_start3A_1400, %dma_start3A_1401, %dma_start3A_1402] : memref<3x8x1024xf32, #tpu.memory_space<vmem>> -> memref<1x8x1024xf32, #tpu.memory_space<vmem>>
    %dma_start3A_1404 = tpu.memref_squeeze %dma_start3A_1403 : memref<1x8x1024xf32, #tpu.memory_space<vmem>> -> memref<8x1024xf32, #tpu.memory_space<vmem>>
    %dma_start3A_1405 = arith.constant 0 : i32
    %dma_start3A_1406 = tpu.memref_slice %arg4[%add3A_1399, %dma_start3A_1405] : memref<2048x1024xf32, #tpu.memory_space<hbm>> -> memref<8x1024xf32, #tpu.memory_space<hbm>>
    %dma_start3A_1407 = arith.constant 0 : i32
    %dma_start3A_1408 = arith.constant 0 : i32
    %dma_start3A_1409 = tpu.memref_slice %arg8[%dma_start3A_1400, %dma_start3A_1407, %dma_start3A_1408] : memref<3x8x1024xf32, #tpu.memory_space<vmem>> -> memref<1x8x1024xf32, #tpu.memory_space<vmem>>
    %dma_start3A_1410 = tpu.memref_squeeze %dma_start3A_1409 : memref<1x8x1024xf32, #tpu.memory_space<vmem>> -> memref<8x1024xf32, #tpu.memory_space<vmem>>
    %dma_start3A_1411 = arith.constant 0 : i32
    %dma_start3A_1412 = tpu.memref_slice %arg4[%add3A_1399, %dma_start3A_1411] : memref<2048x1024xf32, #tpu.memory_space<hbm>> -> memref<8x1024xf32, #tpu.memory_space<hbm>>
    tpu.enqueue_dma source(%dma_start3A_1412 : memref<8x1024xf32, #tpu.memory_space<hbm>>) target(%dma_start3A_1410 : memref<8x1024xf32, #tpu.memory_space<vmem>>) target_semaphore(%arg9 : memref<!tpu.dma_semaphore, #tpu.memory_space<semaphore_mem>>)
    %dma_wait3A_1413 = arith.constant 0 : i32
    %dma_wait3A_1414 = arith.constant 1 : i32
    %dma_wait3A_1415 = arith.constant 0 : i32
    %dma_wait3A_1416 = arith.constant 0 : i32
    %dma_wait3A_1417 = arith.constant 0 : i32
    %dma_wait3A_1418 = tpu.memref_slice %arg7[%dma_wait3A_1414, %dma_wait3A_1415, %dma_wait3A_1416, %dma_wait3A_1417] : memref<3x4x8x1024xf32, #tpu.memory_space<vmem>> -> memref<1x1x8x1024xf32, #tpu.memory_space<vmem>>
    %dma_wait3A_1419 = tpu.memref_squeeze %dma_wait3A_1418 : memref<1x1x8x1024xf32, #tpu.memory_space<vmem>> -> memref<8x1024xf32, #tpu.memory_space<vmem>>
    %dma_wait3A_1420 = arith.constant 32 : i32
    %dma_wait3A_1421 = tpu.memref_slice %arg6[%dma_wait3A_1413, %dma_wait3A_1420] : memref<4x64xi32, #tpu.memory_space<vmem>> -> memref<1x8xi32, #tpu.memory_space<vmem>>
    %dma_wait3A_1422 = tpu.memref_squeeze %dma_wait3A_1421 : memref<1x8xi32, #tpu.memory_space<vmem>> -> memref<8xi32, #tpu.memory_space<vmem>>
    %dma_wait3A_1423 = arith.constant 0 : i32
    %dma_wait3A_1424 = arith.constant 0 : i32
    %dma_wait3A_1425 = tpu.memref_slice %arg3[%dma_wait3A_1423, %dma_wait3A_1424] : memref<100000x1024xf32, #tpu.memory_space<hbm>> -> memref<100000x1024xf32, #tpu.memory_space<hbm>>
    tpu.wait_indirect_dma semaphore(%arg10 : memref<!tpu.dma_semaphore, #tpu.memory_space<semaphore_mem>>) src(%dma_wait3A_1425 : memref<100000x1024xf32, #tpu.memory_space<hbm>>) dst(%dma_wait3A_1419 : memref<8x1024xf32, #tpu.memory_space<vmem>>)
    %dma_wait3A_1426 = arith.constant 1 : i32
    %dma_wait3A_1427 = arith.constant 1 : i32
    %dma_wait3A_1428 = arith.constant 1 : i32
    %dma_wait3A_1429 = arith.constant 0 : i32
    %dma_wait3A_1430 = arith.constant 0 : i32
    %dma_wait3A_1431 = tpu.memref_slice %arg7[%dma_wait3A_1427, %dma_wait3A_1428, %dma_wait3A_1429, %dma_wait3A_1430] : memref<3x4x8x1024xf32, #tpu.memory_space<vmem>> -> memref<1x1x8x1024xf32, #tpu.memory_space<vmem>>
    %dma_wait3A_1432 = tpu.memref_squeeze %dma_wait3A_1431 : memref<1x1x8x1024xf32, #tpu.memory_space<vmem>> -> memref<8x1024xf32, #tpu.memory_space<vmem>>
    %dma_wait3A_1433 = arith.constant 32 : i32
    %dma_wait3A_1434 = tpu.memref_slice %arg6[%dma_wait3A_1426, %dma_wait3A_1433] : memref<4x64xi32, #tpu.memory_space<vmem>> -> memref<1x8xi32, #tpu.memory_space<vmem>>
    %dma_wait3A_1435 = tpu.memref_squeeze %dma_wait3A_1434 : memref<1x8xi32, #tpu.memory_space<vmem>> -> memref<8xi32, #tpu.memory_space<vmem>>
    %dma_wait3A_1436 = arith.constant 0 : i32
    %dma_wait3A_1437 = arith.constant 0 : i32
    %dma_wait3A_1438 = tpu.memref_slice %arg3[%dma_wait3A_1436, %dma_wait3A_1437] : memref<100000x1024xf32, #tpu.memory_space<hbm>> -> memref<100000x1024xf32, #tpu.memory_space<hbm>>
    tpu.wait_indirect_dma semaphore(%arg10 : memref<!tpu.dma_semaphore, #tpu.memory_space<semaphore_mem>>) src(%dma_wait3A_1438 : memref<100000x1024xf32, #tpu.memory_space<hbm>>) dst(%dma_wait3A_1432 : memref<8x1024xf32, #tpu.memory_space<vmem>>)
    %dma_wait3A_1439 = arith.constant 2 : i32
    %dma_wait3A_1440 = arith.constant 1 : i32
    %dma_wait3A_1441 = arith.constant 2 : i32
    %dma_wait3A_1442 = arith.constant 0 : i32
    %dma_wait3A_1443 = arith.constant 0 : i32
    %dma_wait3A_1444 = tpu.memref_slice %arg7[%dma_wait3A_1440, %dma_wait3A_1441, %dma_wait3A_1442, %dma_wait3A_1443] : memref<3x4x8x1024xf32, #tpu.memory_space<vmem>> -> memref<1x1x8x1024xf32, #tpu.memory_space<vmem>>
    %dma_wait3A_1445 = tpu.memref_squeeze %dma_wait3A_1444 : memref<1x1x8x1024xf32, #tpu.memory_space<vmem>> -> memref<8x1024xf32, #tpu.memory_space<vmem>>
    %dma_wait3A_1446 = arith.constant 32 : i32
    %dma_wait3A_1447 = tpu.memref_slice %arg6[%dma_wait3A_1439, %dma_wait3A_1446] : memref<4x64xi32, #tpu.memory_space<vmem>> -> memref<1x8xi32, #tpu.memory_space<vmem>>
    %dma_wait3A_1448 = tpu.memref_squeeze %dma_wait3A_1447 : memref<1x8xi32, #tpu.memory_space<vmem>> -> memref<8xi32, #tpu.memory_space<vmem>>
    %dma_wait3A_1449 = arith.constant 0 : i32
    %dma_wait3A_1450 = arith.constant 0 : i32
    %dma_wait3A_1451 = tpu.memref_slice %arg3[%dma_wait3A_1449, %dma_wait3A_1450] : memref<100000x1024xf32, #tpu.memory_space<hbm>> -> memref<100000x1024xf32, #tpu.memory_space<hbm>>
    tpu.wait_indirect_dma semaphore(%arg10 : memref<!tpu.dma_semaphore, #tpu.memory_space<semaphore_mem>>) src(%dma_wait3A_1451 : memref<100000x1024xf32, #tpu.memory_space<hbm>>) dst(%dma_wait3A_1445 : memref<8x1024xf32, #tpu.memory_space<vmem>>)
    %dma_wait3A_1452 = arith.constant 3 : i32
    %dma_wait3A_1453 = arith.constant 1 : i32
    %dma_wait3A_1454 = arith.constant 3 : i32
    %dma_wait3A_1455 = arith.constant 0 : i32
    %dma_wait3A_1456 = arith.constant 0 : i32
    %dma_wait3A_1457 = tpu.memref_slice %arg7[%dma_wait3A_1453, %dma_wait3A_1454, %dma_wait3A_1455, %dma_wait3A_1456] : memref<3x4x8x1024xf32, #tpu.memory_space<vmem>> -> memref<1x1x8x1024xf32, #tpu.memory_space<vmem>>
    %dma_wait3A_1458 = tpu.memref_squeeze %dma_wait3A_1457 : memref<1x1x8x1024xf32, #tpu.memory_space<vmem>> -> memref<8x1024xf32, #tpu.memory_space<vmem>>
    %dma_wait3A_1459 = arith.constant 32 : i32
    %dma_wait3A_1460 = tpu.memref_slice %arg6[%dma_wait3A_1452, %dma_wait3A_1459] : memref<4x64xi32, #tpu.memory_space<vmem>> -> memref<1x8xi32, #tpu.memory_space<vmem>>
    %dma_wait3A_1461 = tpu.memref_squeeze %dma_wait3A_1460 : memref<1x8xi32, #tpu.memory_space<vmem>> -> memref<8xi32, #tpu.memory_space<vmem>>
    %dma_wait3A_1462 = arith.constant 0 : i32
    %dma_wait3A_1463 = arith.constant 0 : i32
    %dma_wait3A_1464 = tpu.memref_slice %arg3[%dma_wait3A_1462, %dma_wait3A_1463] : memref<100000x1024xf32, #tpu.memory_space<hbm>> -> memref<100000x1024xf32, #tpu.memory_space<hbm>>
    tpu.wait_indirect_dma semaphore(%arg10 : memref<!tpu.dma_semaphore, #tpu.memory_space<semaphore_mem>>) src(%dma_wait3A_1464 : memref<100000x1024xf32, #tpu.memory_space<hbm>>) dst(%dma_wait3A_1458 : memref<8x1024xf32, #tpu.memory_space<vmem>>)
    %dma_wait3A_1465 = arith.constant 1 : i32
    %dma_wait3A_1466 = arith.constant 0 : i32
    %dma_wait3A_1467 = arith.constant 0 : i32
    %dma_wait3A_1468 = tpu.memref_slice %arg8[%dma_wait3A_1465, %dma_wait3A_1466, %dma_wait3A_1467] : memref<3x8x1024xf32, #tpu.memory_space<vmem>> -> memref<1x8x1024xf32, #tpu.memory_space<vmem>>
    %dma_wait3A_1469 = tpu.memref_squeeze %dma_wait3A_1468 : memref<1x8x1024xf32, #tpu.memory_space<vmem>> -> memref<8x1024xf32, #tpu.memory_space<vmem>>
    %dma_wait3A_1470 = arith.constant 0 : i32
    %dma_wait3A_1471 = tpu.memref_slice %arg4[%add3A_841, %dma_wait3A_1470] : memref<2048x1024xf32, #tpu.memory_space<hbm>> -> memref<8x1024xf32, #tpu.memory_space<hbm>>
    %dma_wait3A_1472 = arith.constant 0 : i32
    %dma_wait3A_1473 = arith.constant 0 : i32
    %dma_wait3A_1474 = tpu.memref_slice %arg8[%dma_wait3A_1465, %dma_wait3A_1472, %dma_wait3A_1473] : memref<3x8x1024xf32, #tpu.memory_space<vmem>> -> memref<1x8x1024xf32, #tpu.memory_space<vmem>>
    %dma_wait3A_1475 = tpu.memref_squeeze %dma_wait3A_1474 : memref<1x8x1024xf32, #tpu.memory_space<vmem>> -> memref<8x1024xf32, #tpu.memory_space<vmem>>
    %dma_wait3A_1476 = arith.constant 0 : i32
    %dma_wait3A_1477 = tpu.memref_slice %arg4[%add3A_841, %dma_wait3A_1476] : memref<2048x1024xf32, #tpu.memory_space<hbm>> -> memref<8x1024xf32, #tpu.memory_space<hbm>>
    tpu.wait_dma2 semaphore(%arg10 : memref<!tpu.dma_semaphore, #tpu.memory_space<semaphore_mem>>) src(%dma_wait3A_1477 : memref<8x1024xf32, #tpu.memory_space<hbm>>) dst(%dma_wait3A_1475 : memref<8x1024xf32, #tpu.memory_space<vmem>>)
    %parallel_loop3A_1478 = arith.constant 0 : i32
    %parallel_loop3A_1479 = arith.constant 512 : i32
    %parallel_loop3A_1480 = arith.constant 1 : i32
    scf.for %parallel_loop3A_2328 = %parallel_loop3A_1478 to %parallel_loop3A_1479 step %parallel_loop3A_1480  : i32 {
      %parallel_loop3A_2329 = arith.constant 6 : i32
      %parallel_loop3A_2330 = arith.shrsi %parallel_loop3A_2328, %parallel_loop3A_2329 : i32
      %parallel_loop3A_2331 = arith.constant 63 : i32
      %parallel_loop3A_2332 = arith.andi %parallel_loop3A_2328, %parallel_loop3A_2331 : i32
      %parallel_loop3A_2333 = arith.constant 16 : i32
      %parallel_loop3A_2334 = arith.muli %parallel_loop3A_2332, %parallel_loop3A_2333 : i32
      %parallel_loop3A_2335 = arith.constant 1 : i32
      %parallel_loop3A_2336 = arith.index_cast %parallel_loop3A_2335 : i32 to index
      %parallel_loop3A_2337 = arith.index_cast %parallel_loop3A_2330 : i32 to index
      %parallel_loop3A_2338 = arith.index_cast %parallel_loop3A_2334 : i32 to index
      %parallel_loop3A_2339 = tpu.vector_load %arg8[%parallel_loop3A_2336, %parallel_loop3A_2337, %parallel_loop3A_2338] {strides = array<i32>} : memref<3x8x1024xf32, #tpu.memory_space<vmem>>, vector<1x1x16xf32>,
      %parallel_loop3A_2340 = vector.shape_cast %parallel_loop3A_2339 : vector<1x1x16xf32> to vector<16xf32>
      %parallel_loop3A_2341 = arith.constant 1 : i32
      %parallel_loop3A_2342 = arith.constant 0 : i32
      %parallel_loop3A_2343 = arith.index_cast %parallel_loop3A_2341 : i32 to index
      %parallel_loop3A_2344 = arith.index_cast %parallel_loop3A_2342 : i32 to index
      %parallel_loop3A_2345 = arith.index_cast %parallel_loop3A_2330 : i32 to index
      %parallel_loop3A_2346 = arith.index_cast %parallel_loop3A_2334 : i32 to index
      %parallel_loop3A_2347 = tpu.vector_load %arg7[%parallel_loop3A_2343, %parallel_loop3A_2344, %parallel_loop3A_2345, %parallel_loop3A_2346] {strides = array<i32>} : memref<3x4x8x1024xf32, #tpu.memory_space<vmem>>, vector<1x1x1x16xf32>,
      %parallel_loop3A_2348 = vector.shape_cast %parallel_loop3A_2347 : vector<1x1x1x16xf32> to vector<16xf32>
      %parallel_loop3A_2349 = arith.constant 3.200000e+01 : f32
      %parallel_loop3A_2350 = vector.broadcast %parallel_loop3A_2349 : f32 to vector<16xf32>
      %parallel_loop3A_2351 = arith.mulf %parallel_loop3A_2348, %parallel_loop3A_2350 : vector<16xf32>
      %parallel_loop3A_2352 = arith.addf %parallel_loop3A_2351, %parallel_loop3A_2340 : vector<16xf32>
      %parallel_loop3A_2353 = arith.constant 1 : i32
      %parallel_loop3A_2354 = arith.constant 0 : i32
      %parallel_loop3A_2355 = arith.index_cast %parallel_loop3A_2353 : i32 to index
      %parallel_loop3A_2356 = arith.index_cast %parallel_loop3A_2354 : i32 to index
      %parallel_loop3A_2357 = arith.index_cast %parallel_loop3A_2330 : i32 to index
      %parallel_loop3A_2358 = arith.index_cast %parallel_loop3A_2334 : i32 to index
      %parallel_loop3A_2359 = tpu.vector_load %arg7[%parallel_loop3A_2355, %parallel_loop3A_2356, %parallel_loop3A_2357, %parallel_loop3A_2358] {strides = array<i32>} : memref<3x4x8x1024xf32, #tpu.memory_space<vmem>>, vector<1x1x1x16xf32>,
      %parallel_loop3A_2360 = vector.shape_cast %parallel_loop3A_2359 : vector<1x1x1x16xf32> to vector<16xf32>
      %parallel_loop3A_2361 = vector.shape_cast %parallel_loop3A_2352 : vector<16xf32> to vector<1x1x1x16xf32>
      tpu.vector_store %arg7[%parallel_loop3A_2355, %parallel_loop3A_2356, %parallel_loop3A_2357, %parallel_loop3A_2358], %parallel_loop3A_2361 {strides = array<i32>} : memref<3x4x8x1024xf32, #tpu.memory_space<vmem>>, vector<1x1x1x16xf32>,
      %parallel_loop3A_2362 = arith.constant 1 : i32
      %parallel_loop3A_2363 = arith.constant 1 : i32
      %parallel_loop3A_2364 = arith.index_cast %parallel_loop3A_2362 : i32 to index
      %parallel_loop3A_2365 = arith.index_cast %parallel_loop3A_2363 : i32 to index
      %parallel_loop3A_2366 = arith.index_cast %parallel_loop3A_2330 : i32 to index
      %parallel_loop3A_2367 = arith.index_cast %parallel_loop3A_2334 : i32 to index
      %parallel_loop3A_2368 = tpu.vector_load %arg7[%parallel_loop3A_2364, %parallel_loop3A_2365, %parallel_loop3A_2366, %parallel_loop3A_2367] {strides = array<i32>} : memref<3x4x8x1024xf32, #tpu.memory_space<vmem>>, vector<1x1x1x16xf32>,
      %parallel_loop3A_2369 = vector.shape_cast %parallel_loop3A_2368 : vector<1x1x1x16xf32> to vector<16xf32>
      %parallel_loop3A_2370 = arith.constant 3.200000e+01 : f32
      %parallel_loop3A_2371 = vector.broadcast %parallel_loop3A_2370 : f32 to vector<16xf32>
      %parallel_loop3A_2372 = arith.mulf %parallel_loop3A_2369, %parallel_loop3A_2371 : vector<16xf32>
      %parallel_loop3A_2373 = arith.addf %parallel_loop3A_2372, %parallel_loop3A_2340 : vector<16xf32>
      %parallel_loop3A_2374 = arith.constant 1 : i32
      %parallel_loop3A_2375 = arith.constant 1 : i32
      %parallel_loop3A_2376 = arith.index_cast %parallel_loop3A_2374 : i32 to index
      %parallel_loop3A_2377 = arith.index_cast %parallel_loop3A_2375 : i32 to index
      %parallel_loop3A_2378 = arith.index_cast %parallel_loop3A_2330 : i32 to index
      %parallel_loop3A_2379 = arith.index_cast %parallel_loop3A_2334 : i32 to index
      %parallel_loop3A_2380 = tpu.vector_load %arg7[%parallel_loop3A_2376, %parallel_loop3A_2377, %parallel_loop3A_2378, %parallel_loop3A_2379] {strides = array<i32>} : memref<3x4x8x1024xf32, #tpu.memory_space<vmem>>, vector<1x1x1x16xf32>,
      %parallel_loop3A_2381 = vector.shape_cast %parallel_loop3A_2380 : vector<1x1x1x16xf32> to vector<16xf32>
      %parallel_loop3A_2382 = vector.shape_cast %parallel_loop3A_2373 : vector<16xf32> to vector<1x1x1x16xf32>
      tpu.vector_store %arg7[%parallel_loop3A_2376, %parallel_loop3A_2377, %parallel_loop3A_2378, %parallel_loop3A_2379], %parallel_loop3A_2382 {strides = array<i32>} : memref<3x4x8x1024xf32, #tpu.memory_space<vmem>>, vector<1x1x1x16xf32>,
      %parallel_loop3A_2383 = arith.constant 1 : i32
      %parallel_loop3A_2384 = arith.constant 2 : i32
      %parallel_loop3A_2385 = arith.index_cast %parallel_loop3A_2383 : i32 to index
      %parallel_loop3A_2386 = arith.index_cast %parallel_loop3A_2384 : i32 to index
      %parallel_loop3A_2387 = arith.index_cast %parallel_loop3A_2330 : i32 to index
      %parallel_loop3A_2388 = arith.index_cast %parallel_loop3A_2334 : i32 to index
      %parallel_loop3A_2389 = tpu.vector_load %arg7[%parallel_loop3A_2385, %parallel_loop3A_2386, %parallel_loop3A_2387, %parallel_loop3A_2388] {strides = array<i32>} : memref<3x4x8x1024xf32, #tpu.memory_space<vmem>>, vector<1x1x1x16xf32>,
      %parallel_loop3A_2390 = vector.shape_cast %parallel_loop3A_2389 : vector<1x1x1x16xf32> to vector<16xf32>
      %parallel_loop3A_2391 = arith.constant 3.200000e+01 : f32
      %parallel_loop3A_2392 = vector.broadcast %parallel_loop3A_2391 : f32 to vector<16xf32>
      %parallel_loop3A_2393 = arith.mulf %parallel_loop3A_2390, %parallel_loop3A_2392 : vector<16xf32>
      %parallel_loop3A_2394 = arith.addf %parallel_loop3A_2393, %parallel_loop3A_2340 : vector<16xf32>
      %parallel_loop3A_2395 = arith.constant 1 : i32
      %parallel_loop3A_2396 = arith.constant 2 : i32
      %parallel_loop3A_2397 = arith.index_cast %parallel_loop3A_2395 : i32 to index
      %parallel_loop3A_2398 = arith.index_cast %parallel_loop3A_2396 : i32 to index
      %parallel_loop3A_2399 = arith.index_cast %parallel_loop3A_2330 : i32 to index
      %parallel_loop3A_2400 = arith.index_cast %parallel_loop3A_2334 : i32 to index
      %parallel_loop3A_2401 = tpu.vector_load %arg7[%parallel_loop3A_2397, %parallel_loop3A_2398, %parallel_loop3A_2399, %parallel_loop3A_2400] {strides = array<i32>} : memref<3x4x8x1024xf32, #tpu.memory_space<vmem>>, vector<1x1x1x16xf32>,
      %parallel_loop3A_2402 = vector.shape_cast %parallel_loop3A_2401 : vector<1x1x1x16xf32> to vector<16xf32>
      %parallel_loop3A_2403 = vector.shape_cast %parallel_loop3A_2394 : vector<16xf32> to vector<1x1x1x16xf32>
      tpu.vector_store %arg7[%parallel_loop3A_2397, %parallel_loop3A_2398, %parallel_loop3A_2399, %parallel_loop3A_2400], %parallel_loop3A_2403 {strides = array<i32>} : memref<3x4x8x1024xf32, #tpu.memory_space<vmem>>, vector<1x1x1x16xf32>,
      %parallel_loop3A_2404 = arith.constant 1 : i32
      %parallel_loop3A_2405 = arith.constant 3 : i32
      %parallel_loop3A_2406 = arith.index_cast %parallel_loop3A_2404 : i32 to index
      %parallel_loop3A_2407 = arith.index_cast %parallel_loop3A_2405 : i32 to index
      %parallel_loop3A_2408 = arith.index_cast %parallel_loop3A_2330 : i32 to index
      %parallel_loop3A_2409 = arith.index_cast %parallel_loop3A_2334 : i32 to index
      %parallel_loop3A_2410 = tpu.vector_load %arg7[%parallel_loop3A_2406, %parallel_loop3A_2407, %parallel_loop3A_2408, %parallel_loop3A_2409] {strides = array<i32>} : memref<3x4x8x1024xf32, #tpu.memory_space<vmem>>, vector<1x1x1x16xf32>,
      %parallel_loop3A_2411 = vector.shape_cast %parallel_loop3A_2410 : vector<1x1x1x16xf32> to vector<16xf32>
      %parallel_loop3A_2412 = arith.constant 3.200000e+01 : f32
      %parallel_loop3A_2413 = vector.broadcast %parallel_loop3A_2412 : f32 to vector<16xf32>
      %parallel_loop3A_2414 = arith.mulf %parallel_loop3A_2411, %parallel_loop3A_2413 : vector<16xf32>
      %parallel_loop3A_2415 = arith.addf %parallel_loop3A_2414, %parallel_loop3A_2340 : vector<16xf32>
      %parallel_loop3A_2416 = arith.constant 1 : i32
      %parallel_loop3A_2417 = arith.constant 3 : i32
      %parallel_loop3A_2418 = arith.index_cast %parallel_loop3A_2416 : i32 to index
      %parallel_loop3A_2419 = arith.index_cast %parallel_loop3A_2417 : i32 to index
      %parallel_loop3A_2420 = arith.index_cast %parallel_loop3A_2330 : i32 to index
      %parallel_loop3A_2421 = arith.index_cast %parallel_loop3A_2334 : i32 to index
      %parallel_loop3A_2422 = tpu.vector_load %arg7[%parallel_loop3A_2418, %parallel_loop3A_2419, %parallel_loop3A_2420, %parallel_loop3A_2421] {strides = array<i32>} : memref<3x4x8x1024xf32, #tpu.memory_space<vmem>>, vector<1x1x1x16xf32>,
      %parallel_loop3A_2423 = vector.shape_cast %parallel_loop3A_2422 : vector<1x1x1x16xf32> to vector<16xf32>
      %parallel_loop3A_2424 = vector.shape_cast %parallel_loop3A_2415 : vector<16xf32> to vector<1x1x1x16xf32>
      tpu.vector_store %arg7[%parallel_loop3A_2418, %parallel_loop3A_2419, %parallel_loop3A_2420, %parallel_loop3A_2421], %parallel_loop3A_2424 {strides = array<i32>} : memref<3x4x8x1024xf32, #tpu.memory_space<vmem>>, vector<1x1x1x16xf32>,
    } {sc.loop_unroll_factor = 2 : i64, sc.parallel_access}
    %add3A_1481 = arith.constant 32 : i32
    %add3A_1482 = arith.addi %mul3A_2, %add3A_1481 : i32
    %dma_start3A_1483 = arith.constant 1 : i32
    %dma_start3A_1484 = arith.constant 0 : i32
    %dma_start3A_1485 = arith.constant 0 : i32
    %dma_start3A_1486 = arith.constant 0 : i32
    %dma_start3A_1487 = arith.constant 0 : i32
    %dma_start3A_1488 = tpu.memref_slice %arg7[%dma_start3A_1483, %dma_start3A_1484, %dma_start3A_1486, %dma_start3A_1487] : memref<3x4x8x1024xf32, #tpu.memory_space<vmem>> -> memref<1x1x8x1024xf32, #tpu.memory_space<vmem>>
    %dma_start3A_1489 = tpu.memref_squeeze %dma_start3A_1488 : memref<1x1x8x1024xf32, #tpu.memory_space<vmem>> -> memref<8x1024xf32, #tpu.memory_space<vmem>>
    %dma_start3A_1490 = arith.constant 0 : i32
    %dma_start3A_1491 = tpu.memref_slice %arg5[%dma_start3A_1485, %add3A_1482, %dma_start3A_1490] : memref<4x2048x1024xf32, #tpu.memory_space<hbm>> -> memref<1x8x1024xf32, #tpu.memory_space<hbm>>
    %dma_start3A_1492 = tpu.memref_squeeze %dma_start3A_1491 : memref<1x8x1024xf32, #tpu.memory_space<hbm>> -> memref<8x1024xf32, #tpu.memory_space<hbm>>
    %dma_start3A_1493 = arith.constant 0 : i32
    %dma_start3A_1494 = tpu.memref_slice %arg5[%dma_start3A_1485, %add3A_1482, %dma_start3A_1493] : memref<4x2048x1024xf32, #tpu.memory_space<hbm>> -> memref<1x8x1024xf32, #tpu.memory_space<hbm>>
    %dma_start3A_1495 = tpu.memref_squeeze %dma_start3A_1494 : memref<1x8x1024xf32, #tpu.memory_space<hbm>> -> memref<8x1024xf32, #tpu.memory_space<hbm>>
    %dma_start3A_1496 = arith.constant 0 : i32
    %dma_start3A_1497 = arith.constant 0 : i32
    %dma_start3A_1498 = tpu.memref_slice %arg7[%dma_start3A_1483, %dma_start3A_1484, %dma_start3A_1496, %dma_start3A_1497] : memref<3x4x8x1024xf32, #tpu.memory_space<vmem>> -> memref<1x1x8x1024xf32, #tpu.memory_space<vmem>>
    %dma_start3A_1499 = tpu.memref_squeeze %dma_start3A_1498 : memref<1x1x8x1024xf32, #tpu.memory_space<vmem>> -> memref<8x1024xf32, #tpu.memory_space<vmem>>
    tpu.enqueue_dma source(%dma_start3A_1499 : memref<8x1024xf32, #tpu.memory_space<vmem>>) target(%dma_start3A_1495 : memref<8x1024xf32, #tpu.memory_space<hbm>>) target_semaphore(%arg13 : memref<!tpu.dma_semaphore, #tpu.memory_space<semaphore_mem>>)
    %add3A_1500 = arith.constant 32 : i32
    %add3A_1501 = arith.addi %mul3A_2, %add3A_1500 : i32
    %dma_start3A_1502 = arith.constant 1 : i32
    %dma_start3A_1503 = arith.constant 1 : i32
    %dma_start3A_1504 = arith.constant 1 : i32
    %dma_start3A_1505 = arith.constant 0 : i32
    %dma_start3A_1506 = arith.constant 0 : i32
    %dma_start3A_1507 = tpu.memref_slice %arg7[%dma_start3A_1502, %dma_start3A_1503, %dma_start3A_1505, %dma_start3A_1506] : memref<3x4x8x1024xf32, #tpu.memory_space<vmem>> -> memref<1x1x8x1024xf32, #tpu.memory_space<vmem>>
    %dma_start3A_1508 = tpu.memref_squeeze %dma_start3A_1507 : memref<1x1x8x1024xf32, #tpu.memory_space<vmem>> -> memref<8x1024xf32, #tpu.memory_space<vmem>>
    %dma_start3A_1509 = arith.constant 0 : i32
    %dma_start3A_1510 = tpu.memref_slice %arg5[%dma_start3A_1504, %add3A_1501, %dma_start3A_1509] : memref<4x2048x1024xf32, #tpu.memory_space<hbm>> -> memref<1x8x1024xf32, #tpu.memory_space<hbm>>
    %dma_start3A_1511 = tpu.memref_squeeze %dma_start3A_1510 : memref<1x8x1024xf32, #tpu.memory_space<hbm>> -> memref<8x1024xf32, #tpu.memory_space<hbm>>
    %dma_start3A_1512 = arith.constant 0 : i32
    %dma_start3A_1513 = tpu.memref_slice %arg5[%dma_start3A_1504, %add3A_1501, %dma_start3A_1512] : memref<4x2048x1024xf32, #tpu.memory_space<hbm>> -> memref<1x8x1024xf32, #tpu.memory_space<hbm>>
    %dma_start3A_1514 = tpu.memref_squeeze %dma_start3A_1513 : memref<1x8x1024xf32, #tpu.memory_space<hbm>> -> memref<8x1024xf32, #tpu.memory_space<hbm>>
    %dma_start3A_1515 = arith.constant 0 : i32
    %dma_start3A_1516 = arith.constant 0 : i32
    %dma_start3A_1517 = tpu.memref_slice %arg7[%dma_start3A_1502, %dma_start3A_1503, %dma_start3A_1515, %dma_start3A_1516] : memref<3x4x8x1024xf32, #tpu.memory_space<vmem>> -> memref<1x1x8x1024xf32, #tpu.memory_space<vmem>>
    %dma_start3A_1518 = tpu.memref_squeeze %dma_start3A_1517 : memref<1x1x8x1024xf32, #tpu.memory_space<vmem>> -> memref<8x1024xf32, #tpu.memory_space<vmem>>
    tpu.enqueue_dma source(%dma_start3A_1518 : memref<8x1024xf32, #tpu.memory_space<vmem>>) target(%dma_start3A_1514 : memref<8x1024xf32, #tpu.memory_space<hbm>>) target_semaphore(%arg13 : memref<!tpu.dma_semaphore, #tpu.memory_space<semaphore_mem>>)
    %add3A_1519 = arith.constant 32 : i32
    %add3A_1520 = arith.addi %mul3A_2, %add3A_1519 : i32
    %dma_start3A_1521 = arith.constant 1 : i32
    %dma_start3A_1522 = arith.constant 2 : i32
    %dma_start3A_1523 = arith.constant 2 : i32
    %dma_start3A_1524 = arith.constant 0 : i32
    %dma_start3A_1525 = arith.constant 0 : i32
    %dma_start3A_1526 = tpu.memref_slice %arg7[%dma_start3A_1521, %dma_start3A_1522, %dma_start3A_1524, %dma_start3A_1525] : memref<3x4x8x1024xf32, #tpu.memory_space<vmem>> -> memref<1x1x8x1024xf32, #tpu.memory_space<vmem>>
    %dma_start3A_1527 = tpu.memref_squeeze %dma_start3A_1526 : memref<1x1x8x1024xf32, #tpu.memory_space<vmem>> -> memref<8x1024xf32, #tpu.memory_space<vmem>>
    %dma_start3A_1528 = arith.constant 0 : i32
    %dma_start3A_1529 = tpu.memref_slice %arg5[%dma_start3A_1523, %add3A_1520, %dma_start3A_1528] : memref<4x2048x1024xf32, #tpu.memory_space<hbm>> -> memref<1x8x1024xf32, #tpu.memory_space<hbm>>
    %dma_start3A_1530 = tpu.memref_squeeze %dma_start3A_1529 : memref<1x8x1024xf32, #tpu.memory_space<hbm>> -> memref<8x1024xf32, #tpu.memory_space<hbm>>
    %dma_start3A_1531 = arith.constant 0 : i32
    %dma_start3A_1532 = tpu.memref_slice %arg5[%dma_start3A_1523, %add3A_1520, %dma_start3A_1531] : memref<4x2048x1024xf32, #tpu.memory_space<hbm>> -> memref<1x8x1024xf32, #tpu.memory_space<hbm>>
    %dma_start3A_1533 = tpu.memref_squeeze %dma_start3A_1532 : memref<1x8x1024xf32, #tpu.memory_space<hbm>> -> memref<8x1024xf32, #tpu.memory_space<hbm>>
    %dma_start3A_1534 = arith.constant 0 : i32
    %dma_start3A_1535 = arith.constant 0 : i32
    %dma_start3A_1536 = tpu.memref_slice %arg7[%dma_start3A_1521, %dma_start3A_1522, %dma_start3A_1534, %dma_start3A_1535] : memref<3x4x8x1024xf32, #tpu.memory_space<vmem>> -> memref<1x1x8x1024xf32, #tpu.memory_space<vmem>>
    %dma_start3A_1537 = tpu.memref_squeeze %dma_start3A_1536 : memref<1x1x8x1024xf32, #tpu.memory_space<vmem>> -> memref<8x1024xf32, #tpu.memory_space<vmem>>
    tpu.enqueue_dma source(%dma_start3A_1537 : memref<8x1024xf32, #tpu.memory_space<vmem>>) target(%dma_start3A_1533 : memref<8x1024xf32, #tpu.memory_space<hbm>>) target_semaphore(%arg13 : memref<!tpu.dma_semaphore, #tpu.memory_space<semaphore_mem>>)
    %add3A_1538 = arith.constant 32 : i32
    %add3A_1539 = arith.addi %mul3A_2, %add3A_1538 : i32
    %dma_start3A_1540 = arith.constant 1 : i32
    %dma_start3A_1541 = arith.constant 3 : i32
    %dma_start3A_1542 = arith.constant 3 : i32
    %dma_start3A_1543 = arith.constant 0 : i32
    %dma_start3A_1544 = arith.constant 0 : i32
    %dma_start3A_1545 = tpu.memref_slice %arg7[%dma_start3A_1540, %dma_start3A_1541, %dma_start3A_1543, %dma_start3A_1544] : memref<3x4x8x1024xf32, #tpu.memory_space<vmem>> -> memref<1x1x8x1024xf32, #tpu.memory_space<vmem>>
    %dma_start3A_1546 = tpu.memref_squeeze %dma_start3A_1545 : memref<1x1x8x1024xf32, #tpu.memory_space<vmem>> -> memref<8x1024xf32, #tpu.memory_space<vmem>>
    %dma_start3A_1547 = arith.constant 0 : i32
    %dma_start3A_1548 = tpu.memref_slice %arg5[%dma_start3A_1542, %add3A_1539, %dma_start3A_1547] : memref<4x2048x1024xf32, #tpu.memory_space<hbm>> -> memref<1x8x1024xf32, #tpu.memory_space<hbm>>
    %dma_start3A_1549 = tpu.memref_squeeze %dma_start3A_1548 : memref<1x8x1024xf32, #tpu.memory_space<hbm>> -> memref<8x1024xf32, #tpu.memory_space<hbm>>
    %dma_start3A_1550 = arith.constant 0 : i32
    %dma_start3A_1551 = tpu.memref_slice %arg5[%dma_start3A_1542, %add3A_1539, %dma_start3A_1550] : memref<4x2048x1024xf32, #tpu.memory_space<hbm>> -> memref<1x8x1024xf32, #tpu.memory_space<hbm>>
    %dma_start3A_1552 = tpu.memref_squeeze %dma_start3A_1551 : memref<1x8x1024xf32, #tpu.memory_space<hbm>> -> memref<8x1024xf32, #tpu.memory_space<hbm>>
    %dma_start3A_1553 = arith.constant 0 : i32
    %dma_start3A_1554 = arith.constant 0 : i32
    %dma_start3A_1555 = tpu.memref_slice %arg7[%dma_start3A_1540, %dma_start3A_1541, %dma_start3A_1553, %dma_start3A_1554] : memref<3x4x8x1024xf32, #tpu.memory_space<vmem>> -> memref<1x1x8x1024xf32, #tpu.memory_space<vmem>>
    %dma_start3A_1556 = tpu.memref_squeeze %dma_start3A_1555 : memref<1x1x8x1024xf32, #tpu.memory_space<vmem>> -> memref<8x1024xf32, #tpu.memory_space<vmem>>
    tpu.enqueue_dma source(%dma_start3A_1556 : memref<8x1024xf32, #tpu.memory_space<vmem>>) target(%dma_start3A_1552 : memref<8x1024xf32, #tpu.memory_space<hbm>>) target_semaphore(%arg13 : memref<!tpu.dma_semaphore, #tpu.memory_space<semaphore_mem>>)
    %dma_wait3A_1557 = arith.constant 1 : i32
    %dma_wait3A_1558 = arith.constant 0 : i32
    %dma_wait3A_1559 = arith.constant 0 : i32
    %dma_wait3A_1560 = arith.constant 0 : i32
    %dma_wait3A_1561 = arith.constant 0 : i32
    %dma_wait3A_1562 = tpu.memref_slice %arg7[%dma_wait3A_1557, %dma_wait3A_1558, %dma_wait3A_1560, %dma_wait3A_1561] : memref<3x4x8x1024xf32, #tpu.memory_space<vmem>> -> memref<1x1x8x1024xf32, #tpu.memory_space<vmem>>
    %dma_wait3A_1563 = tpu.memref_squeeze %dma_wait3A_1562 : memref<1x1x8x1024xf32, #tpu.memory_space<vmem>> -> memref<8x1024xf32, #tpu.memory_space<vmem>>
    %dma_wait3A_1564 = arith.constant 0 : i32
    %dma_wait3A_1565 = tpu.memref_slice %arg5[%dma_wait3A_1559, %add3A_1482, %dma_wait3A_1564] : memref<4x2048x1024xf32, #tpu.memory_space<hbm>> -> memref<1x8x1024xf32, #tpu.memory_space<hbm>>
    %dma_wait3A_1566 = tpu.memref_squeeze %dma_wait3A_1565 : memref<1x8x1024xf32, #tpu.memory_space<hbm>> -> memref<8x1024xf32, #tpu.memory_space<hbm>>
    %dma_wait3A_1567 = arith.constant 0 : i32
    %dma_wait3A_1568 = tpu.memref_slice %arg5[%dma_wait3A_1559, %add3A_1482, %dma_wait3A_1567] : memref<4x2048x1024xf32, #tpu.memory_space<hbm>> -> memref<1x8x1024xf32, #tpu.memory_space<hbm>>
    %dma_wait3A_1569 = tpu.memref_squeeze %dma_wait3A_1568 : memref<1x8x1024xf32, #tpu.memory_space<hbm>> -> memref<8x1024xf32, #tpu.memory_space<hbm>>
    %dma_wait3A_1570 = arith.constant 0 : i32
    %dma_wait3A_1571 = arith.constant 0 : i32
    %dma_wait3A_1572 = tpu.memref_slice %arg7[%dma_wait3A_1557, %dma_wait3A_1558, %dma_wait3A_1570, %dma_wait3A_1571] : memref<3x4x8x1024xf32, #tpu.memory_space<vmem>> -> memref<1x1x8x1024xf32, #tpu.memory_space<vmem>>
    %dma_wait3A_1573 = tpu.memref_squeeze %dma_wait3A_1572 : memref<1x1x8x1024xf32, #tpu.memory_space<vmem>> -> memref<8x1024xf32, #tpu.memory_space<vmem>>
    tpu.wait_dma2 semaphore(%arg13 : memref<!tpu.dma_semaphore, #tpu.memory_space<semaphore_mem>>) src(%dma_wait3A_1573 : memref<8x1024xf32, #tpu.memory_space<vmem>>) dst(%dma_wait3A_1569 : memref<8x1024xf32, #tpu.memory_space<hbm>>)
    %dma_wait3A_1574 = arith.constant 1 : i32
    %dma_wait3A_1575 = arith.constant 1 : i32
    %dma_wait3A_1576 = arith.constant 1 : i32
    %dma_wait3A_1577 = arith.constant 0 : i32
    %dma_wait3A_1578 = arith.constant 0 : i32
    %dma_wait3A_1579 = tpu.memref_slice %arg7[%dma_wait3A_1574, %dma_wait3A_1575, %dma_wait3A_1577, %dma_wait3A_1578] : memref<3x4x8x1024xf32, #tpu.memory_space<vmem>> -> memref<1x1x8x1024xf32, #tpu.memory_space<vmem>>
    %dma_wait3A_1580 = tpu.memref_squeeze %dma_wait3A_1579 : memref<1x1x8x1024xf32, #tpu.memory_space<vmem>> -> memref<8x1024xf32, #tpu.memory_space<vmem>>
    %dma_wait3A_1581 = arith.constant 0 : i32
    %dma_wait3A_1582 = tpu.memref_slice %arg5[%dma_wait3A_1576, %add3A_1501, %dma_wait3A_1581] : memref<4x2048x1024xf32, #tpu.memory_space<hbm>> -> memref<1x8x1024xf32, #tpu.memory_space<hbm>>
    %dma_wait3A_1583 = tpu.memref_squeeze %dma_wait3A_1582 : memref<1x8x1024xf32, #tpu.memory_space<hbm>> -> memref<8x1024xf32, #tpu.memory_space<hbm>>
    %dma_wait3A_1584 = arith.constant 0 : i32
    %dma_wait3A_1585 = tpu.memref_slice %arg5[%dma_wait3A_1576, %add3A_1501, %dma_wait3A_1584] : memref<4x2048x1024xf32, #tpu.memory_space<hbm>> -> memref<1x8x1024xf32, #tpu.memory_space<hbm>>
    %dma_wait3A_1586 = tpu.memref_squeeze %dma_wait3A_1585 : memref<1x8x1024xf32, #tpu.memory_space<hbm>> -> memref<8x1024xf32, #tpu.memory_space<hbm>>
    %dma_wait3A_1587 = arith.constant 0 : i32
    %dma_wait3A_1588 = arith.constant 0 : i32
    %dma_wait3A_1589 = tpu.memref_slice %arg7[%dma_wait3A_1574, %dma_wait3A_1575, %dma_wait3A_1587, %dma_wait3A_1588] : memref<3x4x8x1024xf32, #tpu.memory_space<vmem>> -> memref<1x1x8x1024xf32, #tpu.memory_space<vmem>>
    %dma_wait3A_1590 = tpu.memref_squeeze %dma_wait3A_1589 : memref<1x1x8x1024xf32, #tpu.memory_space<vmem>> -> memref<8x1024xf32, #tpu.memory_space<vmem>>
    tpu.wait_dma2 semaphore(%arg13 : memref<!tpu.dma_semaphore, #tpu.memory_space<semaphore_mem>>) src(%dma_wait3A_1590 : memref<8x1024xf32, #tpu.memory_space<vmem>>) dst(%dma_wait3A_1586 : memref<8x1024xf32, #tpu.memory_space<hbm>>)
    %dma_wait3A_1591 = arith.constant 1 : i32
    %dma_wait3A_1592 = arith.constant 2 : i32
    %dma_wait3A_1593 = arith.constant 2 : i32
    %dma_wait3A_1594 = arith.constant 0 : i32
    %dma_wait3A_1595 = arith.constant 0 : i32
    %dma_wait3A_1596 = tpu.memref_slice %arg7[%dma_wait3A_1591, %dma_wait3A_1592, %dma_wait3A_1594, %dma_wait3A_1595] : memref<3x4x8x1024xf32, #tpu.memory_space<vmem>> -> memref<1x1x8x1024xf32, #tpu.memory_space<vmem>>
    %dma_wait3A_1597 = tpu.memref_squeeze %dma_wait3A_1596 : memref<1x1x8x1024xf32, #tpu.memory_space<vmem>> -> memref<8x1024xf32, #tpu.memory_space<vmem>>
    %dma_wait3A_1598 = arith.constant 0 : i32
    %dma_wait3A_1599 = tpu.memref_slice %arg5[%dma_wait3A_1593, %add3A_1520, %dma_wait3A_1598] : memref<4x2048x1024xf32, #tpu.memory_space<hbm>> -> memref<1x8x1024xf32, #tpu.memory_space<hbm>>
    %dma_wait3A_1600 = tpu.memref_squeeze %dma_wait3A_1599 : memref<1x8x1024xf32, #tpu.memory_space<hbm>> -> memref<8x1024xf32, #tpu.memory_space<hbm>>
    %dma_wait3A_1601 = arith.constant 0 : i32
    %dma_wait3A_1602 = tpu.memref_slice %arg5[%dma_wait3A_1593, %add3A_1520, %dma_wait3A_1601] : memref<4x2048x1024xf32, #tpu.memory_space<hbm>> -> memref<1x8x1024xf32, #tpu.memory_space<hbm>>
    %dma_wait3A_1603 = tpu.memref_squeeze %dma_wait3A_1602 : memref<1x8x1024xf32, #tpu.memory_space<hbm>> -> memref<8x1024xf32, #tpu.memory_space<hbm>>
    %dma_wait3A_1604 = arith.constant 0 : i32
    %dma_wait3A_1605 = arith.constant 0 : i32
    %dma_wait3A_1606 = tpu.memref_slice %arg7[%dma_wait3A_1591, %dma_wait3A_1592, %dma_wait3A_1604, %dma_wait3A_1605] : memref<3x4x8x1024xf32, #tpu.memory_space<vmem>> -> memref<1x1x8x1024xf32, #tpu.memory_space<vmem>>
    %dma_wait3A_1607 = tpu.memref_squeeze %dma_wait3A_1606 : memref<1x1x8x1024xf32, #tpu.memory_space<vmem>> -> memref<8x1024xf32, #tpu.memory_space<vmem>>
    tpu.wait_dma2 semaphore(%arg13 : memref<!tpu.dma_semaphore, #tpu.memory_space<semaphore_mem>>) src(%dma_wait3A_1607 : memref<8x1024xf32, #tpu.memory_space<vmem>>) dst(%dma_wait3A_1603 : memref<8x1024xf32, #tpu.memory_space<hbm>>)
    %dma_wait3A_1608 = arith.constant 1 : i32
    %dma_wait3A_1609 = arith.constant 3 : i32
    %dma_wait3A_1610 = arith.constant 3 : i32
    %dma_wait3A_1611 = arith.constant 0 : i32
    %dma_wait3A_1612 = arith.constant 0 : i32
    %dma_wait3A_1613 = tpu.memref_slice %arg7[%dma_wait3A_1608, %dma_wait3A_1609, %dma_wait3A_1611, %dma_wait3A_1612] : memref<3x4x8x1024xf32, #tpu.memory_space<vmem>> -> memref<1x1x8x1024xf32, #tpu.memory_space<vmem>>
    %dma_wait3A_1614 = tpu.memref_squeeze %dma_wait3A_1613 : memref<1x1x8x1024xf32, #tpu.memory_space<vmem>> -> memref<8x1024xf32, #tpu.memory_space<vmem>>
    %dma_wait3A_1615 = arith.constant 0 : i32
    %dma_wait3A_1616 = tpu.memref_slice %arg5[%dma_wait3A_1610, %add3A_1539, %dma_wait3A_1615] : memref<4x2048x1024xf32, #tpu.memory_space<hbm>> -> memref<1x8x1024xf32, #tpu.memory_space<hbm>>
    %dma_wait3A_1617 = tpu.memref_squeeze %dma_wait3A_1616 : memref<1x8x1024xf32, #tpu.memory_space<hbm>> -> memref<8x1024xf32, #tpu.memory_space<hbm>>
    %dma_wait3A_1618 = arith.constant 0 : i32
    %dma_wait3A_1619 = tpu.memref_slice %arg5[%dma_wait3A_1610, %add3A_1539, %dma_wait3A_1618] : memref<4x2048x1024xf32, #tpu.memory_space<hbm>> -> memref<1x8x1024xf32, #tpu.memory_space<hbm>>
    %dma_wait3A_1620 = tpu.memref_squeeze %dma_wait3A_1619 : memref<1x8x1024xf32, #tpu.memory_space<hbm>> -> memref<8x1024xf32, #tpu.memory_space<hbm>>
    %dma_wait3A_1621 = arith.constant 0 : i32
    %dma_wait3A_1622 = arith.constant 0 : i32
    %dma_wait3A_1623 = tpu.memref_slice %arg7[%dma_wait3A_1608, %dma_wait3A_1609, %dma_wait3A_1621, %dma_wait3A_1622] : memref<3x4x8x1024xf32, #tpu.memory_space<vmem>> -> memref<1x1x8x1024xf32, #tpu.memory_space<vmem>>
    %dma_wait3A_1624 = tpu.memref_squeeze %dma_wait3A_1623 : memref<1x1x8x1024xf32, #tpu.memory_space<vmem>> -> memref<8x1024xf32, #tpu.memory_space<vmem>>
    tpu.wait_dma2 semaphore(%arg13 : memref<!tpu.dma_semaphore, #tpu.memory_space<semaphore_mem>>) src(%dma_wait3A_1624 : memref<8x1024xf32, #tpu.memory_space<vmem>>) dst(%dma_wait3A_1620 : memref<8x1024xf32, #tpu.memory_space<hbm>>)
    %dma_start3A_1625 = arith.constant 0 : i32
    %dma_start3A_1626 = arith.constant 1 : i32
    %dma_start3A_1627 = arith.constant 0 : i32
    %dma_start3A_1628 = arith.constant 0 : i32
    %dma_start3A_1629 = arith.constant 0 : i32
    %dma_start3A_1630 = tpu.memref_slice %arg7[%dma_start3A_1626, %dma_start3A_1627, %dma_start3A_1628, %dma_start3A_1629] : memref<3x4x8x1024xf32, #tpu.memory_space<vmem>> -> memref<1x1x8x1024xf32, #tpu.memory_space<vmem>>
    %dma_start3A_1631 = tpu.memref_squeeze %dma_start3A_1630 : memref<1x1x8x1024xf32, #tpu.memory_space<vmem>> -> memref<8x1024xf32, #tpu.memory_space<vmem>>
    %dma_start3A_1632 = arith.constant 56 : i32
    %dma_start3A_1633 = tpu.memref_slice %arg6[%dma_start3A_1625, %dma_start3A_1632] : memref<4x64xi32, #tpu.memory_space<vmem>> -> memref<1x8xi32, #tpu.memory_space<vmem>>
    %dma_start3A_1634 = tpu.memref_squeeze %dma_start3A_1633 : memref<1x8xi32, #tpu.memory_space<vmem>> -> memref<8xi32, #tpu.memory_space<vmem>>
    %dma_start3A_1635 = arith.constant 0 : i32
    %dma_start3A_1636 = arith.constant 0 : i32
    %dma_start3A_1637 = tpu.memref_slice %arg3[%dma_start3A_1635, %dma_start3A_1636] : memref<100000x1024xf32, #tpu.memory_space<hbm>> -> memref<100000x1024xf32, #tpu.memory_space<hbm>>
    tpu.enqueue_indirect_dma source(%dma_start3A_1637 : memref<100000x1024xf32, #tpu.memory_space<hbm>>) target(%dma_start3A_1631 : memref<8x1024xf32, #tpu.memory_space<vmem>>) offsets(%dma_start3A_1634 : memref<8xi32, #tpu.memory_space<vmem>>) semaphore(%arg10 : memref<!tpu.dma_semaphore, #tpu.memory_space<semaphore_mem>>)
    %dma_start3A_1638 = arith.constant 1 : i32
    %dma_start3A_1639 = arith.constant 1 : i32
    %dma_start3A_1640 = arith.constant 1 : i32
    %dma_start3A_1641 = arith.constant 0 : i32
    %dma_start3A_1642 = arith.constant 0 : i32
    %dma_start3A_1643 = tpu.memref_slice %arg7[%dma_start3A_1639, %dma_start3A_1640, %dma_start3A_1641, %dma_start3A_1642] : memref<3x4x8x1024xf32, #tpu.memory_space<vmem>> -> memref<1x1x8x1024xf32, #tpu.memory_space<vmem>>
    %dma_start3A_1644 = tpu.memref_squeeze %dma_start3A_1643 : memref<1x1x8x1024xf32, #tpu.memory_space<vmem>> -> memref<8x1024xf32, #tpu.memory_space<vmem>>
    %dma_start3A_1645 = arith.constant 56 : i32
    %dma_start3A_1646 = tpu.memref_slice %arg6[%dma_start3A_1638, %dma_start3A_1645] : memref<4x64xi32, #tpu.memory_space<vmem>> -> memref<1x8xi32, #tpu.memory_space<vmem>>
    %dma_start3A_1647 = tpu.memref_squeeze %dma_start3A_1646 : memref<1x8xi32, #tpu.memory_space<vmem>> -> memref<8xi32, #tpu.memory_space<vmem>>
    %dma_start3A_1648 = arith.constant 0 : i32
    %dma_start3A_1649 = arith.constant 0 : i32
    %dma_start3A_1650 = tpu.memref_slice %arg3[%dma_start3A_1648, %dma_start3A_1649] : memref<100000x1024xf32, #tpu.memory_space<hbm>> -> memref<100000x1024xf32, #tpu.memory_space<hbm>>
    tpu.enqueue_indirect_dma source(%dma_start3A_1650 : memref<100000x1024xf32, #tpu.memory_space<hbm>>) target(%dma_start3A_1644 : memref<8x1024xf32, #tpu.memory_space<vmem>>) offsets(%dma_start3A_1647 : memref<8xi32, #tpu.memory_space<vmem>>) semaphore(%arg10 : memref<!tpu.dma_semaphore, #tpu.memory_space<semaphore_mem>>)
    %dma_start3A_1651 = arith.constant 2 : i32
    %dma_start3A_1652 = arith.constant 1 : i32
    %dma_start3A_1653 = arith.constant 2 : i32
    %dma_start3A_1654 = arith.constant 0 : i32
    %dma_start3A_1655 = arith.constant 0 : i32
    %dma_start3A_1656 = tpu.memref_slice %arg7[%dma_start3A_1652, %dma_start3A_1653, %dma_start3A_1654, %dma_start3A_1655] : memref<3x4x8x1024xf32, #tpu.memory_space<vmem>> -> memref<1x1x8x1024xf32, #tpu.memory_space<vmem>>
    %dma_start3A_1657 = tpu.memref_squeeze %dma_start3A_1656 : memref<1x1x8x1024xf32, #tpu.memory_space<vmem>> -> memref<8x1024xf32, #tpu.memory_space<vmem>>
    %dma_start3A_1658 = arith.constant 56 : i32
    %dma_start3A_1659 = tpu.memref_slice %arg6[%dma_start3A_1651, %dma_start3A_1658] : memref<4x64xi32, #tpu.memory_space<vmem>> -> memref<1x8xi32, #tpu.memory_space<vmem>>
    %dma_start3A_1660 = tpu.memref_squeeze %dma_start3A_1659 : memref<1x8xi32, #tpu.memory_space<vmem>> -> memref<8xi32, #tpu.memory_space<vmem>>
    %dma_start3A_1661 = arith.constant 0 : i32
    %dma_start3A_1662 = arith.constant 0 : i32
    %dma_start3A_1663 = tpu.memref_slice %arg3[%dma_start3A_1661, %dma_start3A_1662] : memref<100000x1024xf32, #tpu.memory_space<hbm>> -> memref<100000x1024xf32, #tpu.memory_space<hbm>>
    tpu.enqueue_indirect_dma source(%dma_start3A_1663 : memref<100000x1024xf32, #tpu.memory_space<hbm>>) target(%dma_start3A_1657 : memref<8x1024xf32, #tpu.memory_space<vmem>>) offsets(%dma_start3A_1660 : memref<8xi32, #tpu.memory_space<vmem>>) semaphore(%arg10 : memref<!tpu.dma_semaphore, #tpu.memory_space<semaphore_mem>>)
    %dma_start3A_1664 = arith.constant 3 : i32
    %dma_start3A_1665 = arith.constant 1 : i32
    %dma_start3A_1666 = arith.constant 3 : i32
    %dma_start3A_1667 = arith.constant 0 : i32
    %dma_start3A_1668 = arith.constant 0 : i32
    %dma_start3A_1669 = tpu.memref_slice %arg7[%dma_start3A_1665, %dma_start3A_1666, %dma_start3A_1667, %dma_start3A_1668] : memref<3x4x8x1024xf32, #tpu.memory_space<vmem>> -> memref<1x1x8x1024xf32, #tpu.memory_space<vmem>>
    %dma_start3A_1670 = tpu.memref_squeeze %dma_start3A_1669 : memref<1x1x8x1024xf32, #tpu.memory_space<vmem>> -> memref<8x1024xf32, #tpu.memory_space<vmem>>
    %dma_start3A_1671 = arith.constant 56 : i32
    %dma_start3A_1672 = tpu.memref_slice %arg6[%dma_start3A_1664, %dma_start3A_1671] : memref<4x64xi32, #tpu.memory_space<vmem>> -> memref<1x8xi32, #tpu.memory_space<vmem>>
    %dma_start3A_1673 = tpu.memref_squeeze %dma_start3A_1672 : memref<1x8xi32, #tpu.memory_space<vmem>> -> memref<8xi32, #tpu.memory_space<vmem>>
    %dma_start3A_1674 = arith.constant 0 : i32
    %dma_start3A_1675 = arith.constant 0 : i32
    %dma_start3A_1676 = tpu.memref_slice %arg3[%dma_start3A_1674, %dma_start3A_1675] : memref<100000x1024xf32, #tpu.memory_space<hbm>> -> memref<100000x1024xf32, #tpu.memory_space<hbm>>
    tpu.enqueue_indirect_dma source(%dma_start3A_1676 : memref<100000x1024xf32, #tpu.memory_space<hbm>>) target(%dma_start3A_1670 : memref<8x1024xf32, #tpu.memory_space<vmem>>) offsets(%dma_start3A_1673 : memref<8xi32, #tpu.memory_space<vmem>>) semaphore(%arg10 : memref<!tpu.dma_semaphore, #tpu.memory_space<semaphore_mem>>)
    %add3A_1677 = arith.constant 56 : i32
    %add3A_1678 = arith.addi %mul3A_2, %add3A_1677 : i32
    %dma_start3A_1679 = arith.constant 1 : i32
    %dma_start3A_1680 = arith.constant 0 : i32
    %dma_start3A_1681 = arith.constant 0 : i32
    %dma_start3A_1682 = tpu.memref_slice %arg8[%dma_start3A_1679, %dma_start3A_1680, %dma_start3A_1681] : memref<3x8x1024xf32, #tpu.memory_space<vmem>> -> memref<1x8x1024xf32, #tpu.memory_space<vmem>>
    %dma_start3A_1683 = tpu.memref_squeeze %dma_start3A_1682 : memref<1x8x1024xf32, #tpu.memory_space<vmem>> -> memref<8x1024xf32, #tpu.memory_space<vmem>>
    %dma_start3A_1684 = arith.constant 0 : i32
    %dma_start3A_1685 = tpu.memref_slice %arg4[%add3A_1678, %dma_start3A_1684] : memref<2048x1024xf32, #tpu.memory_space<hbm>> -> memref<8x1024xf32, #tpu.memory_space<hbm>>
    %dma_start3A_1686 = arith.constant 0 : i32
    %dma_start3A_1687 = arith.constant 0 : i32
    %dma_start3A_1688 = tpu.memref_slice %arg8[%dma_start3A_1679, %dma_start3A_1686, %dma_start3A_1687] : memref<3x8x1024xf32, #tpu.memory_space<vmem>> -> memref<1x8x1024xf32, #tpu.memory_space<vmem>>
    %dma_start3A_1689 = tpu.memref_squeeze %dma_start3A_1688 : memref<1x8x1024xf32, #tpu.memory_space<vmem>> -> memref<8x1024xf32, #tpu.memory_space<vmem>>
    %dma_start3A_1690 = arith.constant 0 : i32
    %dma_start3A_1691 = tpu.memref_slice %arg4[%add3A_1678, %dma_start3A_1690] : memref<2048x1024xf32, #tpu.memory_space<hbm>> -> memref<8x1024xf32, #tpu.memory_space<hbm>>
    tpu.enqueue_dma source(%dma_start3A_1691 : memref<8x1024xf32, #tpu.memory_space<hbm>>) target(%dma_start3A_1689 : memref<8x1024xf32, #tpu.memory_space<vmem>>) target_semaphore(%arg10 : memref<!tpu.dma_semaphore, #tpu.memory_space<semaphore_mem>>)
    %dma_wait3A_1692 = arith.constant 0 : i32
    %dma_wait3A_1693 = arith.constant 2 : i32
    %dma_wait3A_1694 = arith.constant 0 : i32
    %dma_wait3A_1695 = arith.constant 0 : i32
    %dma_wait3A_1696 = arith.constant 0 : i32
    %dma_wait3A_1697 = tpu.memref_slice %arg7[%dma_wait3A_1693, %dma_wait3A_1694, %dma_wait3A_1695, %dma_wait3A_1696] : memref<3x4x8x1024xf32, #tpu.memory_space<vmem>> -> memref<1x1x8x1024xf32, #tpu.memory_space<vmem>>
    %dma_wait3A_1698 = tpu.memref_squeeze %dma_wait3A_1697 : memref<1x1x8x1024xf32, #tpu.memory_space<vmem>> -> memref<8x1024xf32, #tpu.memory_space<vmem>>
    %dma_wait3A_1699 = arith.constant 40 : i32
    %dma_wait3A_1700 = tpu.memref_slice %arg6[%dma_wait3A_1692, %dma_wait3A_1699] : memref<4x64xi32, #tpu.memory_space<vmem>> -> memref<1x8xi32, #tpu.memory_space<vmem>>
    %dma_wait3A_1701 = tpu.memref_squeeze %dma_wait3A_1700 : memref<1x8xi32, #tpu.memory_space<vmem>> -> memref<8xi32, #tpu.memory_space<vmem>>
    %dma_wait3A_1702 = arith.constant 0 : i32
    %dma_wait3A_1703 = arith.constant 0 : i32
    %dma_wait3A_1704 = tpu.memref_slice %arg3[%dma_wait3A_1702, %dma_wait3A_1703] : memref<100000x1024xf32, #tpu.memory_space<hbm>> -> memref<100000x1024xf32, #tpu.memory_space<hbm>>
    tpu.wait_indirect_dma semaphore(%arg11 : memref<!tpu.dma_semaphore, #tpu.memory_space<semaphore_mem>>) src(%dma_wait3A_1704 : memref<100000x1024xf32, #tpu.memory_space<hbm>>) dst(%dma_wait3A_1698 : memref<8x1024xf32, #tpu.memory_space<vmem>>)
    %dma_wait3A_1705 = arith.constant 1 : i32
    %dma_wait3A_1706 = arith.constant 2 : i32
    %dma_wait3A_1707 = arith.constant 1 : i32
    %dma_wait3A_1708 = arith.constant 0 : i32
    %dma_wait3A_1709 = arith.constant 0 : i32
    %dma_wait3A_1710 = tpu.memref_slice %arg7[%dma_wait3A_1706, %dma_wait3A_1707, %dma_wait3A_1708, %dma_wait3A_1709] : memref<3x4x8x1024xf32, #tpu.memory_space<vmem>> -> memref<1x1x8x1024xf32, #tpu.memory_space<vmem>>
    %dma_wait3A_1711 = tpu.memref_squeeze %dma_wait3A_1710 : memref<1x1x8x1024xf32, #tpu.memory_space<vmem>> -> memref<8x1024xf32, #tpu.memory_space<vmem>>
    %dma_wait3A_1712 = arith.constant 40 : i32
    %dma_wait3A_1713 = tpu.memref_slice %arg6[%dma_wait3A_1705, %dma_wait3A_1712] : memref<4x64xi32, #tpu.memory_space<vmem>> -> memref<1x8xi32, #tpu.memory_space<vmem>>
    %dma_wait3A_1714 = tpu.memref_squeeze %dma_wait3A_1713 : memref<1x8xi32, #tpu.memory_space<vmem>> -> memref<8xi32, #tpu.memory_space<vmem>>
    %dma_wait3A_1715 = arith.constant 0 : i32
    %dma_wait3A_1716 = arith.constant 0 : i32
    %dma_wait3A_1717 = tpu.memref_slice %arg3[%dma_wait3A_1715, %dma_wait3A_1716] : memref<100000x1024xf32, #tpu.memory_space<hbm>> -> memref<100000x1024xf32, #tpu.memory_space<hbm>>
    tpu.wait_indirect_dma semaphore(%arg11 : memref<!tpu.dma_semaphore, #tpu.memory_space<semaphore_mem>>) src(%dma_wait3A_1717 : memref<100000x1024xf32, #tpu.memory_space<hbm>>) dst(%dma_wait3A_1711 : memref<8x1024xf32, #tpu.memory_space<vmem>>)
    %dma_wait3A_1718 = arith.constant 2 : i32
    %dma_wait3A_1719 = arith.constant 2 : i32
    %dma_wait3A_1720 = arith.constant 2 : i32
    %dma_wait3A_1721 = arith.constant 0 : i32
    %dma_wait3A_1722 = arith.constant 0 : i32
    %dma_wait3A_1723 = tpu.memref_slice %arg7[%dma_wait3A_1719, %dma_wait3A_1720, %dma_wait3A_1721, %dma_wait3A_1722] : memref<3x4x8x1024xf32, #tpu.memory_space<vmem>> -> memref<1x1x8x1024xf32, #tpu.memory_space<vmem>>
    %dma_wait3A_1724 = tpu.memref_squeeze %dma_wait3A_1723 : memref<1x1x8x1024xf32, #tpu.memory_space<vmem>> -> memref<8x1024xf32, #tpu.memory_space<vmem>>
    %dma_wait3A_1725 = arith.constant 40 : i32
    %dma_wait3A_1726 = tpu.memref_slice %arg6[%dma_wait3A_1718, %dma_wait3A_1725] : memref<4x64xi32, #tpu.memory_space<vmem>> -> memref<1x8xi32, #tpu.memory_space<vmem>>
    %dma_wait3A_1727 = tpu.memref_squeeze %dma_wait3A_1726 : memref<1x8xi32, #tpu.memory_space<vmem>> -> memref<8xi32, #tpu.memory_space<vmem>>
    %dma_wait3A_1728 = arith.constant 0 : i32
    %dma_wait3A_1729 = arith.constant 0 : i32
    %dma_wait3A_1730 = tpu.memref_slice %arg3[%dma_wait3A_1728, %dma_wait3A_1729] : memref<100000x1024xf32, #tpu.memory_space<hbm>> -> memref<100000x1024xf32, #tpu.memory_space<hbm>>
    tpu.wait_indirect_dma semaphore(%arg11 : memref<!tpu.dma_semaphore, #tpu.memory_space<semaphore_mem>>) src(%dma_wait3A_1730 : memref<100000x1024xf32, #tpu.memory_space<hbm>>) dst(%dma_wait3A_1724 : memref<8x1024xf32, #tpu.memory_space<vmem>>)
    %dma_wait3A_1731 = arith.constant 3 : i32
    %dma_wait3A_1732 = arith.constant 2 : i32
    %dma_wait3A_1733 = arith.constant 3 : i32
    %dma_wait3A_1734 = arith.constant 0 : i32
    %dma_wait3A_1735 = arith.constant 0 : i32
    %dma_wait3A_1736 = tpu.memref_slice %arg7[%dma_wait3A_1732, %dma_wait3A_1733, %dma_wait3A_1734, %dma_wait3A_1735] : memref<3x4x8x1024xf32, #tpu.memory_space<vmem>> -> memref<1x1x8x1024xf32, #tpu.memory_space<vmem>>
    %dma_wait3A_1737 = tpu.memref_squeeze %dma_wait3A_1736 : memref<1x1x8x1024xf32, #tpu.memory_space<vmem>> -> memref<8x1024xf32, #tpu.memory_space<vmem>>
    %dma_wait3A_1738 = arith.constant 40 : i32
    %dma_wait3A_1739 = tpu.memref_slice %arg6[%dma_wait3A_1731, %dma_wait3A_1738] : memref<4x64xi32, #tpu.memory_space<vmem>> -> memref<1x8xi32, #tpu.memory_space<vmem>>
    %dma_wait3A_1740 = tpu.memref_squeeze %dma_wait3A_1739 : memref<1x8xi32, #tpu.memory_space<vmem>> -> memref<8xi32, #tpu.memory_space<vmem>>
    %dma_wait3A_1741 = arith.constant 0 : i32
    %dma_wait3A_1742 = arith.constant 0 : i32
    %dma_wait3A_1743 = tpu.memref_slice %arg3[%dma_wait3A_1741, %dma_wait3A_1742] : memref<100000x1024xf32, #tpu.memory_space<hbm>> -> memref<100000x1024xf32, #tpu.memory_space<hbm>>
    tpu.wait_indirect_dma semaphore(%arg11 : memref<!tpu.dma_semaphore, #tpu.memory_space<semaphore_mem>>) src(%dma_wait3A_1743 : memref<100000x1024xf32, #tpu.memory_space<hbm>>) dst(%dma_wait3A_1737 : memref<8x1024xf32, #tpu.memory_space<vmem>>)
    %dma_wait3A_1744 = arith.constant 2 : i32
    %dma_wait3A_1745 = arith.constant 0 : i32
    %dma_wait3A_1746 = arith.constant 0 : i32
    %dma_wait3A_1747 = tpu.memref_slice %arg8[%dma_wait3A_1744, %dma_wait3A_1745, %dma_wait3A_1746] : memref<3x8x1024xf32, #tpu.memory_space<vmem>> -> memref<1x8x1024xf32, #tpu.memory_space<vmem>>
    %dma_wait3A_1748 = tpu.memref_squeeze %dma_wait3A_1747 : memref<1x8x1024xf32, #tpu.memory_space<vmem>> -> memref<8x1024xf32, #tpu.memory_space<vmem>>
    %dma_wait3A_1749 = arith.constant 0 : i32
    %dma_wait3A_1750 = tpu.memref_slice %arg4[%add3A_1120, %dma_wait3A_1749] : memref<2048x1024xf32, #tpu.memory_space<hbm>> -> memref<8x1024xf32, #tpu.memory_space<hbm>>
    %dma_wait3A_1751 = arith.constant 0 : i32
    %dma_wait3A_1752 = arith.constant 0 : i32
    %dma_wait3A_1753 = tpu.memref_slice %arg8[%dma_wait3A_1744, %dma_wait3A_1751, %dma_wait3A_1752] : memref<3x8x1024xf32, #tpu.memory_space<vmem>> -> memref<1x8x1024xf32, #tpu.memory_space<vmem>>
    %dma_wait3A_1754 = tpu.memref_squeeze %dma_wait3A_1753 : memref<1x8x1024xf32, #tpu.memory_space<vmem>> -> memref<8x1024xf32, #tpu.memory_space<vmem>>
    %dma_wait3A_1755 = arith.constant 0 : i32
    %dma_wait3A_1756 = tpu.memref_slice %arg4[%add3A_1120, %dma_wait3A_1755] : memref<2048x1024xf32, #tpu.memory_space<hbm>> -> memref<8x1024xf32, #tpu.memory_space<hbm>>
    tpu.wait_dma2 semaphore(%arg11 : memref<!tpu.dma_semaphore, #tpu.memory_space<semaphore_mem>>) src(%dma_wait3A_1756 : memref<8x1024xf32, #tpu.memory_space<hbm>>) dst(%dma_wait3A_1754 : memref<8x1024xf32, #tpu.memory_space<vmem>>)
    %parallel_loop3A_1757 = arith.constant 0 : i32
    %parallel_loop3A_1758 = arith.constant 512 : i32
    %parallel_loop3A_1759 = arith.constant 1 : i32
    scf.for %parallel_loop3A_2328 = %parallel_loop3A_1757 to %parallel_loop3A_1758 step %parallel_loop3A_1759  : i32 {
      %parallel_loop3A_2329 = arith.constant 6 : i32
      %parallel_loop3A_2330 = arith.shrsi %parallel_loop3A_2328, %parallel_loop3A_2329 : i32
      %parallel_loop3A_2331 = arith.constant 63 : i32
      %parallel_loop3A_2332 = arith.andi %parallel_loop3A_2328, %parallel_loop3A_2331 : i32
      %parallel_loop3A_2333 = arith.constant 16 : i32
      %parallel_loop3A_2334 = arith.muli %parallel_loop3A_2332, %parallel_loop3A_2333 : i32
      %parallel_loop3A_2335 = arith.constant 2 : i32
      %parallel_loop3A_2336 = arith.index_cast %parallel_loop3A_2335 : i32 to index
      %parallel_loop3A_2337 = arith.index_cast %parallel_loop3A_2330 : i32 to index
      %parallel_loop3A_2338 = arith.index_cast %parallel_loop3A_2334 : i32 to index
      %parallel_loop3A_2339 = tpu.vector_load %arg8[%parallel_loop3A_2336, %parallel_loop3A_2337, %parallel_loop3A_2338] {strides = array<i32>} : memref<3x8x1024xf32, #tpu.memory_space<vmem>>, vector<1x1x16xf32>,
      %parallel_loop3A_2340 = vector.shape_cast %parallel_loop3A_2339 : vector<1x1x16xf32> to vector<16xf32>
      %parallel_loop3A_2341 = arith.constant 2 : i32
      %parallel_loop3A_2342 = arith.constant 0 : i32
      %parallel_loop3A_2343 = arith.index_cast %parallel_loop3A_2341 : i32 to index
      %parallel_loop3A_2344 = arith.index_cast %parallel_loop3A_2342 : i32 to index
      %parallel_loop3A_2345 = arith.index_cast %parallel_loop3A_2330 : i32 to index
      %parallel_loop3A_2346 = arith.index_cast %parallel_loop3A_2334 : i32 to index
      %parallel_loop3A_2347 = tpu.vector_load %arg7[%parallel_loop3A_2343, %parallel_loop3A_2344, %parallel_loop3A_2345, %parallel_loop3A_2346] {strides = array<i32>} : memref<3x4x8x1024xf32, #tpu.memory_space<vmem>>, vector<1x1x1x16xf32>,
      %parallel_loop3A_2348 = vector.shape_cast %parallel_loop3A_2347 : vector<1x1x1x16xf32> to vector<16xf32>
      %parallel_loop3A_2349 = arith.constant 3.200000e+01 : f32
      %parallel_loop3A_2350 = vector.broadcast %parallel_loop3A_2349 : f32 to vector<16xf32>
      %parallel_loop3A_2351 = arith.mulf %parallel_loop3A_2348, %parallel_loop3A_2350 : vector<16xf32>
      %parallel_loop3A_2352 = arith.addf %parallel_loop3A_2351, %parallel_loop3A_2340 : vector<16xf32>
      %parallel_loop3A_2353 = arith.constant 2 : i32
      %parallel_loop3A_2354 = arith.constant 0 : i32
      %parallel_loop3A_2355 = arith.index_cast %parallel_loop3A_2353 : i32 to index
      %parallel_loop3A_2356 = arith.index_cast %parallel_loop3A_2354 : i32 to index
      %parallel_loop3A_2357 = arith.index_cast %parallel_loop3A_2330 : i32 to index
      %parallel_loop3A_2358 = arith.index_cast %parallel_loop3A_2334 : i32 to index
      %parallel_loop3A_2359 = tpu.vector_load %arg7[%parallel_loop3A_2355, %parallel_loop3A_2356, %parallel_loop3A_2357, %parallel_loop3A_2358] {strides = array<i32>} : memref<3x4x8x1024xf32, #tpu.memory_space<vmem>>, vector<1x1x1x16xf32>,
      %parallel_loop3A_2360 = vector.shape_cast %parallel_loop3A_2359 : vector<1x1x1x16xf32> to vector<16xf32>
      %parallel_loop3A_2361 = vector.shape_cast %parallel_loop3A_2352 : vector<16xf32> to vector<1x1x1x16xf32>
      tpu.vector_store %arg7[%parallel_loop3A_2355, %parallel_loop3A_2356, %parallel_loop3A_2357, %parallel_loop3A_2358], %parallel_loop3A_2361 {strides = array<i32>} : memref<3x4x8x1024xf32, #tpu.memory_space<vmem>>, vector<1x1x1x16xf32>,
      %parallel_loop3A_2362 = arith.constant 2 : i32
      %parallel_loop3A_2363 = arith.constant 1 : i32
      %parallel_loop3A_2364 = arith.index_cast %parallel_loop3A_2362 : i32 to index
      %parallel_loop3A_2365 = arith.index_cast %parallel_loop3A_2363 : i32 to index
      %parallel_loop3A_2366 = arith.index_cast %parallel_loop3A_2330 : i32 to index
      %parallel_loop3A_2367 = arith.index_cast %parallel_loop3A_2334 : i32 to index
      %parallel_loop3A_2368 = tpu.vector_load %arg7[%parallel_loop3A_2364, %parallel_loop3A_2365, %parallel_loop3A_2366, %parallel_loop3A_2367] {strides = array<i32>} : memref<3x4x8x1024xf32, #tpu.memory_space<vmem>>, vector<1x1x1x16xf32>,
      %parallel_loop3A_2369 = vector.shape_cast %parallel_loop3A_2368 : vector<1x1x1x16xf32> to vector<16xf32>
      %parallel_loop3A_2370 = arith.constant 3.200000e+01 : f32
      %parallel_loop3A_2371 = vector.broadcast %parallel_loop3A_2370 : f32 to vector<16xf32>
      %parallel_loop3A_2372 = arith.mulf %parallel_loop3A_2369, %parallel_loop3A_2371 : vector<16xf32>
      %parallel_loop3A_2373 = arith.addf %parallel_loop3A_2372, %parallel_loop3A_2340 : vector<16xf32>
      %parallel_loop3A_2374 = arith.constant 2 : i32
      %parallel_loop3A_2375 = arith.constant 1 : i32
      %parallel_loop3A_2376 = arith.index_cast %parallel_loop3A_2374 : i32 to index
      %parallel_loop3A_2377 = arith.index_cast %parallel_loop3A_2375 : i32 to index
      %parallel_loop3A_2378 = arith.index_cast %parallel_loop3A_2330 : i32 to index
      %parallel_loop3A_2379 = arith.index_cast %parallel_loop3A_2334 : i32 to index
      %parallel_loop3A_2380 = tpu.vector_load %arg7[%parallel_loop3A_2376, %parallel_loop3A_2377, %parallel_loop3A_2378, %parallel_loop3A_2379] {strides = array<i32>} : memref<3x4x8x1024xf32, #tpu.memory_space<vmem>>, vector<1x1x1x16xf32>,
      %parallel_loop3A_2381 = vector.shape_cast %parallel_loop3A_2380 : vector<1x1x1x16xf32> to vector<16xf32>
      %parallel_loop3A_2382 = vector.shape_cast %parallel_loop3A_2373 : vector<16xf32> to vector<1x1x1x16xf32>
      tpu.vector_store %arg7[%parallel_loop3A_2376, %parallel_loop3A_2377, %parallel_loop3A_2378, %parallel_loop3A_2379], %parallel_loop3A_2382 {strides = array<i32>} : memref<3x4x8x1024xf32, #tpu.memory_space<vmem>>, vector<1x1x1x16xf32>,
      %parallel_loop3A_2383 = arith.constant 2 : i32
      %parallel_loop3A_2384 = arith.constant 2 : i32
      %parallel_loop3A_2385 = arith.index_cast %parallel_loop3A_2383 : i32 to index
      %parallel_loop3A_2386 = arith.index_cast %parallel_loop3A_2384 : i32 to index
      %parallel_loop3A_2387 = arith.index_cast %parallel_loop3A_2330 : i32 to index
      %parallel_loop3A_2388 = arith.index_cast %parallel_loop3A_2334 : i32 to index
      %parallel_loop3A_2389 = tpu.vector_load %arg7[%parallel_loop3A_2385, %parallel_loop3A_2386, %parallel_loop3A_2387, %parallel_loop3A_2388] {strides = array<i32>} : memref<3x4x8x1024xf32, #tpu.memory_space<vmem>>, vector<1x1x1x16xf32>,
      %parallel_loop3A_2390 = vector.shape_cast %parallel_loop3A_2389 : vector<1x1x1x16xf32> to vector<16xf32>
      %parallel_loop3A_2391 = arith.constant 3.200000e+01 : f32
      %parallel_loop3A_2392 = vector.broadcast %parallel_loop3A_2391 : f32 to vector<16xf32>
      %parallel_loop3A_2393 = arith.mulf %parallel_loop3A_2390, %parallel_loop3A_2392 : vector<16xf32>
      %parallel_loop3A_2394 = arith.addf %parallel_loop3A_2393, %parallel_loop3A_2340 : vector<16xf32>
      %parallel_loop3A_2395 = arith.constant 2 : i32
      %parallel_loop3A_2396 = arith.constant 2 : i32
      %parallel_loop3A_2397 = arith.index_cast %parallel_loop3A_2395 : i32 to index
      %parallel_loop3A_2398 = arith.index_cast %parallel_loop3A_2396 : i32 to index
      %parallel_loop3A_2399 = arith.index_cast %parallel_loop3A_2330 : i32 to index
      %parallel_loop3A_2400 = arith.index_cast %parallel_loop3A_2334 : i32 to index
      %parallel_loop3A_2401 = tpu.vector_load %arg7[%parallel_loop3A_2397, %parallel_loop3A_2398, %parallel_loop3A_2399, %parallel_loop3A_2400] {strides = array<i32>} : memref<3x4x8x1024xf32, #tpu.memory_space<vmem>>, vector<1x1x1x16xf32>,
      %parallel_loop3A_2402 = vector.shape_cast %parallel_loop3A_2401 : vector<1x1x1x16xf32> to vector<16xf32>
      %parallel_loop3A_2403 = vector.shape_cast %parallel_loop3A_2394 : vector<16xf32> to vector<1x1x1x16xf32>
      tpu.vector_store %arg7[%parallel_loop3A_2397, %parallel_loop3A_2398, %parallel_loop3A_2399, %parallel_loop3A_2400], %parallel_loop3A_2403 {strides = array<i32>} : memref<3x4x8x1024xf32, #tpu.memory_space<vmem>>, vector<1x1x1x16xf32>,
      %parallel_loop3A_2404 = arith.constant 2 : i32
      %parallel_loop3A_2405 = arith.constant 3 : i32
      %parallel_loop3A_2406 = arith.index_cast %parallel_loop3A_2404 : i32 to index
      %parallel_loop3A_2407 = arith.index_cast %parallel_loop3A_2405 : i32 to index
      %parallel_loop3A_2408 = arith.index_cast %parallel_loop3A_2330 : i32 to index
      %parallel_loop3A_2409 = arith.index_cast %parallel_loop3A_2334 : i32 to index
      %parallel_loop3A_2410 = tpu.vector_load %arg7[%parallel_loop3A_2406, %parallel_loop3A_2407, %parallel_loop3A_2408, %parallel_loop3A_2409] {strides = array<i32>} : memref<3x4x8x1024xf32, #tpu.memory_space<vmem>>, vector<1x1x1x16xf32>,
      %parallel_loop3A_2411 = vector.shape_cast %parallel_loop3A_2410 : vector<1x1x1x16xf32> to vector<16xf32>
      %parallel_loop3A_2412 = arith.constant 3.200000e+01 : f32
      %parallel_loop3A_2413 = vector.broadcast %parallel_loop3A_2412 : f32 to vector<16xf32>
      %parallel_loop3A_2414 = arith.mulf %parallel_loop3A_2411, %parallel_loop3A_2413 : vector<16xf32>
      %parallel_loop3A_2415 = arith.addf %parallel_loop3A_2414, %parallel_loop3A_2340 : vector<16xf32>
      %parallel_loop3A_2416 = arith.constant 2 : i32
      %parallel_loop3A_2417 = arith.constant 3 : i32
      %parallel_loop3A_2418 = arith.index_cast %parallel_loop3A_2416 : i32 to index
      %parallel_loop3A_2419 = arith.index_cast %parallel_loop3A_2417 : i32 to index
      %parallel_loop3A_2420 = arith.index_cast %parallel_loop3A_2330 : i32 to index
      %parallel_loop3A_2421 = arith.index_cast %parallel_loop3A_2334 : i32 to index
      %parallel_loop3A_2422 = tpu.vector_load %arg7[%parallel_loop3A_2418, %parallel_loop3A_2419, %parallel_loop3A_2420, %parallel_loop3A_2421] {strides = array<i32>} : memref<3x4x8x1024xf32, #tpu.memory_space<vmem>>, vector<1x1x1x16xf32>,
      %parallel_loop3A_2423 = vector.shape_cast %parallel_loop3A_2422 : vector<1x1x1x16xf32> to vector<16xf32>
      %parallel_loop3A_2424 = vector.shape_cast %parallel_loop3A_2415 : vector<16xf32> to vector<1x1x1x16xf32>
      tpu.vector_store %arg7[%parallel_loop3A_2418, %parallel_loop3A_2419, %parallel_loop3A_2420, %parallel_loop3A_2421], %parallel_loop3A_2424 {strides = array<i32>} : memref<3x4x8x1024xf32, #tpu.memory_space<vmem>>, vector<1x1x1x16xf32>,
    } {sc.loop_unroll_factor = 2 : i64, sc.parallel_access}
    %add3A_1760 = arith.constant 40 : i32
    %add3A_1761 = arith.addi %mul3A_2, %add3A_1760 : i32
    %dma_start3A_1762 = arith.constant 2 : i32
    %dma_start3A_1763 = arith.constant 0 : i32
    %dma_start3A_1764 = arith.constant 0 : i32
    %dma_start3A_1765 = arith.constant 0 : i32
    %dma_start3A_1766 = arith.constant 0 : i32
    %dma_start3A_1767 = tpu.memref_slice %arg7[%dma_start3A_1762, %dma_start3A_1763, %dma_start3A_1765, %dma_start3A_1766] : memref<3x4x8x1024xf32, #tpu.memory_space<vmem>> -> memref<1x1x8x1024xf32, #tpu.memory_space<vmem>>
    %dma_start3A_1768 = tpu.memref_squeeze %dma_start3A_1767 : memref<1x1x8x1024xf32, #tpu.memory_space<vmem>> -> memref<8x1024xf32, #tpu.memory_space<vmem>>
    %dma_start3A_1769 = arith.constant 0 : i32
    %dma_start3A_1770 = tpu.memref_slice %arg5[%dma_start3A_1764, %add3A_1761, %dma_start3A_1769] : memref<4x2048x1024xf32, #tpu.memory_space<hbm>> -> memref<1x8x1024xf32, #tpu.memory_space<hbm>>
    %dma_start3A_1771 = tpu.memref_squeeze %dma_start3A_1770 : memref<1x8x1024xf32, #tpu.memory_space<hbm>> -> memref<8x1024xf32, #tpu.memory_space<hbm>>
    %dma_start3A_1772 = arith.constant 0 : i32
    %dma_start3A_1773 = tpu.memref_slice %arg5[%dma_start3A_1764, %add3A_1761, %dma_start3A_1772] : memref<4x2048x1024xf32, #tpu.memory_space<hbm>> -> memref<1x8x1024xf32, #tpu.memory_space<hbm>>
    %dma_start3A_1774 = tpu.memref_squeeze %dma_start3A_1773 : memref<1x8x1024xf32, #tpu.memory_space<hbm>> -> memref<8x1024xf32, #tpu.memory_space<hbm>>
    %dma_start3A_1775 = arith.constant 0 : i32
    %dma_start3A_1776 = arith.constant 0 : i32
    %dma_start3A_1777 = tpu.memref_slice %arg7[%dma_start3A_1762, %dma_start3A_1763, %dma_start3A_1775, %dma_start3A_1776] : memref<3x4x8x1024xf32, #tpu.memory_space<vmem>> -> memref<1x1x8x1024xf32, #tpu.memory_space<vmem>>
    %dma_start3A_1778 = tpu.memref_squeeze %dma_start3A_1777 : memref<1x1x8x1024xf32, #tpu.memory_space<vmem>> -> memref<8x1024xf32, #tpu.memory_space<vmem>>
    tpu.enqueue_dma source(%dma_start3A_1778 : memref<8x1024xf32, #tpu.memory_space<vmem>>) target(%dma_start3A_1774 : memref<8x1024xf32, #tpu.memory_space<hbm>>) target_semaphore(%arg14 : memref<!tpu.dma_semaphore, #tpu.memory_space<semaphore_mem>>)
    %add3A_1779 = arith.constant 40 : i32
    %add3A_1780 = arith.addi %mul3A_2, %add3A_1779 : i32
    %dma_start3A_1781 = arith.constant 2 : i32
    %dma_start3A_1782 = arith.constant 1 : i32
    %dma_start3A_1783 = arith.constant 1 : i32
    %dma_start3A_1784 = arith.constant 0 : i32
    %dma_start3A_1785 = arith.constant 0 : i32
    %dma_start3A_1786 = tpu.memref_slice %arg7[%dma_start3A_1781, %dma_start3A_1782, %dma_start3A_1784, %dma_start3A_1785] : memref<3x4x8x1024xf32, #tpu.memory_space<vmem>> -> memref<1x1x8x1024xf32, #tpu.memory_space<vmem>>
    %dma_start3A_1787 = tpu.memref_squeeze %dma_start3A_1786 : memref<1x1x8x1024xf32, #tpu.memory_space<vmem>> -> memref<8x1024xf32, #tpu.memory_space<vmem>>
    %dma_start3A_1788 = arith.constant 0 : i32
    %dma_start3A_1789 = tpu.memref_slice %arg5[%dma_start3A_1783, %add3A_1780, %dma_start3A_1788] : memref<4x2048x1024xf32, #tpu.memory_space<hbm>> -> memref<1x8x1024xf32, #tpu.memory_space<hbm>>
    %dma_start3A_1790 = tpu.memref_squeeze %dma_start3A_1789 : memref<1x8x1024xf32, #tpu.memory_space<hbm>> -> memref<8x1024xf32, #tpu.memory_space<hbm>>
    %dma_start3A_1791 = arith.constant 0 : i32
    %dma_start3A_1792 = tpu.memref_slice %arg5[%dma_start3A_1783, %add3A_1780, %dma_start3A_1791] : memref<4x2048x1024xf32, #tpu.memory_space<hbm>> -> memref<1x8x1024xf32, #tpu.memory_space<hbm>>
    %dma_start3A_1793 = tpu.memref_squeeze %dma_start3A_1792 : memref<1x8x1024xf32, #tpu.memory_space<hbm>> -> memref<8x1024xf32, #tpu.memory_space<hbm>>
    %dma_start3A_1794 = arith.constant 0 : i32
    %dma_start3A_1795 = arith.constant 0 : i32
    %dma_start3A_1796 = tpu.memref_slice %arg7[%dma_start3A_1781, %dma_start3A_1782, %dma_start3A_1794, %dma_start3A_1795] : memref<3x4x8x1024xf32, #tpu.memory_space<vmem>> -> memref<1x1x8x1024xf32, #tpu.memory_space<vmem>>
    %dma_start3A_1797 = tpu.memref_squeeze %dma_start3A_1796 : memref<1x1x8x1024xf32, #tpu.memory_space<vmem>> -> memref<8x1024xf32, #tpu.memory_space<vmem>>
    tpu.enqueue_dma source(%dma_start3A_1797 : memref<8x1024xf32, #tpu.memory_space<vmem>>) target(%dma_start3A_1793 : memref<8x1024xf32, #tpu.memory_space<hbm>>) target_semaphore(%arg14 : memref<!tpu.dma_semaphore, #tpu.memory_space<semaphore_mem>>)
    %add3A_1798 = arith.constant 40 : i32
    %add3A_1799 = arith.addi %mul3A_2, %add3A_1798 : i32
    %dma_start3A_1800 = arith.constant 2 : i32
    %dma_start3A_1801 = arith.constant 2 : i32
    %dma_start3A_1802 = arith.constant 2 : i32
    %dma_start3A_1803 = arith.constant 0 : i32
    %dma_start3A_1804 = arith.constant 0 : i32
    %dma_start3A_1805 = tpu.memref_slice %arg7[%dma_start3A_1800, %dma_start3A_1801, %dma_start3A_1803, %dma_start3A_1804] : memref<3x4x8x1024xf32, #tpu.memory_space<vmem>> -> memref<1x1x8x1024xf32, #tpu.memory_space<vmem>>
    %dma_start3A_1806 = tpu.memref_squeeze %dma_start3A_1805 : memref<1x1x8x1024xf32, #tpu.memory_space<vmem>> -> memref<8x1024xf32, #tpu.memory_space<vmem>>
    %dma_start3A_1807 = arith.constant 0 : i32
    %dma_start3A_1808 = tpu.memref_slice %arg5[%dma_start3A_1802, %add3A_1799, %dma_start3A_1807] : memref<4x2048x1024xf32, #tpu.memory_space<hbm>> -> memref<1x8x1024xf32, #tpu.memory_space<hbm>>
    %dma_start3A_1809 = tpu.memref_squeeze %dma_start3A_1808 : memref<1x8x1024xf32, #tpu.memory_space<hbm>> -> memref<8x1024xf32, #tpu.memory_space<hbm>>
    %dma_start3A_1810 = arith.constant 0 : i32
    %dma_start3A_1811 = tpu.memref_slice %arg5[%dma_start3A_1802, %add3A_1799, %dma_start3A_1810] : memref<4x2048x1024xf32, #tpu.memory_space<hbm>> -> memref<1x8x1024xf32, #tpu.memory_space<hbm>>
    %dma_start3A_1812 = tpu.memref_squeeze %dma_start3A_1811 : memref<1x8x1024xf32, #tpu.memory_space<hbm>> -> memref<8x1024xf32, #tpu.memory_space<hbm>>
    %dma_start3A_1813 = arith.constant 0 : i32
    %dma_start3A_1814 = arith.constant 0 : i32
    %dma_start3A_1815 = tpu.memref_slice %arg7[%dma_start3A_1800, %dma_start3A_1801, %dma_start3A_1813, %dma_start3A_1814] : memref<3x4x8x1024xf32, #tpu.memory_space<vmem>> -> memref<1x1x8x1024xf32, #tpu.memory_space<vmem>>
    %dma_start3A_1816 = tpu.memref_squeeze %dma_start3A_1815 : memref<1x1x8x1024xf32, #tpu.memory_space<vmem>> -> memref<8x1024xf32, #tpu.memory_space<vmem>>
    tpu.enqueue_dma source(%dma_start3A_1816 : memref<8x1024xf32, #tpu.memory_space<vmem>>) target(%dma_start3A_1812 : memref<8x1024xf32, #tpu.memory_space<hbm>>) target_semaphore(%arg14 : memref<!tpu.dma_semaphore, #tpu.memory_space<semaphore_mem>>)
    %add3A_1817 = arith.constant 40 : i32
    %add3A_1818 = arith.addi %mul3A_2, %add3A_1817 : i32
    %dma_start3A_1819 = arith.constant 2 : i32
    %dma_start3A_1820 = arith.constant 3 : i32
    %dma_start3A_1821 = arith.constant 3 : i32
    %dma_start3A_1822 = arith.constant 0 : i32
    %dma_start3A_1823 = arith.constant 0 : i32
    %dma_start3A_1824 = tpu.memref_slice %arg7[%dma_start3A_1819, %dma_start3A_1820, %dma_start3A_1822, %dma_start3A_1823] : memref<3x4x8x1024xf32, #tpu.memory_space<vmem>> -> memref<1x1x8x1024xf32, #tpu.memory_space<vmem>>
    %dma_start3A_1825 = tpu.memref_squeeze %dma_start3A_1824 : memref<1x1x8x1024xf32, #tpu.memory_space<vmem>> -> memref<8x1024xf32, #tpu.memory_space<vmem>>
    %dma_start3A_1826 = arith.constant 0 : i32
    %dma_start3A_1827 = tpu.memref_slice %arg5[%dma_start3A_1821, %add3A_1818, %dma_start3A_1826] : memref<4x2048x1024xf32, #tpu.memory_space<hbm>> -> memref<1x8x1024xf32, #tpu.memory_space<hbm>>
    %dma_start3A_1828 = tpu.memref_squeeze %dma_start3A_1827 : memref<1x8x1024xf32, #tpu.memory_space<hbm>> -> memref<8x1024xf32, #tpu.memory_space<hbm>>
    %dma_start3A_1829 = arith.constant 0 : i32
    %dma_start3A_1830 = tpu.memref_slice %arg5[%dma_start3A_1821, %add3A_1818, %dma_start3A_1829] : memref<4x2048x1024xf32, #tpu.memory_space<hbm>> -> memref<1x8x1024xf32, #tpu.memory_space<hbm>>
    %dma_start3A_1831 = tpu.memref_squeeze %dma_start3A_1830 : memref<1x8x1024xf32, #tpu.memory_space<hbm>> -> memref<8x1024xf32, #tpu.memory_space<hbm>>
    %dma_start3A_1832 = arith.constant 0 : i32
    %dma_start3A_1833 = arith.constant 0 : i32
    %dma_start3A_1834 = tpu.memref_slice %arg7[%dma_start3A_1819, %dma_start3A_1820, %dma_start3A_1832, %dma_start3A_1833] : memref<3x4x8x1024xf32, #tpu.memory_space<vmem>> -> memref<1x1x8x1024xf32, #tpu.memory_space<vmem>>
    %dma_start3A_1835 = tpu.memref_squeeze %dma_start3A_1834 : memref<1x1x8x1024xf32, #tpu.memory_space<vmem>> -> memref<8x1024xf32, #tpu.memory_space<vmem>>
    tpu.enqueue_dma source(%dma_start3A_1835 : memref<8x1024xf32, #tpu.memory_space<vmem>>) target(%dma_start3A_1831 : memref<8x1024xf32, #tpu.memory_space<hbm>>) target_semaphore(%arg14 : memref<!tpu.dma_semaphore, #tpu.memory_space<semaphore_mem>>)
    %dma_wait3A_1836 = arith.constant 0 : i32
    %dma_wait3A_1837 = arith.constant 0 : i32
    %dma_wait3A_1838 = arith.constant 0 : i32
    %dma_wait3A_1839 = arith.constant 0 : i32
    %dma_wait3A_1840 = arith.constant 0 : i32
    %dma_wait3A_1841 = tpu.memref_slice %arg7[%dma_wait3A_1837, %dma_wait3A_1838, %dma_wait3A_1839, %dma_wait3A_1840] : memref<3x4x8x1024xf32, #tpu.memory_space<vmem>> -> memref<1x1x8x1024xf32, #tpu.memory_space<vmem>>
    %dma_wait3A_1842 = tpu.memref_squeeze %dma_wait3A_1841 : memref<1x1x8x1024xf32, #tpu.memory_space<vmem>> -> memref<8x1024xf32, #tpu.memory_space<vmem>>
    %dma_wait3A_1843 = arith.constant 48 : i32
    %dma_wait3A_1844 = tpu.memref_slice %arg6[%dma_wait3A_1836, %dma_wait3A_1843] : memref<4x64xi32, #tpu.memory_space<vmem>> -> memref<1x8xi32, #tpu.memory_space<vmem>>
    %dma_wait3A_1845 = tpu.memref_squeeze %dma_wait3A_1844 : memref<1x8xi32, #tpu.memory_space<vmem>> -> memref<8xi32, #tpu.memory_space<vmem>>
    %dma_wait3A_1846 = arith.constant 0 : i32
    %dma_wait3A_1847 = arith.constant 0 : i32
    %dma_wait3A_1848 = tpu.memref_slice %arg3[%dma_wait3A_1846, %dma_wait3A_1847] : memref<100000x1024xf32, #tpu.memory_space<hbm>> -> memref<100000x1024xf32, #tpu.memory_space<hbm>>
    tpu.wait_indirect_dma semaphore(%arg9 : memref<!tpu.dma_semaphore, #tpu.memory_space<semaphore_mem>>) src(%dma_wait3A_1848 : memref<100000x1024xf32, #tpu.memory_space<hbm>>) dst(%dma_wait3A_1842 : memref<8x1024xf32, #tpu.memory_space<vmem>>)
    %dma_wait3A_1849 = arith.constant 1 : i32
    %dma_wait3A_1850 = arith.constant 0 : i32
    %dma_wait3A_1851 = arith.constant 1 : i32
    %dma_wait3A_1852 = arith.constant 0 : i32
    %dma_wait3A_1853 = arith.constant 0 : i32
    %dma_wait3A_1854 = tpu.memref_slice %arg7[%dma_wait3A_1850, %dma_wait3A_1851, %dma_wait3A_1852, %dma_wait3A_1853] : memref<3x4x8x1024xf32, #tpu.memory_space<vmem>> -> memref<1x1x8x1024xf32, #tpu.memory_space<vmem>>
    %dma_wait3A_1855 = tpu.memref_squeeze %dma_wait3A_1854 : memref<1x1x8x1024xf32, #tpu.memory_space<vmem>> -> memref<8x1024xf32, #tpu.memory_space<vmem>>
    %dma_wait3A_1856 = arith.constant 48 : i32
    %dma_wait3A_1857 = tpu.memref_slice %arg6[%dma_wait3A_1849, %dma_wait3A_1856] : memref<4x64xi32, #tpu.memory_space<vmem>> -> memref<1x8xi32, #tpu.memory_space<vmem>>
    %dma_wait3A_1858 = tpu.memref_squeeze %dma_wait3A_1857 : memref<1x8xi32, #tpu.memory_space<vmem>> -> memref<8xi32, #tpu.memory_space<vmem>>
    %dma_wait3A_1859 = arith.constant 0 : i32
    %dma_wait3A_1860 = arith.constant 0 : i32
    %dma_wait3A_1861 = tpu.memref_slice %arg3[%dma_wait3A_1859, %dma_wait3A_1860] : memref<100000x1024xf32, #tpu.memory_space<hbm>> -> memref<100000x1024xf32, #tpu.memory_space<hbm>>
    tpu.wait_indirect_dma semaphore(%arg9 : memref<!tpu.dma_semaphore, #tpu.memory_space<semaphore_mem>>) src(%dma_wait3A_1861 : memref<100000x1024xf32, #tpu.memory_space<hbm>>) dst(%dma_wait3A_1855 : memref<8x1024xf32, #tpu.memory_space<vmem>>)
    %dma_wait3A_1862 = arith.constant 2 : i32
    %dma_wait3A_1863 = arith.constant 0 : i32
    %dma_wait3A_1864 = arith.constant 2 : i32
    %dma_wait3A_1865 = arith.constant 0 : i32
    %dma_wait3A_1866 = arith.constant 0 : i32
    %dma_wait3A_1867 = tpu.memref_slice %arg7[%dma_wait3A_1863, %dma_wait3A_1864, %dma_wait3A_1865, %dma_wait3A_1866] : memref<3x4x8x1024xf32, #tpu.memory_space<vmem>> -> memref<1x1x8x1024xf32, #tpu.memory_space<vmem>>
    %dma_wait3A_1868 = tpu.memref_squeeze %dma_wait3A_1867 : memref<1x1x8x1024xf32, #tpu.memory_space<vmem>> -> memref<8x1024xf32, #tpu.memory_space<vmem>>
    %dma_wait3A_1869 = arith.constant 48 : i32
    %dma_wait3A_1870 = tpu.memref_slice %arg6[%dma_wait3A_1862, %dma_wait3A_1869] : memref<4x64xi32, #tpu.memory_space<vmem>> -> memref<1x8xi32, #tpu.memory_space<vmem>>
    %dma_wait3A_1871 = tpu.memref_squeeze %dma_wait3A_1870 : memref<1x8xi32, #tpu.memory_space<vmem>> -> memref<8xi32, #tpu.memory_space<vmem>>
    %dma_wait3A_1872 = arith.constant 0 : i32
    %dma_wait3A_1873 = arith.constant 0 : i32
    %dma_wait3A_1874 = tpu.memref_slice %arg3[%dma_wait3A_1872, %dma_wait3A_1873] : memref<100000x1024xf32, #tpu.memory_space<hbm>> -> memref<100000x1024xf32, #tpu.memory_space<hbm>>
    tpu.wait_indirect_dma semaphore(%arg9 : memref<!tpu.dma_semaphore, #tpu.memory_space<semaphore_mem>>) src(%dma_wait3A_1874 : memref<100000x1024xf32, #tpu.memory_space<hbm>>) dst(%dma_wait3A_1868 : memref<8x1024xf32, #tpu.memory_space<vmem>>)
    %dma_wait3A_1875 = arith.constant 3 : i32
    %dma_wait3A_1876 = arith.constant 0 : i32
    %dma_wait3A_1877 = arith.constant 3 : i32
    %dma_wait3A_1878 = arith.constant 0 : i32
    %dma_wait3A_1879 = arith.constant 0 : i32
    %dma_wait3A_1880 = tpu.memref_slice %arg7[%dma_wait3A_1876, %dma_wait3A_1877, %dma_wait3A_1878, %dma_wait3A_1879] : memref<3x4x8x1024xf32, #tpu.memory_space<vmem>> -> memref<1x1x8x1024xf32, #tpu.memory_space<vmem>>
    %dma_wait3A_1881 = tpu.memref_squeeze %dma_wait3A_1880 : memref<1x1x8x1024xf32, #tpu.memory_space<vmem>> -> memref<8x1024xf32, #tpu.memory_space<vmem>>
    %dma_wait3A_1882 = arith.constant 48 : i32
    %dma_wait3A_1883 = tpu.memref_slice %arg6[%dma_wait3A_1875, %dma_wait3A_1882] : memref<4x64xi32, #tpu.memory_space<vmem>> -> memref<1x8xi32, #tpu.memory_space<vmem>>
    %dma_wait3A_1884 = tpu.memref_squeeze %dma_wait3A_1883 : memref<1x8xi32, #tpu.memory_space<vmem>> -> memref<8xi32, #tpu.memory_space<vmem>>
    %dma_wait3A_1885 = arith.constant 0 : i32
    %dma_wait3A_1886 = arith.constant 0 : i32
    %dma_wait3A_1887 = tpu.memref_slice %arg3[%dma_wait3A_1885, %dma_wait3A_1886] : memref<100000x1024xf32, #tpu.memory_space<hbm>> -> memref<100000x1024xf32, #tpu.memory_space<hbm>>
    tpu.wait_indirect_dma semaphore(%arg9 : memref<!tpu.dma_semaphore, #tpu.memory_space<semaphore_mem>>) src(%dma_wait3A_1887 : memref<100000x1024xf32, #tpu.memory_space<hbm>>) dst(%dma_wait3A_1881 : memref<8x1024xf32, #tpu.memory_space<vmem>>)
    %dma_wait3A_1888 = arith.constant 0 : i32
    %dma_wait3A_1889 = arith.constant 0 : i32
    %dma_wait3A_1890 = arith.constant 0 : i32
    %dma_wait3A_1891 = tpu.memref_slice %arg8[%dma_wait3A_1888, %dma_wait3A_1889, %dma_wait3A_1890] : memref<3x8x1024xf32, #tpu.memory_space<vmem>> -> memref<1x8x1024xf32, #tpu.memory_space<vmem>>
    %dma_wait3A_1892 = tpu.memref_squeeze %dma_wait3A_1891 : memref<1x8x1024xf32, #tpu.memory_space<vmem>> -> memref<8x1024xf32, #tpu.memory_space<vmem>>
    %dma_wait3A_1893 = arith.constant 0 : i32
    %dma_wait3A_1894 = tpu.memref_slice %arg4[%add3A_1399, %dma_wait3A_1893] : memref<2048x1024xf32, #tpu.memory_space<hbm>> -> memref<8x1024xf32, #tpu.memory_space<hbm>>
    %dma_wait3A_1895 = arith.constant 0 : i32
    %dma_wait3A_1896 = arith.constant 0 : i32
    %dma_wait3A_1897 = tpu.memref_slice %arg8[%dma_wait3A_1888, %dma_wait3A_1895, %dma_wait3A_1896] : memref<3x8x1024xf32, #tpu.memory_space<vmem>> -> memref<1x8x1024xf32, #tpu.memory_space<vmem>>
    %dma_wait3A_1898 = tpu.memref_squeeze %dma_wait3A_1897 : memref<1x8x1024xf32, #tpu.memory_space<vmem>> -> memref<8x1024xf32, #tpu.memory_space<vmem>>
    %dma_wait3A_1899 = arith.constant 0 : i32
    %dma_wait3A_1900 = tpu.memref_slice %arg4[%add3A_1399, %dma_wait3A_1899] : memref<2048x1024xf32, #tpu.memory_space<hbm>> -> memref<8x1024xf32, #tpu.memory_space<hbm>>
    tpu.wait_dma2 semaphore(%arg9 : memref<!tpu.dma_semaphore, #tpu.memory_space<semaphore_mem>>) src(%dma_wait3A_1900 : memref<8x1024xf32, #tpu.memory_space<hbm>>) dst(%dma_wait3A_1898 : memref<8x1024xf32, #tpu.memory_space<vmem>>)
    %parallel_loop3A_1901 = arith.constant 0 : i32
    %parallel_loop3A_1902 = arith.constant 512 : i32
    %parallel_loop3A_1903 = arith.constant 1 : i32
    scf.for %parallel_loop3A_2328 = %parallel_loop3A_1901 to %parallel_loop3A_1902 step %parallel_loop3A_1903  : i32 {
      %parallel_loop3A_2329 = arith.constant 6 : i32
      %parallel_loop3A_2330 = arith.shrsi %parallel_loop3A_2328, %parallel_loop3A_2329 : i32
      %parallel_loop3A_2331 = arith.constant 63 : i32
      %parallel_loop3A_2332 = arith.andi %parallel_loop3A_2328, %parallel_loop3A_2331 : i32
      %parallel_loop3A_2333 = arith.constant 16 : i32
      %parallel_loop3A_2334 = arith.muli %parallel_loop3A_2332, %parallel_loop3A_2333 : i32
      %parallel_loop3A_2335 = arith.constant 0 : i32
      %parallel_loop3A_2336 = arith.index_cast %parallel_loop3A_2335 : i32 to index
      %parallel_loop3A_2337 = arith.index_cast %parallel_loop3A_2330 : i32 to index
      %parallel_loop3A_2338 = arith.index_cast %parallel_loop3A_2334 : i32 to index
      %parallel_loop3A_2339 = tpu.vector_load %arg8[%parallel_loop3A_2336, %parallel_loop3A_2337, %parallel_loop3A_2338] {strides = array<i32>} : memref<3x8x1024xf32, #tpu.memory_space<vmem>>, vector<1x1x16xf32>,
      %parallel_loop3A_2340 = vector.shape_cast %parallel_loop3A_2339 : vector<1x1x16xf32> to vector<16xf32>
      %parallel_loop3A_2341 = arith.constant 0 : i32
      %parallel_loop3A_2342 = arith.constant 0 : i32
      %parallel_loop3A_2343 = arith.index_cast %parallel_loop3A_2341 : i32 to index
      %parallel_loop3A_2344 = arith.index_cast %parallel_loop3A_2342 : i32 to index
      %parallel_loop3A_2345 = arith.index_cast %parallel_loop3A_2330 : i32 to index
      %parallel_loop3A_2346 = arith.index_cast %parallel_loop3A_2334 : i32 to index
      %parallel_loop3A_2347 = tpu.vector_load %arg7[%parallel_loop3A_2343, %parallel_loop3A_2344, %parallel_loop3A_2345, %parallel_loop3A_2346] {strides = array<i32>} : memref<3x4x8x1024xf32, #tpu.memory_space<vmem>>, vector<1x1x1x16xf32>,
      %parallel_loop3A_2348 = vector.shape_cast %parallel_loop3A_2347 : vector<1x1x1x16xf32> to vector<16xf32>
      %parallel_loop3A_2349 = arith.constant 3.200000e+01 : f32
      %parallel_loop3A_2350 = vector.broadcast %parallel_loop3A_2349 : f32 to vector<16xf32>
      %parallel_loop3A_2351 = arith.mulf %parallel_loop3A_2348, %parallel_loop3A_2350 : vector<16xf32>
      %parallel_loop3A_2352 = arith.addf %parallel_loop3A_2351, %parallel_loop3A_2340 : vector<16xf32>
      %parallel_loop3A_2353 = arith.constant 0 : i32
      %parallel_loop3A_2354 = arith.constant 0 : i32
      %parallel_loop3A_2355 = arith.index_cast %parallel_loop3A_2353 : i32 to index
      %parallel_loop3A_2356 = arith.index_cast %parallel_loop3A_2354 : i32 to index
      %parallel_loop3A_2357 = arith.index_cast %parallel_loop3A_2330 : i32 to index
      %parallel_loop3A_2358 = arith.index_cast %parallel_loop3A_2334 : i32 to index
      %parallel_loop3A_2359 = tpu.vector_load %arg7[%parallel_loop3A_2355, %parallel_loop3A_2356, %parallel_loop3A_2357, %parallel_loop3A_2358] {strides = array<i32>} : memref<3x4x8x1024xf32, #tpu.memory_space<vmem>>, vector<1x1x1x16xf32>,
      %parallel_loop3A_2360 = vector.shape_cast %parallel_loop3A_2359 : vector<1x1x1x16xf32> to vector<16xf32>
      %parallel_loop3A_2361 = vector.shape_cast %parallel_loop3A_2352 : vector<16xf32> to vector<1x1x1x16xf32>
      tpu.vector_store %arg7[%parallel_loop3A_2355, %parallel_loop3A_2356, %parallel_loop3A_2357, %parallel_loop3A_2358], %parallel_loop3A_2361 {strides = array<i32>} : memref<3x4x8x1024xf32, #tpu.memory_space<vmem>>, vector<1x1x1x16xf32>,
      %parallel_loop3A_2362 = arith.constant 0 : i32
      %parallel_loop3A_2363 = arith.constant 1 : i32
      %parallel_loop3A_2364 = arith.index_cast %parallel_loop3A_2362 : i32 to index
      %parallel_loop3A_2365 = arith.index_cast %parallel_loop3A_2363 : i32 to index
      %parallel_loop3A_2366 = arith.index_cast %parallel_loop3A_2330 : i32 to index
      %parallel_loop3A_2367 = arith.index_cast %parallel_loop3A_2334 : i32 to index
      %parallel_loop3A_2368 = tpu.vector_load %arg7[%parallel_loop3A_2364, %parallel_loop3A_2365, %parallel_loop3A_2366, %parallel_loop3A_2367] {strides = array<i32>} : memref<3x4x8x1024xf32, #tpu.memory_space<vmem>>, vector<1x1x1x16xf32>,
      %parallel_loop3A_2369 = vector.shape_cast %parallel_loop3A_2368 : vector<1x1x1x16xf32> to vector<16xf32>
      %parallel_loop3A_2370 = arith.constant 3.200000e+01 : f32
      %parallel_loop3A_2371 = vector.broadcast %parallel_loop3A_2370 : f32 to vector<16xf32>
      %parallel_loop3A_2372 = arith.mulf %parallel_loop3A_2369, %parallel_loop3A_2371 : vector<16xf32>
      %parallel_loop3A_2373 = arith.addf %parallel_loop3A_2372, %parallel_loop3A_2340 : vector<16xf32>
      %parallel_loop3A_2374 = arith.constant 0 : i32
      %parallel_loop3A_2375 = arith.constant 1 : i32
      %parallel_loop3A_2376 = arith.index_cast %parallel_loop3A_2374 : i32 to index
      %parallel_loop3A_2377 = arith.index_cast %parallel_loop3A_2375 : i32 to index
      %parallel_loop3A_2378 = arith.index_cast %parallel_loop3A_2330 : i32 to index
      %parallel_loop3A_2379 = arith.index_cast %parallel_loop3A_2334 : i32 to index
      %parallel_loop3A_2380 = tpu.vector_load %arg7[%parallel_loop3A_2376, %parallel_loop3A_2377, %parallel_loop3A_2378, %parallel_loop3A_2379] {strides = array<i32>} : memref<3x4x8x1024xf32, #tpu.memory_space<vmem>>, vector<1x1x1x16xf32>,
      %parallel_loop3A_2381 = vector.shape_cast %parallel_loop3A_2380 : vector<1x1x1x16xf32> to vector<16xf32>
      %parallel_loop3A_2382 = vector.shape_cast %parallel_loop3A_2373 : vector<16xf32> to vector<1x1x1x16xf32>
      tpu.vector_store %arg7[%parallel_loop3A_2376, %parallel_loop3A_2377, %parallel_loop3A_2378, %parallel_loop3A_2379], %parallel_loop3A_2382 {strides = array<i32>} : memref<3x4x8x1024xf32, #tpu.memory_space<vmem>>, vector<1x1x1x16xf32>,
      %parallel_loop3A_2383 = arith.constant 0 : i32
      %parallel_loop3A_2384 = arith.constant 2 : i32
      %parallel_loop3A_2385 = arith.index_cast %parallel_loop3A_2383 : i32 to index
      %parallel_loop3A_2386 = arith.index_cast %parallel_loop3A_2384 : i32 to index
      %parallel_loop3A_2387 = arith.index_cast %parallel_loop3A_2330 : i32 to index
      %parallel_loop3A_2388 = arith.index_cast %parallel_loop3A_2334 : i32 to index
      %parallel_loop3A_2389 = tpu.vector_load %arg7[%parallel_loop3A_2385, %parallel_loop3A_2386, %parallel_loop3A_2387, %parallel_loop3A_2388] {strides = array<i32>} : memref<3x4x8x1024xf32, #tpu.memory_space<vmem>>, vector<1x1x1x16xf32>,
      %parallel_loop3A_2390 = vector.shape_cast %parallel_loop3A_2389 : vector<1x1x1x16xf32> to vector<16xf32>
      %parallel_loop3A_2391 = arith.constant 3.200000e+01 : f32
      %parallel_loop3A_2392 = vector.broadcast %parallel_loop3A_2391 : f32 to vector<16xf32>
      %parallel_loop3A_2393 = arith.mulf %parallel_loop3A_2390, %parallel_loop3A_2392 : vector<16xf32>
      %parallel_loop3A_2394 = arith.addf %parallel_loop3A_2393, %parallel_loop3A_2340 : vector<16xf32>
      %parallel_loop3A_2395 = arith.constant 0 : i32
      %parallel_loop3A_2396 = arith.constant 2 : i32
      %parallel_loop3A_2397 = arith.index_cast %parallel_loop3A_2395 : i32 to index
      %parallel_loop3A_2398 = arith.index_cast %parallel_loop3A_2396 : i32 to index
      %parallel_loop3A_2399 = arith.index_cast %parallel_loop3A_2330 : i32 to index
      %parallel_loop3A_2400 = arith.index_cast %parallel_loop3A_2334 : i32 to index
      %parallel_loop3A_2401 = tpu.vector_load %arg7[%parallel_loop3A_2397, %parallel_loop3A_2398, %parallel_loop3A_2399, %parallel_loop3A_2400] {strides = array<i32>} : memref<3x4x8x1024xf32, #tpu.memory_space<vmem>>, vector<1x1x1x16xf32>,
      %parallel_loop3A_2402 = vector.shape_cast %parallel_loop3A_2401 : vector<1x1x1x16xf32> to vector<16xf32>
      %parallel_loop3A_2403 = vector.shape_cast %parallel_loop3A_2394 : vector<16xf32> to vector<1x1x1x16xf32>
      tpu.vector_store %arg7[%parallel_loop3A_2397, %parallel_loop3A_2398, %parallel_loop3A_2399, %parallel_loop3A_2400], %parallel_loop3A_2403 {strides = array<i32>} : memref<3x4x8x1024xf32, #tpu.memory_space<vmem>>, vector<1x1x1x16xf32>,
      %parallel_loop3A_2404 = arith.constant 0 : i32
      %parallel_loop3A_2405 = arith.constant 3 : i32
      %parallel_loop3A_2406 = arith.index_cast %parallel_loop3A_2404 : i32 to index
      %parallel_loop3A_2407 = arith.index_cast %parallel_loop3A_2405 : i32 to index
      %parallel_loop3A_2408 = arith.index_cast %parallel_loop3A_2330 : i32 to index
      %parallel_loop3A_2409 = arith.index_cast %parallel_loop3A_2334 : i32 to index
      %parallel_loop3A_2410 = tpu.vector_load %arg7[%parallel_loop3A_2406, %parallel_loop3A_2407, %parallel_loop3A_2408, %parallel_loop3A_2409] {strides = array<i32>} : memref<3x4x8x1024xf32, #tpu.memory_space<vmem>>, vector<1x1x1x16xf32>,
      %parallel_loop3A_2411 = vector.shape_cast %parallel_loop3A_2410 : vector<1x1x1x16xf32> to vector<16xf32>
      %parallel_loop3A_2412 = arith.constant 3.200000e+01 : f32
      %parallel_loop3A_2413 = vector.broadcast %parallel_loop3A_2412 : f32 to vector<16xf32>
      %parallel_loop3A_2414 = arith.mulf %parallel_loop3A_2411, %parallel_loop3A_2413 : vector<16xf32>
      %parallel_loop3A_2415 = arith.addf %parallel_loop3A_2414, %parallel_loop3A_2340 : vector<16xf32>
      %parallel_loop3A_2416 = arith.constant 0 : i32
      %parallel_loop3A_2417 = arith.constant 3 : i32
      %parallel_loop3A_2418 = arith.index_cast %parallel_loop3A_2416 : i32 to index
      %parallel_loop3A_2419 = arith.index_cast %parallel_loop3A_2417 : i32 to index
      %parallel_loop3A_2420 = arith.index_cast %parallel_loop3A_2330 : i32 to index
      %parallel_loop3A_2421 = arith.index_cast %parallel_loop3A_2334 : i32 to index
      %parallel_loop3A_2422 = tpu.vector_load %arg7[%parallel_loop3A_2418, %parallel_loop3A_2419, %parallel_loop3A_2420, %parallel_loop3A_2421] {strides = array<i32>} : memref<3x4x8x1024xf32, #tpu.memory_space<vmem>>, vector<1x1x1x16xf32>,
      %parallel_loop3A_2423 = vector.shape_cast %parallel_loop3A_2422 : vector<1x1x1x16xf32> to vector<16xf32>
      %parallel_loop3A_2424 = vector.shape_cast %parallel_loop3A_2415 : vector<16xf32> to vector<1x1x1x16xf32>
      tpu.vector_store %arg7[%parallel_loop3A_2418, %parallel_loop3A_2419, %parallel_loop3A_2420, %parallel_loop3A_2421], %parallel_loop3A_2424 {strides = array<i32>} : memref<3x4x8x1024xf32, #tpu.memory_space<vmem>>, vector<1x1x1x16xf32>,
    } {sc.loop_unroll_factor = 2 : i64, sc.parallel_access}
    %add3A_1904 = arith.constant 48 : i32
    %add3A_1905 = arith.addi %mul3A_2, %add3A_1904 : i32
    %dma_start3A_1906 = arith.constant 0 : i32
    %dma_start3A_1907 = arith.constant 0 : i32
    %dma_start3A_1908 = arith.constant 0 : i32
    %dma_start3A_1909 = arith.constant 0 : i32
    %dma_start3A_1910 = arith.constant 0 : i32
    %dma_start3A_1911 = tpu.memref_slice %arg7[%dma_start3A_1906, %dma_start3A_1907, %dma_start3A_1909, %dma_start3A_1910] : memref<3x4x8x1024xf32, #tpu.memory_space<vmem>> -> memref<1x1x8x1024xf32, #tpu.memory_space<vmem>>
    %dma_start3A_1912 = tpu.memref_squeeze %dma_start3A_1911 : memref<1x1x8x1024xf32, #tpu.memory_space<vmem>> -> memref<8x1024xf32, #tpu.memory_space<vmem>>
    %dma_start3A_1913 = arith.constant 0 : i32
    %dma_start3A_1914 = tpu.memref_slice %arg5[%dma_start3A_1908, %add3A_1905, %dma_start3A_1913] : memref<4x2048x1024xf32, #tpu.memory_space<hbm>> -> memref<1x8x1024xf32, #tpu.memory_space<hbm>>
    %dma_start3A_1915 = tpu.memref_squeeze %dma_start3A_1914 : memref<1x8x1024xf32, #tpu.memory_space<hbm>> -> memref<8x1024xf32, #tpu.memory_space<hbm>>
    %dma_start3A_1916 = arith.constant 0 : i32
    %dma_start3A_1917 = tpu.memref_slice %arg5[%dma_start3A_1908, %add3A_1905, %dma_start3A_1916] : memref<4x2048x1024xf32, #tpu.memory_space<hbm>> -> memref<1x8x1024xf32, #tpu.memory_space<hbm>>
    %dma_start3A_1918 = tpu.memref_squeeze %dma_start3A_1917 : memref<1x8x1024xf32, #tpu.memory_space<hbm>> -> memref<8x1024xf32, #tpu.memory_space<hbm>>
    %dma_start3A_1919 = arith.constant 0 : i32
    %dma_start3A_1920 = arith.constant 0 : i32
    %dma_start3A_1921 = tpu.memref_slice %arg7[%dma_start3A_1906, %dma_start3A_1907, %dma_start3A_1919, %dma_start3A_1920] : memref<3x4x8x1024xf32, #tpu.memory_space<vmem>> -> memref<1x1x8x1024xf32, #tpu.memory_space<vmem>>
    %dma_start3A_1922 = tpu.memref_squeeze %dma_start3A_1921 : memref<1x1x8x1024xf32, #tpu.memory_space<vmem>> -> memref<8x1024xf32, #tpu.memory_space<vmem>>
    tpu.enqueue_dma source(%dma_start3A_1922 : memref<8x1024xf32, #tpu.memory_space<vmem>>) target(%dma_start3A_1918 : memref<8x1024xf32, #tpu.memory_space<hbm>>) target_semaphore(%arg12 : memref<!tpu.dma_semaphore, #tpu.memory_space<semaphore_mem>>)
    %add3A_1923 = arith.constant 48 : i32
    %add3A_1924 = arith.addi %mul3A_2, %add3A_1923 : i32
    %dma_start3A_1925 = arith.constant 0 : i32
    %dma_start3A_1926 = arith.constant 1 : i32
    %dma_start3A_1927 = arith.constant 1 : i32
    %dma_start3A_1928 = arith.constant 0 : i32
    %dma_start3A_1929 = arith.constant 0 : i32
    %dma_start3A_1930 = tpu.memref_slice %arg7[%dma_start3A_1925, %dma_start3A_1926, %dma_start3A_1928, %dma_start3A_1929] : memref<3x4x8x1024xf32, #tpu.memory_space<vmem>> -> memref<1x1x8x1024xf32, #tpu.memory_space<vmem>>
    %dma_start3A_1931 = tpu.memref_squeeze %dma_start3A_1930 : memref<1x1x8x1024xf32, #tpu.memory_space<vmem>> -> memref<8x1024xf32, #tpu.memory_space<vmem>>
    %dma_start3A_1932 = arith.constant 0 : i32
    %dma_start3A_1933 = tpu.memref_slice %arg5[%dma_start3A_1927, %add3A_1924, %dma_start3A_1932] : memref<4x2048x1024xf32, #tpu.memory_space<hbm>> -> memref<1x8x1024xf32, #tpu.memory_space<hbm>>
    %dma_start3A_1934 = tpu.memref_squeeze %dma_start3A_1933 : memref<1x8x1024xf32, #tpu.memory_space<hbm>> -> memref<8x1024xf32, #tpu.memory_space<hbm>>
    %dma_start3A_1935 = arith.constant 0 : i32
    %dma_start3A_1936 = tpu.memref_slice %arg5[%dma_start3A_1927, %add3A_1924, %dma_start3A_1935] : memref<4x2048x1024xf32, #tpu.memory_space<hbm>> -> memref<1x8x1024xf32, #tpu.memory_space<hbm>>
    %dma_start3A_1937 = tpu.memref_squeeze %dma_start3A_1936 : memref<1x8x1024xf32, #tpu.memory_space<hbm>> -> memref<8x1024xf32, #tpu.memory_space<hbm>>
    %dma_start3A_1938 = arith.constant 0 : i32
    %dma_start3A_1939 = arith.constant 0 : i32
    %dma_start3A_1940 = tpu.memref_slice %arg7[%dma_start3A_1925, %dma_start3A_1926, %dma_start3A_1938, %dma_start3A_1939] : memref<3x4x8x1024xf32, #tpu.memory_space<vmem>> -> memref<1x1x8x1024xf32, #tpu.memory_space<vmem>>
    %dma_start3A_1941 = tpu.memref_squeeze %dma_start3A_1940 : memref<1x1x8x1024xf32, #tpu.memory_space<vmem>> -> memref<8x1024xf32, #tpu.memory_space<vmem>>
    tpu.enqueue_dma source(%dma_start3A_1941 : memref<8x1024xf32, #tpu.memory_space<vmem>>) target(%dma_start3A_1937 : memref<8x1024xf32, #tpu.memory_space<hbm>>) target_semaphore(%arg12 : memref<!tpu.dma_semaphore, #tpu.memory_space<semaphore_mem>>)
    %add3A_1942 = arith.constant 48 : i32
    %add3A_1943 = arith.addi %mul3A_2, %add3A_1942 : i32
    %dma_start3A_1944 = arith.constant 0 : i32
    %dma_start3A_1945 = arith.constant 2 : i32
    %dma_start3A_1946 = arith.constant 2 : i32
    %dma_start3A_1947 = arith.constant 0 : i32
    %dma_start3A_1948 = arith.constant 0 : i32
    %dma_start3A_1949 = tpu.memref_slice %arg7[%dma_start3A_1944, %dma_start3A_1945, %dma_start3A_1947, %dma_start3A_1948] : memref<3x4x8x1024xf32, #tpu.memory_space<vmem>> -> memref<1x1x8x1024xf32, #tpu.memory_space<vmem>>
    %dma_start3A_1950 = tpu.memref_squeeze %dma_start3A_1949 : memref<1x1x8x1024xf32, #tpu.memory_space<vmem>> -> memref<8x1024xf32, #tpu.memory_space<vmem>>
    %dma_start3A_1951 = arith.constant 0 : i32
    %dma_start3A_1952 = tpu.memref_slice %arg5[%dma_start3A_1946, %add3A_1943, %dma_start3A_1951] : memref<4x2048x1024xf32, #tpu.memory_space<hbm>> -> memref<1x8x1024xf32, #tpu.memory_space<hbm>>
    %dma_start3A_1953 = tpu.memref_squeeze %dma_start3A_1952 : memref<1x8x1024xf32, #tpu.memory_space<hbm>> -> memref<8x1024xf32, #tpu.memory_space<hbm>>
    %dma_start3A_1954 = arith.constant 0 : i32
    %dma_start3A_1955 = tpu.memref_slice %arg5[%dma_start3A_1946, %add3A_1943, %dma_start3A_1954] : memref<4x2048x1024xf32, #tpu.memory_space<hbm>> -> memref<1x8x1024xf32, #tpu.memory_space<hbm>>
    %dma_start3A_1956 = tpu.memref_squeeze %dma_start3A_1955 : memref<1x8x1024xf32, #tpu.memory_space<hbm>> -> memref<8x1024xf32, #tpu.memory_space<hbm>>
    %dma_start3A_1957 = arith.constant 0 : i32
    %dma_start3A_1958 = arith.constant 0 : i32
    %dma_start3A_1959 = tpu.memref_slice %arg7[%dma_start3A_1944, %dma_start3A_1945, %dma_start3A_1957, %dma_start3A_1958] : memref<3x4x8x1024xf32, #tpu.memory_space<vmem>> -> memref<1x1x8x1024xf32, #tpu.memory_space<vmem>>
    %dma_start3A_1960 = tpu.memref_squeeze %dma_start3A_1959 : memref<1x1x8x1024xf32, #tpu.memory_space<vmem>> -> memref<8x1024xf32, #tpu.memory_space<vmem>>
    tpu.enqueue_dma source(%dma_start3A_1960 : memref<8x1024xf32, #tpu.memory_space<vmem>>) target(%dma_start3A_1956 : memref<8x1024xf32, #tpu.memory_space<hbm>>) target_semaphore(%arg12 : memref<!tpu.dma_semaphore, #tpu.memory_space<semaphore_mem>>)
    %add3A_1961 = arith.constant 48 : i32
    %add3A_1962 = arith.addi %mul3A_2, %add3A_1961 : i32
    %dma_start3A_1963 = arith.constant 0 : i32
    %dma_start3A_1964 = arith.constant 3 : i32
    %dma_start3A_1965 = arith.constant 3 : i32
    %dma_start3A_1966 = arith.constant 0 : i32
    %dma_start3A_1967 = arith.constant 0 : i32
    %dma_start3A_1968 = tpu.memref_slice %arg7[%dma_start3A_1963, %dma_start3A_1964, %dma_start3A_1966, %dma_start3A_1967] : memref<3x4x8x1024xf32, #tpu.memory_space<vmem>> -> memref<1x1x8x1024xf32, #tpu.memory_space<vmem>>
    %dma_start3A_1969 = tpu.memref_squeeze %dma_start3A_1968 : memref<1x1x8x1024xf32, #tpu.memory_space<vmem>> -> memref<8x1024xf32, #tpu.memory_space<vmem>>
    %dma_start3A_1970 = arith.constant 0 : i32
    %dma_start3A_1971 = tpu.memref_slice %arg5[%dma_start3A_1965, %add3A_1962, %dma_start3A_1970] : memref<4x2048x1024xf32, #tpu.memory_space<hbm>> -> memref<1x8x1024xf32, #tpu.memory_space<hbm>>
    %dma_start3A_1972 = tpu.memref_squeeze %dma_start3A_1971 : memref<1x8x1024xf32, #tpu.memory_space<hbm>> -> memref<8x1024xf32, #tpu.memory_space<hbm>>
    %dma_start3A_1973 = arith.constant 0 : i32
    %dma_start3A_1974 = tpu.memref_slice %arg5[%dma_start3A_1965, %add3A_1962, %dma_start3A_1973] : memref<4x2048x1024xf32, #tpu.memory_space<hbm>> -> memref<1x8x1024xf32, #tpu.memory_space<hbm>>
    %dma_start3A_1975 = tpu.memref_squeeze %dma_start3A_1974 : memref<1x8x1024xf32, #tpu.memory_space<hbm>> -> memref<8x1024xf32, #tpu.memory_space<hbm>>
    %dma_start3A_1976 = arith.constant 0 : i32
    %dma_start3A_1977 = arith.constant 0 : i32
    %dma_start3A_1978 = tpu.memref_slice %arg7[%dma_start3A_1963, %dma_start3A_1964, %dma_start3A_1976, %dma_start3A_1977] : memref<3x4x8x1024xf32, #tpu.memory_space<vmem>> -> memref<1x1x8x1024xf32, #tpu.memory_space<vmem>>
    %dma_start3A_1979 = tpu.memref_squeeze %dma_start3A_1978 : memref<1x1x8x1024xf32, #tpu.memory_space<vmem>> -> memref<8x1024xf32, #tpu.memory_space<vmem>>
    tpu.enqueue_dma source(%dma_start3A_1979 : memref<8x1024xf32, #tpu.memory_space<vmem>>) target(%dma_start3A_1975 : memref<8x1024xf32, #tpu.memory_space<hbm>>) target_semaphore(%arg12 : memref<!tpu.dma_semaphore, #tpu.memory_space<semaphore_mem>>)
    %dma_wait3A_1980 = arith.constant 0 : i32
    %dma_wait3A_1981 = arith.constant 1 : i32
    %dma_wait3A_1982 = arith.constant 0 : i32
    %dma_wait3A_1983 = arith.constant 0 : i32
    %dma_wait3A_1984 = arith.constant 0 : i32
    %dma_wait3A_1985 = tpu.memref_slice %arg7[%dma_wait3A_1981, %dma_wait3A_1982, %dma_wait3A_1983, %dma_wait3A_1984] : memref<3x4x8x1024xf32, #tpu.memory_space<vmem>> -> memref<1x1x8x1024xf32, #tpu.memory_space<vmem>>
    %dma_wait3A_1986 = tpu.memref_squeeze %dma_wait3A_1985 : memref<1x1x8x1024xf32, #tpu.memory_space<vmem>> -> memref<8x1024xf32, #tpu.memory_space<vmem>>
    %dma_wait3A_1987 = arith.constant 56 : i32
    %dma_wait3A_1988 = tpu.memref_slice %arg6[%dma_wait3A_1980, %dma_wait3A_1987] : memref<4x64xi32, #tpu.memory_space<vmem>> -> memref<1x8xi32, #tpu.memory_space<vmem>>
    %dma_wait3A_1989 = tpu.memref_squeeze %dma_wait3A_1988 : memref<1x8xi32, #tpu.memory_space<vmem>> -> memref<8xi32, #tpu.memory_space<vmem>>
    %dma_wait3A_1990 = arith.constant 0 : i32
    %dma_wait3A_1991 = arith.constant 0 : i32
    %dma_wait3A_1992 = tpu.memref_slice %arg3[%dma_wait3A_1990, %dma_wait3A_1991] : memref<100000x1024xf32, #tpu.memory_space<hbm>> -> memref<100000x1024xf32, #tpu.memory_space<hbm>>
    tpu.wait_indirect_dma semaphore(%arg10 : memref<!tpu.dma_semaphore, #tpu.memory_space<semaphore_mem>>) src(%dma_wait3A_1992 : memref<100000x1024xf32, #tpu.memory_space<hbm>>) dst(%dma_wait3A_1986 : memref<8x1024xf32, #tpu.memory_space<vmem>>)
    %dma_wait3A_1993 = arith.constant 1 : i32
    %dma_wait3A_1994 = arith.constant 1 : i32
    %dma_wait3A_1995 = arith.constant 1 : i32
    %dma_wait3A_1996 = arith.constant 0 : i32
    %dma_wait3A_1997 = arith.constant 0 : i32
    %dma_wait3A_1998 = tpu.memref_slice %arg7[%dma_wait3A_1994, %dma_wait3A_1995, %dma_wait3A_1996, %dma_wait3A_1997] : memref<3x4x8x1024xf32, #tpu.memory_space<vmem>> -> memref<1x1x8x1024xf32, #tpu.memory_space<vmem>>
    %dma_wait3A_1999 = tpu.memref_squeeze %dma_wait3A_1998 : memref<1x1x8x1024xf32, #tpu.memory_space<vmem>> -> memref<8x1024xf32, #tpu.memory_space<vmem>>
    %dma_wait3A_2000 = arith.constant 56 : i32
    %dma_wait3A_2001 = tpu.memref_slice %arg6[%dma_wait3A_1993, %dma_wait3A_2000] : memref<4x64xi32, #tpu.memory_space<vmem>> -> memref<1x8xi32, #tpu.memory_space<vmem>>
    %dma_wait3A_2002 = tpu.memref_squeeze %dma_wait3A_2001 : memref<1x8xi32, #tpu.memory_space<vmem>> -> memref<8xi32, #tpu.memory_space<vmem>>
    %dma_wait3A_2003 = arith.constant 0 : i32
    %dma_wait3A_2004 = arith.constant 0 : i32
    %dma_wait3A_2005 = tpu.memref_slice %arg3[%dma_wait3A_2003, %dma_wait3A_2004] : memref<100000x1024xf32, #tpu.memory_space<hbm>> -> memref<100000x1024xf32, #tpu.memory_space<hbm>>
    tpu.wait_indirect_dma semaphore(%arg10 : memref<!tpu.dma_semaphore, #tpu.memory_space<semaphore_mem>>) src(%dma_wait3A_2005 : memref<100000x1024xf32, #tpu.memory_space<hbm>>) dst(%dma_wait3A_1999 : memref<8x1024xf32, #tpu.memory_space<vmem>>)
    %dma_wait3A_2006 = arith.constant 2 : i32
    %dma_wait3A_2007 = arith.constant 1 : i32
    %dma_wait3A_2008 = arith.constant 2 : i32
    %dma_wait3A_2009 = arith.constant 0 : i32
    %dma_wait3A_2010 = arith.constant 0 : i32
    %dma_wait3A_2011 = tpu.memref_slice %arg7[%dma_wait3A_2007, %dma_wait3A_2008, %dma_wait3A_2009, %dma_wait3A_2010] : memref<3x4x8x1024xf32, #tpu.memory_space<vmem>> -> memref<1x1x8x1024xf32, #tpu.memory_space<vmem>>
    %dma_wait3A_2012 = tpu.memref_squeeze %dma_wait3A_2011 : memref<1x1x8x1024xf32, #tpu.memory_space<vmem>> -> memref<8x1024xf32, #tpu.memory_space<vmem>>
    %dma_wait3A_2013 = arith.constant 56 : i32
    %dma_wait3A_2014 = tpu.memref_slice %arg6[%dma_wait3A_2006, %dma_wait3A_2013] : memref<4x64xi32, #tpu.memory_space<vmem>> -> memref<1x8xi32, #tpu.memory_space<vmem>>
    %dma_wait3A_2015 = tpu.memref_squeeze %dma_wait3A_2014 : memref<1x8xi32, #tpu.memory_space<vmem>> -> memref<8xi32, #tpu.memory_space<vmem>>
    %dma_wait3A_2016 = arith.constant 0 : i32
    %dma_wait3A_2017 = arith.constant 0 : i32
    %dma_wait3A_2018 = tpu.memref_slice %arg3[%dma_wait3A_2016, %dma_wait3A_2017] : memref<100000x1024xf32, #tpu.memory_space<hbm>> -> memref<100000x1024xf32, #tpu.memory_space<hbm>>
    tpu.wait_indirect_dma semaphore(%arg10 : memref<!tpu.dma_semaphore, #tpu.memory_space<semaphore_mem>>) src(%dma_wait3A_2018 : memref<100000x1024xf32, #tpu.memory_space<hbm>>) dst(%dma_wait3A_2012 : memref<8x1024xf32, #tpu.memory_space<vmem>>)
    %dma_wait3A_2019 = arith.constant 3 : i32
    %dma_wait3A_2020 = arith.constant 1 : i32
    %dma_wait3A_2021 = arith.constant 3 : i32
    %dma_wait3A_2022 = arith.constant 0 : i32
    %dma_wait3A_2023 = arith.constant 0 : i32
    %dma_wait3A_2024 = tpu.memref_slice %arg7[%dma_wait3A_2020, %dma_wait3A_2021, %dma_wait3A_2022, %dma_wait3A_2023] : memref<3x4x8x1024xf32, #tpu.memory_space<vmem>> -> memref<1x1x8x1024xf32, #tpu.memory_space<vmem>>
    %dma_wait3A_2025 = tpu.memref_squeeze %dma_wait3A_2024 : memref<1x1x8x1024xf32, #tpu.memory_space<vmem>> -> memref<8x1024xf32, #tpu.memory_space<vmem>>
    %dma_wait3A_2026 = arith.constant 56 : i32
    %dma_wait3A_2027 = tpu.memref_slice %arg6[%dma_wait3A_2019, %dma_wait3A_2026] : memref<4x64xi32, #tpu.memory_space<vmem>> -> memref<1x8xi32, #tpu.memory_space<vmem>>
    %dma_wait3A_2028 = tpu.memref_squeeze %dma_wait3A_2027 : memref<1x8xi32, #tpu.memory_space<vmem>> -> memref<8xi32, #tpu.memory_space<vmem>>
    %dma_wait3A_2029 = arith.constant 0 : i32
    %dma_wait3A_2030 = arith.constant 0 : i32
    %dma_wait3A_2031 = tpu.memref_slice %arg3[%dma_wait3A_2029, %dma_wait3A_2030] : memref<100000x1024xf32, #tpu.memory_space<hbm>> -> memref<100000x1024xf32, #tpu.memory_space<hbm>>
    tpu.wait_indirect_dma semaphore(%arg10 : memref<!tpu.dma_semaphore, #tpu.memory_space<semaphore_mem>>) src(%dma_wait3A_2031 : memref<100000x1024xf32, #tpu.memory_space<hbm>>) dst(%dma_wait3A_2025 : memref<8x1024xf32, #tpu.memory_space<vmem>>)
    %dma_wait3A_2032 = arith.constant 1 : i32
    %dma_wait3A_2033 = arith.constant 0 : i32
    %dma_wait3A_2034 = arith.constant 0 : i32
    %dma_wait3A_2035 = tpu.memref_slice %arg8[%dma_wait3A_2032, %dma_wait3A_2033, %dma_wait3A_2034] : memref<3x8x1024xf32, #tpu.memory_space<vmem>> -> memref<1x8x1024xf32, #tpu.memory_space<vmem>>
    %dma_wait3A_2036 = tpu.memref_squeeze %dma_wait3A_2035 : memref<1x8x1024xf32, #tpu.memory_space<vmem>> -> memref<8x1024xf32, #tpu.memory_space<vmem>>
    %dma_wait3A_2037 = arith.constant 0 : i32
    %dma_wait3A_2038 = tpu.memref_slice %arg4[%add3A_1678, %dma_wait3A_2037] : memref<2048x1024xf32, #tpu.memory_space<hbm>> -> memref<8x1024xf32, #tpu.memory_space<hbm>>
    %dma_wait3A_2039 = arith.constant 0 : i32
    %dma_wait3A_2040 = arith.constant 0 : i32
    %dma_wait3A_2041 = tpu.memref_slice %arg8[%dma_wait3A_2032, %dma_wait3A_2039, %dma_wait3A_2040] : memref<3x8x1024xf32, #tpu.memory_space<vmem>> -> memref<1x8x1024xf32, #tpu.memory_space<vmem>>
    %dma_wait3A_2042 = tpu.memref_squeeze %dma_wait3A_2041 : memref<1x8x1024xf32, #tpu.memory_space<vmem>> -> memref<8x1024xf32, #tpu.memory_space<vmem>>
    %dma_wait3A_2043 = arith.constant 0 : i32
    %dma_wait3A_2044 = tpu.memref_slice %arg4[%add3A_1678, %dma_wait3A_2043] : memref<2048x1024xf32, #tpu.memory_space<hbm>> -> memref<8x1024xf32, #tpu.memory_space<hbm>>
    tpu.wait_dma2 semaphore(%arg10 : memref<!tpu.dma_semaphore, #tpu.memory_space<semaphore_mem>>) src(%dma_wait3A_2044 : memref<8x1024xf32, #tpu.memory_space<hbm>>) dst(%dma_wait3A_2042 : memref<8x1024xf32, #tpu.memory_space<vmem>>)
    %parallel_loop3A_2045 = arith.constant 0 : i32
    %parallel_loop3A_2046 = arith.constant 512 : i32
    %parallel_loop3A_2047 = arith.constant 1 : i32
    scf.for %parallel_loop3A_2328 = %parallel_loop3A_2045 to %parallel_loop3A_2046 step %parallel_loop3A_2047  : i32 {
      %parallel_loop3A_2329 = arith.constant 6 : i32
      %parallel_loop3A_2330 = arith.shrsi %parallel_loop3A_2328, %parallel_loop3A_2329 : i32
      %parallel_loop3A_2331 = arith.constant 63 : i32
      %parallel_loop3A_2332 = arith.andi %parallel_loop3A_2328, %parallel_loop3A_2331 : i32
      %parallel_loop3A_2333 = arith.constant 16 : i32
      %parallel_loop3A_2334 = arith.muli %parallel_loop3A_2332, %parallel_loop3A_2333 : i32
      %parallel_loop3A_2335 = arith.constant 1 : i32
      %parallel_loop3A_2336 = arith.index_cast %parallel_loop3A_2335 : i32 to index
      %parallel_loop3A_2337 = arith.index_cast %parallel_loop3A_2330 : i32 to index
      %parallel_loop3A_2338 = arith.index_cast %parallel_loop3A_2334 : i32 to index
      %parallel_loop3A_2339 = tpu.vector_load %arg8[%parallel_loop3A_2336, %parallel_loop3A_2337, %parallel_loop3A_2338] {strides = array<i32>} : memref<3x8x1024xf32, #tpu.memory_space<vmem>>, vector<1x1x16xf32>,
      %parallel_loop3A_2340 = vector.shape_cast %parallel_loop3A_2339 : vector<1x1x16xf32> to vector<16xf32>
      %parallel_loop3A_2341 = arith.constant 1 : i32
      %parallel_loop3A_2342 = arith.constant 0 : i32
      %parallel_loop3A_2343 = arith.index_cast %parallel_loop3A_2341 : i32 to index
      %parallel_loop3A_2344 = arith.index_cast %parallel_loop3A_2342 : i32 to index
      %parallel_loop3A_2345 = arith.index_cast %parallel_loop3A_2330 : i32 to index
      %parallel_loop3A_2346 = arith.index_cast %parallel_loop3A_2334 : i32 to index
      %parallel_loop3A_2347 = tpu.vector_load %arg7[%parallel_loop3A_2343, %parallel_loop3A_2344, %parallel_loop3A_2345, %parallel_loop3A_2346] {strides = array<i32>} : memref<3x4x8x1024xf32, #tpu.memory_space<vmem>>, vector<1x1x1x16xf32>,
      %parallel_loop3A_2348 = vector.shape_cast %parallel_loop3A_2347 : vector<1x1x1x16xf32> to vector<16xf32>
      %parallel_loop3A_2349 = arith.constant 3.200000e+01 : f32
      %parallel_loop3A_2350 = vector.broadcast %parallel_loop3A_2349 : f32 to vector<16xf32>
      %parallel_loop3A_2351 = arith.mulf %parallel_loop3A_2348, %parallel_loop3A_2350 : vector<16xf32>
      %parallel_loop3A_2352 = arith.addf %parallel_loop3A_2351, %parallel_loop3A_2340 : vector<16xf32>
      %parallel_loop3A_2353 = arith.constant 1 : i32
      %parallel_loop3A_2354 = arith.constant 0 : i32
      %parallel_loop3A_2355 = arith.index_cast %parallel_loop3A_2353 : i32 to index
      %parallel_loop3A_2356 = arith.index_cast %parallel_loop3A_2354 : i32 to index
      %parallel_loop3A_2357 = arith.index_cast %parallel_loop3A_2330 : i32 to index
      %parallel_loop3A_2358 = arith.index_cast %parallel_loop3A_2334 : i32 to index
      %parallel_loop3A_2359 = tpu.vector_load %arg7[%parallel_loop3A_2355, %parallel_loop3A_2356, %parallel_loop3A_2357, %parallel_loop3A_2358] {strides = array<i32>} : memref<3x4x8x1024xf32, #tpu.memory_space<vmem>>, vector<1x1x1x16xf32>,
      %parallel_loop3A_2360 = vector.shape_cast %parallel_loop3A_2359 : vector<1x1x1x16xf32> to vector<16xf32>
      %parallel_loop3A_2361 = vector.shape_cast %parallel_loop3A_2352 : vector<16xf32> to vector<1x1x1x16xf32>
      tpu.vector_store %arg7[%parallel_loop3A_2355, %parallel_loop3A_2356, %parallel_loop3A_2357, %parallel_loop3A_2358], %parallel_loop3A_2361 {strides = array<i32>} : memref<3x4x8x1024xf32, #tpu.memory_space<vmem>>, vector<1x1x1x16xf32>,
      %parallel_loop3A_2362 = arith.constant 1 : i32
      %parallel_loop3A_2363 = arith.constant 1 : i32
      %parallel_loop3A_2364 = arith.index_cast %parallel_loop3A_2362 : i32 to index
      %parallel_loop3A_2365 = arith.index_cast %parallel_loop3A_2363 : i32 to index
      %parallel_loop3A_2366 = arith.index_cast %parallel_loop3A_2330 : i32 to index
      %parallel_loop3A_2367 = arith.index_cast %parallel_loop3A_2334 : i32 to index
      %parallel_loop3A_2368 = tpu.vector_load %arg7[%parallel_loop3A_2364, %parallel_loop3A_2365, %parallel_loop3A_2366, %parallel_loop3A_2367] {strides = array<i32>} : memref<3x4x8x1024xf32, #tpu.memory_space<vmem>>, vector<1x1x1x16xf32>,
      %parallel_loop3A_2369 = vector.shape_cast %parallel_loop3A_2368 : vector<1x1x1x16xf32> to vector<16xf32>
      %parallel_loop3A_2370 = arith.constant 3.200000e+01 : f32
      %parallel_loop3A_2371 = vector.broadcast %parallel_loop3A_2370 : f32 to vector<16xf32>
      %parallel_loop3A_2372 = arith.mulf %parallel_loop3A_2369, %parallel_loop3A_2371 : vector<16xf32>
      %parallel_loop3A_2373 = arith.addf %parallel_loop3A_2372, %parallel_loop3A_2340 : vector<16xf32>
      %parallel_loop3A_2374 = arith.constant 1 : i32
      %parallel_loop3A_2375 = arith.constant 1 : i32
      %parallel_loop3A_2376 = arith.index_cast %parallel_loop3A_2374 : i32 to index
      %parallel_loop3A_2377 = arith.index_cast %parallel_loop3A_2375 : i32 to index
      %parallel_loop3A_2378 = arith.index_cast %parallel_loop3A_2330 : i32 to index
      %parallel_loop3A_2379 = arith.index_cast %parallel_loop3A_2334 : i32 to index
      %parallel_loop3A_2380 = tpu.vector_load %arg7[%parallel_loop3A_2376, %parallel_loop3A_2377, %parallel_loop3A_2378, %parallel_loop3A_2379] {strides = array<i32>} : memref<3x4x8x1024xf32, #tpu.memory_space<vmem>>, vector<1x1x1x16xf32>,
      %parallel_loop3A_2381 = vector.shape_cast %parallel_loop3A_2380 : vector<1x1x1x16xf32> to vector<16xf32>
      %parallel_loop3A_2382 = vector.shape_cast %parallel_loop3A_2373 : vector<16xf32> to vector<1x1x1x16xf32>
      tpu.vector_store %arg7[%parallel_loop3A_2376, %parallel_loop3A_2377, %parallel_loop3A_2378, %parallel_loop3A_2379], %parallel_loop3A_2382 {strides = array<i32>} : memref<3x4x8x1024xf32, #tpu.memory_space<vmem>>, vector<1x1x1x16xf32>,
      %parallel_loop3A_2383 = arith.constant 1 : i32
      %parallel_loop3A_2384 = arith.constant 2 : i32
      %parallel_loop3A_2385 = arith.index_cast %parallel_loop3A_2383 : i32 to index
      %parallel_loop3A_2386 = arith.index_cast %parallel_loop3A_2384 : i32 to index
      %parallel_loop3A_2387 = arith.index_cast %parallel_loop3A_2330 : i32 to index
      %parallel_loop3A_2388 = arith.index_cast %parallel_loop3A_2334 : i32 to index
      %parallel_loop3A_2389 = tpu.vector_load %arg7[%parallel_loop3A_2385, %parallel_loop3A_2386, %parallel_loop3A_2387, %parallel_loop3A_2388] {strides = array<i32>} : memref<3x4x8x1024xf32, #tpu.memory_space<vmem>>, vector<1x1x1x16xf32>,
      %parallel_loop3A_2390 = vector.shape_cast %parallel_loop3A_2389 : vector<1x1x1x16xf32> to vector<16xf32>
      %parallel_loop3A_2391 = arith.constant 3.200000e+01 : f32
      %parallel_loop3A_2392 = vector.broadcast %parallel_loop3A_2391 : f32 to vector<16xf32>
      %parallel_loop3A_2393 = arith.mulf %parallel_loop3A_2390, %parallel_loop3A_2392 : vector<16xf32>
      %parallel_loop3A_2394 = arith.addf %parallel_loop3A_2393, %parallel_loop3A_2340 : vector<16xf32>
      %parallel_loop3A_2395 = arith.constant 1 : i32
      %parallel_loop3A_2396 = arith.constant 2 : i32
      %parallel_loop3A_2397 = arith.index_cast %parallel_loop3A_2395 : i32 to index
      %parallel_loop3A_2398 = arith.index_cast %parallel_loop3A_2396 : i32 to index
      %parallel_loop3A_2399 = arith.index_cast %parallel_loop3A_2330 : i32 to index
      %parallel_loop3A_2400 = arith.index_cast %parallel_loop3A_2334 : i32 to index
      %parallel_loop3A_2401 = tpu.vector_load %arg7[%parallel_loop3A_2397, %parallel_loop3A_2398, %parallel_loop3A_2399, %parallel_loop3A_2400] {strides = array<i32>} : memref<3x4x8x1024xf32, #tpu.memory_space<vmem>>, vector<1x1x1x16xf32>,
      %parallel_loop3A_2402 = vector.shape_cast %parallel_loop3A_2401 : vector<1x1x1x16xf32> to vector<16xf32>
      %parallel_loop3A_2403 = vector.shape_cast %parallel_loop3A_2394 : vector<16xf32> to vector<1x1x1x16xf32>
      tpu.vector_store %arg7[%parallel_loop3A_2397, %parallel_loop3A_2398, %parallel_loop3A_2399, %parallel_loop3A_2400], %parallel_loop3A_2403 {strides = array<i32>} : memref<3x4x8x1024xf32, #tpu.memory_space<vmem>>, vector<1x1x1x16xf32>,
      %parallel_loop3A_2404 = arith.constant 1 : i32
      %parallel_loop3A_2405 = arith.constant 3 : i32
      %parallel_loop3A_2406 = arith.index_cast %parallel_loop3A_2404 : i32 to index
      %parallel_loop3A_2407 = arith.index_cast %parallel_loop3A_2405 : i32 to index
      %parallel_loop3A_2408 = arith.index_cast %parallel_loop3A_2330 : i32 to index
      %parallel_loop3A_2409 = arith.index_cast %parallel_loop3A_2334 : i32 to index
      %parallel_loop3A_2410 = tpu.vector_load %arg7[%parallel_loop3A_2406, %parallel_loop3A_2407, %parallel_loop3A_2408, %parallel_loop3A_2409] {strides = array<i32>} : memref<3x4x8x1024xf32, #tpu.memory_space<vmem>>, vector<1x1x1x16xf32>,
      %parallel_loop3A_2411 = vector.shape_cast %parallel_loop3A_2410 : vector<1x1x1x16xf32> to vector<16xf32>
      %parallel_loop3A_2412 = arith.constant 3.200000e+01 : f32
      %parallel_loop3A_2413 = vector.broadcast %parallel_loop3A_2412 : f32 to vector<16xf32>
      %parallel_loop3A_2414 = arith.mulf %parallel_loop3A_2411, %parallel_loop3A_2413 : vector<16xf32>
      %parallel_loop3A_2415 = arith.addf %parallel_loop3A_2414, %parallel_loop3A_2340 : vector<16xf32>
      %parallel_loop3A_2416 = arith.constant 1 : i32
      %parallel_loop3A_2417 = arith.constant 3 : i32
      %parallel_loop3A_2418 = arith.index_cast %parallel_loop3A_2416 : i32 to index
      %parallel_loop3A_2419 = arith.index_cast %parallel_loop3A_2417 : i32 to index
      %parallel_loop3A_2420 = arith.index_cast %parallel_loop3A_2330 : i32 to index
      %parallel_loop3A_2421 = arith.index_cast %parallel_loop3A_2334 : i32 to index
      %parallel_loop3A_2422 = tpu.vector_load %arg7[%parallel_loop3A_2418, %parallel_loop3A_2419, %parallel_loop3A_2420, %parallel_loop3A_2421] {strides = array<i32>} : memref<3x4x8x1024xf32, #tpu.memory_space<vmem>>, vector<1x1x1x16xf32>,
      %parallel_loop3A_2423 = vector.shape_cast %parallel_loop3A_2422 : vector<1x1x1x16xf32> to vector<16xf32>
      %parallel_loop3A_2424 = vector.shape_cast %parallel_loop3A_2415 : vector<16xf32> to vector<1x1x1x16xf32>
      tpu.vector_store %arg7[%parallel_loop3A_2418, %parallel_loop3A_2419, %parallel_loop3A_2420, %parallel_loop3A_2421], %parallel_loop3A_2424 {strides = array<i32>} : memref<3x4x8x1024xf32, #tpu.memory_space<vmem>>, vector<1x1x1x16xf32>,
    } {sc.loop_unroll_factor = 2 : i64, sc.parallel_access}
    %add3A_2048 = arith.constant 56 : i32
    %add3A_2049 = arith.addi %mul3A_2, %add3A_2048 : i32
    %dma_start3A_2050 = arith.constant 1 : i32
    %dma_start3A_2051 = arith.constant 0 : i32
    %dma_start3A_2052 = arith.constant 0 : i32
    %dma_start3A_2053 = arith.constant 0 : i32
    %dma_start3A_2054 = arith.constant 0 : i32
    %dma_start3A_2055 = tpu.memref_slice %arg7[%dma_start3A_2050, %dma_start3A_2051, %dma_start3A_2053, %dma_start3A_2054] : memref<3x4x8x1024xf32, #tpu.memory_space<vmem>> -> memref<1x1x8x1024xf32, #tpu.memory_space<vmem>>
    %dma_start3A_2056 = tpu.memref_squeeze %dma_start3A_2055 : memref<1x1x8x1024xf32, #tpu.memory_space<vmem>> -> memref<8x1024xf32, #tpu.memory_space<vmem>>
    %dma_start3A_2057 = arith.constant 0 : i32
    %dma_start3A_2058 = tpu.memref_slice %arg5[%dma_start3A_2052, %add3A_2049, %dma_start3A_2057] : memref<4x2048x1024xf32, #tpu.memory_space<hbm>> -> memref<1x8x1024xf32, #tpu.memory_space<hbm>>
    %dma_start3A_2059 = tpu.memref_squeeze %dma_start3A_2058 : memref<1x8x1024xf32, #tpu.memory_space<hbm>> -> memref<8x1024xf32, #tpu.memory_space<hbm>>
    %dma_start3A_2060 = arith.constant 0 : i32
    %dma_start3A_2061 = tpu.memref_slice %arg5[%dma_start3A_2052, %add3A_2049, %dma_start3A_2060] : memref<4x2048x1024xf32, #tpu.memory_space<hbm>> -> memref<1x8x1024xf32, #tpu.memory_space<hbm>>
    %dma_start3A_2062 = tpu.memref_squeeze %dma_start3A_2061 : memref<1x8x1024xf32, #tpu.memory_space<hbm>> -> memref<8x1024xf32, #tpu.memory_space<hbm>>
    %dma_start3A_2063 = arith.constant 0 : i32
    %dma_start3A_2064 = arith.constant 0 : i32
    %dma_start3A_2065 = tpu.memref_slice %arg7[%dma_start3A_2050, %dma_start3A_2051, %dma_start3A_2063, %dma_start3A_2064] : memref<3x4x8x1024xf32, #tpu.memory_space<vmem>> -> memref<1x1x8x1024xf32, #tpu.memory_space<vmem>>
    %dma_start3A_2066 = tpu.memref_squeeze %dma_start3A_2065 : memref<1x1x8x1024xf32, #tpu.memory_space<vmem>> -> memref<8x1024xf32, #tpu.memory_space<vmem>>
    tpu.enqueue_dma source(%dma_start3A_2066 : memref<8x1024xf32, #tpu.memory_space<vmem>>) target(%dma_start3A_2062 : memref<8x1024xf32, #tpu.memory_space<hbm>>) target_semaphore(%arg13 : memref<!tpu.dma_semaphore, #tpu.memory_space<semaphore_mem>>)
    %add3A_2067 = arith.constant 56 : i32
    %add3A_2068 = arith.addi %mul3A_2, %add3A_2067 : i32
    %dma_start3A_2069 = arith.constant 1 : i32
    %dma_start3A_2070 = arith.constant 1 : i32
    %dma_start3A_2071 = arith.constant 1 : i32
    %dma_start3A_2072 = arith.constant 0 : i32
    %dma_start3A_2073 = arith.constant 0 : i32
    %dma_start3A_2074 = tpu.memref_slice %arg7[%dma_start3A_2069, %dma_start3A_2070, %dma_start3A_2072, %dma_start3A_2073] : memref<3x4x8x1024xf32, #tpu.memory_space<vmem>> -> memref<1x1x8x1024xf32, #tpu.memory_space<vmem>>
    %dma_start3A_2075 = tpu.memref_squeeze %dma_start3A_2074 : memref<1x1x8x1024xf32, #tpu.memory_space<vmem>> -> memref<8x1024xf32, #tpu.memory_space<vmem>>
    %dma_start3A_2076 = arith.constant 0 : i32
    %dma_start3A_2077 = tpu.memref_slice %arg5[%dma_start3A_2071, %add3A_2068, %dma_start3A_2076] : memref<4x2048x1024xf32, #tpu.memory_space<hbm>> -> memref<1x8x1024xf32, #tpu.memory_space<hbm>>
    %dma_start3A_2078 = tpu.memref_squeeze %dma_start3A_2077 : memref<1x8x1024xf32, #tpu.memory_space<hbm>> -> memref<8x1024xf32, #tpu.memory_space<hbm>>
    %dma_start3A_2079 = arith.constant 0 : i32
    %dma_start3A_2080 = tpu.memref_slice %arg5[%dma_start3A_2071, %add3A_2068, %dma_start3A_2079] : memref<4x2048x1024xf32, #tpu.memory_space<hbm>> -> memref<1x8x1024xf32, #tpu.memory_space<hbm>>
    %dma_start3A_2081 = tpu.memref_squeeze %dma_start3A_2080 : memref<1x8x1024xf32, #tpu.memory_space<hbm>> -> memref<8x1024xf32, #tpu.memory_space<hbm>>
    %dma_start3A_2082 = arith.constant 0 : i32
    %dma_start3A_2083 = arith.constant 0 : i32
    %dma_start3A_2084 = tpu.memref_slice %arg7[%dma_start3A_2069, %dma_start3A_2070, %dma_start3A_2082, %dma_start3A_2083] : memref<3x4x8x1024xf32, #tpu.memory_space<vmem>> -> memref<1x1x8x1024xf32, #tpu.memory_space<vmem>>
    %dma_start3A_2085 = tpu.memref_squeeze %dma_start3A_2084 : memref<1x1x8x1024xf32, #tpu.memory_space<vmem>> -> memref<8x1024xf32, #tpu.memory_space<vmem>>
    tpu.enqueue_dma source(%dma_start3A_2085 : memref<8x1024xf32, #tpu.memory_space<vmem>>) target(%dma_start3A_2081 : memref<8x1024xf32, #tpu.memory_space<hbm>>) target_semaphore(%arg13 : memref<!tpu.dma_semaphore, #tpu.memory_space<semaphore_mem>>)
    %add3A_2086 = arith.constant 56 : i32
    %add3A_2087 = arith.addi %mul3A_2, %add3A_2086 : i32
    %dma_start3A_2088 = arith.constant 1 : i32
    %dma_start3A_2089 = arith.constant 2 : i32
    %dma_start3A_2090 = arith.constant 2 : i32
    %dma_start3A_2091 = arith.constant 0 : i32
    %dma_start3A_2092 = arith.constant 0 : i32
    %dma_start3A_2093 = tpu.memref_slice %arg7[%dma_start3A_2088, %dma_start3A_2089, %dma_start3A_2091, %dma_start3A_2092] : memref<3x4x8x1024xf32, #tpu.memory_space<vmem>> -> memref<1x1x8x1024xf32, #tpu.memory_space<vmem>>
    %dma_start3A_2094 = tpu.memref_squeeze %dma_start3A_2093 : memref<1x1x8x1024xf32, #tpu.memory_space<vmem>> -> memref<8x1024xf32, #tpu.memory_space<vmem>>
    %dma_start3A_2095 = arith.constant 0 : i32
    %dma_start3A_2096 = tpu.memref_slice %arg5[%dma_start3A_2090, %add3A_2087, %dma_start3A_2095] : memref<4x2048x1024xf32, #tpu.memory_space<hbm>> -> memref<1x8x1024xf32, #tpu.memory_space<hbm>>
    %dma_start3A_2097 = tpu.memref_squeeze %dma_start3A_2096 : memref<1x8x1024xf32, #tpu.memory_space<hbm>> -> memref<8x1024xf32, #tpu.memory_space<hbm>>
    %dma_start3A_2098 = arith.constant 0 : i32
    %dma_start3A_2099 = tpu.memref_slice %arg5[%dma_start3A_2090, %add3A_2087, %dma_start3A_2098] : memref<4x2048x1024xf32, #tpu.memory_space<hbm>> -> memref<1x8x1024xf32, #tpu.memory_space<hbm>>
    %dma_start3A_2100 = tpu.memref_squeeze %dma_start3A_2099 : memref<1x8x1024xf32, #tpu.memory_space<hbm>> -> memref<8x1024xf32, #tpu.memory_space<hbm>>
    %dma_start3A_2101 = arith.constant 0 : i32
    %dma_start3A_2102 = arith.constant 0 : i32
    %dma_start3A_2103 = tpu.memref_slice %arg7[%dma_start3A_2088, %dma_start3A_2089, %dma_start3A_2101, %dma_start3A_2102] : memref<3x4x8x1024xf32, #tpu.memory_space<vmem>> -> memref<1x1x8x1024xf32, #tpu.memory_space<vmem>>
    %dma_start3A_2104 = tpu.memref_squeeze %dma_start3A_2103 : memref<1x1x8x1024xf32, #tpu.memory_space<vmem>> -> memref<8x1024xf32, #tpu.memory_space<vmem>>
    tpu.enqueue_dma source(%dma_start3A_2104 : memref<8x1024xf32, #tpu.memory_space<vmem>>) target(%dma_start3A_2100 : memref<8x1024xf32, #tpu.memory_space<hbm>>) target_semaphore(%arg13 : memref<!tpu.dma_semaphore, #tpu.memory_space<semaphore_mem>>)
    %add3A_2105 = arith.constant 56 : i32
    %add3A_2106 = arith.addi %mul3A_2, %add3A_2105 : i32
    %dma_start3A_2107 = arith.constant 1 : i32
    %dma_start3A_2108 = arith.constant 3 : i32
    %dma_start3A_2109 = arith.constant 3 : i32
    %dma_start3A_2110 = arith.constant 0 : i32
    %dma_start3A_2111 = arith.constant 0 : i32
    %dma_start3A_2112 = tpu.memref_slice %arg7[%dma_start3A_2107, %dma_start3A_2108, %dma_start3A_2110, %dma_start3A_2111] : memref<3x4x8x1024xf32, #tpu.memory_space<vmem>> -> memref<1x1x8x1024xf32, #tpu.memory_space<vmem>>
    %dma_start3A_2113 = tpu.memref_squeeze %dma_start3A_2112 : memref<1x1x8x1024xf32, #tpu.memory_space<vmem>> -> memref<8x1024xf32, #tpu.memory_space<vmem>>
    %dma_start3A_2114 = arith.constant 0 : i32
    %dma_start3A_2115 = tpu.memref_slice %arg5[%dma_start3A_2109, %add3A_2106, %dma_start3A_2114] : memref<4x2048x1024xf32, #tpu.memory_space<hbm>> -> memref<1x8x1024xf32, #tpu.memory_space<hbm>>
    %dma_start3A_2116 = tpu.memref_squeeze %dma_start3A_2115 : memref<1x8x1024xf32, #tpu.memory_space<hbm>> -> memref<8x1024xf32, #tpu.memory_space<hbm>>
    %dma_start3A_2117 = arith.constant 0 : i32
    %dma_start3A_2118 = tpu.memref_slice %arg5[%dma_start3A_2109, %add3A_2106, %dma_start3A_2117] : memref<4x2048x1024xf32, #tpu.memory_space<hbm>> -> memref<1x8x1024xf32, #tpu.memory_space<hbm>>
    %dma_start3A_2119 = tpu.memref_squeeze %dma_start3A_2118 : memref<1x8x1024xf32, #tpu.memory_space<hbm>> -> memref<8x1024xf32, #tpu.memory_space<hbm>>
    %dma_start3A_2120 = arith.constant 0 : i32
    %dma_start3A_2121 = arith.constant 0 : i32
    %dma_start3A_2122 = tpu.memref_slice %arg7[%dma_start3A_2107, %dma_start3A_2108, %dma_start3A_2120, %dma_start3A_2121] : memref<3x4x8x1024xf32, #tpu.memory_space<vmem>> -> memref<1x1x8x1024xf32, #tpu.memory_space<vmem>>
    %dma_start3A_2123 = tpu.memref_squeeze %dma_start3A_2122 : memref<1x1x8x1024xf32, #tpu.memory_space<vmem>> -> memref<8x1024xf32, #tpu.memory_space<vmem>>
    tpu.enqueue_dma source(%dma_start3A_2123 : memref<8x1024xf32, #tpu.memory_space<vmem>>) target(%dma_start3A_2119 : memref<8x1024xf32, #tpu.memory_space<hbm>>) target_semaphore(%arg13 : memref<!tpu.dma_semaphore, #tpu.memory_space<semaphore_mem>>)
    %dma_wait3A_2124 = arith.constant 0 : i32
    %dma_wait3A_2125 = arith.constant 0 : i32
    %dma_wait3A_2126 = arith.constant 0 : i32
    %dma_wait3A_2127 = arith.constant 0 : i32
    %dma_wait3A_2128 = arith.constant 0 : i32
    %dma_wait3A_2129 = tpu.memref_slice %arg7[%dma_wait3A_2124, %dma_wait3A_2125, %dma_wait3A_2127, %dma_wait3A_2128] : memref<3x4x8x1024xf32, #tpu.memory_space<vmem>> -> memref<1x1x8x1024xf32, #tpu.memory_space<vmem>>
    %dma_wait3A_2130 = tpu.memref_squeeze %dma_wait3A_2129 : memref<1x1x8x1024xf32, #tpu.memory_space<vmem>> -> memref<8x1024xf32, #tpu.memory_space<vmem>>
    %dma_wait3A_2131 = arith.constant 0 : i32
    %dma_wait3A_2132 = tpu.memref_slice %arg5[%dma_wait3A_2126, %add3A_1905, %dma_wait3A_2131] : memref<4x2048x1024xf32, #tpu.memory_space<hbm>> -> memref<1x8x1024xf32, #tpu.memory_space<hbm>>
    %dma_wait3A_2133 = tpu.memref_squeeze %dma_wait3A_2132 : memref<1x8x1024xf32, #tpu.memory_space<hbm>> -> memref<8x1024xf32, #tpu.memory_space<hbm>>
    %dma_wait3A_2134 = arith.constant 0 : i32
    %dma_wait3A_2135 = tpu.memref_slice %arg5[%dma_wait3A_2126, %add3A_1905, %dma_wait3A_2134] : memref<4x2048x1024xf32, #tpu.memory_space<hbm>> -> memref<1x8x1024xf32, #tpu.memory_space<hbm>>
    %dma_wait3A_2136 = tpu.memref_squeeze %dma_wait3A_2135 : memref<1x8x1024xf32, #tpu.memory_space<hbm>> -> memref<8x1024xf32, #tpu.memory_space<hbm>>
    %dma_wait3A_2137 = arith.constant 0 : i32
    %dma_wait3A_2138 = arith.constant 0 : i32
    %dma_wait3A_2139 = tpu.memref_slice %arg7[%dma_wait3A_2124, %dma_wait3A_2125, %dma_wait3A_2137, %dma_wait3A_2138] : memref<3x4x8x1024xf32, #tpu.memory_space<vmem>> -> memref<1x1x8x1024xf32, #tpu.memory_space<vmem>>
    %dma_wait3A_2140 = tpu.memref_squeeze %dma_wait3A_2139 : memref<1x1x8x1024xf32, #tpu.memory_space<vmem>> -> memref<8x1024xf32, #tpu.memory_space<vmem>>
    tpu.wait_dma2 semaphore(%arg12 : memref<!tpu.dma_semaphore, #tpu.memory_space<semaphore_mem>>) src(%dma_wait3A_2140 : memref<8x1024xf32, #tpu.memory_space<vmem>>) dst(%dma_wait3A_2136 : memref<8x1024xf32, #tpu.memory_space<hbm>>)
    %dma_wait3A_2141 = arith.constant 0 : i32
    %dma_wait3A_2142 = arith.constant 1 : i32
    %dma_wait3A_2143 = arith.constant 1 : i32
    %dma_wait3A_2144 = arith.constant 0 : i32
    %dma_wait3A_2145 = arith.constant 0 : i32
    %dma_wait3A_2146 = tpu.memref_slice %arg7[%dma_wait3A_2141, %dma_wait3A_2142, %dma_wait3A_2144, %dma_wait3A_2145] : memref<3x4x8x1024xf32, #tpu.memory_space<vmem>> -> memref<1x1x8x1024xf32, #tpu.memory_space<vmem>>
    %dma_wait3A_2147 = tpu.memref_squeeze %dma_wait3A_2146 : memref<1x1x8x1024xf32, #tpu.memory_space<vmem>> -> memref<8x1024xf32, #tpu.memory_space<vmem>>
    %dma_wait3A_2148 = arith.constant 0 : i32
    %dma_wait3A_2149 = tpu.memref_slice %arg5[%dma_wait3A_2143, %add3A_1924, %dma_wait3A_2148] : memref<4x2048x1024xf32, #tpu.memory_space<hbm>> -> memref<1x8x1024xf32, #tpu.memory_space<hbm>>
    %dma_wait3A_2150 = tpu.memref_squeeze %dma_wait3A_2149 : memref<1x8x1024xf32, #tpu.memory_space<hbm>> -> memref<8x1024xf32, #tpu.memory_space<hbm>>
    %dma_wait3A_2151 = arith.constant 0 : i32
    %dma_wait3A_2152 = tpu.memref_slice %arg5[%dma_wait3A_2143, %add3A_1924, %dma_wait3A_2151] : memref<4x2048x1024xf32, #tpu.memory_space<hbm>> -> memref<1x8x1024xf32, #tpu.memory_space<hbm>>
    %dma_wait3A_2153 = tpu.memref_squeeze %dma_wait3A_2152 : memref<1x8x1024xf32, #tpu.memory_space<hbm>> -> memref<8x1024xf32, #tpu.memory_space<hbm>>
    %dma_wait3A_2154 = arith.constant 0 : i32
    %dma_wait3A_2155 = arith.constant 0 : i32
    %dma_wait3A_2156 = tpu.memref_slice %arg7[%dma_wait3A_2141, %dma_wait3A_2142, %dma_wait3A_2154, %dma_wait3A_2155] : memref<3x4x8x1024xf32, #tpu.memory_space<vmem>> -> memref<1x1x8x1024xf32, #tpu.memory_space<vmem>>
    %dma_wait3A_2157 = tpu.memref_squeeze %dma_wait3A_2156 : memref<1x1x8x1024xf32, #tpu.memory_space<vmem>> -> memref<8x1024xf32, #tpu.memory_space<vmem>>
    tpu.wait_dma2 semaphore(%arg12 : memref<!tpu.dma_semaphore, #tpu.memory_space<semaphore_mem>>) src(%dma_wait3A_2157 : memref<8x1024xf32, #tpu.memory_space<vmem>>) dst(%dma_wait3A_2153 : memref<8x1024xf32, #tpu.memory_space<hbm>>)
    %dma_wait3A_2158 = arith.constant 0 : i32
    %dma_wait3A_2159 = arith.constant 2 : i32
    %dma_wait3A_2160 = arith.constant 2 : i32
    %dma_wait3A_2161 = arith.constant 0 : i32
    %dma_wait3A_2162 = arith.constant 0 : i32
    %dma_wait3A_2163 = tpu.memref_slice %arg7[%dma_wait3A_2158, %dma_wait3A_2159, %dma_wait3A_2161, %dma_wait3A_2162] : memref<3x4x8x1024xf32, #tpu.memory_space<vmem>> -> memref<1x1x8x1024xf32, #tpu.memory_space<vmem>>
    %dma_wait3A_2164 = tpu.memref_squeeze %dma_wait3A_2163 : memref<1x1x8x1024xf32, #tpu.memory_space<vmem>> -> memref<8x1024xf32, #tpu.memory_space<vmem>>
    %dma_wait3A_2165 = arith.constant 0 : i32
    %dma_wait3A_2166 = tpu.memref_slice %arg5[%dma_wait3A_2160, %add3A_1943, %dma_wait3A_2165] : memref<4x2048x1024xf32, #tpu.memory_space<hbm>> -> memref<1x8x1024xf32, #tpu.memory_space<hbm>>
    %dma_wait3A_2167 = tpu.memref_squeeze %dma_wait3A_2166 : memref<1x8x1024xf32, #tpu.memory_space<hbm>> -> memref<8x1024xf32, #tpu.memory_space<hbm>>
    %dma_wait3A_2168 = arith.constant 0 : i32
    %dma_wait3A_2169 = tpu.memref_slice %arg5[%dma_wait3A_2160, %add3A_1943, %dma_wait3A_2168] : memref<4x2048x1024xf32, #tpu.memory_space<hbm>> -> memref<1x8x1024xf32, #tpu.memory_space<hbm>>
    %dma_wait3A_2170 = tpu.memref_squeeze %dma_wait3A_2169 : memref<1x8x1024xf32, #tpu.memory_space<hbm>> -> memref<8x1024xf32, #tpu.memory_space<hbm>>
    %dma_wait3A_2171 = arith.constant 0 : i32
    %dma_wait3A_2172 = arith.constant 0 : i32
    %dma_wait3A_2173 = tpu.memref_slice %arg7[%dma_wait3A_2158, %dma_wait3A_2159, %dma_wait3A_2171, %dma_wait3A_2172] : memref<3x4x8x1024xf32, #tpu.memory_space<vmem>> -> memref<1x1x8x1024xf32, #tpu.memory_space<vmem>>
    %dma_wait3A_2174 = tpu.memref_squeeze %dma_wait3A_2173 : memref<1x1x8x1024xf32, #tpu.memory_space<vmem>> -> memref<8x1024xf32, #tpu.memory_space<vmem>>
    tpu.wait_dma2 semaphore(%arg12 : memref<!tpu.dma_semaphore, #tpu.memory_space<semaphore_mem>>) src(%dma_wait3A_2174 : memref<8x1024xf32, #tpu.memory_space<vmem>>) dst(%dma_wait3A_2170 : memref<8x1024xf32, #tpu.memory_space<hbm>>)
    %dma_wait3A_2175 = arith.constant 0 : i32
    %dma_wait3A_2176 = arith.constant 3 : i32
    %dma_wait3A_2177 = arith.constant 3 : i32
    %dma_wait3A_2178 = arith.constant 0 : i32
    %dma_wait3A_2179 = arith.constant 0 : i32
    %dma_wait3A_2180 = tpu.memref_slice %arg7[%dma_wait3A_2175, %dma_wait3A_2176, %dma_wait3A_2178, %dma_wait3A_2179] : memref<3x4x8x1024xf32, #tpu.memory_space<vmem>> -> memref<1x1x8x1024xf32, #tpu.memory_space<vmem>>
    %dma_wait3A_2181 = tpu.memref_squeeze %dma_wait3A_2180 : memref<1x1x8x1024xf32, #tpu.memory_space<vmem>> -> memref<8x1024xf32, #tpu.memory_space<vmem>>
    %dma_wait3A_2182 = arith.constant 0 : i32
    %dma_wait3A_2183 = tpu.memref_slice %arg5[%dma_wait3A_2177, %add3A_1962, %dma_wait3A_2182] : memref<4x2048x1024xf32, #tpu.memory_space<hbm>> -> memref<1x8x1024xf32, #tpu.memory_space<hbm>>
    %dma_wait3A_2184 = tpu.memref_squeeze %dma_wait3A_2183 : memref<1x8x1024xf32, #tpu.memory_space<hbm>> -> memref<8x1024xf32, #tpu.memory_space<hbm>>
    %dma_wait3A_2185 = arith.constant 0 : i32
    %dma_wait3A_2186 = tpu.memref_slice %arg5[%dma_wait3A_2177, %add3A_1962, %dma_wait3A_2185] : memref<4x2048x1024xf32, #tpu.memory_space<hbm>> -> memref<1x8x1024xf32, #tpu.memory_space<hbm>>
    %dma_wait3A_2187 = tpu.memref_squeeze %dma_wait3A_2186 : memref<1x8x1024xf32, #tpu.memory_space<hbm>> -> memref<8x1024xf32, #tpu.memory_space<hbm>>
    %dma_wait3A_2188 = arith.constant 0 : i32
    %dma_wait3A_2189 = arith.constant 0 : i32
    %dma_wait3A_2190 = tpu.memref_slice %arg7[%dma_wait3A_2175, %dma_wait3A_2176, %dma_wait3A_2188, %dma_wait3A_2189] : memref<3x4x8x1024xf32, #tpu.memory_space<vmem>> -> memref<1x1x8x1024xf32, #tpu.memory_space<vmem>>
    %dma_wait3A_2191 = tpu.memref_squeeze %dma_wait3A_2190 : memref<1x1x8x1024xf32, #tpu.memory_space<vmem>> -> memref<8x1024xf32, #tpu.memory_space<vmem>>
    tpu.wait_dma2 semaphore(%arg12 : memref<!tpu.dma_semaphore, #tpu.memory_space<semaphore_mem>>) src(%dma_wait3A_2191 : memref<8x1024xf32, #tpu.memory_space<vmem>>) dst(%dma_wait3A_2187 : memref<8x1024xf32, #tpu.memory_space<hbm>>)
    %dma_wait3A_2192 = arith.constant 1 : i32
    %dma_wait3A_2193 = arith.constant 0 : i32
    %dma_wait3A_2194 = arith.constant 0 : i32
    %dma_wait3A_2195 = arith.constant 0 : i32
    %dma_wait3A_2196 = arith.constant 0 : i32
    %dma_wait3A_2197 = tpu.memref_slice %arg7[%dma_wait3A_2192, %dma_wait3A_2193, %dma_wait3A_2195, %dma_wait3A_2196] : memref<3x4x8x1024xf32, #tpu.memory_space<vmem>> -> memref<1x1x8x1024xf32, #tpu.memory_space<vmem>>
    %dma_wait3A_2198 = tpu.memref_squeeze %dma_wait3A_2197 : memref<1x1x8x1024xf32, #tpu.memory_space<vmem>> -> memref<8x1024xf32, #tpu.memory_space<vmem>>
    %dma_wait3A_2199 = arith.constant 0 : i32
    %dma_wait3A_2200 = tpu.memref_slice %arg5[%dma_wait3A_2194, %add3A_2049, %dma_wait3A_2199] : memref<4x2048x1024xf32, #tpu.memory_space<hbm>> -> memref<1x8x1024xf32, #tpu.memory_space<hbm>>
    %dma_wait3A_2201 = tpu.memref_squeeze %dma_wait3A_2200 : memref<1x8x1024xf32, #tpu.memory_space<hbm>> -> memref<8x1024xf32, #tpu.memory_space<hbm>>
    %dma_wait3A_2202 = arith.constant 0 : i32
    %dma_wait3A_2203 = tpu.memref_slice %arg5[%dma_wait3A_2194, %add3A_2049, %dma_wait3A_2202] : memref<4x2048x1024xf32, #tpu.memory_space<hbm>> -> memref<1x8x1024xf32, #tpu.memory_space<hbm>>
    %dma_wait3A_2204 = tpu.memref_squeeze %dma_wait3A_2203 : memref<1x8x1024xf32, #tpu.memory_space<hbm>> -> memref<8x1024xf32, #tpu.memory_space<hbm>>
    %dma_wait3A_2205 = arith.constant 0 : i32
    %dma_wait3A_2206 = arith.constant 0 : i32
    %dma_wait3A_2207 = tpu.memref_slice %arg7[%dma_wait3A_2192, %dma_wait3A_2193, %dma_wait3A_2205, %dma_wait3A_2206] : memref<3x4x8x1024xf32, #tpu.memory_space<vmem>> -> memref<1x1x8x1024xf32, #tpu.memory_space<vmem>>
    %dma_wait3A_2208 = tpu.memref_squeeze %dma_wait3A_2207 : memref<1x1x8x1024xf32, #tpu.memory_space<vmem>> -> memref<8x1024xf32, #tpu.memory_space<vmem>>
    tpu.wait_dma2 semaphore(%arg13 : memref<!tpu.dma_semaphore, #tpu.memory_space<semaphore_mem>>) src(%dma_wait3A_2208 : memref<8x1024xf32, #tpu.memory_space<vmem>>) dst(%dma_wait3A_2204 : memref<8x1024xf32, #tpu.memory_space<hbm>>)
    %dma_wait3A_2209 = arith.constant 1 : i32
    %dma_wait3A_2210 = arith.constant 1 : i32
    %dma_wait3A_2211 = arith.constant 1 : i32
    %dma_wait3A_2212 = arith.constant 0 : i32
    %dma_wait3A_2213 = arith.constant 0 : i32
    %dma_wait3A_2214 = tpu.memref_slice %arg7[%dma_wait3A_2209, %dma_wait3A_2210, %dma_wait3A_2212, %dma_wait3A_2213] : memref<3x4x8x1024xf32, #tpu.memory_space<vmem>> -> memref<1x1x8x1024xf32, #tpu.memory_space<vmem>>
    %dma_wait3A_2215 = tpu.memref_squeeze %dma_wait3A_2214 : memref<1x1x8x1024xf32, #tpu.memory_space<vmem>> -> memref<8x1024xf32, #tpu.memory_space<vmem>>
    %dma_wait3A_2216 = arith.constant 0 : i32
    %dma_wait3A_2217 = tpu.memref_slice %arg5[%dma_wait3A_2211, %add3A_2068, %dma_wait3A_2216] : memref<4x2048x1024xf32, #tpu.memory_space<hbm>> -> memref<1x8x1024xf32, #tpu.memory_space<hbm>>
    %dma_wait3A_2218 = tpu.memref_squeeze %dma_wait3A_2217 : memref<1x8x1024xf32, #tpu.memory_space<hbm>> -> memref<8x1024xf32, #tpu.memory_space<hbm>>
    %dma_wait3A_2219 = arith.constant 0 : i32
    %dma_wait3A_2220 = tpu.memref_slice %arg5[%dma_wait3A_2211, %add3A_2068, %dma_wait3A_2219] : memref<4x2048x1024xf32, #tpu.memory_space<hbm>> -> memref<1x8x1024xf32, #tpu.memory_space<hbm>>
    %dma_wait3A_2221 = tpu.memref_squeeze %dma_wait3A_2220 : memref<1x8x1024xf32, #tpu.memory_space<hbm>> -> memref<8x1024xf32, #tpu.memory_space<hbm>>
    %dma_wait3A_2222 = arith.constant 0 : i32
    %dma_wait3A_2223 = arith.constant 0 : i32
    %dma_wait3A_2224 = tpu.memref_slice %arg7[%dma_wait3A_2209, %dma_wait3A_2210, %dma_wait3A_2222, %dma_wait3A_2223] : memref<3x4x8x1024xf32, #tpu.memory_space<vmem>> -> memref<1x1x8x1024xf32, #tpu.memory_space<vmem>>
    %dma_wait3A_2225 = tpu.memref_squeeze %dma_wait3A_2224 : memref<1x1x8x1024xf32, #tpu.memory_space<vmem>> -> memref<8x1024xf32, #tpu.memory_space<vmem>>
    tpu.wait_dma2 semaphore(%arg13 : memref<!tpu.dma_semaphore, #tpu.memory_space<semaphore_mem>>) src(%dma_wait3A_2225 : memref<8x1024xf32, #tpu.memory_space<vmem>>) dst(%dma_wait3A_2221 : memref<8x1024xf32, #tpu.memory_space<hbm>>)
    %dma_wait3A_2226 = arith.constant 1 : i32
    %dma_wait3A_2227 = arith.constant 2 : i32
    %dma_wait3A_2228 = arith.constant 2 : i32
    %dma_wait3A_2229 = arith.constant 0 : i32
    %dma_wait3A_2230 = arith.constant 0 : i32
    %dma_wait3A_2231 = tpu.memref_slice %arg7[%dma_wait3A_2226, %dma_wait3A_2227, %dma_wait3A_2229, %dma_wait3A_2230] : memref<3x4x8x1024xf32, #tpu.memory_space<vmem>> -> memref<1x1x8x1024xf32, #tpu.memory_space<vmem>>
    %dma_wait3A_2232 = tpu.memref_squeeze %dma_wait3A_2231 : memref<1x1x8x1024xf32, #tpu.memory_space<vmem>> -> memref<8x1024xf32, #tpu.memory_space<vmem>>
    %dma_wait3A_2233 = arith.constant 0 : i32
    %dma_wait3A_2234 = tpu.memref_slice %arg5[%dma_wait3A_2228, %add3A_2087, %dma_wait3A_2233] : memref<4x2048x1024xf32, #tpu.memory_space<hbm>> -> memref<1x8x1024xf32, #tpu.memory_space<hbm>>
    %dma_wait3A_2235 = tpu.memref_squeeze %dma_wait3A_2234 : memref<1x8x1024xf32, #tpu.memory_space<hbm>> -> memref<8x1024xf32, #tpu.memory_space<hbm>>
    %dma_wait3A_2236 = arith.constant 0 : i32
    %dma_wait3A_2237 = tpu.memref_slice %arg5[%dma_wait3A_2228, %add3A_2087, %dma_wait3A_2236] : memref<4x2048x1024xf32, #tpu.memory_space<hbm>> -> memref<1x8x1024xf32, #tpu.memory_space<hbm>>
    %dma_wait3A_2238 = tpu.memref_squeeze %dma_wait3A_2237 : memref<1x8x1024xf32, #tpu.memory_space<hbm>> -> memref<8x1024xf32, #tpu.memory_space<hbm>>
    %dma_wait3A_2239 = arith.constant 0 : i32
    %dma_wait3A_2240 = arith.constant 0 : i32
    %dma_wait3A_2241 = tpu.memref_slice %arg7[%dma_wait3A_2226, %dma_wait3A_2227, %dma_wait3A_2239, %dma_wait3A_2240] : memref<3x4x8x1024xf32, #tpu.memory_space<vmem>> -> memref<1x1x8x1024xf32, #tpu.memory_space<vmem>>
    %dma_wait3A_2242 = tpu.memref_squeeze %dma_wait3A_2241 : memref<1x1x8x1024xf32, #tpu.memory_space<vmem>> -> memref<8x1024xf32, #tpu.memory_space<vmem>>
    tpu.wait_dma2 semaphore(%arg13 : memref<!tpu.dma_semaphore, #tpu.memory_space<semaphore_mem>>) src(%dma_wait3A_2242 : memref<8x1024xf32, #tpu.memory_space<vmem>>) dst(%dma_wait3A_2238 : memref<8x1024xf32, #tpu.memory_space<hbm>>)
    %dma_wait3A_2243 = arith.constant 1 : i32
    %dma_wait3A_2244 = arith.constant 3 : i32
    %dma_wait3A_2245 = arith.constant 3 : i32
    %dma_wait3A_2246 = arith.constant 0 : i32
    %dma_wait3A_2247 = arith.constant 0 : i32
    %dma_wait3A_2248 = tpu.memref_slice %arg7[%dma_wait3A_2243, %dma_wait3A_2244, %dma_wait3A_2246, %dma_wait3A_2247] : memref<3x4x8x1024xf32, #tpu.memory_space<vmem>> -> memref<1x1x8x1024xf32, #tpu.memory_space<vmem>>
    %dma_wait3A_2249 = tpu.memref_squeeze %dma_wait3A_2248 : memref<1x1x8x1024xf32, #tpu.memory_space<vmem>> -> memref<8x1024xf32, #tpu.memory_space<vmem>>
    %dma_wait3A_2250 = arith.constant 0 : i32
    %dma_wait3A_2251 = tpu.memref_slice %arg5[%dma_wait3A_2245, %add3A_2106, %dma_wait3A_2250] : memref<4x2048x1024xf32, #tpu.memory_space<hbm>> -> memref<1x8x1024xf32, #tpu.memory_space<hbm>>
    %dma_wait3A_2252 = tpu.memref_squeeze %dma_wait3A_2251 : memref<1x8x1024xf32, #tpu.memory_space<hbm>> -> memref<8x1024xf32, #tpu.memory_space<hbm>>
    %dma_wait3A_2253 = arith.constant 0 : i32
    %dma_wait3A_2254 = tpu.memref_slice %arg5[%dma_wait3A_2245, %add3A_2106, %dma_wait3A_2253] : memref<4x2048x1024xf32, #tpu.memory_space<hbm>> -> memref<1x8x1024xf32, #tpu.memory_space<hbm>>
    %dma_wait3A_2255 = tpu.memref_squeeze %dma_wait3A_2254 : memref<1x8x1024xf32, #tpu.memory_space<hbm>> -> memref<8x1024xf32, #tpu.memory_space<hbm>>
    %dma_wait3A_2256 = arith.constant 0 : i32
    %dma_wait3A_2257 = arith.constant 0 : i32
    %dma_wait3A_2258 = tpu.memref_slice %arg7[%dma_wait3A_2243, %dma_wait3A_2244, %dma_wait3A_2256, %dma_wait3A_2257] : memref<3x4x8x1024xf32, #tpu.memory_space<vmem>> -> memref<1x1x8x1024xf32, #tpu.memory_space<vmem>>
    %dma_wait3A_2259 = tpu.memref_squeeze %dma_wait3A_2258 : memref<1x1x8x1024xf32, #tpu.memory_space<vmem>> -> memref<8x1024xf32, #tpu.memory_space<vmem>>
    tpu.wait_dma2 semaphore(%arg13 : memref<!tpu.dma_semaphore, #tpu.memory_space<semaphore_mem>>) src(%dma_wait3A_2259 : memref<8x1024xf32, #tpu.memory_space<vmem>>) dst(%dma_wait3A_2255 : memref<8x1024xf32, #tpu.memory_space<hbm>>)
    %dma_wait3A_2260 = arith.constant 2 : i32
    %dma_wait3A_2261 = arith.constant 0 : i32
    %dma_wait3A_2262 = arith.constant 0 : i32
    %dma_wait3A_2263 = arith.constant 0 : i32
    %dma_wait3A_2264 = arith.constant 0 : i32
    %dma_wait3A_2265 = tpu.memref_slice %arg7[%dma_wait3A_2260, %dma_wait3A_2261, %dma_wait3A_2263, %dma_wait3A_2264] : memref<3x4x8x1024xf32, #tpu.memory_space<vmem>> -> memref<1x1x8x1024xf32, #tpu.memory_space<vmem>>
    %dma_wait3A_2266 = tpu.memref_squeeze %dma_wait3A_2265 : memref<1x1x8x1024xf32, #tpu.memory_space<vmem>> -> memref<8x1024xf32, #tpu.memory_space<vmem>>
    %dma_wait3A_2267 = arith.constant 0 : i32
    %dma_wait3A_2268 = tpu.memref_slice %arg5[%dma_wait3A_2262, %add3A_1761, %dma_wait3A_2267] : memref<4x2048x1024xf32, #tpu.memory_space<hbm>> -> memref<1x8x1024xf32, #tpu.memory_space<hbm>>
    %dma_wait3A_2269 = tpu.memref_squeeze %dma_wait3A_2268 : memref<1x8x1024xf32, #tpu.memory_space<hbm>> -> memref<8x1024xf32, #tpu.memory_space<hbm>>
    %dma_wait3A_2270 = arith.constant 0 : i32
    %dma_wait3A_2271 = tpu.memref_slice %arg5[%dma_wait3A_2262, %add3A_1761, %dma_wait3A_2270] : memref<4x2048x1024xf32, #tpu.memory_space<hbm>> -> memref<1x8x1024xf32, #tpu.memory_space<hbm>>
    %dma_wait3A_2272 = tpu.memref_squeeze %dma_wait3A_2271 : memref<1x8x1024xf32, #tpu.memory_space<hbm>> -> memref<8x1024xf32, #tpu.memory_space<hbm>>
    %dma_wait3A_2273 = arith.constant 0 : i32
    %dma_wait3A_2274 = arith.constant 0 : i32
    %dma_wait3A_2275 = tpu.memref_slice %arg7[%dma_wait3A_2260, %dma_wait3A_2261, %dma_wait3A_2273, %dma_wait3A_2274] : memref<3x4x8x1024xf32, #tpu.memory_space<vmem>> -> memref<1x1x8x1024xf32, #tpu.memory_space<vmem>>
    %dma_wait3A_2276 = tpu.memref_squeeze %dma_wait3A_2275 : memref<1x1x8x1024xf32, #tpu.memory_space<vmem>> -> memref<8x1024xf32, #tpu.memory_space<vmem>>
    tpu.wait_dma2 semaphore(%arg14 : memref<!tpu.dma_semaphore, #tpu.memory_space<semaphore_mem>>) src(%dma_wait3A_2276 : memref<8x1024xf32, #tpu.memory_space<vmem>>) dst(%dma_wait3A_2272 : memref<8x1024xf32, #tpu.memory_space<hbm>>)
    %dma_wait3A_2277 = arith.constant 2 : i32
    %dma_wait3A_2278 = arith.constant 1 : i32
    %dma_wait3A_2279 = arith.constant 1 : i32
    %dma_wait3A_2280 = arith.constant 0 : i32
    %dma_wait3A_2281 = arith.constant 0 : i32
    %dma_wait3A_2282 = tpu.memref_slice %arg7[%dma_wait3A_2277, %dma_wait3A_2278, %dma_wait3A_2280, %dma_wait3A_2281] : memref<3x4x8x1024xf32, #tpu.memory_space<vmem>> -> memref<1x1x8x1024xf32, #tpu.memory_space<vmem>>
    %dma_wait3A_2283 = tpu.memref_squeeze %dma_wait3A_2282 : memref<1x1x8x1024xf32, #tpu.memory_space<vmem>> -> memref<8x1024xf32, #tpu.memory_space<vmem>>
    %dma_wait3A_2284 = arith.constant 0 : i32
    %dma_wait3A_2285 = tpu.memref_slice %arg5[%dma_wait3A_2279, %add3A_1780, %dma_wait3A_2284] : memref<4x2048x1024xf32, #tpu.memory_space<hbm>> -> memref<1x8x1024xf32, #tpu.memory_space<hbm>>
    %dma_wait3A_2286 = tpu.memref_squeeze %dma_wait3A_2285 : memref<1x8x1024xf32, #tpu.memory_space<hbm>> -> memref<8x1024xf32, #tpu.memory_space<hbm>>
    %dma_wait3A_2287 = arith.constant 0 : i32
    %dma_wait3A_2288 = tpu.memref_slice %arg5[%dma_wait3A_2279, %add3A_1780, %dma_wait3A_2287] : memref<4x2048x1024xf32, #tpu.memory_space<hbm>> -> memref<1x8x1024xf32, #tpu.memory_space<hbm>>
    %dma_wait3A_2289 = tpu.memref_squeeze %dma_wait3A_2288 : memref<1x8x1024xf32, #tpu.memory_space<hbm>> -> memref<8x1024xf32, #tpu.memory_space<hbm>>
    %dma_wait3A_2290 = arith.constant 0 : i32
    %dma_wait3A_2291 = arith.constant 0 : i32
    %dma_wait3A_2292 = tpu.memref_slice %arg7[%dma_wait3A_2277, %dma_wait3A_2278, %dma_wait3A_2290, %dma_wait3A_2291] : memref<3x4x8x1024xf32, #tpu.memory_space<vmem>> -> memref<1x1x8x1024xf32, #tpu.memory_space<vmem>>
    %dma_wait3A_2293 = tpu.memref_squeeze %dma_wait3A_2292 : memref<1x1x8x1024xf32, #tpu.memory_space<vmem>> -> memref<8x1024xf32, #tpu.memory_space<vmem>>
    tpu.wait_dma2 semaphore(%arg14 : memref<!tpu.dma_semaphore, #tpu.memory_space<semaphore_mem>>) src(%dma_wait3A_2293 : memref<8x1024xf32, #tpu.memory_space<vmem>>) dst(%dma_wait3A_2289 : memref<8x1024xf32, #tpu.memory_space<hbm>>)
    %dma_wait3A_2294 = arith.constant 2 : i32
    %dma_wait3A_2295 = arith.constant 2 : i32
    %dma_wait3A_2296 = arith.constant 2 : i32
    %dma_wait3A_2297 = arith.constant 0 : i32
    %dma_wait3A_2298 = arith.constant 0 : i32
    %dma_wait3A_2299 = tpu.memref_slice %arg7[%dma_wait3A_2294, %dma_wait3A_2295, %dma_wait3A_2297, %dma_wait3A_2298] : memref<3x4x8x1024xf32, #tpu.memory_space<vmem>> -> memref<1x1x8x1024xf32, #tpu.memory_space<vmem>>
    %dma_wait3A_2300 = tpu.memref_squeeze %dma_wait3A_2299 : memref<1x1x8x1024xf32, #tpu.memory_space<vmem>> -> memref<8x1024xf32, #tpu.memory_space<vmem>>
    %dma_wait3A_2301 = arith.constant 0 : i32
    %dma_wait3A_2302 = tpu.memref_slice %arg5[%dma_wait3A_2296, %add3A_1799, %dma_wait3A_2301] : memref<4x2048x1024xf32, #tpu.memory_space<hbm>> -> memref<1x8x1024xf32, #tpu.memory_space<hbm>>
    %dma_wait3A_2303 = tpu.memref_squeeze %dma_wait3A_2302 : memref<1x8x1024xf32, #tpu.memory_space<hbm>> -> memref<8x1024xf32, #tpu.memory_space<hbm>>
    %dma_wait3A_2304 = arith.constant 0 : i32
    %dma_wait3A_2305 = tpu.memref_slice %arg5[%dma_wait3A_2296, %add3A_1799, %dma_wait3A_2304] : memref<4x2048x1024xf32, #tpu.memory_space<hbm>> -> memref<1x8x1024xf32, #tpu.memory_space<hbm>>
    %dma_wait3A_2306 = tpu.memref_squeeze %dma_wait3A_2305 : memref<1x8x1024xf32, #tpu.memory_space<hbm>> -> memref<8x1024xf32, #tpu.memory_space<hbm>>
    %dma_wait3A_2307 = arith.constant 0 : i32
    %dma_wait3A_2308 = arith.constant 0 : i32
    %dma_wait3A_2309 = tpu.memref_slice %arg7[%dma_wait3A_2294, %dma_wait3A_2295, %dma_wait3A_2307, %dma_wait3A_2308] : memref<3x4x8x1024xf32, #tpu.memory_space<vmem>> -> memref<1x1x8x1024xf32, #tpu.memory_space<vmem>>
    %dma_wait3A_2310 = tpu.memref_squeeze %dma_wait3A_2309 : memref<1x1x8x1024xf32, #tpu.memory_space<vmem>> -> memref<8x1024xf32, #tpu.memory_space<vmem>>
    tpu.wait_dma2 semaphore(%arg14 : memref<!tpu.dma_semaphore, #tpu.memory_space<semaphore_mem>>) src(%dma_wait3A_2310 : memref<8x1024xf32, #tpu.memory_space<vmem>>) dst(%dma_wait3A_2306 : memref<8x1024xf32, #tpu.memory_space<hbm>>)
    %dma_wait3A_2311 = arith.constant 2 : i32
    %dma_wait3A_2312 = arith.constant 3 : i32
    %dma_wait3A_2313 = arith.constant 3 : i32
    %dma_wait3A_2314 = arith.constant 0 : i32
    %dma_wait3A_2315 = arith.constant 0 : i32
    %dma_wait3A_2316 = tpu.memref_slice %arg7[%dma_wait3A_2311, %dma_wait3A_2312, %dma_wait3A_2314, %dma_wait3A_2315] : memref<3x4x8x1024xf32, #tpu.memory_space<vmem>> -> memref<1x1x8x1024xf32, #tpu.memory_space<vmem>>
    %dma_wait3A_2317 = tpu.memref_squeeze %dma_wait3A_2316 : memref<1x1x8x1024xf32, #tpu.memory_space<vmem>> -> memref<8x1024xf32, #tpu.memory_space<vmem>>
    %dma_wait3A_2318 = arith.constant 0 : i32
    %dma_wait3A_2319 = tpu.memref_slice %arg5[%dma_wait3A_2313, %add3A_1818, %dma_wait3A_2318] : memref<4x2048x1024xf32, #tpu.memory_space<hbm>> -> memref<1x8x1024xf32, #tpu.memory_space<hbm>>
    %dma_wait3A_2320 = tpu.memref_squeeze %dma_wait3A_2319 : memref<1x8x1024xf32, #tpu.memory_space<hbm>> -> memref<8x1024xf32, #tpu.memory_space<hbm>>
    %dma_wait3A_2321 = arith.constant 0 : i32
    %dma_wait3A_2322 = tpu.memref_slice %arg5[%dma_wait3A_2313, %add3A_1818, %dma_wait3A_2321] : memref<4x2048x1024xf32, #tpu.memory_space<hbm>> -> memref<1x8x1024xf32, #tpu.memory_space<hbm>>
    %dma_wait3A_2323 = tpu.memref_squeeze %dma_wait3A_2322 : memref<1x8x1024xf32, #tpu.memory_space<hbm>> -> memref<8x1024xf32, #tpu.memory_space<hbm>>
    %dma_wait3A_2324 = arith.constant 0 : i32
    %dma_wait3A_2325 = arith.constant 0 : i32
    %dma_wait3A_2326 = tpu.memref_slice %arg7[%dma_wait3A_2311, %dma_wait3A_2312, %dma_wait3A_2324, %dma_wait3A_2325] : memref<3x4x8x1024xf32, #tpu.memory_space<vmem>> -> memref<1x1x8x1024xf32, #tpu.memory_space<vmem>>
    %dma_wait3A_2327 = tpu.memref_squeeze %dma_wait3A_2326 : memref<1x1x8x1024xf32, #tpu.memory_space<vmem>> -> memref<8x1024xf32, #tpu.memory_space<vmem>>
    tpu.wait_dma2 semaphore(%arg14 : memref<!tpu.dma_semaphore, #tpu.memory_space<semaphore_mem>>) src(%dma_wait3A_2327 : memref<8x1024xf32, #tpu.memory_space<vmem>>) dst(%dma_wait3A_2323 : memref<8x1024xf32, #tpu.memory_space<hbm>>)
    return
  }
}

</mosaic_0001>

<sc_bundles>
// kernel: kernel.3.cloned.1.call-start
scs
__scs_entry_jumppad:
0x0: {  	(pc) =	sbr.rel $0x88, $3  }
0x1: {  	(tag) =	ssettag $0x0;
	lr =	simm.s32 $0x1  }
0x2: {  	[smem:$0x3F9E] =	sst lr;
	_ =	strace $0xD0000000  }
0x3: {  	_ = 	snop  }
0x4: {  	_ = 	snop  }
0x5: {  	_ = 	snop  }
0x6: {  	_ = 	snop  }
0x7: {  	_ = 	snop  }
__scs_overlays_trampoline_lowered:
0x8: {  	[smem:$0x3FAD] =	sst s0  }
0x9: {  	[smem:$0x3FAE] =	sst s1  }
0xa: {  	[smem:$0x3FAF] =	sst s2  }
0xb: {  	[smem:$0x3FB0] =	sst s3  }
0xc: {  	[smem:$0x3FB1] =	sst s4  }
0xd: {  	[smem:$0x3FB2] =	sst s5  }
0xe: {  	[smem:$0x3FB3] =	sst s6  }
0xf: {  	[smem:$0x3FB4] =	sst s7  }
0x10: {  	[smem:$0x3FB5] =	sst s8  }
0x11: {  	[smem:$0x3FB6] =	sst s9;
	s0 =	simm.s32 @!p0 $0x0  }
0x12: {  	s1 =	sld [smem:$0x3F9C];
	s0 =	simm.s32 @p0 $0x1  }
0x13: {  	[smem:$0x3FB7] =	sst s0;
	s0 =	simm.s32 @!p1 $0x0  }
0x14: {  	s2 =	sld [smem:$0x3F9B];
	s0 =	simm.s32 @p1 $0x1  }
0x15: {  	[smem:$0x3FB8] =	sst s0;
	s0 =	simm.s32 @!p2 $0x0  }
0x16: {  	s3 =	sld [smem:$0x3FDB];
	s0 =	simm.s32 @p2 $0x1  }
0x17: {  	s4 =	simm.s32 $0x1BF5;
	[smem:$0x3FBA] =	sst s0  }
0x18: {  	s0 =	sld [smem:$0x3F9D];
	_ =	swait.ge [sflag:s4], $0x0  }
0x19: {  	s7 =	sld [smem:$0x3F9E]  }
0x1a: {  	s8 =	sadd.s32 $0xFFFFE003, lr  }
0x1b: {  	s9 =	sadd.s32 $0xFFFFFEF7, lr;
	s5 =	simm.s32 $0xFFFFFFFF;
	p2 =	slt.u32 s8, $0xFFFFF086  }
0x1c: {  	p1 =	slt.u32 s9, $0xF7A;
	s5 =	simm.s32 @!p2 $0x0  }
0x1d: {  	s5 =	simm.s32 @p1 $0x1;
	p0 =	seq.s32 s7, s2  }
0x1e: {  	s7 =	smul.u32 @!p0 $0xF7A, s2;
	p2 =	seq.s32 @!p0 s5, $0x0  }
0x1f: {  	s9 =	smul.u32 $0xF7A, s1;
	s8 =	simm.s32 @!p0 $0x1BF5;
	p2 =	por !p2, p0  }
0x20: {  	[sflag:s8] =	ssyncset.s32 @!p0 $0xFFFFF086;
	s6 =	sadd.s32 @!p0 s3, s7;
	s7 =	simm.s32 @!p0 $0x108  }
0x21: {  	s3 =	sadd.s32 s3, s9;
	s6 =	sadd.s32 @!p0 $0x88, s6;
	s7 =	simm.s32 @p2 $0x1082  }
0x22: {  	[simem:s7], [sflag:s8] =	dma.local @!p0 [hbm:s6], $0xF7A  }
0x23: {  	s9 =	sor.u32 $0xD0000000, s2;
	s6 =	simm.s32 $0x108;
	_ =	swait.ge @!p0 [sflag:s8], $0x0  }
0x24: {  	s3 =	sadd.s32 $0x88, s3;
	s6 =	simm.s32 @!p1 $0x1082;
	[sflag:s4] =	ssyncset.s32 $0xFFFFF086  }
0x25: {  	[simem:s6], [sflag:s4] =	dma.local [hbm:s3], $0xF7A  }
0x26: {  	[smem:$0x3F9E] =	sst s1;
	(tag) =	ssettag s2;
	_ =	strace s9  }
0x27: {  	s1 =	sld [smem:$0x3FAE]  }
0x28: {  	s2 =	sld [smem:$0x3FAF]  }
0x29: {  	s4 =	sld [smem:$0x3FB1]  }
0x2a: {  	p0 =	seq.s32 s5, $0x0;
	s5 =	sld [smem:$0x3FB2]  }
0x2b: {  	s6 =	sld [smem:$0x3FB3]  }
0x2c: {  	s7 =	sld [smem:$0x3FB4]  }
0x2d: {  	s3 =	simm.s32 $0x108;
	s8 =	sld [smem:$0x3FB5]  }
0x2e: {  	s3 =	simm.s32 @!p0 $0x1082;
	s9 =	sld [smem:$0x3FB6]  }
0x2f: {  	lr =	sadd.s32 s0, s3;
	s0 =	sld [smem:$0x3FAD]  }
0x30: {  	s3 =	sld [smem:$0x3FB0]  }
0x31: {  	[smem:$0x3FB9] =	sst s10  }
0x32: {  	s10 =	sld [smem:$0x3FB7];
	_ =	sdelay $0x3  }
0x33: {  	p0 =	seq.s32 s10, $0x1;
	s10 =	sld [smem:$0x3FB9];
	_ =	sdelay $0x3  }
0x34: {  	[smem:$0x3FB9] =	sst s10  }
0x35: {  	s10 =	sld [smem:$0x3FB8];
	_ =	sdelay $0x3  }
0x36: {  	p1 =	seq.s32 s10, $0x1;
	s10 =	sld [smem:$0x3FB9];
	_ =	sdelay $0x3  }
0x37: {  	[smem:$0x3FB9] =	sst s10  }
0x38: {  	s10 =	sld [smem:$0x3FBA]  }
0x39: {  	_ = 	snop;
	(pc) =	sbr.ind lr, $3  }
0x3a: {  	_ = 	snop  }
0x3b: {  	_ = 	snop  }
0x3c: {  	p2 =	seq.s32 s10, $0x1;
	s10 =	sld [smem:$0x3FB9]  }
0x3d: {  	_ =	shalt  }
0x3e: {  	_ =	shalt  }
0x3f: {  	_ =	shalt  }
0x40: {  	_ =	shalt  }
0x41: {  	_ =	shalt  }
0x42: {  	_ =	shalt  }
0x43: {  	_ =	shalt  }
0x44: {  	_ =	shalt  }
0x45: {  	_ =	shalt  }
0x46: {  	_ =	shalt  }
0x47: {  	_ =	shalt  }
0x48: {  	_ =	shalt  }
0x49: {  	_ =	shalt  }
0x4a: {  	_ =	shalt  }
0x4b: {  	_ =	shalt  }
0x4c: {  	_ =	shalt  }
0x4d: {  	_ =	shalt  }
0x4e: {  	_ =	shalt  }
0x4f: {  	_ =	shalt  }
0x50: {  	_ =	shalt  }
0x51: {  	_ =	shalt  }
0x52: {  	_ =	shalt  }
0x53: {  	_ =	shalt  }
0x54: {  	_ =	shalt  }
0x55: {  	_ =	shalt  }
0x56: {  	_ =	shalt  }
0x57: {  	_ =	shalt  }
0x58: {  	_ =	shalt  }
0x59: {  	_ =	shalt  }
0x5a: {  	_ =	shalt  }
0x5b: {  	_ =	shalt  }
0x5c: {  	_ =	shalt  }
0x5d: {  	_ =	shalt  }
0x5e: {  	_ =	shalt  }
0x5f: {  	_ =	shalt  }
0x60: {  	_ =	shalt  }
0x61: {  	_ =	shalt  }
0x62: {  	_ =	shalt  }
0x63: {  	_ =	shalt  }
0x64: {  	_ =	shalt  }
0x65: {  	_ =	shalt  }
0x66: {  	_ =	shalt  }
0x67: {  	_ =	shalt  }
0x68: {  	_ =	shalt  }
0x69: {  	_ =	shalt  }
0x6a: {  	_ =	shalt  }
0x6b: {  	_ =	shalt  }
0x6c: {  	_ =	shalt  }
0x6d: {  	_ =	shalt  }
0x6e: {  	_ =	shalt  }
0x6f: {  	_ =	shalt  }
0x70: {  	_ =	shalt  }
0x71: {  	_ =	shalt  }
0x72: {  	_ =	shalt  }
0x73: {  	_ =	shalt  }
0x74: {  	_ =	shalt  }
0x75: {  	_ =	shalt  }
0x76: {  	_ =	shalt  }
0x77: {  	_ =	shalt  }
0x78: {  	_ =	shalt  }
0x79: {  	_ =	shalt  }
0x7a: {  	_ =	shalt  }
0x7b: {  	_ =	shalt  }
0x7c: {  	_ =	shalt  }
0x7d: {  	_ =	shalt  }
0x7e: {  	_ =	shalt  }
0x7f: {  	_ =	shalt  }
0x80: {  	_ =	shalt  }
0x81: {  	_ =	shalt  }
0x82: {  	_ =	shalt  }
0x83: {  	_ =	shalt  }
0x84: {  	_ =	shalt  }
0x85: {  	_ =	shalt  }
0x86: {  	_ =	shalt  }
0x87: {  	_ =	shalt  }
.Lfunc_end0:
.L_simem_size_0:
called_computation_lowered:
.L_overlay_start_0:
0x88: {  	s2 =	sld [smem:$0x3FD9]  }
0x89: {  	s3 =	sld [smem:$0x3FFE];
	_ =	sdelay $0x1  }
0x8a: {  	s1 =	srdreg.scid  }
0x8b: {  	s0 =	sand.u32 $0x1, s1  }
0x8c: {  	s18 =	sshll.u32 s0, $0xA;
	s2 =	sadd.s32 s3, s2  }
0x8d: {  	s2 =	sadd.s32 s2, s18  }
0x8e: {  	[smem:$0x3FC5] =	sst s2  }
0x8f: {  	_ = 	snop  }
0x90: {  	s2 =	sld [smem:$0x3FC9]  }
0x91: {  	s19 =	sld [smem:$0x3FC8]  }
0x92: {  	s4 =	sld [smem:$0x3FC7]  }
0x93: {  	s5 =	sld [smem:$0x3FD0];
	(tm) =	ssettm $0x1  }
0x94: {  	s6 =	sld [smem:$0x3FFB];
	_ =	sdelay $0x3  }
0x95: {  	_ =	strace s6  }
0x96: {  	s6 =	sld [smem:$0x3FFC];
	_ =	sdelay $0x3  }
0x97: {  	_ =	strace s6  }
0x98: {  	s6 =	sld [smem:$0x3FFD];
	_ =	sdelay $0x3  }
0x99: {  	_ =	strace s6  }
0x9a: {  	_ =	strace $0x8FFFFFFF  }
0x9b: {  	s20 =	sld [smem:$0x3FDB];
	_ =	sdelay $0x1  }
0x9c: {  	s7 =	simm.s32 $_scs_section_size  }
0x9d: {  	s8 =	simm.s32 $_size__tile_overlayer_lowered;
	s9 =	simm.s32 $_tile_overlayer_lowered  }
0x9e: {  	s23 =	simm.s32 $0x1BFF;
	s22 =	sshll.u32 s9, $0x1;
	s6 =	sadd.s32 s7, s20  }
0x9f: {  	s10 =	simm.s32 $0x0;
	s21 =	sshll.u32 s8, $0x1;
	s8 =	sadd.s32 s22, s6  }
0xa0: {  	[timem:s10], [sflag:s23] =	dma.local [hbm:s8], s21  }
0xa1: {  	_ =	swait.ge [sflag:s23], s21  }
0xa2: {  	s7 =	ssub.s32 $0x0, s21;
	[sflag:s23] =	ssyncset.done $0x0  }
0xa3: {  	[sflag:s23] =	ssyncadd.s32 s7;
	_ =	sdelay $0x1  }
0xa4: {  	s24 =	simm.s32 $0x1B8B  }
0xa5: {  	_ =	swait.ge [sflag:s24], $0x1  }
0xa6: {  	[sflag:s24] =	ssyncset.done $0x0  }
0xa7: {  	s25 =	simm.s32 $0x1B8E;
	[sflag:s24] =	ssyncadd.s32 $0xFFFFFFFF  }
0xa8: {  	s26 =	simm.s32 $execute0_lowered;
	[smem:$0x3FD2] =	sst s25  }
0xa9: {  	s7 =	sshll.u32 s26, $0x1;
	_ =	strace $0x80000046;
	[dreg:$0x1] =	wrdreg $0xFFFFFFFF  }
0xaa: {  	s28 =	simm.s32 $_size_execute0_lowered;
	s6 =	sadd.s32 s6, s7;
	[dreg:$0x0] =	wrdreg $0x0  }
0xab: {  	s7 =	sshll.u32 s28, $0x1;
	[dreg:$0x2] =	wrdreg s6  }
0xac: {  	[dreg:$0x3] =	wrdreg s7  }
0xad: {  	[dreg:$0x4] =	wrdreg $0xC0  }
0xae: {  	_ =	task [dreg:s10], $0x5FFFF  }
0xaf: {  	[dreg:$0x1] =	wrdreg $0xFFFFFFFF  }
0xb0: {  	[dreg:$0x0] =	wrdreg $0x60  }
0xb1: {  	[dreg:$0x2] =	wrdreg s2  }
0xb2: {  	[dreg:$0x3] =	wrdreg s19  }
0xb3: {  	[dreg:$0x4] =	wrdreg s4  }
0xb4: {  	[dreg:$0x5] =	wrdreg s5  }
0xb5: {  	[dreg:$0x6] =	wrdreg $0x9  }
0xb6: {  	_ =	task.clear_ibuf [dreg:s10], $0x7FFFF;
	_ =	strace $0x90000046  }
0xb7: {  	s29 =	simm.s32 $0x9;
	_ =	strace $0x80000048  }
0xb8: {  	_ =	swait.ge [sflag:s29], $0x1  }
0xb9: {  	[sflag:s29] =	ssyncadd.s32 $0xFFFFFFFF  }
0xba: {  	_ =	strace $0x90000048  }
0xbb: {  	_ =	sfence  }
0xbc: {  	s30 =	sld [smem:$0x0];
	_ =	sdelay $0x2  }
0xbd: {  	s31 =	sshll.u32 s1, $0xD;
	s1 =	sshrl.u32 s1, $0x2  }
0xbe: {  	s3 =	sand.u32 $0x4000, s31;
	s1 =	sadd.s32 s1, s30  }
0xbf: {  	s0 =	sor.u32 s3, s0;
	s1 =	sshll.u32 s1, $0x11  }
0xc0: {  	s0 =	sor.u32 s1, s0  }
0xc1: {  	s0 =	sadd.s32 $0x8F2B, s0  }
0xc2: {  	[sflag:s0] =	ssyncadd.remote.s32 $0x1  }
0xc3: {  	_ =	sfence.sel $0xFFFF  }
0xc4: {  	[dreg:$0x0] =	wrdreg $0xFFFFFFFF;
	(pc) =	sbr.abs _section_cstart, $3  }
0xc5: {  	[dreg:$0x1] =	wrdreg $0xFFFFFFFF  }
0xc6: {  	_ =	task.clear_ibuf [dreg:s10], $0x2FFFF;
	_ =	strace $0x9FFFFFFF  }
0xc7: {  	(tm) =	ssettm $0x7FFFFFFF  }
tec
execute0_lowered:
.L_overlay_start_1:
0x0: {  	(tag) =	ssettag $0x1  }
0x1: {  	s2 =	rddreg [dreg:$0x0]  }
0x2: {  	s0 =	srdreg.scid;
	s11 =	rddreg [dreg:$0x1]  }
0x3: {  	s1 =	stileid.u32;
	s5 =	rddreg [dreg:$0x2];
	s0 =	sand.u32 $0x1, s0  }
0x4: {  	s7 =	rddreg [dreg:$0x3];
	s3 =	sshll.u32 s1, $0x7;
	s4 =	sshll.u32 s0, $0x6  }
0x5: {  	s0 =	ssub.s32 $0x2, s0;
	s6 =	sor.u32 s4, s3;
	s3 =	simm.s32 $0x0  }
0x6: {  	s10 =	sshrl.u32 s0, $0x1;
	s8 =	sshll.u32 s6, $0x2;
	[smem:$0x7FF] =	sst s3  }
0x7: {  	s0 =	ssub.s32 s0, s10;
	s6 =	sshll.u32 s6, $0x7;
	s9 =	sand.u32 $0x1E00, s8  }
0x8: {  	_ =	strace $0x80000047;
	s14 =	sor.u32 $0x400, s6;
	s15 =	sadd.s32 s5, s6  }
0x9: {  	s17 =	sor.u32 $0x800, s6;
	s0 =	smax.u32 s0, $0x1;
	[dreg:$0x9] =	wrdreg s15  }
0xa: {  	s19 =	sor.u32 $0xC00, s6;
	s16 =	sadd.s32 s5, s14;
	[dreg:$0x19] =	wrdreg s0  }
0xb: {  	s21 =	sor.u32 $0x1000, s6;
	s18 =	sadd.s32 s5, s17;
	[dreg:$0xa] =	wrdreg s16  }
0xc: {  	s23 =	sor.u32 $0x1400, s6;
	s20 =	sadd.s32 s5, s19;
	[dreg:$0xb] =	wrdreg s18  }
0xd: {  	s25 =	sor.u32 $0x1800, s6;
	s22 =	sadd.s32 s5, s21;
	[dreg:$0xd] =	wrdreg s20  }
0xe: {  	s9 =	sor.u32 s4, s9;
	s24 =	sadd.s32 s5, s23;
	[dreg:$0xf] =	wrdreg s22  }
0xf: {  	s4 =	sor.u32 s4, s8;
	s8 =	sadd.s32 s7, s19;
	[dreg:$0x11] =	wrdreg s24  }
0x10: {  	s29 =	sor.u32 $0x1C00, s6;
	s26 =	sadd.s32 s5, s25;
	[dreg:$0x12] =	wrdreg s8  }
0x11: {  	s5 =	sadd.s32 s5, s29;
	[dreg:$0x13] =	wrdreg s26  }
0x12: {  	s30 =	sadd.s32 s7, s25;
	s9 =	sshrl.u32 s9, $0x3;
	[dreg:$0x15] =	wrdreg s5  }
0x13: {  	s4 =	sshrl.u32 s4, $0x3;
	[dreg:$0x17] =	wrdreg s30;
	s9 =	sadd.s32 s2, s9  }
0x14: {  	s10 =	sor.u32 $0x20, s4;
	[dreg:$0x5] =	wrdreg s9;
	s1 =	sadd.s32 $0x10, s9  }
0x15: {  	s4 =	sor.u32 $0x30, s4;
	s12 =	sadd.s32 s2, s10;
	[dreg:$0x6] =	wrdreg s1  }
0x16: {  	s13 =	sadd.s32 s2, s4;
	[dreg:$0x7] =	wrdreg s12  }
0x17: {  	s2 =	sadd.s32 s7, s14;
	[dreg:$0x8] =	wrdreg s13  }
0x18: {  	s4 =	sadd.s32 s7, s17;
	[dreg:$0xe] =	wrdreg s2  }
0x19: {  	[dreg:$0x10] =	wrdreg s4;
	s2 =	sadd.s32 s7, s21  }
0x1a: {  	s4 =	sadd.s32 s7, s23;
	[dreg:$0x14] =	wrdreg s2  }
0x1b: {  	s1 =	sadd.s32 s7, s6;
	[dreg:$0x16] =	wrdreg s4  }
0x1c: {  	s2 =	sadd.s32 s7, s29;
	[dreg:$0xc] =	wrdreg s1  }
0x1d: {  	s4 =	sadd.s32 $0x80000, s1;
	[dreg:$0x18] =	wrdreg s2  }
0x1e: {  	s5 =	sadd.s32 $0xC0000, s1;
	[dreg:$0x1b] =	wrdreg s4  }
0x1f: {  	s6 =	sadd.s32 $0x40400, s1;
	[dreg:$0x1c] =	wrdreg s5  }
0x20: {  	s7 =	sadd.s32 $0x80400, s1;
	[dreg:$0x1d] =	wrdreg s6  }
0x21: {  	s8 =	sadd.s32 $0xC0400, s1;
	[dreg:$0x1e] =	wrdreg s7  }
0x22: {  	s28 =	sadd.s32 $0x300, s11;
	s9 =	sadd.s32 $0x40800, s1;
	[dreg:$0x1f] =	wrdreg s8  }
0x23: {  	s24 =	sadd.s32 $0x100, s11;
	s10 =	sadd.s32 $0x80800, s1;
	[smem:$0x7EC] =	sst s9  }
0x24: {  	s26 =	sadd.s32 $0x200, s11;
	s11 =	sadd.s32 $0xC0800, s1;
	[smem:$0x7ED] =	sst s10  }
0x25: {  	s12 =	sadd.s32 $0x40C00, s1;
	[smem:$0x7EE] =	sst s11  }
0x26: {  	s13 =	sadd.s32 $0x80C00, s1;
	[smem:$0x7EF] =	sst s12  }
0x27: {  	s14 =	sadd.s32 $0xC0C00, s1;
	[smem:$0x7F0] =	sst s13  }
0x28: {  	s15 =	sadd.s32 $0x41000, s1;
	[smem:$0x7F1] =	sst s14  }
0x29: {  	s16 =	sadd.s32 $0x81000, s1;
	[smem:$0x7F2] =	sst s15  }
0x2a: {  	s17 =	sadd.s32 $0xC1000, s1;
	[smem:$0x7F3] =	sst s16  }
0x2b: {  	s18 =	sadd.s32 $0x41400, s1;
	[smem:$0x7F4] =	sst s17  }
0x2c: {  	s19 =	sadd.s32 $0x81400, s1;
	[smem:$0x7F5] =	sst s18  }
0x2d: {  	s20 =	sadd.s32 $0xC1400, s1;
	[smem:$0x7F6] =	sst s19  }
0x2e: {  	s21 =	sadd.s32 $0x41800, s1;
	[smem:$0x7F7] =	sst s20  }
0x2f: {  	s22 =	sadd.s32 $0x81800, s1;
	[smem:$0x7F8] =	sst s21  }
0x30: {  	s23 =	sadd.s32 $0xC1800, s1;
	[smem:$0x7F9] =	sst s22  }
0x31: {  	s25 =	sadd.s32 $0x41C00, s1;
	[smem:$0x7FA] =	sst s23  }
0x32: {  	s31 =	simm.s32 $0x4;
	s29 =	sadd.s32 $0x81C00, s1;
	[smem:$0x7FB] =	sst s25  }
0x33: {  	s30 =	sadd.s32 $0xC1C00, s1;
	s2 =	sadd.s32 $0x40000, s1;
	[smem:$0x7FC] =	sst s29  }
0x34: {  	v0 =	vlaneseq.u32;
	[smem:$0x7FD] =	sst s30;
	s4 =	simm.s32 $0xA200;
	s5 =	simm.s32 $0xC200  }
0x35: {  	v1 =	vshrl.u32 v0, $0x3;
	s6 =	simm.s32 $0xE200;
	s21 =	simm.s32 $0x1;
	s22 =	simm.s32 $0x2  }
0x36: {  	vm0 =	vmmov $0xffff;
	v0 =	vand.u32 $0x7, v0;
	v1 =	vmul.u32 $0x8, v1;
	s7 =	simm.s32 $0x0;
	[dreg:$0x1a] =	wrdreg s2;
	s2 =	simm.s32 $0x8200  }
.LBB2_1:
0x37: {  	[smem:$0x7EB] =	sst s7  }
0x38: {  	s0 =	rddreg [dreg:$0x5]  }
0x39: {  	[tilespmem:s3], [sflag:$0x4] =	stream.linear.gather [hbm4b:s0+s3], $0x40, $0x38;
	[tilespmem:$0x1E200] =	vst v63  }
0x3a: {  	s14 =	rddreg [dreg:$0x6];
	s1 =	simm.s32 $0x80  }
0x3b: {  	[tilespmem:s1], [sflag:$0x4] =	stream.linear.gather [hbm4b:s14+s3], $0x40, $0x38;
	[tilespmem:$0x1E200] =	vst v63  }
0x3c: {  	s15 =	rddreg [dreg:$0x7];
	s16 =	simm.s32 $0x100  }
0x3d: {  	[tilespmem:s16], [sflag:$0x4] =	stream.linear.gather [hbm4b:s15+s3], $0x40, $0x38;
	[tilespmem:$0x1E200] =	vst v63  }
0x3e: {  	s17 =	rddreg [dreg:$0x8];
	s18 =	simm.s32 $0x180  }
0x3f: {  	[tilespmem:s18], [sflag:$0x4] =	stream.linear.gather [hbm4b:s17+s3], $0x40, $0x38;
	[tilespmem:$0x1E200] =	vst v63  }
0x40: {  	s19 =	rddreg [dreg:$0x9];
	s20 =	simm.s32 $0x18200  }
0x41: {  	[tilespmem:s20], [sflag:$0x1] =	stream.linear.gather [hbm4b:s19+s3], $0x2000, $0x38;
	[tilespmem:$0x1E200] =	vst v63  }
0x42: {  	s23 =	rddreg [dreg:$0xa];
	s25 =	simm.s32 $0x1A200  }
0x43: {  	[tilespmem:s25], [sflag:$0x2] =	stream.linear.gather [hbm4b:s23+s3], $0x2000, $0x38;
	[tilespmem:$0x1E200] =	vst v63  }
0x44: {  	_ =	swait.ge [sflag:s31], $0x40  }
0x45: {  	[sflag:s31] =	ssyncset.done $0x0  }
0x46: {  	[sflag:s31] =	ssyncadd.s32 $0xFFFFFFC0  }
0x47: {  	_ =	swait.ge [sflag:s31], $0x40  }
0x48: {  	[sflag:s31] =	ssyncset.done $0x0  }
0x49: {  	[sflag:s31] =	ssyncadd.s32 $0xFFFFFFC0  }
0x4a: {  	_ =	swait.ge [sflag:s31], $0x40  }
0x4b: {  	[sflag:s31] =	ssyncset.done $0x0  }
0x4c: {  	[sflag:s31] =	ssyncadd.s32 $0xFFFFFFC0  }
0x4d: {  	_ =	swait.ge [sflag:s31], $0x40  }
0x4e: {  	[sflag:s31] =	ssyncset.done $0x0  }
0x4f: {  	[sflag:s31] =	ssyncadd.s32 $0xFFFFFFC0  }
0x50: {  	v2 =	vld.msk [tilespmem:$0x0], $0xff;
	_ =	sdelay $0x4  }
0x51: {  	v3 =	vshll.u32 v2, $0x3  }
0x52: {  	v2 =	vand.u32 $0x7, v2;
	v3 =	vand.u32 $0xFFFFFFC0, v3  }
0x53: {  	v2 =	vor.u32 v2, v3  }
0x54: {  	v2 =	vperm.xlane v2, v0;
	_ =	sdelay $0x1  }
0x55: {  	v2 =	vadd.s32 v1, v2;
	_ =	sdelay $0x3  }
0x56: {  	s29 =	simm.s32 $0x200;
	s0 =	rddreg [dreg:$0x1]  }
0x57: {  	[tilespmem:s29], [sflag:$0x1] =	stream.indirect_vreg.gather [hbm4b:s0+s3], $0x80, v2, vm0, $0xb8;
	[tilespmem:$0x1E200] =	vst v63  }
0x58: {  	s30 =	simm.s32 $0xA00  }
0x59: {  	[tilespmem:s30], [sflag:$0x1] =	stream.indirect_vreg.gather [hbm4b:s24+s3], $0x80, v2, vm0, $0xb8;
	[tilespmem:$0x1E200] =	vst v63  }
0x5a: {  	s7 =	simm.s32 $0x1200  }
0x5b: {  	[tilespmem:s7], [sflag:$0x1] =	stream.indirect_vreg.gather [hbm4b:s26+s3], $0x80, v2, vm0, $0xb8;
	[tilespmem:$0x1E200] =	vst v63  }
0x5c: {  	s8 =	simm.s32 $0x1A00  }
0x5d: {  	[tilespmem:s8], [sflag:$0x1] =	stream.indirect_vreg.gather [hbm4b:s28+s3], $0x80, v2, vm0, $0xb8;
	[tilespmem:$0x1E200] =	vst v63  }
0x5e: {  	v2 =	vld.msk [tilespmem:$0x80], $0xff;
	_ =	sdelay $0x4  }
0x5f: {  	v3 =	vshll.u32 v2, $0x3  }
0x60: {  	v2 =	vand.u32 $0x7, v2;
	v3 =	vand.u32 $0xFFFFFFC0, v3  }
0x61: {  	v2 =	vor.u32 v2, v3  }
0x62: {  	v2 =	vperm.xlane v2, v0;
	_ =	sdelay $0x1  }
0x63: {  	v2 =	vadd.s32 v1, v2;
	_ =	sdelay $0x3  }
0x64: {  	s9 =	simm.s32 $0x2200  }
0x65: {  	[tilespmem:s9], [sflag:$0x1] =	stream.indirect_vreg.gather [hbm4b:s0+s3], $0x80, v2, vm0, $0xb8;
	[tilespmem:$0x1E200] =	vst v63  }
0x66: {  	s10 =	simm.s32 $0x2A00  }
0x67: {  	[tilespmem:s10], [sflag:$0x1] =	stream.indirect_vreg.gather [hbm4b:s24+s3], $0x80, v2, vm0, $0xb8;
	[tilespmem:$0x1E200] =	vst v63  }
0x68: {  	s11 =	simm.s32 $0x3200  }
0x69: {  	[tilespmem:s11], [sflag:$0x1] =	stream.indirect_vreg.gather [hbm4b:s26+s3], $0x80, v2, vm0, $0xb8;
	[tilespmem:$0x1E200] =	vst v63  }
0x6a: {  	s12 =	simm.s32 $0x3A00  }
0x6b: {  	[tilespmem:s12], [sflag:$0x1] =	stream.indirect_vreg.gather [hbm4b:s28+s3], $0x80, v2, vm0, $0xb8;
	[tilespmem:$0x1E200] =	vst v63  }
0x6c: {  	v2 =	vld.msk [tilespmem:$0x100], $0xff;
	_ =	sdelay $0x4  }
0x6d: {  	v3 =	vshll.u32 v2, $0x3  }
0x6e: {  	v2 =	vand.u32 $0x7, v2;
	v3 =	vand.u32 $0xFFFFFFC0, v3  }
0x6f: {  	v2 =	vor.u32 v2, v3  }
0x70: {  	v2 =	vperm.xlane v2, v0;
	_ =	sdelay $0x1  }
0x71: {  	v2 =	vadd.s32 v1, v2;
	_ =	sdelay $0x3  }
0x72: {  	s13 =	simm.s32 $0x4200  }
0x73: {  	[tilespmem:s13], [sflag:$0x1] =	stream.indirect_vreg.gather [hbm4b:s0+s3], $0x80, v2, vm0, $0xb8;
	[tilespmem:$0x1E200] =	vst v63  }
0x74: {  	s14 =	simm.s32 $0x4A00  }
0x75: {  	[tilespmem:s14], [sflag:$0x1] =	stream.indirect_vreg.gather [hbm4b:s24+s3], $0x80, v2, vm0, $0xb8;
	[tilespmem:$0x1E200] =	vst v63  }
0x76: {  	s15 =	simm.s32 $0x5200  }
0x77: {  	[tilespmem:s15], [sflag:$0x1] =	stream.indirect_vreg.gather [hbm4b:s26+s3], $0x80, v2, vm0, $0xb8;
	[tilespmem:$0x1E200] =	vst v63  }
0x78: {  	s16 =	simm.s32 $0x5A00  }
0x79: {  	[tilespmem:s16], [sflag:$0x1] =	stream.indirect_vreg.gather [hbm4b:s28+s3], $0x80, v2, vm0, $0xb8;
	[tilespmem:$0x1E200] =	vst v63  }
0x7a: {  	v2 =	vld.msk [tilespmem:$0x180], $0xff;
	_ =	sdelay $0x4  }
0x7b: {  	v3 =	vshll.u32 v2, $0x3  }
0x7c: {  	v2 =	vand.u32 $0x7, v2;
	v3 =	vand.u32 $0xFFFFFFC0, v3  }
0x7d: {  	v2 =	vor.u32 v2, v3  }
0x7e: {  	v2 =	vperm.xlane v2, v0;
	_ =	sdelay $0x1  }
0x7f: {  	v2 =	vadd.s32 v1, v2;
	_ =	sdelay $0x3  }
0x80: {  	s17 =	simm.s32 $0x6200  }
0x81: {  	[tilespmem:s17], [sflag:$0x1] =	stream.indirect_vreg.gather [hbm4b:s0+s3], $0x80, v2, vm0, $0xb8;
	[tilespmem:$0x1E200] =	vst v63  }
0x82: {  	s18 =	simm.s32 $0x6A00  }
0x83: {  	[tilespmem:s18], [sflag:$0x1] =	stream.indirect_vreg.gather [hbm4b:s24+s3], $0x80, v2, vm0, $0xb8;
	[tilespmem:$0x1E200] =	vst v63  }
0x84: {  	s19 =	simm.s32 $0x7200  }
0x85: {  	[tilespmem:s19], [sflag:$0x1] =	stream.indirect_vreg.gather [hbm4b:s26+s3], $0x80, v2, vm0, $0xb8;
	[tilespmem:$0x1E200] =	vst v63  }
0x86: {  	s20 =	simm.s32 $0x7A00  }
0x87: {  	[tilespmem:s20], [sflag:$0x1] =	stream.indirect_vreg.gather [hbm4b:s28+s3], $0x80, v2, vm0, $0xb8;
	[tilespmem:$0x1E200] =	vst v63  }
0x88: {  	v2 =	vld.msk [tilespmem:$0x8], $0xff;
	_ =	sdelay $0x4  }
0x89: {  	v3 =	vshll.u32 v2, $0x3  }
0x8a: {  	v2 =	vand.u32 $0x7, v2;
	v3 =	vand.u32 $0xFFFFFFC0, v3  }
0x8b: {  	v2 =	vor.u32 v2, v3  }
0x8c: {  	v2 =	vperm.xlane v2, v0;
	_ =	sdelay $0x1  }
0x8d: {  	v2 =	vadd.s32 v1, v2;
	_ =	sdelay $0x4  }
0x8e: {  	[tilespmem:s2], [sflag:$0x2] =	stream.indirect_vreg.gather [hbm4b:s0+s3], $0x80, v2, vm0, $0xb8;
	[tilespmem:$0x1E200] =	vst v63  }
0x8f: {  	s23 =	simm.s32 $0x8A00  }
0x90: {  	[tilespmem:s23], [sflag:$0x2] =	stream.indirect_vreg.gather [hbm4b:s24+s3], $0x80, v2, vm0, $0xb8;
	[tilespmem:$0x1E200] =	vst v63  }
0x91: {  	s25 =	simm.s32 $0x9200  }
0x92: {  	[tilespmem:s25], [sflag:$0x2] =	stream.indirect_vreg.gather [hbm4b:s26+s3], $0x80, v2, vm0, $0xb8;
	[tilespmem:$0x1E200] =	vst v63  }
0x93: {  	s29 =	simm.s32 $0x9A00  }
0x94: {  	[tilespmem:s29], [sflag:$0x2] =	stream.indirect_vreg.gather [hbm4b:s28+s3], $0x80, v2, vm0, $0xb8;
	[tilespmem:$0x1E200] =	vst v63  }
0x95: {  	v2 =	vld.msk [tilespmem:$0x88], $0xff;
	_ =	sdelay $0x4  }
0x96: {  	v3 =	vshll.u32 v2, $0x3  }
0x97: {  	v2 =	vand.u32 $0x7, v2;
	v3 =	vand.u32 $0xFFFFFFC0, v3  }
0x98: {  	v2 =	vor.u32 v2, v3  }
0x99: {  	v2 =	vperm.xlane v2, v0;
	_ =	sdelay $0x1  }
0x9a: {  	v2 =	vadd.s32 v1, v2;
	_ =	sdelay $0x4  }
0x9b: {  	[tilespmem:s4], [sflag:$0x2] =	stream.indirect_vreg.gather [hbm4b:s0+s3], $0x80, v2, vm0, $0xb8;
	[tilespmem:$0x1E200] =	vst v63  }
0x9c: {  	s30 =	simm.s32 $0xAA00  }
0x9d: {  	[tilespmem:s30], [sflag:$0x2] =	stream.indirect_vreg.gather [hbm4b:s24+s3], $0x80, v2, vm0, $0xb8;
	[tilespmem:$0x1E200] =	vst v63  }
0x9e: {  	s2 =	simm.s32 $0xB200  }
0x9f: {  	[tilespmem:s2], [sflag:$0x2] =	stream.indirect_vreg.gather [hbm4b:s26+s3], $0x80, v2, vm0, $0xb8;
	[tilespmem:$0x1E200] =	vst v63  }
0xa0: {  	s4 =	simm.s32 $0xBA00  }
0xa1: {  	[tilespmem:s4], [sflag:$0x2] =	stream.indirect_vreg.gather [hbm4b:s28+s3], $0x80, v2, vm0, $0xb8;
	[tilespmem:$0x1E200] =	vst v63  }
0xa2: {  	v2 =	vld.msk [tilespmem:$0x108], $0xff;
	_ =	sdelay $0x4  }
0xa3: {  	v3 =	vshll.u32 v2, $0x3  }
0xa4: {  	v2 =	vand.u32 $0x7, v2;
	v3 =	vand.u32 $0xFFFFFFC0, v3  }
0xa5: {  	v2 =	vor.u32 v2, v3  }
0xa6: {  	v2 =	vperm.xlane v2, v0;
	_ =	sdelay $0x1  }
0xa7: {  	v2 =	vadd.s32 v1, v2;
	_ =	sdelay $0x4  }
0xa8: {  	[tilespmem:s5], [sflag:$0x2] =	stream.indirect_vreg.gather [hbm4b:s0+s3], $0x80, v2, vm0, $0xb8;
	[tilespmem:$0x1E200] =	vst v63  }
0xa9: {  	s7 =	simm.s32 $0xCA00  }
0xaa: {  	[tilespmem:s7], [sflag:$0x2] =	stream.indirect_vreg.gather [hbm4b:s24+s3], $0x80, v2, vm0, $0xb8;
	[tilespmem:$0x1E200] =	vst v63  }
0xab: {  	s8 =	simm.s32 $0xD200  }
0xac: {  	[tilespmem:s8], [sflag:$0x2] =	stream.indirect_vreg.gather [hbm4b:s26+s3], $0x80, v2, vm0, $0xb8;
	[tilespmem:$0x1E200] =	vst v63  }
0xad: {  	s9 =	simm.s32 $0xDA00  }
0xae: {  	[tilespmem:s9], [sflag:$0x2] =	stream.indirect_vreg.gather [hbm4b:s28+s3], $0x80, v2, vm0, $0xb8;
	[tilespmem:$0x1E200] =	vst v63  }
0xaf: {  	v2 =	vld.msk [tilespmem:$0x188], $0xff;
	_ =	sdelay $0x4  }
0xb0: {  	v3 =	vshll.u32 v2, $0x3  }
0xb1: {  	v2 =	vand.u32 $0x7, v2;
	v3 =	vand.u32 $0xFFFFFFC0, v3  }
0xb2: {  	v2 =	vor.u32 v2, v3  }
0xb3: {  	v2 =	vperm.xlane v2, v0;
	_ =	sdelay $0x1  }
0xb4: {  	v2 =	vadd.s32 v1, v2;
	_ =	sdelay $0x4  }
0xb5: {  	[tilespmem:s6], [sflag:$0x2] =	stream.indirect_vreg.gather [hbm4b:s0+s3], $0x80, v2, vm0, $0xb8;
	[tilespmem:$0x1E200] =	vst v63  }
0xb6: {  	s10 =	simm.s32 $0xEA00  }
0xb7: {  	[tilespmem:s10], [sflag:$0x2] =	stream.indirect_vreg.gather [hbm4b:s24+s3], $0x80, v2, vm0, $0xb8;
	[tilespmem:$0x1E200] =	vst v63  }
0xb8: {  	s11 =	simm.s32 $0xF200  }
0xb9: {  	[tilespmem:s11], [sflag:$0x2] =	stream.indirect_vreg.gather [hbm4b:s26+s3], $0x80, v2, vm0, $0xb8;
	[tilespmem:$0x1E200] =	vst v63  }
0xba: {  	s12 =	simm.s32 $0xFA00  }
0xbb: {  	[tilespmem:s12], [sflag:$0x2] =	stream.indirect_vreg.gather [hbm4b:s28+s3], $0x80, v2, vm0, $0xb8;
	[tilespmem:$0x1E200] =	vst v63  }
0xbc: {  	v2 =	vld.msk [tilespmem:$0x10], $0xff;
	_ =	sdelay $0x4  }
0xbd: {  	v3 =	vshll.u32 v2, $0x3  }
0xbe: {  	v2 =	vand.u32 $0x7, v2;
	v3 =	vand.u32 $0xFFFFFFC0, v3  }
0xbf: {  	v2 =	vor.u32 v2, v3  }
0xc0: {  	v2 =	vperm.xlane v2, v0;
	_ =	sdelay $0x1  }
0xc1: {  	v2 =	vadd.s32 v1, v2;
	_ =	sdelay $0x3  }
0xc2: {  	s13 =	simm.s32 $0x10200  }
0xc3: {  	[tilespmem:s13], [sflag:$0x3] =	stream.indirect_vreg.gather [hbm4b:s0+s3], $0x80, v2, vm0, $0xb8;
	[tilespmem:$0x1E200] =	vst v63  }
0xc4: {  	s14 =	simm.s32 $0x10A00  }
0xc5: {  	[tilespmem:s14], [sflag:$0x3] =	stream.indirect_vreg.gather [hbm4b:s24+s3], $0x80, v2, vm0, $0xb8;
	[tilespmem:$0x1E200] =	vst v63  }
0xc6: {  	s15 =	simm.s32 $0x11200  }
0xc7: {  	[tilespmem:s15], [sflag:$0x3] =	stream.indirect_vreg.gather [hbm4b:s26+s3], $0x80, v2, vm0, $0xb8;
	[tilespmem:$0x1E200] =	vst v63  }
0xc8: {  	s16 =	simm.s32 $0x11A00  }
0xc9: {  	[tilespmem:s16], [sflag:$0x3] =	stream.indirect_vreg.gather [hbm4b:s28+s3], $0x80, v2, vm0, $0xb8;
	[tilespmem:$0x1E200] =	vst v63  }
0xca: {  	v2 =	vld.msk [tilespmem:$0x90], $0xff;
	_ =	sdelay $0x4  }
0xcb: {  	v3 =	vshll.u32 v2, $0x3  }
0xcc: {  	v2 =	vand.u32 $0x7, v2;
	v3 =	vand.u32 $0xFFFFFFC0, v3  }
0xcd: {  	v2 =	vor.u32 v2, v3  }
0xce: {  	v2 =	vperm.xlane v2, v0;
	_ =	sdelay $0x1  }
0xcf: {  	v2 =	vadd.s32 v1, v2;
	_ =	sdelay $0x3  }
0xd0: {  	s17 =	simm.s32 $0x12200  }
0xd1: {  	[tilespmem:s17], [sflag:$0x3] =	stream.indirect_vreg.gather [hbm4b:s0+s3], $0x80, v2, vm0, $0xb8;
	[tilespmem:$0x1E200] =	vst v63  }
0xd2: {  	s18 =	simm.s32 $0x12A00  }
0xd3: {  	[tilespmem:s18], [sflag:$0x3] =	stream.indirect_vreg.gather [hbm4b:s24+s3], $0x80, v2, vm0, $0xb8;
	[tilespmem:$0x1E200] =	vst v63  }
0xd4: {  	s19 =	simm.s32 $0x13200  }
0xd5: {  	[tilespmem:s19], [sflag:$0x3] =	stream.indirect_vreg.gather [hbm4b:s26+s3], $0x80, v2, vm0, $0xb8;
	[tilespmem:$0x1E200] =	vst v63  }
0xd6: {  	s20 =	simm.s32 $0x13A00  }
0xd7: {  	[tilespmem:s20], [sflag:$0x3] =	stream.indirect_vreg.gather [hbm4b:s28+s3], $0x80, v2, vm0, $0xb8;
	[tilespmem:$0x1E200] =	vst v63  }
0xd8: {  	v2 =	vld.msk [tilespmem:$0x110], $0xff;
	_ =	sdelay $0x4  }
0xd9: {  	v3 =	vshll.u32 v2, $0x3  }
0xda: {  	v2 =	vand.u32 $0x7, v2;
	v3 =	vand.u32 $0xFFFFFFC0, v3  }
0xdb: {  	v2 =	vor.u32 v2, v3  }
0xdc: {  	v2 =	vperm.xlane v2, v0;
	_ =	sdelay $0x1  }
0xdd: {  	v2 =	vadd.s32 v1, v2;
	_ =	sdelay $0x3  }
0xde: {  	s23 =	simm.s32 $0x14200  }
0xdf: {  	[tilespmem:s23], [sflag:$0x3] =	stream.indirect_vreg.gather [hbm4b:s0+s3], $0x80, v2, vm0, $0xb8;
	[tilespmem:$0x1E200] =	vst v63  }
0xe0: {  	s25 =	simm.s32 $0x14A00  }
0xe1: {  	[tilespmem:s25], [sflag:$0x3] =	stream.indirect_vreg.gather [hbm4b:s24+s3], $0x80, v2, vm0, $0xb8;
	[tilespmem:$0x1E200] =	vst v63  }
0xe2: {  	s29 =	simm.s32 $0x15200  }
0xe3: {  	[tilespmem:s29], [sflag:$0x3] =	stream.indirect_vreg.gather [hbm4b:s26+s3], $0x80, v2, vm0, $0xb8;
	[tilespmem:$0x1E200] =	vst v63  }
0xe4: {  	s30 =	simm.s32 $0x15A00  }
0xe5: {  	[tilespmem:s30], [sflag:$0x3] =	stream.indirect_vreg.gather [hbm4b:s28+s3], $0x80, v2, vm0, $0xb8;
	[tilespmem:$0x1E200] =	vst v63  }
0xe6: {  	v2 =	vld.msk [tilespmem:$0x190], $0xff;
	_ =	sdelay $0x4  }
0xe7: {  	v3 =	vshll.u32 v2, $0x3  }
0xe8: {  	v2 =	vand.u32 $0x7, v2;
	v3 =	vand.u32 $0xFFFFFFC0, v3  }
0xe9: {  	v2 =	vor.u32 v2, v3  }
0xea: {  	v2 =	vperm.xlane v2, v0;
	_ =	sdelay $0x1  }
0xeb: {  	v2 =	vadd.s32 v1, v2;
	_ =	sdelay $0x3  }
0xec: {  	s2 =	simm.s32 $0x16200  }
0xed: {  	[tilespmem:s2], [sflag:$0x3] =	stream.indirect_vreg.gather [hbm4b:s0+s3], $0x80, v2, vm0, $0xb8;
	[tilespmem:$0x1E200] =	vst v63  }
0xee: {  	s4 =	simm.s32 $0x16A00  }
0xef: {  	[tilespmem:s4], [sflag:$0x3] =	stream.indirect_vreg.gather [hbm4b:s24+s3], $0x80, v2, vm0, $0xb8;
	[tilespmem:$0x1E200] =	vst v63  }
0xf0: {  	s5 =	simm.s32 $0x17200  }
0xf1: {  	[tilespmem:s5], [sflag:$0x3] =	stream.indirect_vreg.gather [hbm4b:s26+s3], $0x80, v2, vm0, $0xb8;
	[tilespmem:$0x1E200] =	vst v63  }
0xf2: {  	s6 =	simm.s32 $0x17A00  }
0xf3: {  	[tilespmem:s6], [sflag:$0x3] =	stream.indirect_vreg.gather [hbm4b:s28+s3], $0x80, v2, vm0, $0xb8;
	[tilespmem:$0x1E200] =	vst v63  }
0xf4: {  	s7 =	rddreg [dreg:$0xb];
	s8 =	simm.s32 $0x1C200  }
0xf5: {  	[tilespmem:s8], [sflag:$0x3] =	stream.linear.gather [hbm4b:s7+s3], $0x2000, $0x38;
	[tilespmem:$0x1E200] =	vst v63  }
0xf6: {  	_ =	swait.ge [sflag:s21], $0x2000  }
0xf7: {  	[sflag:s21] =	ssyncset.done $0x0  }
0xf8: {  	[sflag:s21] =	ssyncadd.s32 $0xFFFFE000  }
0xf9: {  	_ =	swait.ge [sflag:s21], $0x2000  }
0xfa: {  	[sflag:s21] =	ssyncset.done $0x0  }
0xfb: {  	[sflag:s21] =	ssyncadd.s32 $0xFFFFE000  }
0xfc: {  	_ =	swait.ge [sflag:s21], $0x2000  }
0xfd: {  	[sflag:s21] =	ssyncset.done $0x0  }
0xfe: {  	[sflag:s21] =	ssyncadd.s32 $0xFFFFE000  }
0xff: {  	_ =	swait.ge [sflag:s21], $0x2000  }
0x100: {  	[sflag:s21] =	ssyncset.done $0x0  }
0x101: {  	s9 =	sand.u32 $0x60, s3;
	[sflag:s21] =	ssyncadd.s32 $0xFFFFE000  }
0x102: {  	s17 =	sand.u32 $0x1C00, s3;
	s18 =	sand.u32 $0x380, s3;
	_ =	swait.ge [sflag:s21], $0x2000  }
0x103: {  	s19 =	sor.u32 $0x10, s9;
	s2 =	sor.u32 s18, s17;
	[sflag:s21] =	ssyncset.done $0x0  }
0x104: {  	s8 =	sor.u32 s19, s2;
	[sflag:s21] =	ssyncadd.s32 $0xFFFFE000  }
0x105: {  	v4 =	vld [tilespmem:s8+$0x200];
	_ =	sdelay $0x1  }
0x106: {  	v2 =	vld [tilespmem:s8+$0x18200];
	_ =	sdelay $0x1  }
0x107: {  	s10 =	sor.u32 s9, s2  }
0x108: {  	s11 =	simm.s32 $0x100;
	s5 =	sadd.s32 $0x4200, s2;
	v5 =	vld [tilespmem:s10+$0x200];
	v4 =	vmul.f32 $3.200000000e+01, v4  }
0x109: {  	s11 =	sand.u32 $0x1C00, s11;
	s20 =	sadd.s32 $0x6200, s2;
	s16 =	sor.u32 s9, s5;
	v3 =	vld [tilespmem:s10+$0x18200]  }
0x10a: {  	s12 =	simm.s32 $0x20;
	s14 =	simm.s32 $0x4;
	s25 =	sor.u32 s9, s20;
	v6 =	vld [tilespmem:s16+$0x0];
	v4 =	vadd.f32 v4, v2  }
0x10b: {  	s13 =	sand.u32 $0x60, s12;
	s23 =	sand.u32 $0x380, s14;
	s5 =	sor.u32 s19, s5;
	v7 =	vld [tilespmem:s25+$0x0]  }
0x10c: {  	s15 =	sor.u32 $0x10, s13;
	s18 =	sor.u32 s23, s11;
	s7 =	sor.u32 s19, s20;
	v8 =	vld [tilespmem:s5+$0x0];
	[tilespmem:s8+$0x200] =	vst v4  }
0x10d: {  	s11 =	sor.u32 s15, s18;
	s2 =	sadd.s32 $0x2200, s2;
	v9 =	vld [tilespmem:s7+$0x0]  }
0x10e: {  	s6 =	sor.u32 s19, s2;
	v10 =	vld [tilespmem:s11+$0x200];
	v4 =	vmul.f32 $3.200000000e+01, v5  }
0x10f: {  	s17 =	sor.u32 s13, s18;
	v11 =	vmul.f32 $3.200000000e+01, v6;
	v13 =	vld [tilespmem:s6+$0x0]  }
0x110: {  	v7 =	vmul.f32 $3.200000000e+01, v7;
	v6 =	vld [tilespmem:s17+$0x200];
	v4 =	vadd.f32 v4, v3  }
0x111: {  	s29 =	sadd.s32 $0x4200, s18;
	s30 =	sadd.s32 $0x6200, s18;
	v11 =	vadd.f32 v11, v3;
	v5 =	vld [tilespmem:s11+$0x18200]  }
0x112: {  	s12 =	sor.u32 s13, s30;
	s14 =	sor.u32 s15, s30;
	v8 =	vmul.f32 $3.200000000e+01, v8;
	v14 =	vadd.f32 v7, v3;
	s8 =	sor.u32 s9, s2;
	[tilespmem:s10+$0x200] =	vst v4;
	v4 =	vld [tilespmem:s17+$0x18200];
	v15 =	vmul.f32 $3.200000000e+01, v9  }
0x113: {  	s20 =	simm.s32 $0x40;
	s19 =	sor.u32 s15, s29;
	v12 =	vmul.f32 $3.200000000e+01, v10;
	s10 =	sor.u32 s13, s29;
	v7 =	vld [tilespmem:s8+$0x0];
	[tilespmem:s16+$0x0] =	vst v11  }
0x114: {  	s2 =	simm.s32 $0x2;
	s16 =	simm.s32 $0x200;
	v9 =	vadd.f32 v8, v2;
	v8 =	vld [tilespmem:s10+$0x0];
	[tilespmem:s25+$0x0] =	vst v14;
	s25 =	simm.s32 $0x8;
	v11 =	vmul.f32 $3.200000000e+01, v13;
	v10 =	vadd.f32 v15, v2  }
.LBB2_2:
0x115: {  	s9 =	sand.u32 $0x60, s20;
	s30 =	sand.u32 $0x1C00, s16;
	s29 =	sand.u32 $0x380, s25  }
0x116: {  	v13 =	vld [tilespmem:s12+$0x0];
	v12 =	vadd.f32 v12, v5;
	[tilespmem:s5+$0x0] =	vst v9;
	s0 =	smov.u32 s12;
	s5 =	smov.u32 s19;
	s2 =	sadd.s32 $0x2, s2  }
0x117: {  	s29 =	sor.u32 s29, s30;
	s30 =	sor.u32 $0x10, s9;
	v6 =	vmul.f32 $3.200000000e+01, v6;
	v9 =	vld [tilespmem:s5+$0x0];
	v11 =	vadd.f32 v11, v2;
	[tilespmem:s7+$0x0] =	vst v10;
	v2 =	vmov v5;
	p0 =	slt.u32 s2, $0x1FE  }
0x118: {  	s7 =	sadd.s32 $0x2200, s18;
	[tilespmem:s11+$0x200] =	vst v12;
	s11 =	sor.u32 s30, s29;
	v10 =	vld [tilespmem:s14+$0x0];
	s18 =	sadd.s32 $0x4200, s29  }
0x119: {  	s4 =	sor.u32 s9, s29;
	v12 =	vld [tilespmem:s11+$0x200];
	v6 =	vadd.f32 v6, v4;
	v7 =	vmul.f32 $3.200000000e+01, v7;
	[tilespmem:s6+$0x0] =	vst v11;
	s6 =	sor.u32 s15, s7;
	s1 =	sor.u32 s9, s18  }
0x11a: {  	s15 =	sadd.s32 $0x6200, s29;
	s7 =	sor.u32 s13, s7;
	s19 =	sor.u32 s30, s18;
	v8 =	vmul.f32 $3.200000000e+01, v8;
	v11 =	vld [tilespmem:s6+$0x0]  }
.Ltmp0:
0x11b: {  	s12 =	sor.u32 s9, s15;
	s23 =	sor.u32 s30, s15;
	v5 =	vld [tilespmem:s11+$0x18200];
	[tilespmem:s17+$0x200] =	vst v6;
	v13 =	vmul.f32 $3.200000000e+01, v13;
	v7 =	vadd.f32 v7, v3;
	(pc) =	sbr.rel @p0 .LBB2_2-.Ltmp0, $4  }
0x11c: {  	s13 =	smov.u32 s9;
	s18 =	smov.u32 s29;
	s15 =	smov.u32 s30;
	v3 =	vmov v4;
	v6 =	vld [tilespmem:s4+$0x200];
	v8 =	vadd.f32 v8, v4;
	v9 =	vmul.f32 $3.200000000e+01, v9  }
0x11d: {  	s17 =	smov.u32 s4;
	v4 =	vld [tilespmem:s4+$0x18200];
	v13 =	vadd.f32 v13, v3;
	v10 =	vmul.f32 $3.200000000e+01, v10;
	[tilespmem:s8+$0x0] =	vst v7;
	s8 =	smov.u32 s7;
	s7 =	smov.u32 s14  }
0x11e: {  	s14 =	smov.u32 s23;
	v12 =	vmul.f32 $3.200000000e+01, v12;
	v7 =	vld [tilespmem:s8+$0x0];
	[tilespmem:s10+$0x0] =	vst v8;
	v9 =	vadd.f32 v9, v2;
	s10 =	smov.u32 s1  }
0x11f: {  	s16 =	sadd.s32 $0x100, s16;
	s20 =	sadd.s32 $0x20, s20;
	s25 =	sadd.s32 $0x4, s25;
	v8 =	vld [tilespmem:s10+$0x0];
	[tilespmem:s0+$0x0] =	vst v13;
	v11 =	vmul.f32 $3.200000000e+01, v11;
	v10 =	vadd.f32 v10, v2  }
0x120: {  	_ = 	snop  }
0x121: {  	v12 =	vadd.f32 v12, v5;
	v6 =	vmul.f32 $3.200000000e+01, v6  }
0x122: {  	v13 =	vld [tilespmem:s12+$0x0]  }
0x123: {  	v14 =	vld [tilespmem:s19+$0x0];
	s0 =	sadd.s32 $0x2200, s18;
	[tilespmem:s11+$0x200] =	vst v12;
	v6 =	vadd.f32 v6, v4  }
0x124: {  	s1 =	sor.u32 s15, s0;
	v12 =	vld [tilespmem:s14+$0x0]  }
0x125: {  	s0 =	sor.u32 s13, s0;
	v7 =	vmul.f32 $3.200000000e+01, v7;
	v15 =	vld [tilespmem:s1+$0x0];
	[tilespmem:s17+$0x200] =	vst v6  }
0x126: {  	[tilespmem:s5+$0x0] =	vst v9;
	v2 =	vadd.f32 v11, v2;
	v6 =	vmul.f32 $3.200000000e+01, v8;
	v8 =	vld [tilespmem:s0+$0x0]  }
0x127: {  	[tilespmem:s7+$0x0] =	vst v10;
	v9 =	vmul.f32 $3.200000000e+01, v13;
	v3 =	vadd.f32 v7, v3  }
0x128: {  	[tilespmem:s6+$0x0] =	vst v2;
	v2 =	vadd.f32 v6, v4;
	v6 =	vmul.f32 $3.200000000e+01, v14  }
0x129: {  	v7 =	vadd.f32 v9, v4;
	[tilespmem:s8+$0x0] =	vst v3;
	v9 =	vmul.f32 $3.200000000e+01, v12  }
0x12a: {  	v3 =	vmul.f32 $3.200000000e+01, v15;
	[tilespmem:s10+$0x0] =	vst v2;
	v2 =	vadd.f32 v6, v5  }
0x12b: {  	[tilespmem:s12+$0x0] =	vst v7;
	v6 =	vadd.f32 v9, v5;
	v7 =	vmul.f32 $3.200000000e+01, v8  }
0x12c: {  	[tilespmem:s19+$0x0] =	vst v2;
	v2 =	vadd.f32 v3, v5  }
0x12d: {  	[tilespmem:s14+$0x0] =	vst v6;
	v3 =	vadd.f32 v7, v4  }
0x12e: {  	[tilespmem:s1+$0x0] =	vst v2  }
0x12f: {  	[tilespmem:s0+$0x0] =	vst v3  }
0x130: {  	s2 =	simm.s32 $0x0;
	s15 =	simm.s32 $0x200;
	s0 =	rddreg [dreg:$0xc]  }
0x131: {  	[hbm4b:s0+s2] =	stream.linear.scatter [tilespmem:s15], [sflag:$0x4], $0x2000, $0x38;
	[tilespmem:$0x1E200] =	vst v63  }
0x132: {  	s4 =	simm.s32 $0x2200;
	s16 =	rddreg [dreg:$0x1a]  }
0x133: {  	[hbm4b:s16+s2] =	stream.linear.scatter [tilespmem:s4], [sflag:$0x4], $0x2000, $0x38;
	[tilespmem:$0x1E200] =	vst v63  }
0x134: {  	s18 =	simm.s32 $0x4200;
	s17 =	rddreg [dreg:$0x1b]  }
0x135: {  	[hbm4b:s17+s2] =	stream.linear.scatter [tilespmem:s18], [sflag:$0x4], $0x2000, $0x38;
	[tilespmem:$0x1E200] =	vst v63  }
0x136: {  	s20 =	simm.s32 $0x6200;
	s19 =	rddreg [dreg:$0x1c]  }
0x137: {  	[hbm4b:s19+s2] =	stream.linear.scatter [tilespmem:s20], [sflag:$0x4], $0x2000, $0x38;
	[tilespmem:$0x1E200] =	vst v63  }
0x138: {  	_ =	swait.ge [sflag:s31], $0x2000  }
0x139: {  	[sflag:s31] =	ssyncset.done $0x0  }
0x13a: {  	[sflag:s31] =	ssyncadd.s32 $0xFFFFE000  }
0x13b: {  	_ =	swait.ge [sflag:s31], $0x2000  }
0x13c: {  	[sflag:s31] =	ssyncset.done $0x0  }
0x13d: {  	[sflag:s31] =	ssyncadd.s32 $0xFFFFE000  }
0x13e: {  	_ =	swait.ge [sflag:s31], $0x2000  }
0x13f: {  	[sflag:s31] =	ssyncset.done $0x0  }
0x140: {  	[sflag:s31] =	ssyncadd.s32 $0xFFFFE000  }
0x141: {  	_ =	swait.ge [sflag:s31], $0x2000  }
0x142: {  	[sflag:s31] =	ssyncset.done $0x0  }
0x143: {  	[sflag:s31] =	ssyncadd.s32 $0xFFFFE000  }
0x144: {  	v2 =	vld.msk [tilespmem:$0x18], $0xff;
	_ =	sdelay $0x4  }
0x145: {  	v3 =	vshll.u32 v2, $0x3  }
0x146: {  	v2 =	vand.u32 $0x7, v2;
	v3 =	vand.u32 $0xFFFFFFC0, v3  }
0x147: {  	v2 =	vor.u32 v2, v3  }
0x148: {  	v2 =	vperm.xlane v2, v0;
	_ =	sdelay $0x1  }
0x149: {  	v2 =	vadd.s32 v1, v2;
	_ =	sdelay $0x3  }
0x14a: {  	s23 =	rddreg [dreg:$0x1]  }
0x14b: {  	[tilespmem:s15], [sflag:$0x1] =	stream.indirect_vreg.gather [hbm4b:s23+s2], $0x80, v2, vm0, $0xb8;
	[tilespmem:$0x1E200] =	vst v63  }
0x14c: {  	s25 =	simm.s32 $0xA00  }
0x14d: {  	[tilespmem:s25], [sflag:$0x1] =	stream.indirect_vreg.gather [hbm4b:s24+s2], $0x80, v2, vm0, $0xb8;
	[tilespmem:$0x1E200] =	vst v63  }
0x14e: {  	s29 =	simm.s32 $0x1200  }
0x14f: {  	[tilespmem:s29], [sflag:$0x1] =	stream.indirect_vreg.gather [hbm4b:s26+s2], $0x80, v2, vm0, $0xb8;
	[tilespmem:$0x1E200] =	vst v63  }
0x150: {  	s30 =	simm.s32 $0x1A00  }
0x151: {  	[tilespmem:s30], [sflag:$0x1] =	stream.indirect_vreg.gather [hbm4b:s28+s2], $0x80, v2, vm0, $0xb8;
	[tilespmem:$0x1E200] =	vst v63  }
0x152: {  	v2 =	vld.msk [tilespmem:$0x98], $0xff;
	_ =	sdelay $0x4  }
0x153: {  	v3 =	vshll.u32 v2, $0x3  }
0x154: {  	v2 =	vand.u32 $0x7, v2;
	v3 =	vand.u32 $0xFFFFFFC0, v3  }
0x155: {  	v2 =	vor.u32 v2, v3  }
0x156: {  	v2 =	vperm.xlane v2, v0;
	_ =	sdelay $0x1  }
0x157: {  	v2 =	vadd.s32 v1, v2;
	_ =	sdelay $0x4  }
0x158: {  	[tilespmem:s4], [sflag:$0x1] =	stream.indirect_vreg.gather [hbm4b:s23+s2], $0x80, v2, vm0, $0xb8;
	[tilespmem:$0x1E200] =	vst v63  }
0x159: {  	s4 =	simm.s32 $0x2A00  }
0x15a: {  	[tilespmem:s4], [sflag:$0x1] =	stream.indirect_vreg.gather [hbm4b:s24+s2], $0x80, v2, vm0, $0xb8;
	[tilespmem:$0x1E200] =	vst v63  }
0x15b: {  	s7 =	simm.s32 $0x3200  }
0x15c: {  	[tilespmem:s7], [sflag:$0x1] =	stream.indirect_vreg.gather [hbm4b:s26+s2], $0x80, v2, vm0, $0xb8;
	[tilespmem:$0x1E200] =	vst v63  }
0x15d: {  	s8 =	simm.s32 $0x3A00  }
0x15e: {  	[tilespmem:s8], [sflag:$0x1] =	stream.indirect_vreg.gather [hbm4b:s28+s2], $0x80, v2, vm0, $0xb8;
	[tilespmem:$0x1E200] =	vst v63  }
0x15f: {  	v2 =	vld.msk [tilespmem:$0x118], $0xff;
	_ =	sdelay $0x4  }
0x160: {  	v3 =	vshll.u32 v2, $0x3  }
0x161: {  	v2 =	vand.u32 $0x7, v2;
	v3 =	vand.u32 $0xFFFFFFC0, v3  }
0x162: {  	v2 =	vor.u32 v2, v3  }
0x163: {  	v2 =	vperm.xlane v2, v0;
	_ =	sdelay $0x1  }
0x164: {  	v2 =	vadd.s32 v1, v2;
	_ =	sdelay $0x4  }
0x165: {  	[tilespmem:s18], [sflag:$0x1] =	stream.indirect_vreg.gather [hbm4b:s23+s2], $0x80, v2, vm0, $0xb8;
	[tilespmem:$0x1E200] =	vst v63  }
0x166: {  	s9 =	simm.s32 $0x4A00  }
0x167: {  	[tilespmem:s9], [sflag:$0x1] =	stream.indirect_vreg.gather [hbm4b:s24+s2], $0x80, v2, vm0, $0xb8;
	[tilespmem:$0x1E200] =	vst v63  }
0x168: {  	s10 =	simm.s32 $0x5200  }
0x169: {  	[tilespmem:s10], [sflag:$0x1] =	stream.indirect_vreg.gather [hbm4b:s26+s2], $0x80, v2, vm0, $0xb8;
	[tilespmem:$0x1E200] =	vst v63  }
0x16a: {  	s11 =	simm.s32 $0x5A00  }
0x16b: {  	[tilespmem:s11], [sflag:$0x1] =	stream.indirect_vreg.gather [hbm4b:s28+s2], $0x80, v2, vm0, $0xb8;
	[tilespmem:$0x1E200] =	vst v63  }
0x16c: {  	v2 =	vld.msk [tilespmem:$0x198], $0xff;
	_ =	sdelay $0x4  }
0x16d: {  	v3 =	vshll.u32 v2, $0x3  }
0x16e: {  	v2 =	vand.u32 $0x7, v2;
	v3 =	vand.u32 $0xFFFFFFC0, v3  }
0x16f: {  	v2 =	vor.u32 v2, v3  }
0x170: {  	v2 =	vperm.xlane v2, v0;
	_ =	sdelay $0x1  }
0x171: {  	v2 =	vadd.s32 v1, v2;
	_ =	sdelay $0x4  }
0x172: {  	[tilespmem:s20], [sflag:$0x1] =	stream.indirect_vreg.gather [hbm4b:s23+s2], $0x80, v2, vm0, $0xb8;
	[tilespmem:$0x1E200] =	vst v63  }
0x173: {  	s12 =	simm.s32 $0x6A00  }
0x174: {  	[tilespmem:s12], [sflag:$0x1] =	stream.indirect_vreg.gather [hbm4b:s24+s2], $0x80, v2, vm0, $0xb8;
	[tilespmem:$0x1E200] =	vst v63  }
0x175: {  	s13 =	simm.s32 $0x7200  }
0x176: {  	[tilespmem:s13], [sflag:$0x1] =	stream.indirect_vreg.gather [hbm4b:s26+s2], $0x80, v2, vm0, $0xb8;
	[tilespmem:$0x1E200] =	vst v63  }
0x177: {  	s14 =	simm.s32 $0x7A00  }
0x178: {  	[tilespmem:s14], [sflag:$0x1] =	stream.indirect_vreg.gather [hbm4b:s28+s2], $0x80, v2, vm0, $0xb8;
	[tilespmem:$0x1E200] =	vst v63  }
0x179: {  	s16 =	simm.s32 $0x18200;
	s15 =	rddreg [dreg:$0xd]  }
0x17a: {  	[tilespmem:s16], [sflag:$0x1] =	stream.linear.gather [hbm4b:s15+s2], $0x2000, $0x38;
	[tilespmem:$0x1E200] =	vst v63  }
0x17b: {  	_ =	swait.ge [sflag:s22], $0x2000  }
0x17c: {  	[sflag:s22] =	ssyncset.done $0x0  }
0x17d: {  	[sflag:s22] =	ssyncadd.s32 $0xFFFFE000  }
0x17e: {  	_ =	swait.ge [sflag:s22], $0x2000  }
0x17f: {  	[sflag:s22] =	ssyncset.done $0x0  }
0x180: {  	[sflag:s22] =	ssyncadd.s32 $0xFFFFE000  }
0x181: {  	_ =	swait.ge [sflag:s22], $0x2000  }
0x182: {  	[sflag:s22] =	ssyncset.done $0x0  }
0x183: {  	[sflag:s22] =	ssyncadd.s32 $0xFFFFE000  }
0x184: {  	_ =	swait.ge [sflag:s22], $0x2000  }
0x185: {  	[sflag:s22] =	ssyncset.done $0x0  }
0x186: {  	s17 =	sand.u32 $0x1C00, s2;
	s18 =	sand.u32 $0x380, s2;
	[sflag:s22] =	ssyncadd.s32 $0xFFFFE000  }
0x187: {  	s0 =	sor.u32 s18, s17;
	s2 =	sand.u32 $0x60, s2;
	_ =	swait.ge [sflag:s22], $0x2000  }
0x188: {  	s1 =	sadd.s32 $0xE200, s0;
	s19 =	sor.u32 $0x10, s2;
	[sflag:s22] =	ssyncset.done $0x0  }
0x189: {  	s11 =	sadd.s32 $0x8200, s0;
	s7 =	sor.u32 s19, s1;
	[sflag:s22] =	ssyncadd.s32 $0xFFFFE000  }
0x18a: {  	s13 =	sadd.s32 $0x1A200, s0;
	s12 =	sor.u32 s2, s11;
	v2 =	vld [tilespmem:s7+$0x0]  }
0x18b: {  	s9 =	sadd.s32 $0xA200, s0;
	s14 =	sor.u32 s19, s13;
	v3 =	vld [tilespmem:s12+$0x0]  }
0x18c: {  	s0 =	sadd.s32 $0xC200, s0;
	s20 =	sor.u32 s2, s9;
	v7 =	vld [tilespmem:s14+$0x0]  }
0x18d: {  	s5 =	sor.u32 s2, s0;
	v4 =	vld [tilespmem:s20+$0x0]  }
0x18e: {  	s25 =	simm.s32 $0x4;
	s23 =	simm.s32 $0x100;
	s15 =	sor.u32 s19, s11;
	v5 =	vld [tilespmem:s5+$0x0]  }
0x18f: {  	s29 =	simm.s32 $0x20;
	s6 =	sand.u32 $0x1C00, s23;
	s17 =	sor.u32 s2, s1;
	v6 =	vld [tilespmem:s15+$0x0]  }
0x190: {  	s2 =	sor.u32 s2, s13;
	s11 =	sor.u32 s19, s9;
	s9 =	sand.u32 $0x380, s25;
	v8 =	vld [tilespmem:s17+$0x0]  }
0x191: {  	s16 =	sand.u32 $0x60, s29;
	s30 =	sor.u32 s9, s6;
	v10 =	vld [tilespmem:s2+$0x0]  }
0x192: {  	s19 =	sor.u32 s19, s0;
	s13 =	sadd.s32 $0xE200, s30;
	v9 =	vld [tilespmem:s11+$0x0];
	s14 =	sor.u32 $0x10, s16  }
0x193: {  	s9 =	sadd.s32 $0x8200, s30;
	v11 =	vld [tilespmem:s19+$0x0];
	s10 =	sor.u32 s14, s13;
	v2 =	vmul.f32 $3.200000000e+01, v2  }
0x194: {  	s25 =	sadd.s32 $0xA200, s30;
	s6 =	sor.u32 s16, s9;
	v12 =	vld [tilespmem:s10+$0x0];
	v3 =	vmul.f32 $3.200000000e+01, v3  }
0x195: {  	s23 =	sadd.s32 $0x1A200, s30;
	s18 =	sor.u32 s16, s25;
	v14 =	vld [tilespmem:s6+$0x0];
	v6 =	vmul.f32 $3.200000000e+01, v6;
	v13 =	vadd.f32 v2, v7  }
0x196: {  	s30 =	sadd.s32 $0xC200, s30;
	s29 =	sor.u32 s14, s23;
	v15 =	vmul.f32 $3.200000000e+01, v4;
	v4 =	vld [tilespmem:s18+$0x0];
	v3 =	vadd.f32 v3, v10  }
0x197: {  	s2 =	sor.u32 s16, s30;
	v16 =	vmul.f32 $3.200000000e+01, v5;
	v8 =	vmul.f32 $3.200000000e+01, v8;
	v2 =	vld [tilespmem:s29+$0x0];
	v6 =	vadd.f32 v6, v7;
	[tilespmem:s7+$0x0] =	vst v13  }
0x198: {  	s8 =	sor.u32 s16, s13;
	s0 =	sor.u32 s16, s23;
	s16 =	simm.s32 $0x40;
	v17 =	vmul.f32 $3.200000000e+01, v11;
	v5 =	vld [tilespmem:s2+$0x0];
	v15 =	vadd.f32 v15, v10;
	v13 =	vmul.f32 $3.200000000e+01, v9;
	[tilespmem:s12+$0x0] =	vst v3  }
0x199: {  	s13 =	sor.u32 s14, s25;
	v11 =	vadd.f32 v16, v10;
	v12 =	vmul.f32 $3.200000000e+01, v12;
	s7 =	simm.s32 $0x2;
	v9 =	vadd.f32 v8, v10;
	[tilespmem:s15+$0x0] =	vst v6;
	s15 =	sor.u32 s14, s9;
	v6 =	vld [tilespmem:s8+$0x0]  }
0x19a: {  	v3 =	vmul.f32 $3.200000000e+01, v14;
	s12 =	simm.s32 $0x200;
	s14 =	sor.u32 s14, s30;
	[tilespmem:s20+$0x0] =	vst v15;
	s20 =	simm.s32 $0x8;
	v8 =	vadd.f32 v13, v7;
	v7 =	vadd.f32 v17, v7;
	v10 =	vld [tilespmem:s15+$0x0]  }
.LBB2_4:
0x19b: {  	s1 =	sand.u32 $0x1C00, s12;
	s4 =	sand.u32 $0x380, s20;
	s7 =	sadd.s32 $0x2, s7  }
0x19c: {  	v13 =	vld [tilespmem:s13+$0x0];
	v12 =	vadd.f32 v12, v2;
	[tilespmem:s5+$0x0] =	vst v11;
	v14 =	vmov v2;
	s25 =	smov.u32 s18;
	s5 =	smov.u32 s2;
	s9 =	sand.u32 $0x60, s16  }
0x19d: {  	s1 =	sor.u32 s4, s1;
	p0 =	slt.u32 s7, $0x1FE;
	v11 =	vmul.f32 $3.200000000e+01, v4;
	v4 =	vld [tilespmem:s14+$0x0];
	[tilespmem:s17+$0x0] =	vst v9;
	s23 =	sor.u32 $0x10, s9  }
0x19e: {  	s4 =	sadd.s32 $0x8200, s1;
	s17 =	sadd.s32 $0xE200, s1;
	v9 =	vld [tilespmem:s0+$0x0];
	v15 =	vmul.f32 $3.200000000e+01, v5;
	[tilespmem:s10+$0x0] =	vst v12;
	s0 =	sadd.s32 $0xA200, s1  }
0x19f: {  	s29 =	sadd.s32 $0xC200, s1;
	s1 =	sadd.s32 $0x1A200, s1;
	s10 =	sor.u32 s23, s17;
	v6 =	vmul.f32 $3.200000000e+01, v6;
	[tilespmem:s11+$0x0] =	vst v8  }
0x1a0: {  	s30 =	sor.u32 s9, s4;
	s18 =	sor.u32 s9, s0;
	s2 =	sor.u32 s9, s29;
	v8 =	vld [tilespmem:s10+$0x0];
	v5 =	vmul.f32 $3.200000000e+01, v10;
	[tilespmem:s19+$0x0] =	vst v7  }
0x1a1: {  	s11 =	sor.u32 s9, s17;
	s17 =	sor.u32 s23, s1;
	s4 =	sor.u32 s23, s4;
	v10 =	vld [tilespmem:s30+$0x0];
	v7 =	vmul.f32 $3.200000000e+01, v13  }
.Ltmp1:
0x1a2: {  	s19 =	sor.u32 s23, s0;
	s23 =	sor.u32 s23, s29;
	v2 =	vld [tilespmem:s17+$0x0];
	v12 =	vadd.f32 v5, v14;
	v13 =	vmul.f32 $3.200000000e+01, v4;
	(pc) =	sbr.rel @p0 .LBB2_4-.Ltmp1, $4  }
0x1a3: {  	s0 =	sor.u32 s9, s1;
	s17 =	smov.u32 s8;
	s8 =	smov.u32 s11;
	v4 =	vld [tilespmem:s18+$0x0];
	v3 =	vadd.f32 v3, v9;
	v16 =	vadd.f32 v11, v9  }
0x1a4: {  	s11 =	smov.u32 s13;
	s13 =	smov.u32 s19;
	v11 =	vadd.f32 v15, v9;
	v9 =	vadd.f32 v6, v9;
	v5 =	vld [tilespmem:s2+$0x0];
	[tilespmem:s15+$0x0] =	vst v12;
	s15 =	smov.u32 s4  }
0x1a5: {  	s19 =	smov.u32 s14;
	s14 =	smov.u32 s23;
	v6 =	vld [tilespmem:s8+$0x0];
	v12 =	vmul.f32 $3.200000000e+01, v8;
	[tilespmem:s6+$0x0] =	vst v3;
	v8 =	vadd.f32 v7, v14;
	v7 =	vadd.f32 v13, v14;
	s6 =	smov.u32 s30  }
0x1a6: {  	s12 =	sadd.s32 $0x100, s12;
	s16 =	sadd.s32 $0x20, s16;
	s20 =	sadd.s32 $0x4, s20;
	v3 =	vmul.f32 $3.200000000e+01, v10;
	v10 =	vld [tilespmem:s15+$0x0];
	[tilespmem:s25+$0x0] =	vst v16  }
0x1a7: {  	v13 =	vld [tilespmem:s0+$0x0];
	_ =	sdelay $0x1  }
0x1a8: {  	[tilespmem:s5+$0x0] =	vst v11  }
0x1a9: {  	v14 =	vld [tilespmem:s13+$0x0];
	[tilespmem:s11+$0x0] =	vst v8  }
0x1aa: {  	v12 =	vadd.f32 v12, v2;
	v11 =	vld [tilespmem:s14+$0x0];
	[tilespmem:s17+$0x0] =	vst v9;
	v9 =	vmul.f32 $3.200000000e+01, v10  }
0x1ab: {  	v4 =	vmul.f32 $3.200000000e+01, v4;
	[tilespmem:s19+$0x0] =	vst v7;
	v3 =	vadd.f32 v3, v13  }
0x1ac: {  	[tilespmem:s10+$0x0] =	vst v12;
	v5 =	vmul.f32 $3.200000000e+01, v5;
	v8 =	vadd.f32 v9, v2  }
0x1ad: {  	v6 =	vmul.f32 $3.200000000e+01, v6;
	v4 =	vadd.f32 v4, v13;
	[tilespmem:s6+$0x0] =	vst v3  }
0x1ae: {  	v7 =	vmul.f32 $3.200000000e+01, v14;
	v5 =	vadd.f32 v5, v13;
	[tilespmem:s15+$0x0] =	vst v8  }
0x1af: {  	v6 =	vadd.f32 v6, v13;
	v3 =	vmul.f32 $3.200000000e+01, v11;
	[tilespmem:s18+$0x0] =	vst v4  }
0x1b0: {  	v4 =	vadd.f32 v7, v2;
	[tilespmem:s2+$0x0] =	vst v5  }
0x1b1: {  	v2 =	vadd.f32 v3, v2;
	[tilespmem:s8+$0x0] =	vst v6  }
0x1b2: {  	[tilespmem:s13+$0x0] =	vst v4  }
0x1b3: {  	[tilespmem:s14+$0x0] =	vst v2  }
0x1b4: {  	s1 =	simm.s32 $0x8200;
	s2 =	simm.s32 $0x0;
	s14 =	rddreg [dreg:$0xe]  }
0x1b5: {  	[hbm4b:s14+s2] =	stream.linear.scatter [tilespmem:s1], [sflag:$0x5], $0x2000, $0x38;
	[tilespmem:$0x1E200] =	vst v63  }
0x1b6: {  	s4 =	simm.s32 $0xA200;
	s15 =	rddreg [dreg:$0x1d]  }
0x1b7: {  	[hbm4b:s15+s2] =	stream.linear.scatter [tilespmem:s4], [sflag:$0x5], $0x2000, $0x38;
	[tilespmem:$0x1E200] =	vst v63  }
0x1b8: {  	s17 =	simm.s32 $0xC200;
	s16 =	rddreg [dreg:$0x1e]  }
0x1b9: {  	[hbm4b:s16+s2] =	stream.linear.scatter [tilespmem:s17], [sflag:$0x5], $0x2000, $0x38;
	[tilespmem:$0x1E200] =	vst v63  }
0x1ba: {  	s20 =	simm.s32 $0x5;
	s19 =	simm.s32 $0xE200;
	s18 =	rddreg [dreg:$0x1f]  }
0x1bb: {  	[hbm4b:s18+s2] =	stream.linear.scatter [tilespmem:s19], [sflag:$0x5], $0x2000, $0x38;
	[tilespmem:$0x1E200] =	vst v63  }
0x1bc: {  	_ =	swait.ge [sflag:s20], $0x2000  }
0x1bd: {  	[sflag:s20] =	ssyncset.done $0x0  }
0x1be: {  	[sflag:s20] =	ssyncadd.s32 $0xFFFFE000  }
0x1bf: {  	_ =	swait.ge [sflag:s20], $0x2000  }
0x1c0: {  	[sflag:s20] =	ssyncset.done $0x0  }
0x1c1: {  	[sflag:s20] =	ssyncadd.s32 $0xFFFFE000  }
0x1c2: {  	_ =	swait.ge [sflag:s20], $0x2000  }
0x1c3: {  	[sflag:s20] =	ssyncset.done $0x0  }
0x1c4: {  	[sflag:s20] =	ssyncadd.s32 $0xFFFFE000  }
0x1c5: {  	_ =	swait.ge [sflag:s20], $0x2000  }
0x1c6: {  	[sflag:s20] =	ssyncset.done $0x0  }
0x1c7: {  	[sflag:s20] =	ssyncadd.s32 $0xFFFFE000  }
0x1c8: {  	v2 =	vld.msk [tilespmem:$0x20], $0xff;
	_ =	sdelay $0x4  }
0x1c9: {  	v3 =	vshll.u32 v2, $0x3  }
0x1ca: {  	v2 =	vand.u32 $0x7, v2;
	v3 =	vand.u32 $0xFFFFFFC0, v3  }
0x1cb: {  	v2 =	vor.u32 v2, v3  }
0x1cc: {  	v2 =	vperm.xlane v2, v0;
	_ =	sdelay $0x1  }
0x1cd: {  	v2 =	vadd.s32 v1, v2;
	_ =	sdelay $0x3  }
0x1ce: {  	s0 =	rddreg [dreg:$0x1]  }
0x1cf: {  	[tilespmem:s1], [sflag:$0x2] =	stream.indirect_vreg.gather [hbm4b:s0+s2], $0x80, v2, vm0, $0xb8;
	[tilespmem:$0x1E200] =	vst v63  }
0x1d0: {  	s23 =	simm.s32 $0x8A00  }
0x1d1: {  	[tilespmem:s23], [sflag:$0x2] =	stream.indirect_vreg.gather [hbm4b:s24+s2], $0x80, v2, vm0, $0xb8;
	[tilespmem:$0x1E200] =	vst v63  }
0x1d2: {  	s25 =	simm.s32 $0x9200  }
0x1d3: {  	[tilespmem:s25], [sflag:$0x2] =	stream.indirect_vreg.gather [hbm4b:s26+s2], $0x80, v2, vm0, $0xb8;
	[tilespmem:$0x1E200] =	vst v63  }
0x1d4: {  	s29 =	simm.s32 $0x9A00  }
0x1d5: {  	[tilespmem:s29], [sflag:$0x2] =	stream.indirect_vreg.gather [hbm4b:s28+s2], $0x80, v2, vm0, $0xb8;
	[tilespmem:$0x1E200] =	vst v63  }
0x1d6: {  	v2 =	vld.msk [tilespmem:$0xA0], $0xff;
	_ =	sdelay $0x4  }
0x1d7: {  	v3 =	vshll.u32 v2, $0x3  }
0x1d8: {  	v2 =	vand.u32 $0x7, v2;
	v3 =	vand.u32 $0xFFFFFFC0, v3  }
0x1d9: {  	v2 =	vor.u32 v2, v3  }
0x1da: {  	v2 =	vperm.xlane v2, v0;
	_ =	sdelay $0x1  }
0x1db: {  	v2 =	vadd.s32 v1, v2;
	_ =	sdelay $0x4  }
0x1dc: {  	[tilespmem:s4], [sflag:$0x2] =	stream.indirect_vreg.gather [hbm4b:s0+s2], $0x80, v2, vm0, $0xb8;
	[tilespmem:$0x1E200] =	vst v63  }
0x1dd: {  	s30 =	simm.s32 $0xAA00  }
0x1de: {  	[tilespmem:s30], [sflag:$0x2] =	stream.indirect_vreg.gather [hbm4b:s24+s2], $0x80, v2, vm0, $0xb8;
	[tilespmem:$0x1E200] =	vst v63  }
0x1df: {  	s4 =	simm.s32 $0xB200  }
0x1e0: {  	[tilespmem:s4], [sflag:$0x2] =	stream.indirect_vreg.gather [hbm4b:s26+s2], $0x80, v2, vm0, $0xb8;
	[tilespmem:$0x1E200] =	vst v63  }
0x1e1: {  	s7 =	simm.s32 $0xBA00  }
0x1e2: {  	[tilespmem:s7], [sflag:$0x2] =	stream.indirect_vreg.gather [hbm4b:s28+s2], $0x80, v2, vm0, $0xb8;
	[tilespmem:$0x1E200] =	vst v63  }
0x1e3: {  	v2 =	vld.msk [tilespmem:$0x120], $0xff;
	_ =	sdelay $0x4  }
0x1e4: {  	v3 =	vshll.u32 v2, $0x3  }
0x1e5: {  	v2 =	vand.u32 $0x7, v2;
	v3 =	vand.u32 $0xFFFFFFC0, v3  }
0x1e6: {  	v2 =	vor.u32 v2, v3  }
0x1e7: {  	v2 =	vperm.xlane v2, v0;
	_ =	sdelay $0x1  }
0x1e8: {  	v2 =	vadd.s32 v1, v2;
	_ =	sdelay $0x4  }
0x1e9: {  	[tilespmem:s17], [sflag:$0x2] =	stream.indirect_vreg.gather [hbm4b:s0+s2], $0x80, v2, vm0, $0xb8;
	[tilespmem:$0x1E200] =	vst v63  }
0x1ea: {  	s8 =	simm.s32 $0xCA00  }
0x1eb: {  	[tilespmem:s8], [sflag:$0x2] =	stream.indirect_vreg.gather [hbm4b:s24+s2], $0x80, v2, vm0, $0xb8;
	[tilespmem:$0x1E200] =	vst v63  }
0x1ec: {  	s9 =	simm.s32 $0xD200  }
0x1ed: {  	[tilespmem:s9], [sflag:$0x2] =	stream.indirect_vreg.gather [hbm4b:s26+s2], $0x80, v2, vm0, $0xb8;
	[tilespmem:$0x1E200] =	vst v63  }
0x1ee: {  	s10 =	simm.s32 $0xDA00  }
0x1ef: {  	[tilespmem:s10], [sflag:$0x2] =	stream.indirect_vreg.gather [hbm4b:s28+s2], $0x80, v2, vm0, $0xb8;
	[tilespmem:$0x1E200] =	vst v63  }
0x1f0: {  	v2 =	vld.msk [tilespmem:$0x1A0], $0xff;
	_ =	sdelay $0x4  }
0x1f1: {  	v3 =	vshll.u32 v2, $0x3  }
0x1f2: {  	v2 =	vand.u32 $0x7, v2;
	v3 =	vand.u32 $0xFFFFFFC0, v3  }
0x1f3: {  	v2 =	vor.u32 v2, v3  }
0x1f4: {  	v2 =	vperm.xlane v2, v0;
	_ =	sdelay $0x1  }
0x1f5: {  	v2 =	vadd.s32 v1, v2;
	_ =	sdelay $0x4  }
0x1f6: {  	[tilespmem:s19], [sflag:$0x2] =	stream.indirect_vreg.gather [hbm4b:s0+s2], $0x80, v2, vm0, $0xb8;
	[tilespmem:$0x1E200] =	vst v63  }
0x1f7: {  	s11 =	simm.s32 $0xEA00  }
0x1f8: {  	[tilespmem:s11], [sflag:$0x2] =	stream.indirect_vreg.gather [hbm4b:s24+s2], $0x80, v2, vm0, $0xb8;
	[tilespmem:$0x1E200] =	vst v63  }
0x1f9: {  	s12 =	simm.s32 $0xF200  }
0x1fa: {  	[tilespmem:s12], [sflag:$0x2] =	stream.indirect_vreg.gather [hbm4b:s26+s2], $0x80, v2, vm0, $0xb8;
	[tilespmem:$0x1E200] =	vst v63  }
0x1fb: {  	s13 =	simm.s32 $0xFA00  }
0x1fc: {  	[tilespmem:s13], [sflag:$0x2] =	stream.indirect_vreg.gather [hbm4b:s28+s2], $0x80, v2, vm0, $0xb8;
	[tilespmem:$0x1E200] =	vst v63  }
0x1fd: {  	s15 =	simm.s32 $0x1A200;
	s16 =	simm.s32 $0x3;
	s14 =	rddreg [dreg:$0xf]  }
0x1fe: {  	[tilespmem:s15], [sflag:$0x2] =	stream.linear.gather [hbm4b:s14+s2], $0x2000, $0x38;
	[tilespmem:$0x1E200] =	vst v63  }
0x1ff: {  	_ =	swait.ge [sflag:s16], $0x2000  }
0x200: {  	[sflag:s16] =	ssyncset.done $0x0  }
0x201: {  	[sflag:s16] =	ssyncadd.s32 $0xFFFFE000  }
0x202: {  	_ =	swait.ge [sflag:s16], $0x2000  }
0x203: {  	[sflag:s16] =	ssyncset.done $0x0  }
0x204: {  	[sflag:s16] =	ssyncadd.s32 $0xFFFFE000  }
0x205: {  	_ =	swait.ge [sflag:s16], $0x2000  }
0x206: {  	[sflag:s16] =	ssyncset.done $0x0  }
0x207: {  	[sflag:s16] =	ssyncadd.s32 $0xFFFFE000  }
0x208: {  	_ =	swait.ge [sflag:s16], $0x2000  }
0x209: {  	[sflag:s16] =	ssyncset.done $0x0  }
0x20a: {  	s18 =	sand.u32 $0x380, s2;
	s17 =	sand.u32 $0x1C00, s2;
	[sflag:s16] =	ssyncadd.s32 $0xFFFFE000  }
0x20b: {  	s0 =	sor.u32 s18, s17;
	s2 =	sand.u32 $0x60, s2;
	_ =	swait.ge [sflag:s16], $0x2000  }
0x20c: {  	s1 =	sadd.s32 $0x16200, s0;
	s19 =	sor.u32 $0x10, s2;
	[sflag:s16] =	ssyncset.done $0x0  }
0x20d: {  	s11 =	sadd.s32 $0x10200, s0;
	s7 =	sor.u32 s19, s1;
	[sflag:s16] =	ssyncadd.s32 $0xFFFFE000  }
0x20e: {  	s13 =	sadd.s32 $0x1C200, s0;
	s12 =	sor.u32 s2, s11;
	v2 =	vld [tilespmem:s7+$0x0]  }
0x20f: {  	s9 =	sadd.s32 $0x12200, s0;
	s14 =	sor.u32 s19, s13;
	v3 =	vld [tilespmem:s12+$0x0]  }
0x210: {  	s0 =	sadd.s32 $0x14200, s0;
	s20 =	sor.u32 s2, s9;
	v7 =	vld [tilespmem:s14+$0x0]  }
0x211: {  	s23 =	simm.s32 $0x100;
	s5 =	sor.u32 s2, s0;
	v4 =	vld [tilespmem:s20+$0x0]  }
0x212: {  	s6 =	sand.u32 $0x1C00, s23;
	s15 =	sor.u32 s19, s11;
	v5 =	vld [tilespmem:s5+$0x0]  }
0x213: {  	s25 =	simm.s32 $0x4;
	s29 =	simm.s32 $0x20;
	s17 =	sor.u32 s2, s1;
	v6 =	vld [tilespmem:s15+$0x0]  }
0x214: {  	s2 =	sor.u32 s2, s13;
	s11 =	sor.u32 s19, s9;
	s9 =	sand.u32 $0x380, s25;
	v8 =	vld [tilespmem:s17+$0x0]  }
0x215: {  	s30 =	sor.u32 s9, s6;
	s16 =	sand.u32 $0x60, s29;
	v10 =	vld [tilespmem:s2+$0x0]  }
0x216: {  	s19 =	sor.u32 s19, s0;
	s13 =	sadd.s32 $0x16200, s30;
	v9 =	vld [tilespmem:s11+$0x0];
	s14 =	sor.u32 $0x10, s16  }
0x217: {  	s9 =	sadd.s32 $0x10200, s30;
	v11 =	vld [tilespmem:s19+$0x0];
	s10 =	sor.u32 s14, s13;
	v2 =	vmul.f32 $3.200000000e+01, v2  }
0x218: {  	s25 =	sadd.s32 $0x12200, s30;
	s6 =	sor.u32 s16, s9;
	v12 =	vld [tilespmem:s10+$0x0];
	v3 =	vmul.f32 $3.200000000e+01, v3  }
0x219: {  	s23 =	sadd.s32 $0x1C200, s30;
	s18 =	sor.u32 s16, s25;
	v14 =	vld [tilespmem:s6+$0x0];
	v6 =	vmul.f32 $3.200000000e+01, v6;
	v13 =	vadd.f32 v2, v7  }
0x21a: {  	s30 =	sadd.s32 $0x14200, s30;
	s29 =	sor.u32 s14, s23;
	v15 =	vmul.f32 $3.200000000e+01, v4;
	v4 =	vld [tilespmem:s18+$0x0];
	v3 =	vadd.f32 v3, v10  }
0x21b: {  	s2 =	sor.u32 s16, s30;
	v16 =	vmul.f32 $3.200000000e+01, v5;
	v8 =	vmul.f32 $3.200000000e+01, v8;
	v2 =	vld [tilespmem:s29+$0x0];
	v6 =	vadd.f32 v6, v7;
	[tilespmem:s7+$0x0] =	vst v13  }
0x21c: {  	s8 =	sor.u32 s16, s13;
	s0 =	sor.u32 s16, s23;
	s16 =	simm.s32 $0x40;
	v17 =	vmul.f32 $3.200000000e+01, v11;
	v5 =	vld [tilespmem:s2+$0x0];
	v15 =	vadd.f32 v15, v10;
	v13 =	vmul.f32 $3.200000000e+01, v9;
	[tilespmem:s12+$0x0] =	vst v3  }
0x21d: {  	s13 =	sor.u32 s14, s25;
	v11 =	vadd.f32 v16, v10;
	v12 =	vmul.f32 $3.200000000e+01, v12;
	s7 =	simm.s32 $0x2;
	v9 =	vadd.f32 v8, v10;
	[tilespmem:s15+$0x0] =	vst v6;
	s15 =	sor.u32 s14, s9;
	v6 =	vld [tilespmem:s8+$0x0]  }
0x21e: {  	v3 =	vmul.f32 $3.200000000e+01, v14;
	s12 =	simm.s32 $0x200;
	s14 =	sor.u32 s14, s30;
	[tilespmem:s20+$0x0] =	vst v15;
	s20 =	simm.s32 $0x8;
	v8 =	vadd.f32 v13, v7;
	v7 =	vadd.f32 v17, v7;
	v10 =	vld [tilespmem:s15+$0x0]  }
.LBB2_6:
0x21f: {  	s1 =	sand.u32 $0x1C00, s12;
	s4 =	sand.u32 $0x380, s20;
	s7 =	sadd.s32 $0x2, s7  }
0x220: {  	v13 =	vld [tilespmem:s13+$0x0];
	v12 =	vadd.f32 v12, v2;
	[tilespmem:s5+$0x0] =	vst v11;
	v14 =	vmov v2;
	s25 =	smov.u32 s18;
	s5 =	smov.u32 s2;
	s9 =	sand.u32 $0x60, s16  }
0x221: {  	s1 =	sor.u32 s4, s1;
	p0 =	slt.u32 s7, $0x1FE;
	v11 =	vmul.f32 $3.200000000e+01, v4;
	v4 =	vld [tilespmem:s14+$0x0];
	[tilespmem:s17+$0x0] =	vst v9;
	s23 =	sor.u32 $0x10, s9  }
0x222: {  	s4 =	sadd.s32 $0x10200, s1;
	s17 =	sadd.s32 $0x16200, s1;
	v9 =	vld [tilespmem:s0+$0x0];
	v15 =	vmul.f32 $3.200000000e+01, v5;
	[tilespmem:s10+$0x0] =	vst v12;
	s0 =	sadd.s32 $0x12200, s1  }
0x223: {  	s29 =	sadd.s32 $0x14200, s1;
	s1 =	sadd.s32 $0x1C200, s1;
	s10 =	sor.u32 s23, s17;
	v6 =	vmul.f32 $3.200000000e+01, v6;
	[tilespmem:s11+$0x0] =	vst v8  }
0x224: {  	s30 =	sor.u32 s9, s4;
	s18 =	sor.u32 s9, s0;
	s2 =	sor.u32 s9, s29;
	v8 =	vld [tilespmem:s10+$0x0];
	v5 =	vmul.f32 $3.200000000e+01, v10;
	[tilespmem:s19+$0x0] =	vst v7  }
0x225: {  	s11 =	sor.u32 s9, s17;
	s17 =	sor.u32 s23, s1;
	s4 =	sor.u32 s23, s4;
	v10 =	vld [tilespmem:s30+$0x0];
	v7 =	vmul.f32 $3.200000000e+01, v13  }
.Ltmp2:
0x226: {  	s19 =	sor.u32 s23, s0;
	s23 =	sor.u32 s23, s29;
	v2 =	vld [tilespmem:s17+$0x0];
	v12 =	vadd.f32 v5, v14;
	v13 =	vmul.f32 $3.200000000e+01, v4;
	(pc) =	sbr.rel @p0 .LBB2_6-.Ltmp2, $4  }
0x227: {  	s0 =	sor.u32 s9, s1;
	s17 =	smov.u32 s8;
	s8 =	smov.u32 s11;
	v4 =	vld [tilespmem:s18+$0x0];
	v3 =	vadd.f32 v3, v9;
	v16 =	vadd.f32 v11, v9  }
0x228: {  	s11 =	smov.u32 s13;
	s13 =	smov.u32 s19;
	v11 =	vadd.f32 v15, v9;
	v9 =	vadd.f32 v6, v9;
	v5 =	vld [tilespmem:s2+$0x0];
	[tilespmem:s15+$0x0] =	vst v12;
	s15 =	smov.u32 s4  }
0x229: {  	s19 =	smov.u32 s14;
	s14 =	smov.u32 s23;
	v6 =	vld [tilespmem:s8+$0x0];
	v12 =	vmul.f32 $3.200000000e+01, v8;
	[tilespmem:s6+$0x0] =	vst v3;
	v8 =	vadd.f32 v7, v14;
	v7 =	vadd.f32 v13, v14;
	s6 =	smov.u32 s30  }
0x22a: {  	s12 =	sadd.s32 $0x100, s12;
	s16 =	sadd.s32 $0x20, s16;
	s20 =	sadd.s32 $0x4, s20;
	v3 =	vmul.f32 $3.200000000e+01, v10;
	v10 =	vld [tilespmem:s15+$0x0];
	[tilespmem:s25+$0x0] =	vst v16  }
0x22b: {  	v13 =	vld [tilespmem:s0+$0x0];
	_ =	sdelay $0x1  }
0x22c: {  	[tilespmem:s5+$0x0] =	vst v11  }
0x22d: {  	v11 =	vld [tilespmem:s13+$0x0];
	[tilespmem:s11+$0x0] =	vst v8  }
0x22e: {  	v12 =	vadd.f32 v12, v2;
	[tilespmem:s17+$0x0] =	vst v9;
	v9 =	vld [tilespmem:s14+$0x0];
	v10 =	vmul.f32 $3.200000000e+01, v10  }
0x22f: {  	v4 =	vmul.f32 $3.200000000e+01, v4;
	[tilespmem:s19+$0x0] =	vst v7;
	v3 =	vadd.f32 v3, v13  }
0x230: {  	[tilespmem:s10+$0x0] =	vst v12;
	v5 =	vmul.f32 $3.200000000e+01, v5;
	v8 =	vadd.f32 v10, v2  }
0x231: {  	v6 =	vmul.f32 $3.200000000e+01, v6;
	v4 =	vadd.f32 v4, v13;
	[tilespmem:s6+$0x0] =	vst v3  }
0x232: {  	v7 =	vmul.f32 $3.200000000e+01, v11;
	v5 =	vadd.f32 v5, v13;
	[tilespmem:s15+$0x0] =	vst v8  }
0x233: {  	v6 =	vadd.f32 v6, v13;
	v3 =	vmul.f32 $3.200000000e+01, v9;
	[tilespmem:s18+$0x0] =	vst v4  }
0x234: {  	v4 =	vadd.f32 v7, v2;
	[tilespmem:s2+$0x0] =	vst v5  }
0x235: {  	v2 =	vadd.f32 v3, v2;
	[tilespmem:s8+$0x0] =	vst v6  }
0x236: {  	[tilespmem:s13+$0x0] =	vst v4  }
0x237: {  	[tilespmem:s14+$0x0] =	vst v2  }
0x238: {  	s29 =	rddreg [dreg:$0x10]  }
0x239: {  	s1 =	simm.s32 $0x10200;
	s2 =	simm.s32 $0x0;
	s30 =	sld [smem:$0x7EC]  }
0x23a: {  	[hbm4b:s29+s2] =	stream.linear.scatter [tilespmem:s1], [sflag:$0x6], $0x2000, $0x38;
	[tilespmem:$0x1E200] =	vst v63  }
0x23b: {  	s4 =	simm.s32 $0x12200;
	s5 =	sld [smem:$0x7ED]  }
0x23c: {  	[hbm4b:s30+s2] =	stream.linear.scatter [tilespmem:s4], [sflag:$0x6], $0x2000, $0x38;
	[tilespmem:$0x1E200] =	vst v63  }
0x23d: {  	s6 =	simm.s32 $0x14200;
	s7 =	sld [smem:$0x7EE]  }
0x23e: {  	[hbm4b:s5+s2] =	stream.linear.scatter [tilespmem:s6], [sflag:$0x6], $0x2000, $0x38;
	[tilespmem:$0x1E200] =	vst v63  }
0x23f: {  	s9 =	simm.s32 $0x6;
	s8 =	simm.s32 $0x16200  }
0x240: {  	[hbm4b:s7+s2] =	stream.linear.scatter [tilespmem:s8], [sflag:$0x6], $0x2000, $0x38;
	[tilespmem:$0x1E200] =	vst v63  }
0x241: {  	_ =	swait.ge [sflag:s9], $0x2000  }
0x242: {  	[sflag:s9] =	ssyncset.done $0x0  }
0x243: {  	[sflag:s9] =	ssyncadd.s32 $0xFFFFE000  }
0x244: {  	_ =	swait.ge [sflag:s9], $0x2000  }
0x245: {  	[sflag:s9] =	ssyncset.done $0x0  }
0x246: {  	[sflag:s9] =	ssyncadd.s32 $0xFFFFE000  }
0x247: {  	_ =	swait.ge [sflag:s9], $0x2000  }
0x248: {  	[sflag:s9] =	ssyncset.done $0x0  }
0x249: {  	[sflag:s9] =	ssyncadd.s32 $0xFFFFE000  }
0x24a: {  	_ =	swait.ge [sflag:s9], $0x2000  }
0x24b: {  	[sflag:s9] =	ssyncset.done $0x0  }
0x24c: {  	[sflag:s9] =	ssyncadd.s32 $0xFFFFE000  }
0x24d: {  	v2 =	vld.msk [tilespmem:$0x28], $0xff;
	_ =	sdelay $0x4  }
0x24e: {  	v3 =	vshll.u32 v2, $0x3  }
0x24f: {  	v2 =	vand.u32 $0x7, v2;
	v3 =	vand.u32 $0xFFFFFFC0, v3  }
0x250: {  	v2 =	vor.u32 v2, v3  }
0x251: {  	v2 =	vperm.xlane v2, v0;
	_ =	sdelay $0x1  }
0x252: {  	v2 =	vadd.s32 v1, v2;
	_ =	sdelay $0x3  }
0x253: {  	s0 =	rddreg [dreg:$0x1]  }
0x254: {  	[tilespmem:s1], [sflag:$0x3] =	stream.indirect_vreg.gather [hbm4b:s0+s2], $0x80, v2, vm0, $0xb8;
	[tilespmem:$0x1E200] =	vst v63  }
0x255: {  	s10 =	simm.s32 $0x10A00  }
0x256: {  	[tilespmem:s10], [sflag:$0x3] =	stream.indirect_vreg.gather [hbm4b:s24+s2], $0x80, v2, vm0, $0xb8;
	[tilespmem:$0x1E200] =	vst v63  }
0x257: {  	s11 =	simm.s32 $0x11200  }
0x258: {  	[tilespmem:s11], [sflag:$0x3] =	stream.indirect_vreg.gather [hbm4b:s26+s2], $0x80, v2, vm0, $0xb8;
	[tilespmem:$0x1E200] =	vst v63  }
0x259: {  	s12 =	simm.s32 $0x11A00  }
0x25a: {  	[tilespmem:s12], [sflag:$0x3] =	stream.indirect_vreg.gather [hbm4b:s28+s2], $0x80, v2, vm0, $0xb8;
	[tilespmem:$0x1E200] =	vst v63  }
0x25b: {  	v2 =	vld.msk [tilespmem:$0xA8], $0xff;
	_ =	sdelay $0x4  }
0x25c: {  	v3 =	vshll.u32 v2, $0x3  }
0x25d: {  	v2 =	vand.u32 $0x7, v2;
	v3 =	vand.u32 $0xFFFFFFC0, v3  }
0x25e: {  	v2 =	vor.u32 v2, v3  }
0x25f: {  	v2 =	vperm.xlane v2, v0;
	_ =	sdelay $0x1  }
0x260: {  	v2 =	vadd.s32 v1, v2;
	_ =	sdelay $0x4  }
0x261: {  	[tilespmem:s4], [sflag:$0x3] =	stream.indirect_vreg.gather [hbm4b:s0+s2], $0x80, v2, vm0, $0xb8;
	[tilespmem:$0x1E200] =	vst v63  }
0x262: {  	s13 =	simm.s32 $0x12A00  }
0x263: {  	[tilespmem:s13], [sflag:$0x3] =	stream.indirect_vreg.gather [hbm4b:s24+s2], $0x80, v2, vm0, $0xb8;
	[tilespmem:$0x1E200] =	vst v63  }
0x264: {  	s14 =	simm.s32 $0x13200  }
0x265: {  	[tilespmem:s14], [sflag:$0x3] =	stream.indirect_vreg.gather [hbm4b:s26+s2], $0x80, v2, vm0, $0xb8;
	[tilespmem:$0x1E200] =	vst v63  }
0x266: {  	s15 =	simm.s32 $0x13A00  }
0x267: {  	[tilespmem:s15], [sflag:$0x3] =	stream.indirect_vreg.gather [hbm4b:s28+s2], $0x80, v2, vm0, $0xb8;
	[tilespmem:$0x1E200] =	vst v63  }
0x268: {  	v2 =	vld.msk [tilespmem:$0x128], $0xff;
	_ =	sdelay $0x4  }
0x269: {  	v3 =	vshll.u32 v2, $0x3  }
0x26a: {  	v2 =	vand.u32 $0x7, v2;
	v3 =	vand.u32 $0xFFFFFFC0, v3  }
0x26b: {  	v2 =	vor.u32 v2, v3  }
0x26c: {  	v2 =	vperm.xlane v2, v0;
	_ =	sdelay $0x1  }
0x26d: {  	v2 =	vadd.s32 v1, v2;
	_ =	sdelay $0x4  }
0x26e: {  	[tilespmem:s6], [sflag:$0x3] =	stream.indirect_vreg.gather [hbm4b:s0+s2], $0x80, v2, vm0, $0xb8;
	[tilespmem:$0x1E200] =	vst v63  }
0x26f: {  	s16 =	simm.s32 $0x14A00  }
0x270: {  	[tilespmem:s16], [sflag:$0x3] =	stream.indirect_vreg.gather [hbm4b:s24+s2], $0x80, v2, vm0, $0xb8;
	[tilespmem:$0x1E200] =	vst v63  }
0x271: {  	s17 =	simm.s32 $0x15200  }
0x272: {  	[tilespmem:s17], [sflag:$0x3] =	stream.indirect_vreg.gather [hbm4b:s26+s2], $0x80, v2, vm0, $0xb8;
	[tilespmem:$0x1E200] =	vst v63  }
0x273: {  	s18 =	simm.s32 $0x15A00  }
0x274: {  	[tilespmem:s18], [sflag:$0x3] =	stream.indirect_vreg.gather [hbm4b:s28+s2], $0x80, v2, vm0, $0xb8;
	[tilespmem:$0x1E200] =	vst v63  }
0x275: {  	v2 =	vld.msk [tilespmem:$0x1A8], $0xff;
	_ =	sdelay $0x4  }
0x276: {  	v3 =	vshll.u32 v2, $0x3  }
0x277: {  	v2 =	vand.u32 $0x7, v2;
	v3 =	vand.u32 $0xFFFFFFC0, v3  }
0x278: {  	v2 =	vor.u32 v2, v3  }
0x279: {  	v2 =	vperm.xlane v2, v0;
	_ =	sdelay $0x1  }
0x27a: {  	v2 =	vadd.s32 v1, v2;
	_ =	sdelay $0x4  }
0x27b: {  	[tilespmem:s8], [sflag:$0x3] =	stream.indirect_vreg.gather [hbm4b:s0+s2], $0x80, v2, vm0, $0xb8;
	[tilespmem:$0x1E200] =	vst v63  }
0x27c: {  	s19 =	simm.s32 $0x16A00  }
0x27d: {  	[tilespmem:s19], [sflag:$0x3] =	stream.indirect_vreg.gather [hbm4b:s24+s2], $0x80, v2, vm0, $0xb8;
	[tilespmem:$0x1E200] =	vst v63  }
0x27e: {  	s20 =	simm.s32 $0x17200  }
0x27f: {  	[tilespmem:s20], [sflag:$0x3] =	stream.indirect_vreg.gather [hbm4b:s26+s2], $0x80, v2, vm0, $0xb8;
	[tilespmem:$0x1E200] =	vst v63  }
0x280: {  	s23 =	simm.s32 $0x17A00  }
0x281: {  	[tilespmem:s23], [sflag:$0x3] =	stream.indirect_vreg.gather [hbm4b:s28+s2], $0x80, v2, vm0, $0xb8;
	[tilespmem:$0x1E200] =	vst v63  }
0x282: {  	s29 =	simm.s32 $0x1C200;
	s25 =	rddreg [dreg:$0x11]  }
0x283: {  	[tilespmem:s29], [sflag:$0x3] =	stream.linear.gather [hbm4b:s25+s2], $0x2000, $0x38;
	[tilespmem:$0x1E200] =	vst v63  }
0x284: {  	_ =	swait.ge [sflag:s21], $0x2000  }
0x285: {  	[sflag:s21] =	ssyncset.done $0x0  }
0x286: {  	[sflag:s21] =	ssyncadd.s32 $0xFFFFE000  }
0x287: {  	_ =	swait.ge [sflag:s21], $0x2000  }
0x288: {  	[sflag:s21] =	ssyncset.done $0x0  }
0x289: {  	[sflag:s21] =	ssyncadd.s32 $0xFFFFE000  }
0x28a: {  	_ =	swait.ge [sflag:s21], $0x2000  }
0x28b: {  	[sflag:s21] =	ssyncset.done $0x0  }
0x28c: {  	[sflag:s21] =	ssyncadd.s32 $0xFFFFE000  }
0x28d: {  	_ =	swait.ge [sflag:s21], $0x2000  }
0x28e: {  	[sflag:s21] =	ssyncset.done $0x0  }
0x28f: {  	s30 =	sand.u32 $0x60, s2;
	[sflag:s21] =	ssyncadd.s32 $0xFFFFE000  }
0x290: {  	s11 =	sand.u32 $0x1C00, s2;
	s2 =	sand.u32 $0x380, s2;
	_ =	swait.ge [sflag:s21], $0x2000  }
0x291: {  	s12 =	sor.u32 $0x10, s30;
	s1 =	sor.u32 s2, s11;
	[sflag:s21] =	ssyncset.done $0x0  }
0x292: {  	s14 =	sor.u32 s12, s1;
	[sflag:s21] =	ssyncadd.s32 $0xFFFFE000  }
0x293: {  	v4 =	vld [tilespmem:s14+$0x200];
	_ =	sdelay $0x1  }
0x294: {  	v2 =	vld [tilespmem:s14+$0x18200];
	_ =	sdelay $0x1  }
0x295: {  	s9 =	sor.u32 s30, s1  }
0x296: {  	s7 =	simm.s32 $0x100;
	s17 =	sadd.s32 $0x4200, s1;
	v5 =	vld [tilespmem:s9+$0x200];
	v4 =	vmul.f32 $3.200000000e+01, v4  }
0x297: {  	s19 =	simm.s32 $0x20;
	s18 =	sadd.s32 $0x6200, s1;
	s16 =	sor.u32 s30, s17;
	v3 =	vld [tilespmem:s9+$0x18200]  }
0x298: {  	s13 =	sand.u32 $0x60, s19;
	s20 =	simm.s32 $0x4;
	s23 =	sor.u32 s30, s18;
	v6 =	vld [tilespmem:s16+$0x0];
	v4 =	vadd.f32 v4, v2  }
0x299: {  	s10 =	sand.u32 $0x380, s20;
	s25 =	sand.u32 $0x1C00, s7;
	s5 =	sor.u32 s12, s17;
	v7 =	vld [tilespmem:s23+$0x0]  }
0x29a: {  	s15 =	sor.u32 $0x10, s13;
	s7 =	sor.u32 s12, s18;
	s18 =	sor.u32 s10, s25;
	v8 =	vld [tilespmem:s5+$0x0];
	[tilespmem:s14+$0x200] =	vst v4  }
0x29b: {  	s1 =	sadd.s32 $0x2200, s1;
	s11 =	sor.u32 s15, s18;
	v9 =	vld [tilespmem:s7+$0x0]  }
0x29c: {  	s6 =	sor.u32 s12, s1;
	v10 =	vld [tilespmem:s11+$0x200];
	v4 =	vmul.f32 $3.200000000e+01, v5  }
0x29d: {  	s17 =	sor.u32 s13, s18;
	v11 =	vmul.f32 $3.200000000e+01, v6;
	v13 =	vld [tilespmem:s6+$0x0]  }
0x29e: {  	v7 =	vmul.f32 $3.200000000e+01, v7;
	v6 =	vld [tilespmem:s17+$0x200];
	v4 =	vadd.f32 v4, v3  }
0x29f: {  	s20 =	simm.s32 $0x40;
	s2 =	simm.s32 $0x2;
	v11 =	vadd.f32 v11, v3;
	v5 =	vld [tilespmem:s11+$0x18200]  }
0x2a0: {  	s8 =	sor.u32 s30, s1;
	s29 =	sadd.s32 $0x4200, s18;
	s30 =	sadd.s32 $0x6200, s18;
	v8 =	vmul.f32 $3.200000000e+01, v8;
	v14 =	vadd.f32 v7, v3;
	[tilespmem:s9+$0x200] =	vst v4;
	v4 =	vld [tilespmem:s17+$0x18200];
	v15 =	vmul.f32 $3.200000000e+01, v9  }
0x2a1: {  	s25 =	simm.s32 $0x8;
	s10 =	sor.u32 s13, s29;
	s12 =	sor.u32 s13, s30;
	v12 =	vmul.f32 $3.200000000e+01, v10;
	v7 =	vld [tilespmem:s8+$0x0];
	[tilespmem:s16+$0x0] =	vst v11  }
0x2a2: {  	s19 =	sor.u32 s15, s29;
	s14 =	sor.u32 s15, s30;
	s16 =	simm.s32 $0x200;
	v9 =	vadd.f32 v8, v2;
	v8 =	vld [tilespmem:s10+$0x0];
	[tilespmem:s23+$0x0] =	vst v14;
	v11 =	vmul.f32 $3.200000000e+01, v13;
	v10 =	vadd.f32 v15, v2  }
.LBB2_8:
0x2a3: {  	s1 =	sand.u32 $0x60, s20;
	s4 =	sand.u32 $0x1C00, s16;
	s9 =	sand.u32 $0x380, s25  }
0x2a4: {  	v13 =	vld [tilespmem:s12+$0x0];
	v12 =	vadd.f32 v12, v5;
	[tilespmem:s5+$0x0] =	vst v9;
	s0 =	smov.u32 s12;
	s5 =	smov.u32 s19;
	s2 =	sadd.s32 $0x2, s2  }
0x2a5: {  	s4 =	sor.u32 s9, s4;
	s9 =	sor.u32 $0x10, s1;
	v6 =	vmul.f32 $3.200000000e+01, v6;
	v9 =	vld [tilespmem:s5+$0x0];
	v11 =	vadd.f32 v11, v2;
	[tilespmem:s7+$0x0] =	vst v10;
	v2 =	vmov v5;
	p0 =	slt.u32 s2, $0x1FE  }
0x2a6: {  	s7 =	sadd.s32 $0x2200, s18;
	[tilespmem:s11+$0x200] =	vst v12;
	s11 =	sor.u32 s9, s4;
	v10 =	vld [tilespmem:s14+$0x0];
	s18 =	sadd.s32 $0x4200, s4  }
0x2a7: {  	s23 =	sor.u32 s1, s4;
	v12 =	vld [tilespmem:s11+$0x200];
	v6 =	vadd.f32 v6, v4;
	v7 =	vmul.f32 $3.200000000e+01, v7;
	[tilespmem:s6+$0x0] =	vst v11;
	s6 =	sor.u32 s15, s7;
	s29 =	sor.u32 s1, s18  }
0x2a8: {  	s15 =	sadd.s32 $0x6200, s4;
	s7 =	sor.u32 s13, s7;
	s19 =	sor.u32 s9, s18;
	v8 =	vmul.f32 $3.200000000e+01, v8;
	v11 =	vld [tilespmem:s6+$0x0]  }
.Ltmp3:
0x2a9: {  	s12 =	sor.u32 s1, s15;
	s30 =	sor.u32 s9, s15;
	v5 =	vld [tilespmem:s11+$0x18200];
	[tilespmem:s17+$0x200] =	vst v6;
	v13 =	vmul.f32 $3.200000000e+01, v13;
	v7 =	vadd.f32 v7, v3;
	(pc) =	sbr.rel @p0 .LBB2_8-.Ltmp3, $4  }
0x2aa: {  	s13 =	smov.u32 s1;
	s18 =	smov.u32 s4;
	s15 =	smov.u32 s9;
	v3 =	vmov v4;
	v6 =	vld [tilespmem:s23+$0x200];
	v8 =	vadd.f32 v8, v4;
	v9 =	vmul.f32 $3.200000000e+01, v9  }
0x2ab: {  	s17 =	smov.u32 s23;
	v4 =	vld [tilespmem:s23+$0x18200];
	v13 =	vadd.f32 v13, v3;
	v10 =	vmul.f32 $3.200000000e+01, v10;
	[tilespmem:s8+$0x0] =	vst v7;
	s8 =	smov.u32 s7;
	s7 =	smov.u32 s14  }
0x2ac: {  	s14 =	smov.u32 s30;
	v12 =	vmul.f32 $3.200000000e+01, v12;
	v7 =	vld [tilespmem:s8+$0x0];
	[tilespmem:s10+$0x0] =	vst v8;
	v9 =	vadd.f32 v9, v2;
	s10 =	smov.u32 s29  }
0x2ad: {  	s16 =	sadd.s32 $0x100, s16;
	s20 =	sadd.s32 $0x20, s20;
	s25 =	sadd.s32 $0x4, s25;
	v8 =	vld [tilespmem:s10+$0x0];
	[tilespmem:s0+$0x0] =	vst v13;
	v11 =	vmul.f32 $3.200000000e+01, v11;
	v10 =	vadd.f32 v10, v2  }
0x2ae: {  	_ = 	snop  }
0x2af: {  	v12 =	vadd.f32 v12, v5;
	v6 =	vmul.f32 $3.200000000e+01, v6  }
0x2b0: {  	v13 =	vld [tilespmem:s12+$0x0]  }
0x2b1: {  	v14 =	vld [tilespmem:s19+$0x0];
	s0 =	sadd.s32 $0x2200, s18;
	[tilespmem:s11+$0x200] =	vst v12;
	v6 =	vadd.f32 v6, v4  }
0x2b2: {  	s1 =	sor.u32 s15, s0;
	v12 =	vld [tilespmem:s14+$0x0]  }
0x2b3: {  	s0 =	sor.u32 s13, s0;
	v7 =	vmul.f32 $3.200000000e+01, v7;
	v15 =	vld [tilespmem:s1+$0x0];
	[tilespmem:s17+$0x200] =	vst v6  }
0x2b4: {  	[tilespmem:s5+$0x0] =	vst v9;
	v2 =	vadd.f32 v11, v2;
	v6 =	vmul.f32 $3.200000000e+01, v8;
	v8 =	vld [tilespmem:s0+$0x0]  }
0x2b5: {  	[tilespmem:s7+$0x0] =	vst v10;
	v9 =	vmul.f32 $3.200000000e+01, v13;
	v3 =	vadd.f32 v7, v3  }
0x2b6: {  	[tilespmem:s6+$0x0] =	vst v2;
	v2 =	vadd.f32 v6, v4;
	v6 =	vmul.f32 $3.200000000e+01, v14  }
0x2b7: {  	v7 =	vadd.f32 v9, v4;
	[tilespmem:s8+$0x0] =	vst v3;
	v9 =	vmul.f32 $3.200000000e+01, v12  }
0x2b8: {  	v3 =	vmul.f32 $3.200000000e+01, v15;
	[tilespmem:s10+$0x0] =	vst v2;
	v2 =	vadd.f32 v6, v5  }
0x2b9: {  	[tilespmem:s12+$0x0] =	vst v7;
	v6 =	vadd.f32 v9, v5;
	v7 =	vmul.f32 $3.200000000e+01, v8  }
0x2ba: {  	[tilespmem:s19+$0x0] =	vst v2;
	v2 =	vadd.f32 v3, v5  }
0x2bb: {  	[tilespmem:s14+$0x0] =	vst v6;
	v3 =	vadd.f32 v7, v4  }
0x2bc: {  	[tilespmem:s1+$0x0] =	vst v2  }
0x2bd: {  	[tilespmem:s0+$0x0] =	vst v3  }
0x2be: {  	s0 =	rddreg [dreg:$0x12]  }
0x2bf: {  	s2 =	simm.s32 $0x0;
	s15 =	simm.s32 $0x200;
	s16 =	sld [smem:$0x7EF]  }
0x2c0: {  	[hbm4b:s0+s2] =	stream.linear.scatter [tilespmem:s15], [sflag:$0x4], $0x2000, $0x38;
	[tilespmem:$0x1E200] =	vst v63  }
0x2c1: {  	s4 =	simm.s32 $0x2200;
	s17 =	sld [smem:$0x7F0]  }
0x2c2: {  	[hbm4b:s16+s2] =	stream.linear.scatter [tilespmem:s4], [sflag:$0x4], $0x2000, $0x38;
	[tilespmem:$0x1E200] =	vst v63  }
0x2c3: {  	s18 =	simm.s32 $0x4200;
	s19 =	sld [smem:$0x7F1]  }
0x2c4: {  	[hbm4b:s17+s2] =	stream.linear.scatter [tilespmem:s18], [sflag:$0x4], $0x2000, $0x38;
	[tilespmem:$0x1E200] =	vst v63  }
0x2c5: {  	s20 =	simm.s32 $0x6200  }
0x2c6: {  	[hbm4b:s19+s2] =	stream.linear.scatter [tilespmem:s20], [sflag:$0x4], $0x2000, $0x38;
	[tilespmem:$0x1E200] =	vst v63  }
0x2c7: {  	_ =	swait.ge [sflag:s31], $0x2000  }
0x2c8: {  	[sflag:s31] =	ssyncset.done $0x0  }
0x2c9: {  	[sflag:s31] =	ssyncadd.s32 $0xFFFFE000  }
0x2ca: {  	_ =	swait.ge [sflag:s31], $0x2000  }
0x2cb: {  	[sflag:s31] =	ssyncset.done $0x0  }
0x2cc: {  	[sflag:s31] =	ssyncadd.s32 $0xFFFFE000  }
0x2cd: {  	_ =	swait.ge [sflag:s31], $0x2000  }
0x2ce: {  	[sflag:s31] =	ssyncset.done $0x0  }
0x2cf: {  	[sflag:s31] =	ssyncadd.s32 $0xFFFFE000  }
0x2d0: {  	_ =	swait.ge [sflag:s31], $0x2000  }
0x2d1: {  	[sflag:s31] =	ssyncset.done $0x0  }
0x2d2: {  	[sflag:s31] =	ssyncadd.s32 $0xFFFFE000  }
0x2d3: {  	v2 =	vld.msk [tilespmem:$0x30], $0xff;
	_ =	sdelay $0x4  }
0x2d4: {  	v3 =	vshll.u32 v2, $0x3  }
0x2d5: {  	v2 =	vand.u32 $0x7, v2;
	v3 =	vand.u32 $0xFFFFFFC0, v3  }
0x2d6: {  	v2 =	vor.u32 v2, v3  }
0x2d7: {  	v2 =	vperm.xlane v2, v0;
	_ =	sdelay $0x1  }
0x2d8: {  	v2 =	vadd.s32 v1, v2;
	_ =	sdelay $0x3  }
0x2d9: {  	s23 =	rddreg [dreg:$0x1]  }
0x2da: {  	[tilespmem:s15], [sflag:$0x1] =	stream.indirect_vreg.gather [hbm4b:s23+s2], $0x80, v2, vm0, $0xb8;
	[tilespmem:$0x1E200] =	vst v63  }
0x2db: {  	s25 =	simm.s32 $0xA00  }
0x2dc: {  	[tilespmem:s25], [sflag:$0x1] =	stream.indirect_vreg.gather [hbm4b:s24+s2], $0x80, v2, vm0, $0xb8;
	[tilespmem:$0x1E200] =	vst v63  }
0x2dd: {  	s29 =	simm.s32 $0x1200  }
0x2de: {  	[tilespmem:s29], [sflag:$0x1] =	stream.indirect_vreg.gather [hbm4b:s26+s2], $0x80, v2, vm0, $0xb8;
	[tilespmem:$0x1E200] =	vst v63  }
0x2df: {  	s30 =	simm.s32 $0x1A00  }
0x2e0: {  	[tilespmem:s30], [sflag:$0x1] =	stream.indirect_vreg.gather [hbm4b:s28+s2], $0x80, v2, vm0, $0xb8;
	[tilespmem:$0x1E200] =	vst v63  }
0x2e1: {  	v2 =	vld.msk [tilespmem:$0xB0], $0xff;
	_ =	sdelay $0x4  }
0x2e2: {  	v3 =	vshll.u32 v2, $0x3  }
0x2e3: {  	v2 =	vand.u32 $0x7, v2;
	v3 =	vand.u32 $0xFFFFFFC0, v3  }
0x2e4: {  	v2 =	vor.u32 v2, v3  }
0x2e5: {  	v2 =	vperm.xlane v2, v0;
	_ =	sdelay $0x1  }
0x2e6: {  	v2 =	vadd.s32 v1, v2;
	_ =	sdelay $0x4  }
0x2e7: {  	[tilespmem:s4], [sflag:$0x1] =	stream.indirect_vreg.gather [hbm4b:s23+s2], $0x80, v2, vm0, $0xb8;
	[tilespmem:$0x1E200] =	vst v63  }
0x2e8: {  	s4 =	simm.s32 $0x2A00  }
0x2e9: {  	[tilespmem:s4], [sflag:$0x1] =	stream.indirect_vreg.gather [hbm4b:s24+s2], $0x80, v2, vm0, $0xb8;
	[tilespmem:$0x1E200] =	vst v63  }
0x2ea: {  	s7 =	simm.s32 $0x3200  }
0x2eb: {  	[tilespmem:s7], [sflag:$0x1] =	stream.indirect_vreg.gather [hbm4b:s26+s2], $0x80, v2, vm0, $0xb8;
	[tilespmem:$0x1E200] =	vst v63  }
0x2ec: {  	s8 =	simm.s32 $0x3A00  }
0x2ed: {  	[tilespmem:s8], [sflag:$0x1] =	stream.indirect_vreg.gather [hbm4b:s28+s2], $0x80, v2, vm0, $0xb8;
	[tilespmem:$0x1E200] =	vst v63  }
0x2ee: {  	v2 =	vld.msk [tilespmem:$0x130], $0xff;
	_ =	sdelay $0x4  }
0x2ef: {  	v3 =	vshll.u32 v2, $0x3  }
0x2f0: {  	v2 =	vand.u32 $0x7, v2;
	v3 =	vand.u32 $0xFFFFFFC0, v3  }
0x2f1: {  	v2 =	vor.u32 v2, v3  }
0x2f2: {  	v2 =	vperm.xlane v2, v0;
	_ =	sdelay $0x1  }
0x2f3: {  	v2 =	vadd.s32 v1, v2;
	_ =	sdelay $0x4  }
0x2f4: {  	[tilespmem:s18], [sflag:$0x1] =	stream.indirect_vreg.gather [hbm4b:s23+s2], $0x80, v2, vm0, $0xb8;
	[tilespmem:$0x1E200] =	vst v63  }
0x2f5: {  	s9 =	simm.s32 $0x4A00  }
0x2f6: {  	[tilespmem:s9], [sflag:$0x1] =	stream.indirect_vreg.gather [hbm4b:s24+s2], $0x80, v2, vm0, $0xb8;
	[tilespmem:$0x1E200] =	vst v63  }
0x2f7: {  	s10 =	simm.s32 $0x5200  }
0x2f8: {  	[tilespmem:s10], [sflag:$0x1] =	stream.indirect_vreg.gather [hbm4b:s26+s2], $0x80, v2, vm0, $0xb8;
	[tilespmem:$0x1E200] =	vst v63  }
0x2f9: {  	s11 =	simm.s32 $0x5A00  }
0x2fa: {  	[tilespmem:s11], [sflag:$0x1] =	stream.indirect_vreg.gather [hbm4b:s28+s2], $0x80, v2, vm0, $0xb8;
	[tilespmem:$0x1E200] =	vst v63  }
0x2fb: {  	v2 =	vld.msk [tilespmem:$0x1B0], $0xff;
	_ =	sdelay $0x4  }
0x2fc: {  	v3 =	vshll.u32 v2, $0x3  }
0x2fd: {  	v2 =	vand.u32 $0x7, v2;
	v3 =	vand.u32 $0xFFFFFFC0, v3  }
0x2fe: {  	v2 =	vor.u32 v2, v3  }
0x2ff: {  	v2 =	vperm.xlane v2, v0;
	_ =	sdelay $0x1  }
0x300: {  	v2 =	vadd.s32 v1, v2;
	_ =	sdelay $0x4  }
0x301: {  	[tilespmem:s20], [sflag:$0x1] =	stream.indirect_vreg.gather [hbm4b:s23+s2], $0x80, v2, vm0, $0xb8;
	[tilespmem:$0x1E200] =	vst v63  }
0x302: {  	s12 =	simm.s32 $0x6A00  }
0x303: {  	[tilespmem:s12], [sflag:$0x1] =	stream.indirect_vreg.gather [hbm4b:s24+s2], $0x80, v2, vm0, $0xb8;
	[tilespmem:$0x1E200] =	vst v63  }
0x304: {  	s13 =	simm.s32 $0x7200  }
0x305: {  	[tilespmem:s13], [sflag:$0x1] =	stream.indirect_vreg.gather [hbm4b:s26+s2], $0x80, v2, vm0, $0xb8;
	[tilespmem:$0x1E200] =	vst v63  }
0x306: {  	s14 =	simm.s32 $0x7A00  }
0x307: {  	[tilespmem:s14], [sflag:$0x1] =	stream.indirect_vreg.gather [hbm4b:s28+s2], $0x80, v2, vm0, $0xb8;
	[tilespmem:$0x1E200] =	vst v63  }
0x308: {  	s16 =	simm.s32 $0x18200;
	s15 =	rddreg [dreg:$0x13]  }
0x309: {  	[tilespmem:s16], [sflag:$0x1] =	stream.linear.gather [hbm4b:s15+s2], $0x2000, $0x38;
	[tilespmem:$0x1E200] =	vst v63  }
0x30a: {  	_ =	swait.ge [sflag:s22], $0x2000  }
0x30b: {  	[sflag:s22] =	ssyncset.done $0x0  }
0x30c: {  	[sflag:s22] =	ssyncadd.s32 $0xFFFFE000  }
0x30d: {  	_ =	swait.ge [sflag:s22], $0x2000  }
0x30e: {  	[sflag:s22] =	ssyncset.done $0x0  }
0x30f: {  	[sflag:s22] =	ssyncadd.s32 $0xFFFFE000  }
0x310: {  	_ =	swait.ge [sflag:s22], $0x2000  }
0x311: {  	[sflag:s22] =	ssyncset.done $0x0  }
0x312: {  	[sflag:s22] =	ssyncadd.s32 $0xFFFFE000  }
0x313: {  	_ =	swait.ge [sflag:s22], $0x2000  }
0x314: {  	[sflag:s22] =	ssyncset.done $0x0  }
0x315: {  	s17 =	sand.u32 $0x1C00, s2;
	s18 =	sand.u32 $0x380, s2;
	[sflag:s22] =	ssyncadd.s32 $0xFFFFE000  }
0x316: {  	s0 =	sor.u32 s18, s17;
	s2 =	sand.u32 $0x60, s2;
	_ =	swait.ge [sflag:s22], $0x2000  }
0x317: {  	s1 =	sadd.s32 $0xE200, s0;
	s19 =	sor.u32 $0x10, s2;
	[sflag:s22] =	ssyncset.done $0x0  }
0x318: {  	s11 =	sadd.s32 $0x8200, s0;
	s7 =	sor.u32 s19, s1;
	[sflag:s22] =	ssyncadd.s32 $0xFFFFE000  }
0x319: {  	s13 =	sadd.s32 $0x1A200, s0;
	s12 =	sor.u32 s2, s11;
	v2 =	vld [tilespmem:s7+$0x0]  }
0x31a: {  	s9 =	sadd.s32 $0xA200, s0;
	s14 =	sor.u32 s19, s13;
	v3 =	vld [tilespmem:s12+$0x0]  }
0x31b: {  	s0 =	sadd.s32 $0xC200, s0;
	s20 =	sor.u32 s2, s9;
	v7 =	vld [tilespmem:s14+$0x0]  }
0x31c: {  	s5 =	sor.u32 s2, s0;
	v4 =	vld [tilespmem:s20+$0x0]  }
0x31d: {  	s25 =	simm.s32 $0x4;
	s23 =	simm.s32 $0x100;
	s15 =	sor.u32 s19, s11;
	v5 =	vld [tilespmem:s5+$0x0]  }
0x31e: {  	s29 =	simm.s32 $0x20;
	s6 =	sand.u32 $0x1C00, s23;
	s17 =	sor.u32 s2, s1;
	v6 =	vld [tilespmem:s15+$0x0]  }
0x31f: {  	s2 =	sor.u32 s2, s13;
	s11 =	sor.u32 s19, s9;
	s9 =	sand.u32 $0x380, s25;
	v8 =	vld [tilespmem:s17+$0x0]  }
0x320: {  	s16 =	sand.u32 $0x60, s29;
	s30 =	sor.u32 s9, s6;
	v10 =	vld [tilespmem:s2+$0x0]  }
0x321: {  	s19 =	sor.u32 s19, s0;
	s13 =	sadd.s32 $0xE200, s30;
	v9 =	vld [tilespmem:s11+$0x0];
	s14 =	sor.u32 $0x10, s16  }
0x322: {  	s9 =	sadd.s32 $0x8200, s30;
	v11 =	vld [tilespmem:s19+$0x0];
	s10 =	sor.u32 s14, s13;
	v2 =	vmul.f32 $3.200000000e+01, v2  }
0x323: {  	s25 =	sadd.s32 $0xA200, s30;
	s6 =	sor.u32 s16, s9;
	v12 =	vld [tilespmem:s10+$0x0];
	v3 =	vmul.f32 $3.200000000e+01, v3  }
0x324: {  	s23 =	sadd.s32 $0x1A200, s30;
	s18 =	sor.u32 s16, s25;
	v14 =	vld [tilespmem:s6+$0x0];
	v6 =	vmul.f32 $3.200000000e+01, v6;
	v13 =	vadd.f32 v2, v7  }
0x325: {  	s30 =	sadd.s32 $0xC200, s30;
	s29 =	sor.u32 s14, s23;
	v15 =	vmul.f32 $3.200000000e+01, v4;
	v4 =	vld [tilespmem:s18+$0x0];
	v3 =	vadd.f32 v3, v10  }
0x326: {  	s2 =	sor.u32 s16, s30;
	v16 =	vmul.f32 $3.200000000e+01, v5;
	v8 =	vmul.f32 $3.200000000e+01, v8;
	v2 =	vld [tilespmem:s29+$0x0];
	v6 =	vadd.f32 v6, v7;
	[tilespmem:s7+$0x0] =	vst v13  }
0x327: {  	s8 =	sor.u32 s16, s13;
	s0 =	sor.u32 s16, s23;
	s16 =	simm.s32 $0x40;
	v17 =	vmul.f32 $3.200000000e+01, v11;
	v5 =	vld [tilespmem:s2+$0x0];
	v15 =	vadd.f32 v15, v10;
	v13 =	vmul.f32 $3.200000000e+01, v9;
	[tilespmem:s12+$0x0] =	vst v3  }
0x328: {  	s13 =	sor.u32 s14, s25;
	v11 =	vadd.f32 v16, v10;
	v12 =	vmul.f32 $3.200000000e+01, v12;
	s7 =	simm.s32 $0x2;
	v9 =	vadd.f32 v8, v10;
	[tilespmem:s15+$0x0] =	vst v6;
	s15 =	sor.u32 s14, s9;
	v6 =	vld [tilespmem:s8+$0x0]  }
0x329: {  	v3 =	vmul.f32 $3.200000000e+01, v14;
	s12 =	simm.s32 $0x200;
	s14 =	sor.u32 s14, s30;
	[tilespmem:s20+$0x0] =	vst v15;
	s20 =	simm.s32 $0x8;
	v8 =	vadd.f32 v13, v7;
	v7 =	vadd.f32 v17, v7;
	v10 =	vld [tilespmem:s15+$0x0]  }
.LBB2_10:
0x32a: {  	s1 =	sand.u32 $0x1C00, s12;
	s4 =	sand.u32 $0x380, s20;
	s7 =	sadd.s32 $0x2, s7  }
0x32b: {  	v13 =	vld [tilespmem:s13+$0x0];
	v12 =	vadd.f32 v12, v2;
	[tilespmem:s5+$0x0] =	vst v11;
	v14 =	vmov v2;
	s25 =	smov.u32 s18;
	s5 =	smov.u32 s2;
	s9 =	sand.u32 $0x60, s16  }
0x32c: {  	s1 =	sor.u32 s4, s1;
	p0 =	slt.u32 s7, $0x1FE;
	v11 =	vmul.f32 $3.200000000e+01, v4;
	v4 =	vld [tilespmem:s14+$0x0];
	[tilespmem:s17+$0x0] =	vst v9;
	s23 =	sor.u32 $0x10, s9  }
0x32d: {  	s4 =	sadd.s32 $0x8200, s1;
	s17 =	sadd.s32 $0xE200, s1;
	v9 =	vld [tilespmem:s0+$0x0];
	v15 =	vmul.f32 $3.200000000e+01, v5;
	[tilespmem:s10+$0x0] =	vst v12;
	s0 =	sadd.s32 $0xA200, s1  }
0x32e: {  	s29 =	sadd.s32 $0xC200, s1;
	s1 =	sadd.s32 $0x1A200, s1;
	s10 =	sor.u32 s23, s17;
	v6 =	vmul.f32 $3.200000000e+01, v6;
	[tilespmem:s11+$0x0] =	vst v8  }
0x32f: {  	s30 =	sor.u32 s9, s4;
	s18 =	sor.u32 s9, s0;
	s2 =	sor.u32 s9, s29;
	v8 =	vld [tilespmem:s10+$0x0];
	v5 =	vmul.f32 $3.200000000e+01, v10;
	[tilespmem:s19+$0x0] =	vst v7  }
0x330: {  	s11 =	sor.u32 s9, s17;
	s17 =	sor.u32 s23, s1;
	s4 =	sor.u32 s23, s4;
	v10 =	vld [tilespmem:s30+$0x0];
	v7 =	vmul.f32 $3.200000000e+01, v13  }
.Ltmp4:
0x331: {  	s19 =	sor.u32 s23, s0;
	s23 =	sor.u32 s23, s29;
	v2 =	vld [tilespmem:s17+$0x0];
	v12 =	vadd.f32 v5, v14;
	v13 =	vmul.f32 $3.200000000e+01, v4;
	(pc) =	sbr.rel @p0 .LBB2_10-.Ltmp4, $4  }
0x332: {  	s0 =	sor.u32 s9, s1;
	s17 =	smov.u32 s8;
	s8 =	smov.u32 s11;
	v4 =	vld [tilespmem:s18+$0x0];
	v3 =	vadd.f32 v3, v9;
	v16 =	vadd.f32 v11, v9  }
0x333: {  	s11 =	smov.u32 s13;
	s13 =	smov.u32 s19;
	v11 =	vadd.f32 v15, v9;
	v9 =	vadd.f32 v6, v9;
	v5 =	vld [tilespmem:s2+$0x0];
	[tilespmem:s15+$0x0] =	vst v12;
	s15 =	smov.u32 s4  }
0x334: {  	s19 =	smov.u32 s14;
	s14 =	smov.u32 s23;
	v6 =	vld [tilespmem:s8+$0x0];
	v12 =	vmul.f32 $3.200000000e+01, v8;
	[tilespmem:s6+$0x0] =	vst v3;
	v8 =	vadd.f32 v7, v14;
	v7 =	vadd.f32 v13, v14;
	s6 =	smov.u32 s30  }
0x335: {  	s12 =	sadd.s32 $0x100, s12;
	s16 =	sadd.s32 $0x20, s16;
	s20 =	sadd.s32 $0x4, s20;
	v3 =	vmul.f32 $3.200000000e+01, v10;
	v10 =	vld [tilespmem:s15+$0x0];
	[tilespmem:s25+$0x0] =	vst v16  }
0x336: {  	v13 =	vld [tilespmem:s0+$0x0];
	_ =	sdelay $0x1  }
0x337: {  	[tilespmem:s5+$0x0] =	vst v11  }
0x338: {  	v14 =	vld [tilespmem:s13+$0x0];
	[tilespmem:s11+$0x0] =	vst v8  }
0x339: {  	v12 =	vadd.f32 v12, v2;
	v11 =	vld [tilespmem:s14+$0x0];
	[tilespmem:s17+$0x0] =	vst v9;
	v9 =	vmul.f32 $3.200000000e+01, v10  }
0x33a: {  	v4 =	vmul.f32 $3.200000000e+01, v4;
	[tilespmem:s19+$0x0] =	vst v7;
	v3 =	vadd.f32 v3, v13  }
0x33b: {  	[tilespmem:s10+$0x0] =	vst v12;
	v5 =	vmul.f32 $3.200000000e+01, v5;
	v8 =	vadd.f32 v9, v2  }
0x33c: {  	v6 =	vmul.f32 $3.200000000e+01, v6;
	v4 =	vadd.f32 v4, v13;
	[tilespmem:s6+$0x0] =	vst v3  }
0x33d: {  	v7 =	vmul.f32 $3.200000000e+01, v14;
	v5 =	vadd.f32 v5, v13;
	[tilespmem:s15+$0x0] =	vst v8  }
0x33e: {  	v6 =	vadd.f32 v6, v13;
	v3 =	vmul.f32 $3.200000000e+01, v11;
	[tilespmem:s18+$0x0] =	vst v4  }
0x33f: {  	v4 =	vadd.f32 v7, v2;
	[tilespmem:s2+$0x0] =	vst v5  }
0x340: {  	v2 =	vadd.f32 v3, v2;
	[tilespmem:s8+$0x0] =	vst v6  }
0x341: {  	[tilespmem:s13+$0x0] =	vst v4  }
0x342: {  	[tilespmem:s14+$0x0] =	vst v2  }
0x343: {  	s14 =	rddreg [dreg:$0x14]  }
0x344: {  	s1 =	simm.s32 $0x8200;
	s2 =	simm.s32 $0x0;
	s15 =	sld [smem:$0x7F2]  }
0x345: {  	[hbm4b:s14+s2] =	stream.linear.scatter [tilespmem:s1], [sflag:$0x5], $0x2000, $0x38;
	[tilespmem:$0x1E200] =	vst v63  }
0x346: {  	s4 =	simm.s32 $0xA200;
	s16 =	sld [smem:$0x7F3]  }
0x347: {  	[hbm4b:s15+s2] =	stream.linear.scatter [tilespmem:s4], [sflag:$0x5], $0x2000, $0x38;
	[tilespmem:$0x1E200] =	vst v63  }
0x348: {  	s17 =	simm.s32 $0xC200;
	s18 =	sld [smem:$0x7F4]  }
0x349: {  	[hbm4b:s16+s2] =	stream.linear.scatter [tilespmem:s17], [sflag:$0x5], $0x2000, $0x38;
	[tilespmem:$0x1E200] =	vst v63  }
0x34a: {  	s20 =	simm.s32 $0x5;
	s19 =	simm.s32 $0xE200  }
0x34b: {  	[hbm4b:s18+s2] =	stream.linear.scatter [tilespmem:s19], [sflag:$0x5], $0x2000, $0x38;
	[tilespmem:$0x1E200] =	vst v63  }
0x34c: {  	_ =	swait.ge [sflag:s20], $0x2000  }
0x34d: {  	[sflag:s20] =	ssyncset.done $0x0  }
0x34e: {  	[sflag:s20] =	ssyncadd.s32 $0xFFFFE000  }
0x34f: {  	_ =	swait.ge [sflag:s20], $0x2000  }
0x350: {  	[sflag:s20] =	ssyncset.done $0x0  }
0x351: {  	[sflag:s20] =	ssyncadd.s32 $0xFFFFE000  }
0x352: {  	_ =	swait.ge [sflag:s20], $0x2000  }
0x353: {  	[sflag:s20] =	ssyncset.done $0x0  }
0x354: {  	[sflag:s20] =	ssyncadd.s32 $0xFFFFE000  }
0x355: {  	_ =	swait.ge [sflag:s20], $0x2000  }
0x356: {  	[sflag:s20] =	ssyncset.done $0x0  }
0x357: {  	[sflag:s20] =	ssyncadd.s32 $0xFFFFE000  }
0x358: {  	v2 =	vld.msk [tilespmem:$0x38], $0xff;
	_ =	sdelay $0x4  }
0x359: {  	v3 =	vshll.u32 v2, $0x3  }
0x35a: {  	v2 =	vand.u32 $0x7, v2;
	v3 =	vand.u32 $0xFFFFFFC0, v3  }
0x35b: {  	v2 =	vor.u32 v2, v3  }
0x35c: {  	v2 =	vperm.xlane v2, v0;
	_ =	sdelay $0x1  }
0x35d: {  	v2 =	vadd.s32 v1, v2;
	_ =	sdelay $0x3  }
0x35e: {  	s0 =	rddreg [dreg:$0x1]  }
0x35f: {  	[tilespmem:s1], [sflag:$0x2] =	stream.indirect_vreg.gather [hbm4b:s0+s2], $0x80, v2, vm0, $0xb8;
	[tilespmem:$0x1E200] =	vst v63  }
0x360: {  	s23 =	simm.s32 $0x8A00  }
0x361: {  	[tilespmem:s23], [sflag:$0x2] =	stream.indirect_vreg.gather [hbm4b:s24+s2], $0x80, v2, vm0, $0xb8;
	[tilespmem:$0x1E200] =	vst v63  }
0x362: {  	s25 =	simm.s32 $0x9200  }
0x363: {  	[tilespmem:s25], [sflag:$0x2] =	stream.indirect_vreg.gather [hbm4b:s26+s2], $0x80, v2, vm0, $0xb8;
	[tilespmem:$0x1E200] =	vst v63  }
0x364: {  	s29 =	simm.s32 $0x9A00  }
0x365: {  	[tilespmem:s29], [sflag:$0x2] =	stream.indirect_vreg.gather [hbm4b:s28+s2], $0x80, v2, vm0, $0xb8;
	[tilespmem:$0x1E200] =	vst v63  }
0x366: {  	v2 =	vld.msk [tilespmem:$0xB8], $0xff;
	_ =	sdelay $0x4  }
0x367: {  	v3 =	vshll.u32 v2, $0x3  }
0x368: {  	v2 =	vand.u32 $0x7, v2;
	v3 =	vand.u32 $0xFFFFFFC0, v3  }
0x369: {  	v2 =	vor.u32 v2, v3  }
0x36a: {  	v2 =	vperm.xlane v2, v0;
	_ =	sdelay $0x1  }
0x36b: {  	v2 =	vadd.s32 v1, v2;
	_ =	sdelay $0x4  }
0x36c: {  	[tilespmem:s4], [sflag:$0x2] =	stream.indirect_vreg.gather [hbm4b:s0+s2], $0x80, v2, vm0, $0xb8;
	[tilespmem:$0x1E200] =	vst v63  }
0x36d: {  	s30 =	simm.s32 $0xAA00  }
0x36e: {  	[tilespmem:s30], [sflag:$0x2] =	stream.indirect_vreg.gather [hbm4b:s24+s2], $0x80, v2, vm0, $0xb8;
	[tilespmem:$0x1E200] =	vst v63  }
0x36f: {  	s4 =	simm.s32 $0xB200  }
0x370: {  	[tilespmem:s4], [sflag:$0x2] =	stream.indirect_vreg.gather [hbm4b:s26+s2], $0x80, v2, vm0, $0xb8;
	[tilespmem:$0x1E200] =	vst v63  }
0x371: {  	s7 =	simm.s32 $0xBA00  }
0x372: {  	[tilespmem:s7], [sflag:$0x2] =	stream.indirect_vreg.gather [hbm4b:s28+s2], $0x80, v2, vm0, $0xb8;
	[tilespmem:$0x1E200] =	vst v63  }
0x373: {  	v2 =	vld.msk [tilespmem:$0x138], $0xff;
	_ =	sdelay $0x4  }
0x374: {  	v3 =	vshll.u32 v2, $0x3  }
0x375: {  	v2 =	vand.u32 $0x7, v2;
	v3 =	vand.u32 $0xFFFFFFC0, v3  }
0x376: {  	v2 =	vor.u32 v2, v3  }
0x377: {  	v2 =	vperm.xlane v2, v0;
	_ =	sdelay $0x1  }
0x378: {  	v2 =	vadd.s32 v1, v2;
	_ =	sdelay $0x4  }
0x379: {  	[tilespmem:s17], [sflag:$0x2] =	stream.indirect_vreg.gather [hbm4b:s0+s2], $0x80, v2, vm0, $0xb8;
	[tilespmem:$0x1E200] =	vst v63  }
0x37a: {  	s8 =	simm.s32 $0xCA00  }
0x37b: {  	[tilespmem:s8], [sflag:$0x2] =	stream.indirect_vreg.gather [hbm4b:s24+s2], $0x80, v2, vm0, $0xb8;
	[tilespmem:$0x1E200] =	vst v63  }
0x37c: {  	s9 =	simm.s32 $0xD200  }
0x37d: {  	[tilespmem:s9], [sflag:$0x2] =	stream.indirect_vreg.gather [hbm4b:s26+s2], $0x80, v2, vm0, $0xb8;
	[tilespmem:$0x1E200] =	vst v63  }
0x37e: {  	s10 =	simm.s32 $0xDA00  }
0x37f: {  	[tilespmem:s10], [sflag:$0x2] =	stream.indirect_vreg.gather [hbm4b:s28+s2], $0x80, v2, vm0, $0xb8;
	[tilespmem:$0x1E200] =	vst v63  }
0x380: {  	v2 =	vld.msk [tilespmem:$0x1B8], $0xff;
	_ =	sdelay $0x4  }
0x381: {  	v3 =	vshll.u32 v2, $0x3  }
0x382: {  	v2 =	vand.u32 $0x7, v2;
	v3 =	vand.u32 $0xFFFFFFC0, v3  }
0x383: {  	v2 =	vor.u32 v2, v3  }
0x384: {  	v2 =	vperm.xlane v2, v0;
	_ =	sdelay $0x1  }
0x385: {  	v2 =	vadd.s32 v1, v2;
	_ =	sdelay $0x4  }
0x386: {  	[tilespmem:s19], [sflag:$0x2] =	stream.indirect_vreg.gather [hbm4b:s0+s2], $0x80, v2, vm0, $0xb8;
	[tilespmem:$0x1E200] =	vst v63  }
0x387: {  	s11 =	simm.s32 $0xEA00  }
0x388: {  	[tilespmem:s11], [sflag:$0x2] =	stream.indirect_vreg.gather [hbm4b:s24+s2], $0x80, v2, vm0, $0xb8;
	[tilespmem:$0x1E200] =	vst v63  }
0x389: {  	s12 =	simm.s32 $0xF200  }
0x38a: {  	[tilespmem:s12], [sflag:$0x2] =	stream.indirect_vreg.gather [hbm4b:s26+s2], $0x80, v2, vm0, $0xb8;
	[tilespmem:$0x1E200] =	vst v63  }
0x38b: {  	s13 =	simm.s32 $0xFA00  }
0x38c: {  	[tilespmem:s13], [sflag:$0x2] =	stream.indirect_vreg.gather [hbm4b:s28+s2], $0x80, v2, vm0, $0xb8;
	[tilespmem:$0x1E200] =	vst v63  }
0x38d: {  	s15 =	simm.s32 $0x1A200;
	s16 =	simm.s32 $0x3;
	s14 =	rddreg [dreg:$0x15]  }
0x38e: {  	[tilespmem:s15], [sflag:$0x2] =	stream.linear.gather [hbm4b:s14+s2], $0x2000, $0x38;
	[tilespmem:$0x1E200] =	vst v63  }
0x38f: {  	_ =	swait.ge [sflag:s16], $0x2000  }
0x390: {  	[sflag:s16] =	ssyncset.done $0x0  }
0x391: {  	[sflag:s16] =	ssyncadd.s32 $0xFFFFE000  }
0x392: {  	_ =	swait.ge [sflag:s16], $0x2000  }
0x393: {  	[sflag:s16] =	ssyncset.done $0x0  }
0x394: {  	[sflag:s16] =	ssyncadd.s32 $0xFFFFE000  }
0x395: {  	_ =	swait.ge [sflag:s16], $0x2000  }
0x396: {  	[sflag:s16] =	ssyncset.done $0x0  }
0x397: {  	[sflag:s16] =	ssyncadd.s32 $0xFFFFE000  }
0x398: {  	_ =	swait.ge [sflag:s16], $0x2000  }
0x399: {  	[sflag:s16] =	ssyncset.done $0x0  }
0x39a: {  	s18 =	sand.u32 $0x380, s2;
	s17 =	sand.u32 $0x1C00, s2;
	[sflag:s16] =	ssyncadd.s32 $0xFFFFE000  }
0x39b: {  	s0 =	sor.u32 s18, s17;
	s2 =	sand.u32 $0x60, s2;
	_ =	swait.ge [sflag:s16], $0x2000  }
0x39c: {  	s1 =	sadd.s32 $0x16200, s0;
	s19 =	sor.u32 $0x10, s2;
	[sflag:s16] =	ssyncset.done $0x0  }
0x39d: {  	s11 =	sadd.s32 $0x10200, s0;
	s7 =	sor.u32 s19, s1;
	[sflag:s16] =	ssyncadd.s32 $0xFFFFE000  }
0x39e: {  	s13 =	sadd.s32 $0x1C200, s0;
	s12 =	sor.u32 s2, s11;
	v2 =	vld [tilespmem:s7+$0x0]  }
0x39f: {  	s9 =	sadd.s32 $0x12200, s0;
	s14 =	sor.u32 s19, s13;
	v3 =	vld [tilespmem:s12+$0x0]  }
0x3a0: {  	s0 =	sadd.s32 $0x14200, s0;
	s20 =	sor.u32 s2, s9;
	v7 =	vld [tilespmem:s14+$0x0]  }
0x3a1: {  	s23 =	simm.s32 $0x100;
	s5 =	sor.u32 s2, s0;
	v4 =	vld [tilespmem:s20+$0x0]  }
0x3a2: {  	s6 =	sand.u32 $0x1C00, s23;
	s15 =	sor.u32 s19, s11;
	v5 =	vld [tilespmem:s5+$0x0]  }
0x3a3: {  	s25 =	simm.s32 $0x4;
	s29 =	simm.s32 $0x20;
	s17 =	sor.u32 s2, s1;
	v6 =	vld [tilespmem:s15+$0x0]  }
0x3a4: {  	s2 =	sor.u32 s2, s13;
	s11 =	sor.u32 s19, s9;
	s9 =	sand.u32 $0x380, s25;
	v8 =	vld [tilespmem:s17+$0x0]  }
0x3a5: {  	s30 =	sor.u32 s9, s6;
	s16 =	sand.u32 $0x60, s29;
	v10 =	vld [tilespmem:s2+$0x0]  }
0x3a6: {  	s19 =	sor.u32 s19, s0;
	s13 =	sadd.s32 $0x16200, s30;
	v9 =	vld [tilespmem:s11+$0x0];
	s14 =	sor.u32 $0x10, s16  }
0x3a7: {  	s9 =	sadd.s32 $0x10200, s30;
	v11 =	vld [tilespmem:s19+$0x0];
	s10 =	sor.u32 s14, s13;
	v2 =	vmul.f32 $3.200000000e+01, v2  }
0x3a8: {  	s25 =	sadd.s32 $0x12200, s30;
	s6 =	sor.u32 s16, s9;
	v12 =	vld [tilespmem:s10+$0x0];
	v3 =	vmul.f32 $3.200000000e+01, v3  }
0x3a9: {  	s23 =	sadd.s32 $0x1C200, s30;
	s18 =	sor.u32 s16, s25;
	v14 =	vld [tilespmem:s6+$0x0];
	v6 =	vmul.f32 $3.200000000e+01, v6;
	v13 =	vadd.f32 v2, v7  }
0x3aa: {  	s30 =	sadd.s32 $0x14200, s30;
	s29 =	sor.u32 s14, s23;
	v15 =	vmul.f32 $3.200000000e+01, v4;
	v4 =	vld [tilespmem:s18+$0x0];
	v3 =	vadd.f32 v3, v10  }
0x3ab: {  	s2 =	sor.u32 s16, s30;
	v16 =	vmul.f32 $3.200000000e+01, v5;
	v8 =	vmul.f32 $3.200000000e+01, v8;
	v2 =	vld [tilespmem:s29+$0x0];
	v6 =	vadd.f32 v6, v7;
	[tilespmem:s7+$0x0] =	vst v13  }
0x3ac: {  	s8 =	sor.u32 s16, s13;
	s0 =	sor.u32 s16, s23;
	s16 =	simm.s32 $0x40;
	v17 =	vmul.f32 $3.200000000e+01, v11;
	v5 =	vld [tilespmem:s2+$0x0];
	v15 =	vadd.f32 v15, v10;
	v13 =	vmul.f32 $3.200000000e+01, v9;
	[tilespmem:s12+$0x0] =	vst v3  }
0x3ad: {  	s13 =	sor.u32 s14, s25;
	v11 =	vadd.f32 v16, v10;
	v12 =	vmul.f32 $3.200000000e+01, v12;
	s7 =	simm.s32 $0x2;
	v9 =	vadd.f32 v8, v10;
	[tilespmem:s15+$0x0] =	vst v6;
	s15 =	sor.u32 s14, s9;
	v6 =	vld [tilespmem:s8+$0x0]  }
0x3ae: {  	v3 =	vmul.f32 $3.200000000e+01, v14;
	s12 =	simm.s32 $0x200;
	s14 =	sor.u32 s14, s30;
	[tilespmem:s20+$0x0] =	vst v15;
	s20 =	simm.s32 $0x8;
	v8 =	vadd.f32 v13, v7;
	v7 =	vadd.f32 v17, v7;
	v10 =	vld [tilespmem:s15+$0x0]  }
.LBB2_12:
0x3af: {  	s1 =	sand.u32 $0x1C00, s12;
	s4 =	sand.u32 $0x380, s20;
	s7 =	sadd.s32 $0x2, s7  }
0x3b0: {  	v13 =	vld [tilespmem:s13+$0x0];
	v12 =	vadd.f32 v12, v2;
	[tilespmem:s5+$0x0] =	vst v11;
	v14 =	vmov v2;
	s25 =	smov.u32 s18;
	s5 =	smov.u32 s2;
	s9 =	sand.u32 $0x60, s16  }
0x3b1: {  	s1 =	sor.u32 s4, s1;
	p0 =	slt.u32 s7, $0x1FE;
	v11 =	vmul.f32 $3.200000000e+01, v4;
	v4 =	vld [tilespmem:s14+$0x0];
	[tilespmem:s17+$0x0] =	vst v9;
	s23 =	sor.u32 $0x10, s9  }
0x3b2: {  	s4 =	sadd.s32 $0x10200, s1;
	s17 =	sadd.s32 $0x16200, s1;
	v9 =	vld [tilespmem:s0+$0x0];
	v15 =	vmul.f32 $3.200000000e+01, v5;
	[tilespmem:s10+$0x0] =	vst v12;
	s0 =	sadd.s32 $0x12200, s1  }
0x3b3: {  	s29 =	sadd.s32 $0x14200, s1;
	s1 =	sadd.s32 $0x1C200, s1;
	s10 =	sor.u32 s23, s17;
	v6 =	vmul.f32 $3.200000000e+01, v6;
	[tilespmem:s11+$0x0] =	vst v8  }
0x3b4: {  	s30 =	sor.u32 s9, s4;
	s18 =	sor.u32 s9, s0;
	s2 =	sor.u32 s9, s29;
	v8 =	vld [tilespmem:s10+$0x0];
	v5 =	vmul.f32 $3.200000000e+01, v10;
	[tilespmem:s19+$0x0] =	vst v7  }
0x3b5: {  	s11 =	sor.u32 s9, s17;
	s17 =	sor.u32 s23, s1;
	s4 =	sor.u32 s23, s4;
	v10 =	vld [tilespmem:s30+$0x0];
	v7 =	vmul.f32 $3.200000000e+01, v13  }
.Ltmp5:
0x3b6: {  	s19 =	sor.u32 s23, s0;
	s23 =	sor.u32 s23, s29;
	v2 =	vld [tilespmem:s17+$0x0];
	v12 =	vadd.f32 v5, v14;
	v13 =	vmul.f32 $3.200000000e+01, v4;
	(pc) =	sbr.rel @p0 .LBB2_12-.Ltmp5, $4  }
0x3b7: {  	s0 =	sor.u32 s9, s1;
	s17 =	smov.u32 s8;
	s8 =	smov.u32 s11;
	v4 =	vld [tilespmem:s18+$0x0];
	v3 =	vadd.f32 v3, v9;
	v16 =	vadd.f32 v11, v9  }
0x3b8: {  	s11 =	smov.u32 s13;
	s13 =	smov.u32 s19;
	v11 =	vadd.f32 v15, v9;
	v9 =	vadd.f32 v6, v9;
	v5 =	vld [tilespmem:s2+$0x0];
	[tilespmem:s15+$0x0] =	vst v12;
	s15 =	smov.u32 s4  }
0x3b9: {  	s19 =	smov.u32 s14;
	s14 =	smov.u32 s23;
	v6 =	vld [tilespmem:s8+$0x0];
	v12 =	vmul.f32 $3.200000000e+01, v8;
	[tilespmem:s6+$0x0] =	vst v3;
	v8 =	vadd.f32 v7, v14;
	v7 =	vadd.f32 v13, v14;
	s6 =	smov.u32 s30  }
0x3ba: {  	s12 =	sadd.s32 $0x100, s12;
	s16 =	sadd.s32 $0x20, s16;
	s20 =	sadd.s32 $0x4, s20;
	v3 =	vmul.f32 $3.200000000e+01, v10;
	v10 =	vld [tilespmem:s15+$0x0];
	[tilespmem:s25+$0x0] =	vst v16  }
0x3bb: {  	v13 =	vld [tilespmem:s0+$0x0];
	_ =	sdelay $0x1  }
0x3bc: {  	[tilespmem:s5+$0x0] =	vst v11  }
0x3bd: {  	v11 =	vld [tilespmem:s13+$0x0];
	[tilespmem:s11+$0x0] =	vst v8  }
0x3be: {  	v12 =	vadd.f32 v12, v2;
	[tilespmem:s17+$0x0] =	vst v9;
	v9 =	vld [tilespmem:s14+$0x0];
	v10 =	vmul.f32 $3.200000000e+01, v10  }
0x3bf: {  	v4 =	vmul.f32 $3.200000000e+01, v4;
	[tilespmem:s19+$0x0] =	vst v7;
	v3 =	vadd.f32 v3, v13  }
0x3c0: {  	[tilespmem:s10+$0x0] =	vst v12;
	v5 =	vmul.f32 $3.200000000e+01, v5;
	v8 =	vadd.f32 v10, v2  }
0x3c1: {  	v6 =	vmul.f32 $3.200000000e+01, v6;
	v4 =	vadd.f32 v4, v13;
	[tilespmem:s6+$0x0] =	vst v3  }
0x3c2: {  	v7 =	vmul.f32 $3.200000000e+01, v11;
	v5 =	vadd.f32 v5, v13;
	[tilespmem:s15+$0x0] =	vst v8  }
0x3c3: {  	v6 =	vadd.f32 v6, v13;
	v3 =	vmul.f32 $3.200000000e+01, v9;
	[tilespmem:s18+$0x0] =	vst v4  }
0x3c4: {  	v4 =	vadd.f32 v7, v2;
	[tilespmem:s2+$0x0] =	vst v5  }
0x3c5: {  	v2 =	vadd.f32 v3, v2;
	[tilespmem:s8+$0x0] =	vst v6  }
0x3c6: {  	[tilespmem:s13+$0x0] =	vst v4  }
0x3c7: {  	[tilespmem:s14+$0x0] =	vst v2  }
0x3c8: {  	s1 =	rddreg [dreg:$0x16]  }
0x3c9: {  	s4 =	simm.s32 $0x0;
	s5 =	simm.s32 $0x10200;
	s6 =	sld [smem:$0x7F5]  }
0x3ca: {  	[hbm4b:s1+s4] =	stream.linear.scatter [tilespmem:s5], [sflag:$0x6], $0x2000, $0x38;
	[tilespmem:$0x1E200] =	vst v63  }
0x3cb: {  	s7 =	simm.s32 $0x12200;
	s8 =	sld [smem:$0x7F6]  }
0x3cc: {  	[hbm4b:s6+s4] =	stream.linear.scatter [tilespmem:s7], [sflag:$0x6], $0x2000, $0x38;
	[tilespmem:$0x1E200] =	vst v63  }
0x3cd: {  	s9 =	simm.s32 $0x14200;
	s10 =	sld [smem:$0x7F7]  }
0x3ce: {  	[hbm4b:s8+s4] =	stream.linear.scatter [tilespmem:s9], [sflag:$0x6], $0x2000, $0x38;
	[tilespmem:$0x1E200] =	vst v63  }
0x3cf: {  	s11 =	simm.s32 $0x16200  }
0x3d0: {  	[hbm4b:s10+s4] =	stream.linear.scatter [tilespmem:s11], [sflag:$0x6], $0x2000, $0x38;
	[tilespmem:$0x1E200] =	vst v63  }
0x3d1: {  	_ =	swait.ge [sflag:s21], $0x2000  }
0x3d2: {  	[sflag:s21] =	ssyncset.done $0x0  }
0x3d3: {  	[sflag:s21] =	ssyncadd.s32 $0xFFFFE000  }
0x3d4: {  	_ =	swait.ge [sflag:s21], $0x2000  }
0x3d5: {  	[sflag:s21] =	ssyncset.done $0x0  }
0x3d6: {  	[sflag:s21] =	ssyncadd.s32 $0xFFFFE000  }
0x3d7: {  	_ =	swait.ge [sflag:s21], $0x2000  }
0x3d8: {  	[sflag:s21] =	ssyncset.done $0x0  }
0x3d9: {  	[sflag:s21] =	ssyncadd.s32 $0xFFFFE000  }
0x3da: {  	_ =	swait.ge [sflag:s21], $0x2000  }
0x3db: {  	[sflag:s21] =	ssyncset.done $0x0  }
0x3dc: {  	s12 =	sand.u32 $0x60, s4;
	[sflag:s21] =	ssyncadd.s32 $0xFFFFE000  }
0x3dd: {  	s0 =	sand.u32 $0x380, s4;
	s13 =	sand.u32 $0x1C00, s4;
	_ =	swait.ge [sflag:s21], $0x2000  }
0x3de: {  	s0 =	sor.u32 s0, s13;
	s14 =	sor.u32 $0x10, s12;
	[sflag:s21] =	ssyncset.done $0x0  }
0x3df: {  	s4 =	sor.u32 s14, s0;
	[sflag:s21] =	ssyncadd.s32 $0xFFFFE000  }
0x3e0: {  	v4 =	vld [tilespmem:s4+$0x200];
	_ =	sdelay $0x1  }
0x3e1: {  	v2 =	vld [tilespmem:s4+$0x18200];
	_ =	sdelay $0x1  }
0x3e2: {  	s9 =	sor.u32 s12, s0  }
0x3e3: {  	s20 =	simm.s32 $0x4;
	s17 =	sadd.s32 $0x4200, s0;
	v5 =	vld [tilespmem:s9+$0x200];
	v4 =	vmul.f32 $3.200000000e+01, v4  }
0x3e4: {  	s19 =	simm.s32 $0x20;
	s18 =	sadd.s32 $0x6200, s0;
	s16 =	sor.u32 s12, s17;
	v3 =	vld [tilespmem:s9+$0x18200]  }
0x3e5: {  	s13 =	sand.u32 $0x60, s19;
	s23 =	sor.u32 s12, s18;
	s7 =	simm.s32 $0x100;
	v6 =	vld [tilespmem:s16+$0x0];
	v4 =	vadd.f32 v4, v2  }
0x3e6: {  	s5 =	sor.u32 s14, s17;
	s25 =	sand.u32 $0x1C00, s7;
	s10 =	sand.u32 $0x380, s20;
	v7 =	vld [tilespmem:s23+$0x0]  }
0x3e7: {  	s15 =	sor.u32 $0x10, s13;
	s7 =	sor.u32 s14, s18;
	s18 =	sor.u32 s10, s25;
	v8 =	vld [tilespmem:s5+$0x0];
	[tilespmem:s4+$0x200] =	vst v4  }
0x3e8: {  	s0 =	sadd.s32 $0x2200, s0;
	s11 =	sor.u32 s15, s18;
	v9 =	vld [tilespmem:s7+$0x0]  }
0x3e9: {  	s6 =	sor.u32 s14, s0;
	v10 =	vld [tilespmem:s11+$0x200];
	v4 =	vmul.f32 $3.200000000e+01, v5  }
0x3ea: {  	s17 =	sor.u32 s13, s18;
	v11 =	vmul.f32 $3.200000000e+01, v6;
	v13 =	vld [tilespmem:s6+$0x0]  }
0x3eb: {  	v7 =	vmul.f32 $3.200000000e+01, v7;
	v6 =	vld [tilespmem:s17+$0x200];
	v4 =	vadd.f32 v4, v3  }
0x3ec: {  	s2 =	simm.s32 $0x2;
	s20 =	simm.s32 $0x40;
	v11 =	vadd.f32 v11, v3;
	v5 =	vld [tilespmem:s11+$0x18200]  }
0x3ed: {  	s8 =	sor.u32 s12, s0;
	s29 =	sadd.s32 $0x4200, s18;
	s30 =	sadd.s32 $0x6200, s18;
	v8 =	vmul.f32 $3.200000000e+01, v8;
	v14 =	vadd.f32 v7, v3;
	[tilespmem:s9+$0x200] =	vst v4;
	v4 =	vld [tilespmem:s17+$0x18200];
	v15 =	vmul.f32 $3.200000000e+01, v9  }
0x3ee: {  	s25 =	simm.s32 $0x8;
	s10 =	sor.u32 s13, s29;
	s12 =	sor.u32 s13, s30;
	v12 =	vmul.f32 $3.200000000e+01, v10;
	v7 =	vld [tilespmem:s8+$0x0];
	[tilespmem:s16+$0x0] =	vst v11  }
0x3ef: {  	s19 =	sor.u32 s15, s29;
	s14 =	sor.u32 s15, s30;
	s16 =	simm.s32 $0x200;
	v9 =	vadd.f32 v8, v2;
	v8 =	vld [tilespmem:s10+$0x0];
	[tilespmem:s23+$0x0] =	vst v14;
	v11 =	vmul.f32 $3.200000000e+01, v13;
	v10 =	vadd.f32 v15, v2  }
.LBB2_14:
0x3f0: {  	s1 =	sand.u32 $0x60, s20;
	s4 =	sand.u32 $0x1C00, s16;
	s9 =	sand.u32 $0x380, s25  }
0x3f1: {  	v13 =	vld [tilespmem:s12+$0x0];
	v12 =	vadd.f32 v12, v5;
	[tilespmem:s5+$0x0] =	vst v9;
	s0 =	smov.u32 s12;
	s5 =	smov.u32 s19;
	s2 =	sadd.s32 $0x2, s2  }
0x3f2: {  	s4 =	sor.u32 s9, s4;
	s9 =	sor.u32 $0x10, s1;
	v6 =	vmul.f32 $3.200000000e+01, v6;
	v9 =	vld [tilespmem:s5+$0x0];
	v11 =	vadd.f32 v11, v2;
	[tilespmem:s7+$0x0] =	vst v10;
	v2 =	vmov v5;
	p0 =	slt.u32 s2, $0x1FE  }
0x3f3: {  	s7 =	sadd.s32 $0x2200, s18;
	[tilespmem:s11+$0x200] =	vst v12;
	s11 =	sor.u32 s9, s4;
	v10 =	vld [tilespmem:s14+$0x0];
	s18 =	sadd.s32 $0x4200, s4  }
0x3f4: {  	s23 =	sor.u32 s1, s4;
	v12 =	vld [tilespmem:s11+$0x200];
	v6 =	vadd.f32 v6, v4;
	v7 =	vmul.f32 $3.200000000e+01, v7;
	[tilespmem:s6+$0x0] =	vst v11;
	s6 =	sor.u32 s15, s7;
	s29 =	sor.u32 s1, s18  }
0x3f5: {  	s15 =	sadd.s32 $0x6200, s4;
	s7 =	sor.u32 s13, s7;
	s19 =	sor.u32 s9, s18;
	v8 =	vmul.f32 $3.200000000e+01, v8;
	v11 =	vld [tilespmem:s6+$0x0]  }
.Ltmp6:
0x3f6: {  	s12 =	sor.u32 s1, s15;
	s30 =	sor.u32 s9, s15;
	v5 =	vld [tilespmem:s11+$0x18200];
	[tilespmem:s17+$0x200] =	vst v6;
	v13 =	vmul.f32 $3.200000000e+01, v13;
	v7 =	vadd.f32 v7, v3;
	(pc) =	sbr.rel @p0 .LBB2_14-.Ltmp6, $4  }
0x3f7: {  	s13 =	smov.u32 s1;
	s18 =	smov.u32 s4;
	s15 =	smov.u32 s9;
	v3 =	vmov v4;
	v6 =	vld [tilespmem:s23+$0x200];
	v8 =	vadd.f32 v8, v4;
	v9 =	vmul.f32 $3.200000000e+01, v9  }
0x3f8: {  	s17 =	smov.u32 s23;
	v4 =	vld [tilespmem:s23+$0x18200];
	v13 =	vadd.f32 v13, v3;
	v10 =	vmul.f32 $3.200000000e+01, v10;
	[tilespmem:s8+$0x0] =	vst v7;
	s8 =	smov.u32 s7;
	s7 =	smov.u32 s14  }
0x3f9: {  	s14 =	smov.u32 s30;
	v12 =	vmul.f32 $3.200000000e+01, v12;
	v7 =	vld [tilespmem:s8+$0x0];
	[tilespmem:s10+$0x0] =	vst v8;
	v9 =	vadd.f32 v9, v2;
	s10 =	smov.u32 s29  }
0x3fa: {  	s16 =	sadd.s32 $0x100, s16;
	s20 =	sadd.s32 $0x20, s20;
	s25 =	sadd.s32 $0x4, s25;
	v8 =	vld [tilespmem:s10+$0x0];
	[tilespmem:s0+$0x0] =	vst v13;
	v11 =	vmul.f32 $3.200000000e+01, v11;
	v10 =	vadd.f32 v10, v2  }
0x3fb: {  	_ = 	snop  }
0x3fc: {  	v12 =	vadd.f32 v12, v5;
	v6 =	vmul.f32 $3.200000000e+01, v6  }
0x3fd: {  	v13 =	vld [tilespmem:s12+$0x0]  }
0x3fe: {  	v14 =	vld [tilespmem:s19+$0x0];
	s0 =	sadd.s32 $0x2200, s18;
	[tilespmem:s11+$0x200] =	vst v12;
	v6 =	vadd.f32 v6, v4  }
0x3ff: {  	s1 =	sor.u32 s15, s0;
	v12 =	vld [tilespmem:s14+$0x0]  }
0x400: {  	s0 =	sor.u32 s13, s0;
	v7 =	vmul.f32 $3.200000000e+01, v7;
	v15 =	vld [tilespmem:s1+$0x0];
	[tilespmem:s17+$0x200] =	vst v6  }
0x401: {  	[tilespmem:s5+$0x0] =	vst v9;
	v2 =	vadd.f32 v11, v2;
	v6 =	vmul.f32 $3.200000000e+01, v8;
	v8 =	vld [tilespmem:s0+$0x0]  }
0x402: {  	[tilespmem:s7+$0x0] =	vst v10;
	v9 =	vmul.f32 $3.200000000e+01, v13;
	v3 =	vadd.f32 v7, v3  }
0x403: {  	[tilespmem:s6+$0x0] =	vst v2;
	v2 =	vadd.f32 v6, v4;
	v6 =	vmul.f32 $3.200000000e+01, v14  }
0x404: {  	v7 =	vadd.f32 v9, v4;
	[tilespmem:s8+$0x0] =	vst v3;
	v9 =	vmul.f32 $3.200000000e+01, v12  }
0x405: {  	v3 =	vmul.f32 $3.200000000e+01, v15;
	[tilespmem:s10+$0x0] =	vst v2;
	v2 =	vadd.f32 v6, v5  }
0x406: {  	[tilespmem:s12+$0x0] =	vst v7;
	v6 =	vadd.f32 v9, v5;
	v7 =	vmul.f32 $3.200000000e+01, v8  }
0x407: {  	[tilespmem:s19+$0x0] =	vst v2;
	v2 =	vadd.f32 v3, v5  }
0x408: {  	[tilespmem:s14+$0x0] =	vst v6;
	v3 =	vadd.f32 v7, v4  }
0x409: {  	[tilespmem:s1+$0x0] =	vst v2  }
0x40a: {  	[tilespmem:s0+$0x0] =	vst v3  }
0x40b: {  	s1 =	rddreg [dreg:$0x17]  }
0x40c: {  	s2 =	simm.s32 $0x200;
	s13 =	simm.s32 $0x0;
	s14 =	sld [smem:$0x7F8]  }
0x40d: {  	[hbm4b:s1+s13] =	stream.linear.scatter [tilespmem:s2], [sflag:$0x4], $0x2000, $0x38;
	[tilespmem:$0x1E200] =	vst v63  }
0x40e: {  	s15 =	simm.s32 $0x2200;
	s16 =	sld [smem:$0x7F9]  }
0x40f: {  	[hbm4b:s14+s13] =	stream.linear.scatter [tilespmem:s15], [sflag:$0x4], $0x2000, $0x38;
	[tilespmem:$0x1E200] =	vst v63  }
0x410: {  	s17 =	simm.s32 $0x4200;
	s18 =	sld [smem:$0x7FA]  }
0x411: {  	[hbm4b:s16+s13] =	stream.linear.scatter [tilespmem:s17], [sflag:$0x4], $0x2000, $0x38;
	[tilespmem:$0x1E200] =	vst v63  }
0x412: {  	s19 =	simm.s32 $0x6200  }
0x413: {  	[hbm4b:s18+s13] =	stream.linear.scatter [tilespmem:s19], [sflag:$0x4], $0x2000, $0x38;
	[tilespmem:$0x1E200] =	vst v63  }
0x414: {  	_ =	swait.ge [sflag:s22], $0x2000  }
0x415: {  	[sflag:s22] =	ssyncset.done $0x0  }
0x416: {  	[sflag:s22] =	ssyncadd.s32 $0xFFFFE000  }
0x417: {  	_ =	swait.ge [sflag:s22], $0x2000  }
0x418: {  	[sflag:s22] =	ssyncset.done $0x0  }
0x419: {  	[sflag:s22] =	ssyncadd.s32 $0xFFFFE000  }
0x41a: {  	_ =	swait.ge [sflag:s22], $0x2000  }
0x41b: {  	[sflag:s22] =	ssyncset.done $0x0  }
0x41c: {  	[sflag:s22] =	ssyncadd.s32 $0xFFFFE000  }
0x41d: {  	_ =	swait.ge [sflag:s22], $0x2000  }
0x41e: {  	[sflag:s22] =	ssyncset.done $0x0  }
0x41f: {  	s20 =	sand.u32 $0x1C00, s13;
	s23 =	sand.u32 $0x380, s13;
	[sflag:s22] =	ssyncadd.s32 $0xFFFFE000  }
0x420: {  	s0 =	sand.u32 $0x60, s13;
	s1 =	sor.u32 s23, s20;
	_ =	swait.ge [sflag:s22], $0x2000  }
0x421: {  	s4 =	sor.u32 $0x10, s0;
	s2 =	sadd.s32 $0xE200, s1;
	[sflag:s22] =	ssyncset.done $0x0  }
0x422: {  	s25 =	sadd.s32 $0x8200, s1;
	s7 =	sor.u32 s4, s2;
	[sflag:s22] =	ssyncadd.s32 $0xFFFFE000  }
0x423: {  	s29 =	sadd.s32 $0x1A200, s1;
	s12 =	sor.u32 s0, s25;
	v2 =	vld [tilespmem:s7+$0x0]  }
0x424: {  	s9 =	sadd.s32 $0xA200, s1;
	s30 =	sor.u32 s4, s29;
	v3 =	vld [tilespmem:s12+$0x0]  }
0x425: {  	s1 =	sadd.s32 $0xC200, s1;
	s20 =	sor.u32 s0, s9;
	v4 =	vld [tilespmem:s30+$0x0]  }
0x426: {  	s5 =	sor.u32 s0, s1;
	v5 =	vld [tilespmem:s20+$0x0]  }
0x427: {  	s10 =	sor.u32 s4, s25;
	s11 =	sor.u32 s4, s9;
	v6 =	vld [tilespmem:s5+$0x0]  }
0x428: {  	s9 =	simm.s32 $0x100;
	s17 =	sor.u32 s0, s2;
	s13 =	simm.s32 $0x4;
	v7 =	vld [tilespmem:s10+$0x0]  }
0x429: {  	s14 =	simm.s32 $0x20;
	s2 =	sand.u32 $0x1C00, s9;
	s6 =	sand.u32 $0x380, s13;
	v8 =	vld [tilespmem:s17+$0x0]  }
0x42a: {  	s0 =	sor.u32 s0, s29;
	s9 =	sand.u32 $0x60, s14;
	s2 =	sor.u32 s6, s2;
	v9 =	vld [tilespmem:s11+$0x0]  }
0x42b: {  	s18 =	sor.u32 s4, s1;
	s4 =	sor.u32 $0x10, s9;
	s15 =	sadd.s32 $0xE200, s2;
	v10 =	vld [tilespmem:s0+$0x0]  }
0x42c: {  	s25 =	sadd.s32 $0x8200, s2;
	s8 =	sor.u32 s4, s15;
	v11 =	vld [tilespmem:s18+$0x0];
	v2 =	vmul.f32 $3.200000000e+01, v2  }
0x42d: {  	s16 =	sadd.s32 $0x1A200, s2;
	s6 =	sor.u32 s9, s25;
	v12 =	vld [tilespmem:s8+$0x0];
	v7 =	vmul.f32 $3.200000000e+01, v7  }
0x42e: {  	s23 =	sadd.s32 $0xC200, s2;
	v14 =	vld [tilespmem:s6+$0x0];
	s30 =	sor.u32 s4, s16;
	v13 =	vmul.f32 $3.200000000e+01, v3;
	v5 =	vmul.f32 $3.200000000e+01, v5;
	v3 =	vadd.f32 v2, v4  }
0x42f: {  	s29 =	sadd.s32 $0xA200, s2;
	s2 =	sor.u32 s9, s23;
	v6 =	vmul.f32 $3.200000000e+01, v6;
	v2 =	vld [tilespmem:s30+$0x0];
	v7 =	vadd.f32 v7, v4  }
0x430: {  	s19 =	sor.u32 s9, s29;
	v8 =	vmul.f32 $3.200000000e+01, v8;
	v13 =	vadd.f32 v13, v10;
	v16 =	vadd.f32 v5, v10;
	v5 =	vld [tilespmem:s2+$0x0];
	[tilespmem:s7+$0x0] =	vst v3  }
0x431: {  	s13 =	sor.u32 s4, s29;
	s14 =	sor.u32 s4, s23;
	v15 =	vmul.f32 $3.200000000e+01, v11;
	v3 =	vld [tilespmem:s19+$0x0];
	[tilespmem:s10+$0x0] =	vst v7;
	s10 =	sor.u32 s9, s15;
	v7 =	vmul.f32 $3.200000000e+01, v9  }
0x432: {  	s0 =	sor.u32 s9, s16;
	s16 =	simm.s32 $0x40;
	v12 =	vmul.f32 $3.200000000e+01, v12;
	v11 =	vadd.f32 v6, v10;
	[tilespmem:s12+$0x0] =	vst v13;
	s15 =	sor.u32 s4, s25;
	v9 =	vadd.f32 v8, v10;
	v6 =	vld [tilespmem:s10+$0x0]  }
0x433: {  	s7 =	simm.s32 $0x2;
	s12 =	simm.s32 $0x200;
	[tilespmem:s20+$0x0] =	vst v16;
	s20 =	simm.s32 $0x8;
	v10 =	vld [tilespmem:s15+$0x0];
	v8 =	vadd.f32 v7, v4;
	v7 =	vadd.f32 v15, v4;
	v4 =	vmul.f32 $3.200000000e+01, v14  }
.LBB2_16:
0x434: {  	s1 =	sand.u32 $0x1C00, s12;
	s4 =	sand.u32 $0x380, s20;
	s7 =	sadd.s32 $0x2, s7  }
0x435: {  	v13 =	vld [tilespmem:s13+$0x0];
	v12 =	vadd.f32 v12, v2;
	[tilespmem:s5+$0x0] =	vst v11;
	v14 =	vmov v2;
	s25 =	smov.u32 s19;
	s5 =	smov.u32 s2;
	s9 =	sand.u32 $0x60, s16  }
0x436: {  	s1 =	sor.u32 s4, s1;
	p0 =	slt.u32 s7, $0x1FE;
	v11 =	vmul.f32 $3.200000000e+01, v3;
	v3 =	vld [tilespmem:s14+$0x0];
	[tilespmem:s17+$0x0] =	vst v9;
	s23 =	sor.u32 $0x10, s9  }
0x437: {  	s4 =	sadd.s32 $0x8200, s1;
	s17 =	sadd.s32 $0xE200, s1;
	v9 =	vld [tilespmem:s0+$0x0];
	v15 =	vmul.f32 $3.200000000e+01, v5;
	[tilespmem:s8+$0x0] =	vst v12;
	s0 =	sadd.s32 $0xA200, s1  }
0x438: {  	s29 =	sadd.s32 $0xC200, s1;
	s1 =	sadd.s32 $0x1A200, s1;
	s8 =	sor.u32 s23, s17;
	v6 =	vmul.f32 $3.200000000e+01, v6;
	[tilespmem:s11+$0x0] =	vst v8  }
0x439: {  	s30 =	sor.u32 s9, s4;
	s19 =	sor.u32 s9, s0;
	s2 =	sor.u32 s9, s29;
	v8 =	vld [tilespmem:s8+$0x0];
	v5 =	vmul.f32 $3.200000000e+01, v10;
	[tilespmem:s18+$0x0] =	vst v7  }
0x43a: {  	s11 =	sor.u32 s9, s17;
	s17 =	sor.u32 s23, s1;
	s4 =	sor.u32 s23, s4;
	v10 =	vld [tilespmem:s30+$0x0];
	v7 =	vmul.f32 $3.200000000e+01, v13  }
.Ltmp7:
0x43b: {  	s18 =	sor.u32 s23, s0;
	s23 =	sor.u32 s23, s29;
	v2 =	vld [tilespmem:s17+$0x0];
	v12 =	vadd.f32 v5, v14;
	v13 =	vmul.f32 $3.200000000e+01, v3;
	(pc) =	sbr.rel @p0 .LBB2_16-.Ltmp7, $4  }
0x43c: {  	s0 =	sor.u32 s9, s1;
	s17 =	smov.u32 s10;
	s10 =	smov.u32 s11;
	v3 =	vld [tilespmem:s19+$0x0];
	v4 =	vadd.f32 v4, v9;
	v16 =	vadd.f32 v11, v9  }
0x43d: {  	s11 =	smov.u32 s13;
	s13 =	smov.u32 s18;
	v11 =	vadd.f32 v15, v9;
	v9 =	vadd.f32 v6, v9;
	v5 =	vld [tilespmem:s2+$0x0];
	[tilespmem:s15+$0x0] =	vst v12;
	s15 =	smov.u32 s4  }
0x43e: {  	s18 =	smov.u32 s14;
	s14 =	smov.u32 s23;
	v6 =	vld [tilespmem:s10+$0x0];
	v12 =	vmul.f32 $3.200000000e+01, v8;
	[tilespmem:s6+$0x0] =	vst v4;
	v8 =	vadd.f32 v7, v14;
	v7 =	vadd.f32 v13, v14;
	s6 =	smov.u32 s30  }
0x43f: {  	s12 =	sadd.s32 $0x100, s12;
	s16 =	sadd.s32 $0x20, s16;
	s20 =	sadd.s32 $0x4, s20;
	v4 =	vmul.f32 $3.200000000e+01, v10;
	v10 =	vld [tilespmem:s15+$0x0];
	[tilespmem:s25+$0x0] =	vst v16  }
0x440: {  	v13 =	vld [tilespmem:s0+$0x0];
	_ =	sdelay $0x1  }
0x441: {  	[tilespmem:s5+$0x0] =	vst v11;
	v60 =	vld [tilespmem:s13+$0x0]  }
0x442: {  	[tilespmem:s11+$0x0] =	vst v8  }
0x443: {  	v12 =	vadd.f32 v12, v2;
	v61 =	vld [tilespmem:s14+$0x0];
	[tilespmem:s17+$0x0] =	vst v9;
	v10 =	vmul.f32 $3.200000000e+01, v10  }
0x444: {  	v3 =	vmul.f32 $3.200000000e+01, v3;
	[tilespmem:s18+$0x0] =	vst v7;
	v4 =	vadd.f32 v4, v13  }
0x445: {  	[tilespmem:s8+$0x0] =	vst v12;
	v5 =	vmul.f32 $3.200000000e+01, v5;
	v62 =	vadd.f32 v10, v2  }
0x446: {  	v3 =	vadd.f32 v3, v13;
	v63 =	vmul.f32 $3.200000000e+01, v60;
	[tilespmem:s6+$0x0] =	vst v4  }
0x447: {  	v6 =	vmul.f32 $3.200000000e+01, v6;
	v5 =	vadd.f32 v5, v13;
	[tilespmem:s15+$0x0] =	vst v62  }
0x448: {  	v4 =	vadd.f32 v63, v2;
	[tilespmem:s19+$0x0] =	vst v3;
	v3 =	vmul.f32 $3.200000000e+01, v61  }
0x449: {  	v6 =	vadd.f32 v6, v13;
	[tilespmem:s2+$0x0] =	vst v5  }
0x44a: {  	[tilespmem:s13+$0x0] =	vst v4;
	v2 =	vadd.f32 v3, v2  }
0x44b: {  	[tilespmem:s10+$0x0] =	vst v6  }
0x44c: {  	[tilespmem:s14+$0x0] =	vst v2  }
0x44d: {  	s19 =	rddreg [dreg:$0x18]  }
0x44e: {  	s2 =	simm.s32 $0x8200;
	s20 =	sld [smem:$0x7FB]  }
0x44f: {  	[hbm4b:s19+s3] =	stream.linear.scatter [tilespmem:s2], [sflag:$0x5], $0x2000, $0x38;
	[tilespmem:$0x1E200] =	vst v63  }
0x450: {  	s4 =	simm.s32 $0xA200;
	s23 =	sld [smem:$0x7FC]  }
0x451: {  	[hbm4b:s20+s3] =	stream.linear.scatter [tilespmem:s4], [sflag:$0x5], $0x2000, $0x38;
	[tilespmem:$0x1E200] =	vst v63  }
0x452: {  	s5 =	simm.s32 $0xC200;
	s25 =	sld [smem:$0x7FD]  }
0x453: {  	[hbm4b:s23+s3] =	stream.linear.scatter [tilespmem:s5], [sflag:$0x5], $0x2000, $0x38;
	[tilespmem:$0x1E200] =	vst v63  }
0x454: {  	s6 =	simm.s32 $0xE200  }
0x455: {  	[hbm4b:s25+s3] =	stream.linear.scatter [tilespmem:s6], [sflag:$0x5], $0x2000, $0x38;
	[tilespmem:$0x1E200] =	vst v63  }
0x456: {  	_ =	swait.ge [sflag:s31], $0x2000  }
0x457: {  	[sflag:s31] =	ssyncset.done $0x0  }
0x458: {  	[sflag:s31] =	ssyncadd.s32 $0xFFFFE000  }
0x459: {  	_ =	swait.ge [sflag:s31], $0x2000  }
0x45a: {  	[sflag:s31] =	ssyncset.done $0x0  }
0x45b: {  	[sflag:s31] =	ssyncadd.s32 $0xFFFFE000  }
0x45c: {  	_ =	swait.ge [sflag:s31], $0x2000  }
0x45d: {  	[sflag:s31] =	ssyncset.done $0x0  }
0x45e: {  	[sflag:s31] =	ssyncadd.s32 $0xFFFFE000  }
0x45f: {  	_ =	swait.ge [sflag:s31], $0x2000  }
0x460: {  	[sflag:s31] =	ssyncset.done $0x0  }
0x461: {  	s29 =	simm.s32 $0x5;
	[sflag:s31] =	ssyncadd.s32 $0xFFFFE000  }
0x462: {  	_ =	swait.ge [sflag:s29], $0x2000  }
0x463: {  	[sflag:s29] =	ssyncset.done $0x0  }
0x464: {  	[sflag:s29] =	ssyncadd.s32 $0xFFFFE000  }
0x465: {  	_ =	swait.ge [sflag:s29], $0x2000  }
0x466: {  	[sflag:s29] =	ssyncset.done $0x0  }
0x467: {  	[sflag:s29] =	ssyncadd.s32 $0xFFFFE000  }
0x468: {  	_ =	swait.ge [sflag:s29], $0x2000  }
0x469: {  	[sflag:s29] =	ssyncset.done $0x0  }
0x46a: {  	[sflag:s29] =	ssyncadd.s32 $0xFFFFE000  }
0x46b: {  	_ =	swait.ge [sflag:s29], $0x2000  }
0x46c: {  	[sflag:s29] =	ssyncset.done $0x0  }
0x46d: {  	s1 =	simm.s32 $0x6;
	[sflag:s29] =	ssyncadd.s32 $0xFFFFE000  }
0x46e: {  	_ =	swait.ge [sflag:s1], $0x2000  }
0x46f: {  	[sflag:s1] =	ssyncset.done $0x0  }
0x470: {  	[sflag:s1] =	ssyncadd.s32 $0xFFFFE000  }
0x471: {  	_ =	swait.ge [sflag:s1], $0x2000  }
0x472: {  	[sflag:s1] =	ssyncset.done $0x0  }
0x473: {  	[sflag:s1] =	ssyncadd.s32 $0xFFFFE000  }
0x474: {  	_ =	swait.ge [sflag:s1], $0x2000  }
0x475: {  	[sflag:s1] =	ssyncset.done $0x0  }
0x476: {  	[sflag:s1] =	ssyncadd.s32 $0xFFFFE000  }
0x477: {  	_ =	swait.ge [sflag:s1], $0x2000  }
0x478: {  	s7 =	sld [smem:$0x7EB];
	_ =	sdelay $0x2  }
0x479: {  	s30 =	rddreg [dreg:$0x19];
	s7 =	sadd.s32 $0x1, s7  }
0x47a: {  	p0 =	sne.s32 s7, s30  }
.Ltmp8:
0x47b: {  	_ = 	snop;
	(pc) =	sbr.rel @p0 .LBB2_1-.Ltmp8, $3  }
0x47c: {  	_ =	sdelay $0x1  }
0x47d: {  	[sflag:s1] =	ssyncset.done $0x0  }
0x47e: {  	[sflag:s1] =	ssyncadd.s32 $0xFFFFE000  }
0x47f: {  	_ =	sfence.sel $0x180000  }
0x480: {  	[bflag:$0x0] =	sbarrier.arrive $0xFFFF  }
0x481: {  	_ =	strace $0x90000047  }
0x482: {  	s0 =	stileid.u32;
	[bflag:$0x2] =	sbarrier.arrive $0xFFFF  }
0x483: {  	p0 =	sne.s32 s0, $0x0;
	s0 =	rddreg [dreg:$0x4]  }
0x484: {  	s0 =	sadd.s32 @!p0 $0x100000, s0  }
0x485: {  	[sflag:s0] =	ssyncadd.tile.s32 @!p0 $0x1;
	_ =	shalt  }
.Lfunc_end2:
_tile_overlayer_lowered:
.L_overlay_start_2:
0x486: {  	(tag) =	ssettag $0x2  }
0x487: {  	s0 =	rddreg [dreg:$0x0];
	s2 =	stileid.u32  }
0x488: {  	s1 =	rddreg [dreg:$0x1];
	p0 =	sne.s32 s2, $0x0  }
0x489: {  	s3 =	rddreg [dreg:$0x2];
	[bflag:$0x3] =	sbarrier.arrive $0xFFFF;
	s2 =	simm.s32 @!p0 $0x1C07  }
0x48a: {  	[timem:s3], [sflag:s2] =	dma.local @!p0 [hbm:s0], s1  }
0x48b: {  	s0 =	simm.s32 @!p0 $0x7  }
0x48c: {  	_ =	swait.ge @!p0 [sflag:s0], s1  }
0x48d: {  	s1 =	ssub.s32 @!p0 $0x0, s1;
	[sflag:s0] =	ssyncset.done @!p0 $0x0  }
0x48e: {  	[sflag:s0] =	ssyncadd.s32 @!p0 s1  }
0x48f: {  	[bflag:$0x3] =	sbarrier.arrive $0xFFFF  }
0x490: {  	_ =	shalt  }

</sc_bundles>
